<compile_context>
chip_gen: v7x
topology: tpu7x:2x2x1
jax: 0.10.2.dev20260603
libtpu: 0.0.44.dev20260713+nightly
codegen_flags: <defaults>
</compile_context>

<pallas_src>
import functools

import jax
import jax.numpy as jnp
from jax import lax
from jax.experimental import pallas as pl
from jax.experimental.pallas import tpu as pltpu
from jax.experimental.pallas import tpu_sc as plsc

N = 10000
E = 320000
NC, NS, NW = 2, 16, 32
BATCH = 128
NB = 80
E_PAD = NW * NB * BATCH
EPW = NB * BATCH
N_PAD = 10240
RPT = N_PAD // NS
NV = EPW // 16
RBLK = 2560



def _sc_mesh():
    return plsc.VectorSubcoreMesh(core_axis_name="c", subcore_axis_name="s")


_VPARAMS = pltpu.CompilerParams(needs_layout_passes=False)


@functools.lru_cache(maxsize=None)
def _make_agg():

    @functools.partial(
        pl.kernel,
        out_type=jax.ShapeDtypeStruct((NC, N_PAD, 128), jnp.float32),
        mesh=_sc_mesh(),
        scratch_types=[
            pltpu.VMEM((EPW,), jnp.int32),
            pltpu.VMEM((BATCH,), jnp.int32),
            pltpu.VMEM((BATCH,), jnp.int32),
            pltpu.VMEM((BATCH,), jnp.int32),
            pltpu.VMEM((BATCH,), jnp.int32),
            pltpu.VMEM((BATCH, 128), jnp.float32),
            pltpu.VMEM((BATCH, 128), jnp.float32),
            pltpu.VMEM_SHARED((N_PAD, 128), jnp.float32),
            pltpu.SemaphoreType.DMA,
            pltpu.SemaphoreType.DMA,
        ],
        compiler_params=_VPARAMS,
    )
    def agg(y_hbm, pk_hbm, zeros_hbm, out_hbm,
            pk_v, su_a, du_a, su_b, du_b, rows_a, rows_b, acc_sh,
            sem_a, sem_b):
        c = lax.axis_index("c")
        s = lax.axis_index("s")
        w = c * NS + s
        pltpu.sync_copy(zeros_hbm.at[pl.ds(s * RPT, RPT)],
                        acc_sh.at[pl.ds(s * RPT, RPT)])
        pltpu.sync_copy(pk_hbm.at[w], pk_v)
        plsc.subcore_barrier()
        mask = jnp.full((16,), 16383, jnp.int32)

        def unpack(j, su, du):
            for k in range(BATCH // 16):
                v = pk_v[pl.ds(j * BATCH + k * 16, 16)]
                su[pl.ds(k * 16, 16)] = lax.bitwise_and(v, mask)
                du[pl.ds(k * 16, 16)] = lax.shift_right_logical(v, 14)

        def gather(su, rows, sem):
            pltpu.make_async_copy(y_hbm.at[su], rows, sem).start()

        def gwait(su, rows, sem):
            pltpu.make_async_copy(y_hbm.at[su], rows, sem).wait()

        unpack(0, su_a, du_a)
        gather(su_a, rows_a, sem_a)

        def body(t, carry):
            j = 2 * t
            unpack(j + 1, su_b, du_b)
            gather(su_b, rows_b, sem_b)
            gwait(su_a, rows_a, sem_a)
            pltpu.sync_copy(rows_a, acc_sh.at[du_a], add=True)

            @pl.when(t < NB // 2 - 1)
            def _():
                unpack(j + 2, su_a, du_a)
                gather(su_a, rows_a, sem_a)

            gwait(su_b, rows_b, sem_b)
            pltpu.sync_copy(rows_b, acc_sh.at[du_b], add=True)
            return carry

        lax.fori_loop(0, NB // 2, body, 0)
        plsc.subcore_barrier()
        pltpu.sync_copy(acc_sh.at[pl.ds(s * RPT, RPT)],
                        out_hbm.at[c, pl.ds(s * RPT, RPT)])

    return agg


@functools.lru_cache(maxsize=None)
def _make_deg():

    @functools.partial(
        pl.kernel,
        out_type=jax.ShapeDtypeStruct((NC, N_PAD), jnp.float32),
        mesh=_sc_mesh(),
        scratch_types=[
            pltpu.VMEM((EPW,), jnp.int32),
            pltpu.VMEM((N_PAD,), jnp.float32),
            pltpu.VMEM((NS, RPT), jnp.float32),
            pltpu.VMEM((RPT,), jnp.float32),
            pltpu.VMEM_SHARED((NS, N_PAD), jnp.float32),
        ],
        compiler_params=_VPARAMS,
    )
    def deg(dst_hbm, out_hbm, dst_v, d_v, part_v, red_v, stage_sh):
        c = lax.axis_index("c")
        s = lax.axis_index("s")
        w = c * NS + s
        pltpu.sync_copy(dst_hbm.at[w], dst_v)
        zero16 = jnp.zeros((16,), jnp.float32)
        one16 = jnp.ones((16,), jnp.float32)

        def zbody(k, carry):
            d_v[pl.ds(k * 16, 16)] = zero16
            return carry

        lax.fori_loop(0, N_PAD // 16, zbody, 0)

        def body(j, carry):
            idx = dst_v[pl.ds(j * 16, 16)]
            plsc.addupdate_scatter(d_v, [idx], one16)
            return carry

        lax.fori_loop(0, NV, body, 0)
        pltpu.sync_copy(d_v, stage_sh.at[s])
        plsc.subcore_barrier()
        pltpu.sync_copy(stage_sh.at[:, pl.ds(s * RPT, RPT)], part_v)

        def rbody(k, carry):
            tot = part_v[0, pl.ds(k * 16, 16)]
            for r in range(1, NS):
                tot = tot + part_v[r, pl.ds(k * 16, 16)]
            red_v[pl.ds(k * 16, 16)] = tot
            return carry

        lax.fori_loop(0, RPT // 16, rbody, 0)
        pltpu.sync_copy(red_v, out_hbm.at[c, pl.ds(s * RPT, RPT)])

    return deg


@functools.lru_cache(maxsize=None)
def _make_cvec():

    @functools.partial(
        pl.kernel,
        out_type=(jax.ShapeDtypeStruct((N_PAD,), jnp.float32),
                  jax.ShapeDtypeStruct((NC, N_PAD), jnp.float32)),
        mesh=_sc_mesh(),
        scratch_types=[
            pltpu.VMEM((EPW,), jnp.int32),
            pltpu.VMEM((EPW,), jnp.int32),
            pltpu.VMEM((NC, RPT), jnp.float32),
            pltpu.VMEM((RPT,), jnp.float32),
            pltpu.VMEM((N_PAD,), jnp.float32),
            pltpu.VMEM((N_PAD,), jnp.float32),
            pltpu.VMEM((NS, RPT), jnp.float32),
            pltpu.VMEM((RPT,), jnp.float32),
            pltpu.VMEM_SHARED((N_PAD,), jnp.float32),
            pltpu.VMEM_SHARED((NS, N_PAD), jnp.float32),
        ],
        compiler_params=_VPARAMS,
    )
    def cvec(degp_hbm, src_hbm, dst_hbm, dinv_hbm, cpart_hbm,
             src_v, dst_v, dp_v, dv_v, dinvf_v, c_v, part_v, red_v,
             dinv_sh, stage_sh):
        c = lax.axis_index("c")
        s = lax.axis_index("s")
        w = c * NS + s
        pltpu.sync_copy(src_hbm.at[w], src_v)
        pltpu.sync_copy(dst_hbm.at[w], dst_v)
        pltpu.sync_copy(degp_hbm.at[:, pl.ds(s * RPT, RPT)], dp_v)
        zero16 = jnp.zeros((16,), jnp.float32)
        lane = lax.iota(jnp.int32, 16)

        def dbody(k, carry):
            d = dp_v[0, pl.ds(k * 16, 16)] + dp_v[1, pl.ds(k * 16, 16)]
            dv = 1.0 / jnp.maximum(d, 1.0)
            row = s * RPT + k * 16 + lane
            dv_v[pl.ds(k * 16, 16)] = jnp.where(row < N, dv, 0.0)
            return carry

        lax.fori_loop(0, RPT // 16, dbody, 0)
        pltpu.sync_copy(dv_v, dinv_sh.at[pl.ds(s * RPT, RPT)])

        @pl.when(c == 0)
        def _():
            pltpu.sync_copy(dv_v, dinv_hbm.at[pl.ds(s * RPT, RPT)])

        def zbody(k, carry):
            c_v[pl.ds(k * 16, 16)] = zero16
            return carry

        lax.fori_loop(0, N_PAD // 16, zbody, 0)
        plsc.subcore_barrier()
        pltpu.sync_copy(dinv_sh, dinvf_v)

        def body(j, carry):
            vals = plsc.load_gather(dinvf_v, [dst_v[pl.ds(j * 16, 16)]])
            plsc.addupdate_scatter(c_v, [src_v[pl.ds(j * 16, 16)]], vals)
            return carry

        lax.fori_loop(0, NV, body, 0)
        pltpu.sync_copy(c_v, stage_sh.at[s])
        plsc.subcore_barrier()
        pltpu.sync_copy(stage_sh.at[:, pl.ds(s * RPT, RPT)], part_v)

        def rbody(k, carry):
            tot = part_v[0, pl.ds(k * 16, 16)]
            for r in range(1, NS):
                tot = tot + part_v[r, pl.ds(k * 16, 16)]
            red_v[pl.ds(k * 16, 16)] = tot
            return carry

        lax.fori_loop(0, RPT // 16, rbody, 0)
        pltpu.sync_copy(red_v, cpart_hbm.at[c, pl.ds(s * RPT, RPT)])

    return cvec



def _mm_body(x_ref, w_ref, o_ref):
    o_ref[...] = jnp.dot(x_ref[...], w_ref[...],
                         preferred_element_type=jnp.float32)


def _mm(x, w):
    return pl.pallas_call(
        _mm_body,
        grid=(N_PAD // RBLK,),
        in_specs=[pl.BlockSpec((RBLK, 128), lambda i: (i, 0)),
                  pl.BlockSpec((128, w.shape[1]), lambda i: (0, 0))],
        out_specs=pl.BlockSpec((RBLK, w.shape[1]), lambda i: (i, 0)),
        out_shape=jax.ShapeDtypeStruct((N_PAD, w.shape[1]), jnp.float32),
    )(x, w)


def _combine_body(h_ref, g_ref, dinv_ref, wn_ref, ws_ref, b_ref, hn_ref):
    aggv = jnp.dot((g_ref[0] + g_ref[1]) * dinv_ref[...], wn_ref[...],
                   preferred_element_type=jnp.float32)
    hn_ref[...] = jnp.maximum(
        jnp.dot(h_ref[...], ws_ref[...], preferred_element_type=jnp.float32)
        + aggv + b_ref[...], 0.0)


def _combine(h, g, dinvb, wn, ws, b):
    return pl.pallas_call(
        _combine_body,
        grid=(N_PAD // RBLK,),
        in_specs=[pl.BlockSpec((RBLK, 128), lambda i: (i, 0)),
                  pl.BlockSpec((NC, RBLK, 128), lambda i: (0, i, 0)),
                  pl.BlockSpec((RBLK, 128), lambda i: (i, 0)),
                  pl.BlockSpec((128, 128), lambda i: (0, 0)),
                  pl.BlockSpec((128, 128), lambda i: (0, 0)),
                  pl.BlockSpec((1, 128), lambda i: (0, 0))],
        out_specs=pl.BlockSpec((RBLK, 128), lambda i: (i, 0)),
        out_shape=jax.ShapeDtypeStruct((N_PAD, 128), jnp.float32),
    )(h, g, dinvb, wn, ws, b)


def _readout_body(h_ref, g_ref, dinv_ref, wn_ref, ws_ref, b_ref, c_ref,
                  ws3_ref, wn3_ref, b3_ref, sh_ref, sc_ref, o_ref):
    i = pl.program_id(0)
    aggv = jnp.dot((g_ref[0] + g_ref[1]) * dinv_ref[...], wn_ref[...],
                   preferred_element_type=jnp.float32)
    hn = jnp.maximum(
        jnp.dot(h_ref[...], ws_ref[...], preferred_element_type=jnp.float32)
        + aggv + b_ref[...], 0.0)
    row = jax.lax.broadcasted_iota(jnp.int32, (RBLK, 128), 0) + i * RBLK
    hsum = jnp.sum(jnp.where(row < N, hn, 0.0), axis=0, keepdims=True)
    cv = c_ref[0:1, :] + c_ref[1:2, :]
    csum = jnp.dot(cv, hn, preferred_element_type=jnp.float32)

    @pl.when(i == 0)
    def _():
        sh_ref[...] = hsum
        sc_ref[...] = csum

    @pl.when(i > 0)
    def _():
        sh_ref[...] += hsum
        sc_ref[...] += csum

    @pl.when(i == N_PAD // RBLK - 1)
    def _():
        o_ref[...] = (jnp.dot(sh_ref[...] * (1.0 / N), ws3_ref[...],
                              preferred_element_type=jnp.float32)
                      + jnp.dot(sc_ref[...] * (1.0 / N), wn3_ref[...],
                                preferred_element_type=jnp.float32)
                      + b3_ref[...])


def _readout(h, g, dinvb, wn, ws, b, cpart, ws3, wn3, b3):
    _, _, out = pl.pallas_call(
        _readout_body,
        grid=(N_PAD // RBLK,),
        in_specs=[pl.BlockSpec((RBLK, 128), lambda i: (i, 0)),
                  pl.BlockSpec((NC, RBLK, 128), lambda i: (0, i, 0)),
                  pl.BlockSpec((RBLK, 128), lambda i: (i, 0)),
                  pl.BlockSpec((128, 128), lambda i: (0, 0)),
                  pl.BlockSpec((128, 128), lambda i: (0, 0)),
                  pl.BlockSpec((1, 128), lambda i: (0, 0)),
                  pl.BlockSpec((NC, RBLK), lambda i: (0, i)),
                  pl.BlockSpec((128, 16), lambda i: (0, 0)),
                  pl.BlockSpec((128, 16), lambda i: (0, 0)),
                  pl.BlockSpec((1, 16), lambda i: (0, 0))],
        out_specs=[pl.BlockSpec((1, 128), lambda i: (0, 0)),
                   pl.BlockSpec((1, 128), lambda i: (0, 0)),
                   pl.BlockSpec((1, 16), lambda i: (0, 0))],
        out_shape=[jax.ShapeDtypeStruct((1, 128), jnp.float32),
                   jax.ShapeDtypeStruct((1, 128), jnp.float32),
                   jax.ShapeDtypeStruct((1, 16), jnp.float32)],
    )(h, g, dinvb, wn, ws, b, cpart, ws3, wn3, b3)
    return out



def _pad2(w, r, c):
    return jnp.zeros((r, c), w.dtype).at[:w.shape[0], :w.shape[1]].set(w)


def _pad_row(b, c):
    return jnp.zeros((1, c), b.dtype).at[0, :b.shape[0]].set(b)


def kernel(x, edge_index,
           W_self0, W_neigh0, b0,
           W_self1, W_neigh1, b1,
           W_self2, W_neigh2, b2,
           W_self3, W_neigh3, b3):
    src = edge_index[0].astype(jnp.int32)
    dst = edge_index[1].astype(jnp.int32)
    pad = E_PAD - E
    dump = N + jnp.arange(pad, dtype=jnp.int32) % (N_PAD - N)
    src2 = jnp.concatenate([src, dump]).reshape(NW, EPW)
    dst2 = jnp.concatenate([dst, dump]).reshape(NW, EPW)
    pk2 = src2 | (dst2 << 14)
    zeros128 = jnp.zeros((N_PAD, 128), jnp.float32)

    wsp = [_pad2(W_self0, 128, 128), _pad2(W_self1, 128, 128),
           _pad2(W_self2, 128, 128)]
    wnp = [_pad2(W_neigh0, 128, 128), _pad2(W_neigh1, 128, 128),
           _pad2(W_neigh2, 128, 128)]
    bp = [_pad_row(b0, 128), _pad_row(b1, 128), _pad_row(b2, 128)]
    ws3p = _pad2(W_self3, 128, 16)
    wn3p = _pad2(W_neigh3, 128, 16)
    b3p = _pad_row(b3, 16)

    agg128 = _make_agg()

    degp = _make_deg()(dst2)
    dinv, cpart = _make_cvec()(degp, src2, dst2)
    dinvb = jnp.broadcast_to(dinv[:, None], (N_PAD, 128))
    h = jnp.zeros((N_PAD, 128), jnp.float32).at[:N].set(x)
    for li in range(2):
        g = agg128(h, pk2, zeros128)
        h = _combine(h, g, dinvb, wnp[li], wsp[li], bp[li])
    g = agg128(h, pk2, zeros128)
    out = _readout(h, g, dinvb, wnp[2], wsp[2], bp[2], cpart, ws3p, wn3p, b3p)
    return out.reshape(16)

# --- scband reference (transcript-rebuilt; emitter-appended) ---
"""Pipeline reference for scband-gcn-62895501082738 (READ-ONLY COPY).

The authoritative reference and input builder live on the scoring server;
editing this copy changes nothing except your own understanding.
"""

import jax, jax.numpy as jnp
import numpy as np

N = 10000
E = 320000
D = 128
H = 128
C = 16
DIMS = [(D, H), (H, H - 10), (H - 10, H - 25), (H - 25, C)]


def setup_inputs(seed: int = 0) -> dict:
    key = jax.random.key(seed)
    ks = jax.random.split(key, 2 + 2 * len(DIMS))
    x = jax.random.normal(ks[0], (N, D), dtype=jnp.float32)
    edge_index = jax.random.randint(ks[1], (2, E), 0, N, dtype=jnp.int64)
    inp = {"x": x, "edge_index": edge_index}
    ki = 2
    for li, (din, dout) in enumerate(DIMS):
        inp[f"W_self{li}"] = jax.random.normal(ks[ki], (din, dout), dtype=jnp.float32) * 0.05
        ki += 1
        inp[f"W_neigh{li}"] = jax.random.normal(ks[ki], (din, dout), dtype=jnp.float32) * 0.05
        ki += 1
        inp[f"b{li}"] = jnp.zeros((dout,), dtype=jnp.float32)
    return inp


def _sage_mean(h, src, dst, Ws, Wn, b):
    # DGL SAGEConv with 'mean' aggregator: fc_self(h) + fc_neigh(mean_neigh(h)) + bias
    msgs = h[src]  # gather over edges
    agg = jax.ops.segment_sum(msgs, dst, num_segments=N)
    deg = jax.ops.segment_sum(jnp.ones((src.shape[0],), dtype=h.dtype), dst, num_segments=N)
    neigh = agg / jnp.maximum(deg, 1.0)[:, None]
    return h @ Ws + neigh @ Wn + b


def reference(x, edge_index,
              W_self0, W_neigh0, b0,
              W_self1, W_neigh1, b1,
              W_self2, W_neigh2, b2,
              W_self3, W_neigh3, b3):
    src = edge_index[0]
    dst = edge_index[1]
    h = _sage_mean(x, src, dst, W_self0, W_neigh0, b0)
    h = jax.nn.relu(h)
    h = _sage_mean(h, src, dst, W_self1, W_neigh1, b1)
    h = jax.nn.relu(h)
    h = _sage_mean(h, src, dst, W_self2, W_neigh2, b2)
    h = jax.nn.relu(h)
    h = _sage_mean(h, src, dst, W_self3, W_neigh3, b3)
    # dgl.mean_nodes over a single graph -> mean over all nodes
    return jnp.mean(h, axis=0)

if __name__ == "__main__":
    import jax
    _d = setup_inputs()
    print(jax.jit(kernel)(*tuple(_d.values())))

</pallas_src>

<mosaic_0001>
#map = affine_map<(d0, d1) -> (0, 0)>
module attributes {stable_mosaic.version = 14 : i64} {
  func.func @deg(%arg0: i32, %arg1: i32, %arg2: memref<32x10240xi32, #tpu.memory_space<hbm>>, %arg3: memref<2x10240xf32, #tpu.memory_space<hbm>>, %arg4: memref<10240xi32, #tpu.memory_space<vmem>>, %arg5: memref<10240xf32, #tpu.memory_space<vmem>>, %arg6: memref<16x640xf32, #tpu.memory_space<vmem>>, %arg7: memref<640xf32, #tpu.memory_space<vmem>>, %arg8: memref<16x10240xf32, #tpu.memory_space<vmem_shared>>) attributes {dimension_semantics = [#tpu.dimension_semantics<core_parallel>, #tpu.dimension_semantics<subcore_parallel>], iteration_bounds = array<i64: 2, 16>, scalar_prefetch = 0 : i64, scratch_operands = 5 : i64, tpu.core_type = #tpu.core_type<sc_vector_subcore>, window_params = [{transform_indices = #map}, {transform_indices = #map}]} {
    %mul3A = arith.constant 16 : i32
    %mul3A_0 = arith.muli %arg0, %mul3A : i32
    %add3A = arith.addi %mul3A_0, %arg1 : i32
    "tpu.region"() ({
      %run_scoped3A = tpu.sem_alloc : memref<!tpu.dma_semaphore, #tpu.memory_space<semaphore_mem>>
      %dma_start3A = arith.constant 0 : i32
      %dma_start3A_25 = tpu.memref_slice %arg2[%add3A, %dma_start3A] : memref<32x10240xi32, #tpu.memory_space<hbm>> -> memref<1x10240xi32, #tpu.memory_space<hbm>>
      %dma_start3A_26 = tpu.memref_squeeze %dma_start3A_25 : memref<1x10240xi32, #tpu.memory_space<hbm>> -> memref<10240xi32, #tpu.memory_space<hbm>>
      %dma_start3A_27 = arith.constant 0 : i32
      %dma_start3A_28 = tpu.memref_slice %arg2[%add3A, %dma_start3A_27] : memref<32x10240xi32, #tpu.memory_space<hbm>> -> memref<1x10240xi32, #tpu.memory_space<hbm>>
      %dma_start3A_29 = tpu.memref_squeeze %dma_start3A_28 : memref<1x10240xi32, #tpu.memory_space<hbm>> -> memref<10240xi32, #tpu.memory_space<hbm>>
      tpu.enqueue_dma source(%dma_start3A_29 : memref<10240xi32, #tpu.memory_space<hbm>>) target(%arg4 : memref<10240xi32, #tpu.memory_space<vmem>>) target_semaphore(%run_scoped3A : memref<!tpu.dma_semaphore, #tpu.memory_space<semaphore_mem>>)
      %dma_wait3A = arith.constant 0 : i32
      %dma_wait3A_30 = tpu.memref_slice %arg2[%add3A, %dma_wait3A] : memref<32x10240xi32, #tpu.memory_space<hbm>> -> memref<1x10240xi32, #tpu.memory_space<hbm>>
      %dma_wait3A_31 = tpu.memref_squeeze %dma_wait3A_30 : memref<1x10240xi32, #tpu.memory_space<hbm>> -> memref<10240xi32, #tpu.memory_space<hbm>>
      %dma_wait3A_32 = arith.constant 0 : i32
      %dma_wait3A_33 = tpu.memref_slice %arg2[%add3A, %dma_wait3A_32] : memref<32x10240xi32, #tpu.memory_space<hbm>> -> memref<1x10240xi32, #tpu.memory_space<hbm>>
      %dma_wait3A_34 = tpu.memref_squeeze %dma_wait3A_33 : memref<1x10240xi32, #tpu.memory_space<hbm>> -> memref<10240xi32, #tpu.memory_space<hbm>>
      tpu.wait_dma2 semaphore(%run_scoped3A : memref<!tpu.dma_semaphore, #tpu.memory_space<semaphore_mem>>) src(%dma_wait3A_34 : memref<10240xi32, #tpu.memory_space<hbm>>) dst(%arg4 : memref<10240xi32, #tpu.memory_space<vmem>>)
      tpu.yield
    }) : () -> ()
    %broadcast_in_dim3A = arith.constant 0.000000e+00 : f32
    %broadcast_in_dim3A_1 = vector.broadcast %broadcast_in_dim3A : f32 to vector<16xf32>
    %broadcast_in_dim3A_2 = arith.constant 1.000000e+00 : f32
    %broadcast_in_dim3A_3 = vector.broadcast %broadcast_in_dim3A_2 : f32 to vector<16xf32>
    %scan3A = arith.constant 0 : i32
    %scan3A_4 = arith.constant 0 : i32
    %scan3A_5 = arith.constant 640 : i32
    %scan3A_6 = arith.addi %scan3A_4, %scan3A_5 : i32
    %scan3A_7 = arith.constant 1 : i32
    scf.for %scan3A_25 = %scan3A_4 to %scan3A_6 step %scan3A_7  : i32 {
      %mul3A_26 = arith.constant 16 : i32
      %mul3A_27 = arith.muli %scan3A_25, %mul3A_26 : i32
      %swap3A = arith.index_cast %mul3A_27 : i32 to index
      %swap3A_28 = tpu.vector_load %arg5[%swap3A] {strides = array<i32>} : memref<10240xf32, #tpu.memory_space<vmem>>, vector<16xf32>,
      tpu.vector_store %arg5[%swap3A], %broadcast_in_dim3A_1 {strides = array<i32>} : memref<10240xf32, #tpu.memory_space<vmem>>, vector<16xf32>,
    }
    %scan3A_8 = arith.constant 640 : i32
    %scan3A_9 = arith.constant 0 : i32
    %scan3A_10 = arith.constant 0 : i32
    %scan3A_11 = arith.constant 640 : i32
    %scan3A_12 = arith.addi %scan3A_10, %scan3A_11 : i32
    %scan3A_13 = arith.constant 1 : i32
    scf.for %scan3A_25 = %scan3A_10 to %scan3A_12 step %scan3A_13  : i32 {
      %mul3A_26 = arith.constant 16 : i32
      %mul3A_27 = arith.muli %scan3A_25, %mul3A_26 : i32
      %get3A = arith.index_cast %mul3A_27 : i32 to index
      %get3A_28 = tpu.vector_load %arg4[%get3A] {strides = array<i32>} : memref<10240xi32, #tpu.memory_space<vmem>>, vector<16xi32>,
      tpu.vector_store_idx %arg5[%get3A_28], %broadcast_in_dim3A_3 {add = true} : memref<10240xf32, #tpu.memory_space<vmem>>[vector<16xi32>], vector<16xf32>,
    }
    %scan3A_14 = arith.constant 640 : i32
    "tpu.region"() ({
      %run_scoped3A = tpu.sem_alloc : memref<!tpu.dma_semaphore, #tpu.memory_space<semaphore_mem>>
      %dma_start3A = arith.constant 0 : i32
      %dma_start3A_25 = tpu.memref_slice %arg8[%arg1, %dma_start3A] : memref<16x10240xf32, #tpu.memory_space<vmem_shared>> -> memref<1x10240xf32, #tpu.memory_space<vmem_shared>>
      %dma_start3A_26 = tpu.memref_squeeze %dma_start3A_25 : memref<1x10240xf32, #tpu.memory_space<vmem_shared>> -> memref<10240xf32, #tpu.memory_space<vmem_shared>>
      %dma_start3A_27 = arith.constant 0 : i32
      %dma_start3A_28 = tpu.memref_slice %arg8[%arg1, %dma_start3A_27] : memref<16x10240xf32, #tpu.memory_space<vmem_shared>> -> memref<1x10240xf32, #tpu.memory_space<vmem_shared>>
      %dma_start3A_29 = tpu.memref_squeeze %dma_start3A_28 : memref<1x10240xf32, #tpu.memory_space<vmem_shared>> -> memref<10240xf32, #tpu.memory_space<vmem_shared>>
      tpu.enqueue_dma source(%arg5 : memref<10240xf32, #tpu.memory_space<vmem>>) target(%dma_start3A_29 : memref<10240xf32, #tpu.memory_space<vmem_shared>>) target_semaphore(%run_scoped3A : memref<!tpu.dma_semaphore, #tpu.memory_space<semaphore_mem>>)
      %dma_wait3A = arith.constant 0 : i32
      %dma_wait3A_30 = tpu.memref_slice %arg8[%arg1, %dma_wait3A] : memref<16x10240xf32, #tpu.memory_space<vmem_shared>> -> memref<1x10240xf32, #tpu.memory_space<vmem_shared>>
      %dma_wait3A_31 = tpu.memref_squeeze %dma_wait3A_30 : memref<1x10240xf32, #tpu.memory_space<vmem_shared>> -> memref<10240xf32, #tpu.memory_space<vmem_shared>>
      %dma_wait3A_32 = arith.constant 0 : i32
      %dma_wait3A_33 = tpu.memref_slice %arg8[%arg1, %dma_wait3A_32] : memref<16x10240xf32, #tpu.memory_space<vmem_shared>> -> memref<1x10240xf32, #tpu.memory_space<vmem_shared>>
      %dma_wait3A_34 = tpu.memref_squeeze %dma_wait3A_33 : memref<1x10240xf32, #tpu.memory_space<vmem_shared>> -> memref<10240xf32, #tpu.memory_space<vmem_shared>>
      tpu.wait_dma2 semaphore(%run_scoped3A : memref<!tpu.dma_semaphore, #tpu.memory_space<semaphore_mem>>) src(%arg5 : memref<10240xf32, #tpu.memory_space<vmem>>) dst(%dma_wait3A_34 : memref<10240xf32, #tpu.memory_space<vmem_shared>>)
      tpu.yield
    }) : () -> ()
    %barrier3A = arith.constant 0 : index
    tpu.barrier barrier_id(%barrier3A)
    %mul3A_15 = arith.constant 640 : i32
    %mul3A_16 = arith.muli %arg1, %mul3A_15 : i32
    "tpu.region"() ({
      %run_scoped3A = tpu.sem_alloc : memref<!tpu.dma_semaphore, #tpu.memory_space<semaphore_mem>>
      %dma_start3A = arith.constant 0 : i32
      %dma_start3A_25 = tpu.memref_slice %arg8[%dma_start3A, %mul3A_16] : memref<16x10240xf32, #tpu.memory_space<vmem_shared>> -> memref<16x640xf32, #tpu.memory_space<vmem_shared>>
      %dma_start3A_26 = arith.constant 0 : i32
      %dma_start3A_27 = tpu.memref_slice %arg8[%dma_start3A_26, %mul3A_16] : memref<16x10240xf32, #tpu.memory_space<vmem_shared>> -> memref<16x640xf32, #tpu.memory_space<vmem_shared>>
      tpu.enqueue_dma source(%dma_start3A_27 : memref<16x640xf32, #tpu.memory_space<vmem_shared>>) target(%arg6 : memref<16x640xf32, #tpu.memory_space<vmem>>) target_semaphore(%run_scoped3A : memref<!tpu.dma_semaphore, #tpu.memory_space<semaphore_mem>>)
      %dma_wait3A = arith.constant 0 : i32
      %dma_wait3A_28 = tpu.memref_slice %arg8[%dma_wait3A, %mul3A_16] : memref<16x10240xf32, #tpu.memory_space<vmem_shared>> -> memref<16x640xf32, #tpu.memory_space<vmem_shared>>
      %dma_wait3A_29 = arith.constant 0 : i32
      %dma_wait3A_30 = tpu.memref_slice %arg8[%dma_wait3A_29, %mul3A_16] : memref<16x10240xf32, #tpu.memory_space<vmem_shared>> -> memref<16x640xf32, #tpu.memory_space<vmem_shared>>
      tpu.wait_dma2 semaphore(%run_scoped3A : memref<!tpu.dma_semaphore, #tpu.memory_space<semaphore_mem>>) src(%dma_wait3A_30 : memref<16x640xf32, #tpu.memory_space<vmem_shared>>) dst(%arg6 : memref<16x640xf32, #tpu.memory_space<vmem>>)
      tpu.yield
    }) : () -> ()
    %scan3A_17 = arith.constant 0 : i32
    %scan3A_18 = arith.constant 0 : i32
    %scan3A_19 = arith.constant 40 : i32
    %scan3A_20 = arith.addi %scan3A_18, %scan3A_19 : i32
    %scan3A_21 = arith.constant 1 : i32
    scf.for %scan3A_25 = %scan3A_18 to %scan3A_20 step %scan3A_21  : i32 {
      %mul3A_26 = arith.constant 16 : i32
      %mul3A_27 = arith.muli %scan3A_25, %mul3A_26 : i32
      %get3A = arith.constant 0 : i32
      %get3A_28 = arith.index_cast %get3A : i32 to index
      %get3A_29 = arith.index_cast %mul3A_27 : i32 to index
      %get3A_30 = tpu.vector_load %arg6[%get3A_28, %get3A_29] {strides = array<i32>} : memref<16x640xf32, #tpu.memory_space<vmem>>, vector<16xf32>,
      %mul3A_31 = arith.constant 16 : i32
      %mul3A_32 = arith.muli %scan3A_25, %mul3A_31 : i32
      %get3A_33 = arith.constant 1 : i32
      %get3A_34 = arith.index_cast %get3A_33 : i32 to index
      %get3A_35 = arith.index_cast %mul3A_32 : i32 to index
      %get3A_36 = tpu.vector_load %arg6[%get3A_34, %get3A_35] {strides = array<i32>} : memref<16x640xf32, #tpu.memory_space<vmem>>, vector<16xf32>,
      %add3A_37 = arith.addf %get3A_30, %get3A_36 : vector<16xf32>
      %mul3A_38 = arith.constant 16 : i32
      %mul3A_39 = arith.muli %scan3A_25, %mul3A_38 : i32
      %get3A_40 = arith.constant 2 : i32
      %get3A_41 = arith.index_cast %get3A_40 : i32 to index
      %get3A_42 = arith.index_cast %mul3A_39 : i32 to index
      %get3A_43 = tpu.vector_load %arg6[%get3A_41, %get3A_42] {strides = array<i32>} : memref<16x640xf32, #tpu.memory_space<vmem>>, vector<16xf32>,
      %add3A_44 = arith.addf %add3A_37, %get3A_43 : vector<16xf32>
      %mul3A_45 = arith.constant 16 : i32
      %mul3A_46 = arith.muli %scan3A_25, %mul3A_45 : i32
      %get3A_47 = arith.constant 3 : i32
      %get3A_48 = arith.index_cast %get3A_47 : i32 to index
      %get3A_49 = arith.index_cast %mul3A_46 : i32 to index
      %get3A_50 = tpu.vector_load %arg6[%get3A_48, %get3A_49] {strides = array<i32>} : memref<16x640xf32, #tpu.memory_space<vmem>>, vector<16xf32>,
      %add3A_51 = arith.addf %add3A_44, %get3A_50 : vector<16xf32>
      %mul3A_52 = arith.constant 16 : i32
      %mul3A_53 = arith.muli %scan3A_25, %mul3A_52 : i32
      %get3A_54 = arith.constant 4 : i32
      %get3A_55 = arith.index_cast %get3A_54 : i32 to index
      %get3A_56 = arith.index_cast %mul3A_53 : i32 to index
      %get3A_57 = tpu.vector_load %arg6[%get3A_55, %get3A_56] {strides = array<i32>} : memref<16x640xf32, #tpu.memory_space<vmem>>, vector<16xf32>,
      %add3A_58 = arith.addf %add3A_51, %get3A_57 : vector<16xf32>
      %mul3A_59 = arith.constant 16 : i32
      %mul3A_60 = arith.muli %scan3A_25, %mul3A_59 : i32
      %get3A_61 = arith.constant 5 : i32
      %get3A_62 = arith.index_cast %get3A_61 : i32 to index
      %get3A_63 = arith.index_cast %mul3A_60 : i32 to index
      %get3A_64 = tpu.vector_load %arg6[%get3A_62, %get3A_63] {strides = array<i32>} : memref<16x640xf32, #tpu.memory_space<vmem>>, vector<16xf32>,
      %add3A_65 = arith.addf %add3A_58, %get3A_64 : vector<16xf32>
      %mul3A_66 = arith.constant 16 : i32
      %mul3A_67 = arith.muli %scan3A_25, %mul3A_66 : i32
      %get3A_68 = arith.constant 6 : i32
      %get3A_69 = arith.index_cast %get3A_68 : i32 to index
      %get3A_70 = arith.index_cast %mul3A_67 : i32 to index
      %get3A_71 = tpu.vector_load %arg6[%get3A_69, %get3A_70] {strides = array<i32>} : memref<16x640xf32, #tpu.memory_space<vmem>>, vector<16xf32>,
      %add3A_72 = arith.addf %add3A_65, %get3A_71 : vector<16xf32>
      %mul3A_73 = arith.constant 16 : i32
      %mul3A_74 = arith.muli %scan3A_25, %mul3A_73 : i32
      %get3A_75 = arith.constant 7 : i32
      %get3A_76 = arith.index_cast %get3A_75 : i32 to index
      %get3A_77 = arith.index_cast %mul3A_74 : i32 to index
      %get3A_78 = tpu.vector_load %arg6[%get3A_76, %get3A_77] {strides = array<i32>} : memref<16x640xf32, #tpu.memory_space<vmem>>, vector<16xf32>,
      %add3A_79 = arith.addf %add3A_72, %get3A_78 : vector<16xf32>
      %mul3A_80 = arith.constant 16 : i32
      %mul3A_81 = arith.muli %scan3A_25, %mul3A_80 : i32
      %get3A_82 = arith.constant 8 : i32
      %get3A_83 = arith.index_cast %get3A_82 : i32 to index
      %get3A_84 = arith.index_cast %mul3A_81 : i32 to index
      %get3A_85 = tpu.vector_load %arg6[%get3A_83, %get3A_84] {strides = array<i32>} : memref<16x640xf32, #tpu.memory_space<vmem>>, vector<16xf32>,
      %add3A_86 = arith.addf %add3A_79, %get3A_85 : vector<16xf32>
      %mul3A_87 = arith.constant 16 : i32
      %mul3A_88 = arith.muli %scan3A_25, %mul3A_87 : i32
      %get3A_89 = arith.constant 9 : i32
      %get3A_90 = arith.index_cast %get3A_89 : i32 to index
      %get3A_91 = arith.index_cast %mul3A_88 : i32 to index
      %get3A_92 = tpu.vector_load %arg6[%get3A_90, %get3A_91] {strides = array<i32>} : memref<16x640xf32, #tpu.memory_space<vmem>>, vector<16xf32>,
      %add3A_93 = arith.addf %add3A_86, %get3A_92 : vector<16xf32>
      %mul3A_94 = arith.constant 16 : i32
      %mul3A_95 = arith.muli %scan3A_25, %mul3A_94 : i32
      %get3A_96 = arith.constant 10 : i32
      %get3A_97 = arith.index_cast %get3A_96 : i32 to index
      %get3A_98 = arith.index_cast %mul3A_95 : i32 to index
      %get3A_99 = tpu.vector_load %arg6[%get3A_97, %get3A_98] {strides = array<i32>} : memref<16x640xf32, #tpu.memory_space<vmem>>, vector<16xf32>,
      %add3A_100 = arith.addf %add3A_93, %get3A_99 : vector<16xf32>
      %mul3A_101 = arith.constant 16 : i32
      %mul3A_102 = arith.muli %scan3A_25, %mul3A_101 : i32
      %get3A_103 = arith.constant 11 : i32
      %get3A_104 = arith.index_cast %get3A_103 : i32 to index
      %get3A_105 = arith.index_cast %mul3A_102 : i32 to index
      %get3A_106 = tpu.vector_load %arg6[%get3A_104, %get3A_105] {strides = array<i32>} : memref<16x640xf32, #tpu.memory_space<vmem>>, vector<16xf32>,
      %add3A_107 = arith.addf %add3A_100, %get3A_106 : vector<16xf32>
      %mul3A_108 = arith.constant 16 : i32
      %mul3A_109 = arith.muli %scan3A_25, %mul3A_108 : i32
      %get3A_110 = arith.constant 12 : i32
      %get3A_111 = arith.index_cast %get3A_110 : i32 to index
      %get3A_112 = arith.index_cast %mul3A_109 : i32 to index
      %get3A_113 = tpu.vector_load %arg6[%get3A_111, %get3A_112] {strides = array<i32>} : memref<16x640xf32, #tpu.memory_space<vmem>>, vector<16xf32>,
      %add3A_114 = arith.addf %add3A_107, %get3A_113 : vector<16xf32>
      %mul3A_115 = arith.constant 16 : i32
      %mul3A_116 = arith.muli %scan3A_25, %mul3A_115 : i32
      %get3A_117 = arith.constant 13 : i32
      %get3A_118 = arith.index_cast %get3A_117 : i32 to index
      %get3A_119 = arith.index_cast %mul3A_116 : i32 to index
      %get3A_120 = tpu.vector_load %arg6[%get3A_118, %get3A_119] {strides = array<i32>} : memref<16x640xf32, #tpu.memory_space<vmem>>, vector<16xf32>,
      %add3A_121 = arith.addf %add3A_114, %get3A_120 : vector<16xf32>
      %mul3A_122 = arith.constant 16 : i32
      %mul3A_123 = arith.muli %scan3A_25, %mul3A_122 : i32
      %get3A_124 = arith.constant 14 : i32
      %get3A_125 = arith.index_cast %get3A_124 : i32 to index
      %get3A_126 = arith.index_cast %mul3A_123 : i32 to index
      %get3A_127 = tpu.vector_load %arg6[%get3A_125, %get3A_126] {strides = array<i32>} : memref<16x640xf32, #tpu.memory_space<vmem>>, vector<16xf32>,
      %add3A_128 = arith.addf %add3A_121, %get3A_127 : vector<16xf32>
      %mul3A_129 = arith.constant 16 : i32
      %mul3A_130 = arith.muli %scan3A_25, %mul3A_129 : i32
      %get3A_131 = arith.constant 15 : i32
      %get3A_132 = arith.index_cast %get3A_131 : i32 to index
      %get3A_133 = arith.index_cast %mul3A_130 : i32 to index
      %get3A_134 = tpu.vector_load %arg6[%get3A_132, %get3A_133] {strides = array<i32>} : memref<16x640xf32, #tpu.memory_space<vmem>>, vector<16xf32>,
      %add3A_135 = arith.addf %add3A_128, %get3A_134 : vector<16xf32>
      %mul3A_136 = arith.constant 16 : i32
      %mul3A_137 = arith.muli %scan3A_25, %mul3A_136 : i32
      %swap3A = arith.index_cast %mul3A_137 : i32 to index
      %swap3A_138 = tpu.vector_load %arg7[%swap3A] {strides = array<i32>} : memref<640xf32, #tpu.memory_space<vmem>>, vector<16xf32>,
      tpu.vector_store %arg7[%swap3A], %add3A_135 {strides = array<i32>} : memref<640xf32, #tpu.memory_space<vmem>>, vector<16xf32>,
    }
    %scan3A_22 = arith.constant 40 : i32
    %mul3A_23 = arith.constant 640 : i32
    %mul3A_24 = arith.muli %arg1, %mul3A_23 : i32
    "tpu.region"() ({
      %run_scoped3A = tpu.sem_alloc : memref<!tpu.dma_semaphore, #tpu.memory_space<semaphore_mem>>
      %dma_start3A = tpu.memref_slice %arg3[%arg0, %mul3A_24] : memref<2x10240xf32, #tpu.memory_space<hbm>> -> memref<1x640xf32, #tpu.memory_space<hbm>>
      %dma_start3A_25 = tpu.memref_squeeze %dma_start3A : memref<1x640xf32, #tpu.memory_space<hbm>> -> memref<640xf32, #tpu.memory_space<hbm>>
      %dma_start3A_26 = tpu.memref_slice %arg3[%arg0, %mul3A_24] : memref<2x10240xf32, #tpu.memory_space<hbm>> -> memref<1x640xf32, #tpu.memory_space<hbm>>
      %dma_start3A_27 = tpu.memref_squeeze %dma_start3A_26 : memref<1x640xf32, #tpu.memory_space<hbm>> -> memref<640xf32, #tpu.memory_space<hbm>>
      tpu.enqueue_dma source(%arg7 : memref<640xf32, #tpu.memory_space<vmem>>) target(%dma_start3A_27 : memref<640xf32, #tpu.memory_space<hbm>>) target_semaphore(%run_scoped3A : memref<!tpu.dma_semaphore, #tpu.memory_space<semaphore_mem>>)
      %dma_wait3A = tpu.memref_slice %arg3[%arg0, %mul3A_24] : memref<2x10240xf32, #tpu.memory_space<hbm>> -> memref<1x640xf32, #tpu.memory_space<hbm>>
      %dma_wait3A_28 = tpu.memref_squeeze %dma_wait3A : memref<1x640xf32, #tpu.memory_space<hbm>> -> memref<640xf32, #tpu.memory_space<hbm>>
      %dma_wait3A_29 = tpu.memref_slice %arg3[%arg0, %mul3A_24] : memref<2x10240xf32, #tpu.memory_space<hbm>> -> memref<1x640xf32, #tpu.memory_space<hbm>>
      %dma_wait3A_30 = tpu.memref_squeeze %dma_wait3A_29 : memref<1x640xf32, #tpu.memory_space<hbm>> -> memref<640xf32, #tpu.memory_space<hbm>>
      tpu.wait_dma2 semaphore(%run_scoped3A : memref<!tpu.dma_semaphore, #tpu.memory_space<semaphore_mem>>) src(%arg7 : memref<640xf32, #tpu.memory_space<vmem>>) dst(%dma_wait3A_30 : memref<640xf32, #tpu.memory_space<hbm>>)
      tpu.yield
    }) : () -> ()
    return
  }
}

#map = affine_map<(d0, d1) -> (0, 0)>
#map1 = affine_map<(d0, d1) -> (0, 0, 0)>
module attributes {stable_mosaic.version = 14 : i64} {
  func.func @agg(%arg0: i32, %arg1: i32, %arg2: memref<10240x128xf32, #tpu.memory_space<hbm>>, %arg3: memref<32x10240xi32, #tpu.memory_space<hbm>>, %arg4: memref<10240x128xf32, #tpu.memory_space<hbm>>, %arg5: memref<2x10240x128xf32, #tpu.memory_space<hbm>>, %arg6: memref<10240xi32, #tpu.memory_space<vmem>>, %arg7: memref<128xi32, #tpu.memory_space<vmem>>, %arg8: memref<128xi32, #tpu.memory_space<vmem>>, %arg9: memref<128xi32, #tpu.memory_space<vmem>>, %arg10: memref<128xi32, #tpu.memory_space<vmem>>, %arg11: memref<128x128xf32, #tpu.memory_space<vmem>>, %arg12: memref<128x128xf32, #tpu.memory_space<vmem>>, %arg13: memref<10240x128xf32, #tpu.memory_space<vmem_shared>>, %arg14: memref<!tpu.dma_semaphore, #tpu.memory_space<semaphore_mem>>, %arg15: memref<!tpu.dma_semaphore, #tpu.memory_space<semaphore_mem>>) attributes {dimension_semantics = [#tpu.dimension_semantics<core_parallel>, #tpu.dimension_semantics<subcore_parallel>], iteration_bounds = array<i64: 2, 16>, scalar_prefetch = 0 : i64, scratch_operands = 10 : i64, tpu.core_type = #tpu.core_type<sc_vector_subcore>, window_params = [{transform_indices = #map}, {transform_indices = #map}, {transform_indices = #map}, {transform_indices = #map1}]} {
    %mul3A = arith.constant 16 : i32
    %mul3A_0 = arith.muli %arg0, %mul3A : i32
    %add3A = arith.addi %mul3A_0, %arg1 : i32
    %mul3A_1 = arith.constant 640 : i32
    %mul3A_2 = arith.muli %arg1, %mul3A_1 : i32
    %mul3A_3 = arith.constant 640 : i32
    %mul3A_4 = arith.muli %arg1, %mul3A_3 : i32
    "tpu.region"() ({
      %run_scoped3A = tpu.sem_alloc : memref<!tpu.dma_semaphore, #tpu.memory_space<semaphore_mem>>
      %dma_start3A_94 = arith.constant 0 : i32
      %dma_start3A_95 = tpu.memref_slice %arg13[%mul3A_4, %dma_start3A_94] : memref<10240x128xf32, #tpu.memory_space<vmem_shared>> -> memref<640x128xf32, #tpu.memory_space<vmem_shared>>
      %dma_start3A_96 = arith.constant 0 : i32
      %dma_start3A_97 = tpu.memref_slice %arg4[%mul3A_2, %dma_start3A_96] : memref<10240x128xf32, #tpu.memory_space<hbm>> -> memref<640x128xf32, #tpu.memory_space<hbm>>
      tpu.enqueue_dma source(%dma_start3A_97 : memref<640x128xf32, #tpu.memory_space<hbm>>) target(%dma_start3A_95 : memref<640x128xf32, #tpu.memory_space<vmem_shared>>) target_semaphore(%run_scoped3A : memref<!tpu.dma_semaphore, #tpu.memory_space<semaphore_mem>>)
      %dma_wait3A = arith.constant 0 : i32
      %dma_wait3A_98 = tpu.memref_slice %arg13[%mul3A_4, %dma_wait3A] : memref<10240x128xf32, #tpu.memory_space<vmem_shared>> -> memref<640x128xf32, #tpu.memory_space<vmem_shared>>
      %dma_wait3A_99 = arith.constant 0 : i32
      %dma_wait3A_100 = tpu.memref_slice %arg4[%mul3A_2, %dma_wait3A_99] : memref<10240x128xf32, #tpu.memory_space<hbm>> -> memref<640x128xf32, #tpu.memory_space<hbm>>
      tpu.wait_dma2 semaphore(%run_scoped3A : memref<!tpu.dma_semaphore, #tpu.memory_space<semaphore_mem>>) src(%dma_wait3A_100 : memref<640x128xf32, #tpu.memory_space<hbm>>) dst(%dma_wait3A_98 : memref<640x128xf32, #tpu.memory_space<vmem_shared>>)
      tpu.yield
    }) : () -> ()
    "tpu.region"() ({
      %run_scoped3A = tpu.sem_alloc : memref<!tpu.dma_semaphore, #tpu.memory_space<semaphore_mem>>
      %dma_start3A_94 = arith.constant 0 : i32
      %dma_start3A_95 = tpu.memref_slice %arg3[%add3A, %dma_start3A_94] : memref<32x10240xi32, #tpu.memory_space<hbm>> -> memref<1x10240xi32, #tpu.memory_space<hbm>>
      %dma_start3A_96 = tpu.memref_squeeze %dma_start3A_95 : memref<1x10240xi32, #tpu.memory_space<hbm>> -> memref<10240xi32, #tpu.memory_space<hbm>>
      %dma_start3A_97 = arith.constant 0 : i32
      %dma_start3A_98 = tpu.memref_slice %arg3[%add3A, %dma_start3A_97] : memref<32x10240xi32, #tpu.memory_space<hbm>> -> memref<1x10240xi32, #tpu.memory_space<hbm>>
      %dma_start3A_99 = tpu.memref_squeeze %dma_start3A_98 : memref<1x10240xi32, #tpu.memory_space<hbm>> -> memref<10240xi32, #tpu.memory_space<hbm>>
      tpu.enqueue_dma source(%dma_start3A_99 : memref<10240xi32, #tpu.memory_space<hbm>>) target(%arg6 : memref<10240xi32, #tpu.memory_space<vmem>>) target_semaphore(%run_scoped3A : memref<!tpu.dma_semaphore, #tpu.memory_space<semaphore_mem>>)
      %dma_wait3A = arith.constant 0 : i32
      %dma_wait3A_100 = tpu.memref_slice %arg3[%add3A, %dma_wait3A] : memref<32x10240xi32, #tpu.memory_space<hbm>> -> memref<1x10240xi32, #tpu.memory_space<hbm>>
      %dma_wait3A_101 = tpu.memref_squeeze %dma_wait3A_100 : memref<1x10240xi32, #tpu.memory_space<hbm>> -> memref<10240xi32, #tpu.memory_space<hbm>>
      %dma_wait3A_102 = arith.constant 0 : i32
      %dma_wait3A_103 = tpu.memref_slice %arg3[%add3A, %dma_wait3A_102] : memref<32x10240xi32, #tpu.memory_space<hbm>> -> memref<1x10240xi32, #tpu.memory_space<hbm>>
      %dma_wait3A_104 = tpu.memref_squeeze %dma_wait3A_103 : memref<1x10240xi32, #tpu.memory_space<hbm>> -> memref<10240xi32, #tpu.memory_space<hbm>>
      tpu.wait_dma2 semaphore(%run_scoped3A : memref<!tpu.dma_semaphore, #tpu.memory_space<semaphore_mem>>) src(%dma_wait3A_104 : memref<10240xi32, #tpu.memory_space<hbm>>) dst(%arg6 : memref<10240xi32, #tpu.memory_space<vmem>>)
      tpu.yield
    }) : () -> ()
    %barrier3A = arith.constant 0 : index
    tpu.barrier barrier_id(%barrier3A)
    %broadcast_in_dim3A = arith.constant 16383 : i32
    %broadcast_in_dim3A_5 = vector.broadcast %broadcast_in_dim3A : i32 to vector<16xi32>
    %get3A = arith.constant 0 : index
    %get3A_6 = tpu.vector_load %arg6[%get3A] {strides = array<i32>} : memref<10240xi32, #tpu.memory_space<vmem>>, vector<16xi32>,
    %and3A = arith.andi %get3A_6, %broadcast_in_dim3A_5 : vector<16xi32>
    %swap3A = arith.constant 0 : index
    %swap3A_7 = tpu.vector_load %arg7[%swap3A] {strides = array<i32>} : memref<128xi32, #tpu.memory_space<vmem>>, vector<16xi32>,
    tpu.vector_store %arg7[%swap3A], %and3A {strides = array<i32>} : memref<128xi32, #tpu.memory_space<vmem>>, vector<16xi32>,
    %shift_right_logical3A = arith.constant 14 : i32
    %shift_right_logical3A_8 = vector.broadcast %shift_right_logical3A : i32 to vector<16xi32>
    %shift_right_logical3A_9 = arith.shrui %get3A_6, %shift_right_logical3A_8 : vector<16xi32>
    %swap3A_10 = arith.constant 0 : index
    %swap3A_11 = tpu.vector_load %arg8[%swap3A_10] {strides = array<i32>} : memref<128xi32, #tpu.memory_space<vmem>>, vector<16xi32>,
    tpu.vector_store %arg8[%swap3A_10], %shift_right_logical3A_9 {strides = array<i32>} : memref<128xi32, #tpu.memory_space<vmem>>, vector<16xi32>,
    %get3A_12 = arith.constant 16 : index
    %get3A_13 = tpu.vector_load %arg6[%get3A_12] {strides = array<i32>} : memref<10240xi32, #tpu.memory_space<vmem>>, vector<16xi32>,
    %and3A_14 = arith.andi %get3A_13, %broadcast_in_dim3A_5 : vector<16xi32>
    %swap3A_15 = arith.constant 16 : index
    %swap3A_16 = tpu.vector_load %arg7[%swap3A_15] {strides = array<i32>} : memref<128xi32, #tpu.memory_space<vmem>>, vector<16xi32>,
    tpu.vector_store %arg7[%swap3A_15], %and3A_14 {strides = array<i32>} : memref<128xi32, #tpu.memory_space<vmem>>, vector<16xi32>,
    %shift_right_logical3A_17 = arith.constant 14 : i32
    %shift_right_logical3A_18 = vector.broadcast %shift_right_logical3A_17 : i32 to vector<16xi32>
    %shift_right_logical3A_19 = arith.shrui %get3A_13, %shift_right_logical3A_18 : vector<16xi32>
    %swap3A_20 = arith.constant 16 : index
    %swap3A_21 = tpu.vector_load %arg8[%swap3A_20] {strides = array<i32>} : memref<128xi32, #tpu.memory_space<vmem>>, vector<16xi32>,
    tpu.vector_store %arg8[%swap3A_20], %shift_right_logical3A_19 {strides = array<i32>} : memref<128xi32, #tpu.memory_space<vmem>>, vector<16xi32>,
    %get3A_22 = arith.constant 32 : index
    %get3A_23 = tpu.vector_load %arg6[%get3A_22] {strides = array<i32>} : memref<10240xi32, #tpu.memory_space<vmem>>, vector<16xi32>,
    %and3A_24 = arith.andi %get3A_23, %broadcast_in_dim3A_5 : vector<16xi32>
    %swap3A_25 = arith.constant 32 : index
    %swap3A_26 = tpu.vector_load %arg7[%swap3A_25] {strides = array<i32>} : memref<128xi32, #tpu.memory_space<vmem>>, vector<16xi32>,
    tpu.vector_store %arg7[%swap3A_25], %and3A_24 {strides = array<i32>} : memref<128xi32, #tpu.memory_space<vmem>>, vector<16xi32>,
    %shift_right_logical3A_27 = arith.constant 14 : i32
    %shift_right_logical3A_28 = vector.broadcast %shift_right_logical3A_27 : i32 to vector<16xi32>
    %shift_right_logical3A_29 = arith.shrui %get3A_23, %shift_right_logical3A_28 : vector<16xi32>
    %swap3A_30 = arith.constant 32 : index
    %swap3A_31 = tpu.vector_load %arg8[%swap3A_30] {strides = array<i32>} : memref<128xi32, #tpu.memory_space<vmem>>, vector<16xi32>,
    tpu.vector_store %arg8[%swap3A_30], %shift_right_logical3A_29 {strides = array<i32>} : memref<128xi32, #tpu.memory_space<vmem>>, vector<16xi32>,
    %get3A_32 = arith.constant 48 : index
    %get3A_33 = tpu.vector_load %arg6[%get3A_32] {strides = array<i32>} : memref<10240xi32, #tpu.memory_space<vmem>>, vector<16xi32>,
    %and3A_34 = arith.andi %get3A_33, %broadcast_in_dim3A_5 : vector<16xi32>
    %swap3A_35 = arith.constant 48 : index
    %swap3A_36 = tpu.vector_load %arg7[%swap3A_35] {strides = array<i32>} : memref<128xi32, #tpu.memory_space<vmem>>, vector<16xi32>,
    tpu.vector_store %arg7[%swap3A_35], %and3A_34 {strides = array<i32>} : memref<128xi32, #tpu.memory_space<vmem>>, vector<16xi32>,
    %shift_right_logical3A_37 = arith.constant 14 : i32
    %shift_right_logical3A_38 = vector.broadcast %shift_right_logical3A_37 : i32 to vector<16xi32>
    %shift_right_logical3A_39 = arith.shrui %get3A_33, %shift_right_logical3A_38 : vector<16xi32>
    %swap3A_40 = arith.constant 48 : index
    %swap3A_41 = tpu.vector_load %arg8[%swap3A_40] {strides = array<i32>} : memref<128xi32, #tpu.memory_space<vmem>>, vector<16xi32>,
    tpu.vector_store %arg8[%swap3A_40], %shift_right_logical3A_39 {strides = array<i32>} : memref<128xi32, #tpu.memory_space<vmem>>, vector<16xi32>,
    %get3A_42 = arith.constant 64 : index
    %get3A_43 = tpu.vector_load %arg6[%get3A_42] {strides = array<i32>} : memref<10240xi32, #tpu.memory_space<vmem>>, vector<16xi32>,
    %and3A_44 = arith.andi %get3A_43, %broadcast_in_dim3A_5 : vector<16xi32>
    %swap3A_45 = arith.constant 64 : index
    %swap3A_46 = tpu.vector_load %arg7[%swap3A_45] {strides = array<i32>} : memref<128xi32, #tpu.memory_space<vmem>>, vector<16xi32>,
    tpu.vector_store %arg7[%swap3A_45], %and3A_44 {strides = array<i32>} : memref<128xi32, #tpu.memory_space<vmem>>, vector<16xi32>,
    %shift_right_logical3A_47 = arith.constant 14 : i32
    %shift_right_logical3A_48 = vector.broadcast %shift_right_logical3A_47 : i32 to vector<16xi32>
    %shift_right_logical3A_49 = arith.shrui %get3A_43, %shift_right_logical3A_48 : vector<16xi32>
    %swap3A_50 = arith.constant 64 : index
    %swap3A_51 = tpu.vector_load %arg8[%swap3A_50] {strides = array<i32>} : memref<128xi32, #tpu.memory_space<vmem>>, vector<16xi32>,
    tpu.vector_store %arg8[%swap3A_50], %shift_right_logical3A_49 {strides = array<i32>} : memref<128xi32, #tpu.memory_space<vmem>>, vector<16xi32>,
    %get3A_52 = arith.constant 80 : index
    %get3A_53 = tpu.vector_load %arg6[%get3A_52] {strides = array<i32>} : memref<10240xi32, #tpu.memory_space<vmem>>, vector<16xi32>,
    %and3A_54 = arith.andi %get3A_53, %broadcast_in_dim3A_5 : vector<16xi32>
    %swap3A_55 = arith.constant 80 : index
    %swap3A_56 = tpu.vector_load %arg7[%swap3A_55] {strides = array<i32>} : memref<128xi32, #tpu.memory_space<vmem>>, vector<16xi32>,
    tpu.vector_store %arg7[%swap3A_55], %and3A_54 {strides = array<i32>} : memref<128xi32, #tpu.memory_space<vmem>>, vector<16xi32>,
    %shift_right_logical3A_57 = arith.constant 14 : i32
    %shift_right_logical3A_58 = vector.broadcast %shift_right_logical3A_57 : i32 to vector<16xi32>
    %shift_right_logical3A_59 = arith.shrui %get3A_53, %shift_right_logical3A_58 : vector<16xi32>
    %swap3A_60 = arith.constant 80 : index
    %swap3A_61 = tpu.vector_load %arg8[%swap3A_60] {strides = array<i32>} : memref<128xi32, #tpu.memory_space<vmem>>, vector<16xi32>,
    tpu.vector_store %arg8[%swap3A_60], %shift_right_logical3A_59 {strides = array<i32>} : memref<128xi32, #tpu.memory_space<vmem>>, vector<16xi32>,
    %get3A_62 = arith.constant 96 : index
    %get3A_63 = tpu.vector_load %arg6[%get3A_62] {strides = array<i32>} : memref<10240xi32, #tpu.memory_space<vmem>>, vector<16xi32>,
    %and3A_64 = arith.andi %get3A_63, %broadcast_in_dim3A_5 : vector<16xi32>
    %swap3A_65 = arith.constant 96 : index
    %swap3A_66 = tpu.vector_load %arg7[%swap3A_65] {strides = array<i32>} : memref<128xi32, #tpu.memory_space<vmem>>, vector<16xi32>,
    tpu.vector_store %arg7[%swap3A_65], %and3A_64 {strides = array<i32>} : memref<128xi32, #tpu.memory_space<vmem>>, vector<16xi32>,
    %shift_right_logical3A_67 = arith.constant 14 : i32
    %shift_right_logical3A_68 = vector.broadcast %shift_right_logical3A_67 : i32 to vector<16xi32>
    %shift_right_logical3A_69 = arith.shrui %get3A_63, %shift_right_logical3A_68 : vector<16xi32>
    %swap3A_70 = arith.constant 96 : index
    %swap3A_71 = tpu.vector_load %arg8[%swap3A_70] {strides = array<i32>} : memref<128xi32, #tpu.memory_space<vmem>>, vector<16xi32>,
    tpu.vector_store %arg8[%swap3A_70], %shift_right_logical3A_69 {strides = array<i32>} : memref<128xi32, #tpu.memory_space<vmem>>, vector<16xi32>,
    %get3A_72 = arith.constant 112 : index
    %get3A_73 = tpu.vector_load %arg6[%get3A_72] {strides = array<i32>} : memref<10240xi32, #tpu.memory_space<vmem>>, vector<16xi32>,
    %and3A_74 = arith.andi %get3A_73, %broadcast_in_dim3A_5 : vector<16xi32>
    %swap3A_75 = arith.constant 112 : index
    %swap3A_76 = tpu.vector_load %arg7[%swap3A_75] {strides = array<i32>} : memref<128xi32, #tpu.memory_space<vmem>>, vector<16xi32>,
    tpu.vector_store %arg7[%swap3A_75], %and3A_74 {strides = array<i32>} : memref<128xi32, #tpu.memory_space<vmem>>, vector<16xi32>,
    %shift_right_logical3A_77 = arith.constant 14 : i32
    %shift_right_logical3A_78 = vector.broadcast %shift_right_logical3A_77 : i32 to vector<16xi32>
    %shift_right_logical3A_79 = arith.shrui %get3A_73, %shift_right_logical3A_78 : vector<16xi32>
    %swap3A_80 = arith.constant 112 : index
    %swap3A_81 = tpu.vector_load %arg8[%swap3A_80] {strides = array<i32>} : memref<128xi32, #tpu.memory_space<vmem>>, vector<16xi32>,
    tpu.vector_store %arg8[%swap3A_80], %shift_right_logical3A_79 {strides = array<i32>} : memref<128xi32, #tpu.memory_space<vmem>>, vector<16xi32>,
    %dma_start3A = arith.constant 0 : i32
    %dma_start3A_82 = arith.constant 0 : i32
    %dma_start3A_83 = tpu.memref_slice %arg2[%dma_start3A, %dma_start3A_82] : memref<10240x128xf32, #tpu.memory_space<hbm>> -> memref<10240x128xf32, #tpu.memory_space<hbm>>
    tpu.enqueue_indirect_dma source(%dma_start3A_83 : memref<10240x128xf32, #tpu.memory_space<hbm>>) target(%arg11 : memref<128x128xf32, #tpu.memory_space<vmem>>) offsets(%arg7 : memref<128xi32, #tpu.memory_space<vmem>>) semaphore(%arg14 : memref<!tpu.dma_semaphore, #tpu.memory_space<semaphore_mem>>)
    %scan3A = arith.constant 0 : i32
    %scan3A_84 = arith.constant 0 : i32
    %scan3A_85 = arith.constant 40 : i32
    %scan3A_86 = arith.addi %scan3A_84, %scan3A_85 : i32
    %scan3A_87 = arith.constant 1 : i32
    scf.for %scan3A_94 = %scan3A_84 to %scan3A_86 step %scan3A_87  : i32 {
      %mul3A_95 = arith.constant 2 : i32
      %mul3A_96 = arith.muli %mul3A_95, %scan3A_94 : i32
      %add3A_97 = arith.constant 1 : i32
      %add3A_98 = arith.addi %mul3A_96, %add3A_97 : i32
      %mul3A_99 = arith.constant 128 : i32
      %mul3A_100 = arith.muli %add3A_98, %mul3A_99 : i32
      %add3A_101 = arith.constant 0 : i32
      %add3A_102 = arith.addi %mul3A_100, %add3A_101 : i32
      %get3A_103 = arith.index_cast %add3A_102 : i32 to index
      %get3A_104 = tpu.vector_load %arg6[%get3A_103] {strides = array<i32>} : memref<10240xi32, #tpu.memory_space<vmem>>, vector<16xi32>,
      %and3A_105 = arith.andi %get3A_104, %broadcast_in_dim3A_5 : vector<16xi32>
      %swap3A_106 = arith.constant 0 : index
      %swap3A_107 = tpu.vector_load %arg9[%swap3A_106] {strides = array<i32>} : memref<128xi32, #tpu.memory_space<vmem>>, vector<16xi32>,
      tpu.vector_store %arg9[%swap3A_106], %and3A_105 {strides = array<i32>} : memref<128xi32, #tpu.memory_space<vmem>>, vector<16xi32>,
      %shift_right_logical3A_108 = arith.constant 14 : i32
      %shift_right_logical3A_109 = vector.broadcast %shift_right_logical3A_108 : i32 to vector<16xi32>
      %shift_right_logical3A_110 = arith.shrui %get3A_104, %shift_right_logical3A_109 : vector<16xi32>
      %swap3A_111 = arith.constant 0 : index
      %swap3A_112 = tpu.vector_load %arg10[%swap3A_111] {strides = array<i32>} : memref<128xi32, #tpu.memory_space<vmem>>, vector<16xi32>,
      tpu.vector_store %arg10[%swap3A_111], %shift_right_logical3A_110 {strides = array<i32>} : memref<128xi32, #tpu.memory_space<vmem>>, vector<16xi32>,
      %mul3A_113 = arith.constant 128 : i32
      %mul3A_114 = arith.muli %add3A_98, %mul3A_113 : i32
      %add3A_115 = arith.constant 16 : i32
      %add3A_116 = arith.addi %mul3A_114, %add3A_115 : i32
      %get3A_117 = arith.index_cast %add3A_116 : i32 to index
      %get3A_118 = tpu.vector_load %arg6[%get3A_117] {strides = array<i32>} : memref<10240xi32, #tpu.memory_space<vmem>>, vector<16xi32>,
      %and3A_119 = arith.andi %get3A_118, %broadcast_in_dim3A_5 : vector<16xi32>
      %swap3A_120 = arith.constant 16 : index
      %swap3A_121 = tpu.vector_load %arg9[%swap3A_120] {strides = array<i32>} : memref<128xi32, #tpu.memory_space<vmem>>, vector<16xi32>,
      tpu.vector_store %arg9[%swap3A_120], %and3A_119 {strides = array<i32>} : memref<128xi32, #tpu.memory_space<vmem>>, vector<16xi32>,
      %shift_right_logical3A_122 = arith.constant 14 : i32
      %shift_right_logical3A_123 = vector.broadcast %shift_right_logical3A_122 : i32 to vector<16xi32>
      %shift_right_logical3A_124 = arith.shrui %get3A_118, %shift_right_logical3A_123 : vector<16xi32>
      %swap3A_125 = arith.constant 16 : index
      %swap3A_126 = tpu.vector_load %arg10[%swap3A_125] {strides = array<i32>} : memref<128xi32, #tpu.memory_space<vmem>>, vector<16xi32>,
      tpu.vector_store %arg10[%swap3A_125], %shift_right_logical3A_124 {strides = array<i32>} : memref<128xi32, #tpu.memory_space<vmem>>, vector<16xi32>,
      %mul3A_127 = arith.constant 128 : i32
      %mul3A_128 = arith.muli %add3A_98, %mul3A_127 : i32
      %add3A_129 = arith.constant 32 : i32
      %add3A_130 = arith.addi %mul3A_128, %add3A_129 : i32
      %get3A_131 = arith.index_cast %add3A_130 : i32 to index
      %get3A_132 = tpu.vector_load %arg6[%get3A_131] {strides = array<i32>} : memref<10240xi32, #tpu.memory_space<vmem>>, vector<16xi32>,
      %and3A_133 = arith.andi %get3A_132, %broadcast_in_dim3A_5 : vector<16xi32>
      %swap3A_134 = arith.constant 32 : index
      %swap3A_135 = tpu.vector_load %arg9[%swap3A_134] {strides = array<i32>} : memref<128xi32, #tpu.memory_space<vmem>>, vector<16xi32>,
      tpu.vector_store %arg9[%swap3A_134], %and3A_133 {strides = array<i32>} : memref<128xi32, #tpu.memory_space<vmem>>, vector<16xi32>,
      %shift_right_logical3A_136 = arith.constant 14 : i32
      %shift_right_logical3A_137 = vector.broadcast %shift_right_logical3A_136 : i32 to vector<16xi32>
      %shift_right_logical3A_138 = arith.shrui %get3A_132, %shift_right_logical3A_137 : vector<16xi32>
      %swap3A_139 = arith.constant 32 : index
      %swap3A_140 = tpu.vector_load %arg10[%swap3A_139] {strides = array<i32>} : memref<128xi32, #tpu.memory_space<vmem>>, vector<16xi32>,
      tpu.vector_store %arg10[%swap3A_139], %shift_right_logical3A_138 {strides = array<i32>} : memref<128xi32, #tpu.memory_space<vmem>>, vector<16xi32>,
      %mul3A_141 = arith.constant 128 : i32
      %mul3A_142 = arith.muli %add3A_98, %mul3A_141 : i32
      %add3A_143 = arith.constant 48 : i32
      %add3A_144 = arith.addi %mul3A_142, %add3A_143 : i32
      %get3A_145 = arith.index_cast %add3A_144 : i32 to index
      %get3A_146 = tpu.vector_load %arg6[%get3A_145] {strides = array<i32>} : memref<10240xi32, #tpu.memory_space<vmem>>, vector<16xi32>,
      %and3A_147 = arith.andi %get3A_146, %broadcast_in_dim3A_5 : vector<16xi32>
      %swap3A_148 = arith.constant 48 : index
      %swap3A_149 = tpu.vector_load %arg9[%swap3A_148] {strides = array<i32>} : memref<128xi32, #tpu.memory_space<vmem>>, vector<16xi32>,
      tpu.vector_store %arg9[%swap3A_148], %and3A_147 {strides = array<i32>} : memref<128xi32, #tpu.memory_space<vmem>>, vector<16xi32>,
      %shift_right_logical3A_150 = arith.constant 14 : i32
      %shift_right_logical3A_151 = vector.broadcast %shift_right_logical3A_150 : i32 to vector<16xi32>
      %shift_right_logical3A_152 = arith.shrui %get3A_146, %shift_right_logical3A_151 : vector<16xi32>
      %swap3A_153 = arith.constant 48 : index
      %swap3A_154 = tpu.vector_load %arg10[%swap3A_153] {strides = array<i32>} : memref<128xi32, #tpu.memory_space<vmem>>, vector<16xi32>,
      tpu.vector_store %arg10[%swap3A_153], %shift_right_logical3A_152 {strides = array<i32>} : memref<128xi32, #tpu.memory_space<vmem>>, vector<16xi32>,
      %mul3A_155 = arith.constant 128 : i32
      %mul3A_156 = arith.muli %add3A_98, %mul3A_155 : i32
      %add3A_157 = arith.constant 64 : i32
      %add3A_158 = arith.addi %mul3A_156, %add3A_157 : i32
      %get3A_159 = arith.index_cast %add3A_158 : i32 to index
      %get3A_160 = tpu.vector_load %arg6[%get3A_159] {strides = array<i32>} : memref<10240xi32, #tpu.memory_space<vmem>>, vector<16xi32>,
      %and3A_161 = arith.andi %get3A_160, %broadcast_in_dim3A_5 : vector<16xi32>
      %swap3A_162 = arith.constant 64 : index
      %swap3A_163 = tpu.vector_load %arg9[%swap3A_162] {strides = array<i32>} : memref<128xi32, #tpu.memory_space<vmem>>, vector<16xi32>,
      tpu.vector_store %arg9[%swap3A_162], %and3A_161 {strides = array<i32>} : memref<128xi32, #tpu.memory_space<vmem>>, vector<16xi32>,
      %shift_right_logical3A_164 = arith.constant 14 : i32
      %shift_right_logical3A_165 = vector.broadcast %shift_right_logical3A_164 : i32 to vector<16xi32>
      %shift_right_logical3A_166 = arith.shrui %get3A_160, %shift_right_logical3A_165 : vector<16xi32>
      %swap3A_167 = arith.constant 64 : index
      %swap3A_168 = tpu.vector_load %arg10[%swap3A_167] {strides = array<i32>} : memref<128xi32, #tpu.memory_space<vmem>>, vector<16xi32>,
      tpu.vector_store %arg10[%swap3A_167], %shift_right_logical3A_166 {strides = array<i32>} : memref<128xi32, #tpu.memory_space<vmem>>, vector<16xi32>,
      %mul3A_169 = arith.constant 128 : i32
      %mul3A_170 = arith.muli %add3A_98, %mul3A_169 : i32
      %add3A_171 = arith.constant 80 : i32
      %add3A_172 = arith.addi %mul3A_170, %add3A_171 : i32
      %get3A_173 = arith.index_cast %add3A_172 : i32 to index
      %get3A_174 = tpu.vector_load %arg6[%get3A_173] {strides = array<i32>} : memref<10240xi32, #tpu.memory_space<vmem>>, vector<16xi32>,
      %and3A_175 = arith.andi %get3A_174, %broadcast_in_dim3A_5 : vector<16xi32>
      %swap3A_176 = arith.constant 80 : index
      %swap3A_177 = tpu.vector_load %arg9[%swap3A_176] {strides = array<i32>} : memref<128xi32, #tpu.memory_space<vmem>>, vector<16xi32>,
      tpu.vector_store %arg9[%swap3A_176], %and3A_175 {strides = array<i32>} : memref<128xi32, #tpu.memory_space<vmem>>, vector<16xi32>,
      %shift_right_logical3A_178 = arith.constant 14 : i32
      %shift_right_logical3A_179 = vector.broadcast %shift_right_logical3A_178 : i32 to vector<16xi32>
      %shift_right_logical3A_180 = arith.shrui %get3A_174, %shift_right_logical3A_179 : vector<16xi32>
      %swap3A_181 = arith.constant 80 : index
      %swap3A_182 = tpu.vector_load %arg10[%swap3A_181] {strides = array<i32>} : memref<128xi32, #tpu.memory_space<vmem>>, vector<16xi32>,
      tpu.vector_store %arg10[%swap3A_181], %shift_right_logical3A_180 {strides = array<i32>} : memref<128xi32, #tpu.memory_space<vmem>>, vector<16xi32>,
      %mul3A_183 = arith.constant 128 : i32
      %mul3A_184 = arith.muli %add3A_98, %mul3A_183 : i32
      %add3A_185 = arith.constant 96 : i32
      %add3A_186 = arith.addi %mul3A_184, %add3A_185 : i32
      %get3A_187 = arith.index_cast %add3A_186 : i32 to index
      %get3A_188 = tpu.vector_load %arg6[%get3A_187] {strides = array<i32>} : memref<10240xi32, #tpu.memory_space<vmem>>, vector<16xi32>,
      %and3A_189 = arith.andi %get3A_188, %broadcast_in_dim3A_5 : vector<16xi32>
      %swap3A_190 = arith.constant 96 : index
      %swap3A_191 = tpu.vector_load %arg9[%swap3A_190] {strides = array<i32>} : memref<128xi32, #tpu.memory_space<vmem>>, vector<16xi32>,
      tpu.vector_store %arg9[%swap3A_190], %and3A_189 {strides = array<i32>} : memref<128xi32, #tpu.memory_space<vmem>>, vector<16xi32>,
      %shift_right_logical3A_192 = arith.constant 14 : i32
      %shift_right_logical3A_193 = vector.broadcast %shift_right_logical3A_192 : i32 to vector<16xi32>
      %shift_right_logical3A_194 = arith.shrui %get3A_188, %shift_right_logical3A_193 : vector<16xi32>
      %swap3A_195 = arith.constant 96 : index
      %swap3A_196 = tpu.vector_load %arg10[%swap3A_195] {strides = array<i32>} : memref<128xi32, #tpu.memory_space<vmem>>, vector<16xi32>,
      tpu.vector_store %arg10[%swap3A_195], %shift_right_logical3A_194 {strides = array<i32>} : memref<128xi32, #tpu.memory_space<vmem>>, vector<16xi32>,
      %mul3A_197 = arith.constant 128 : i32
      %mul3A_198 = arith.muli %add3A_98, %mul3A_197 : i32
      %add3A_199 = arith.constant 112 : i32
      %add3A_200 = arith.addi %mul3A_198, %add3A_199 : i32
      %get3A_201 = arith.index_cast %add3A_200 : i32 to index
      %get3A_202 = tpu.vector_load %arg6[%get3A_201] {strides = array<i32>} : memref<10240xi32, #tpu.memory_space<vmem>>, vector<16xi32>,
      %and3A_203 = arith.andi %get3A_202, %broadcast_in_dim3A_5 : vector<16xi32>
      %swap3A_204 = arith.constant 112 : index
      %swap3A_205 = tpu.vector_load %arg9[%swap3A_204] {strides = array<i32>} : memref<128xi32, #tpu.memory_space<vmem>>, vector<16xi32>,
      tpu.vector_store %arg9[%swap3A_204], %and3A_203 {strides = array<i32>} : memref<128xi32, #tpu.memory_space<vmem>>, vector<16xi32>,
      %shift_right_logical3A_206 = arith.constant 14 : i32
      %shift_right_logical3A_207 = vector.broadcast %shift_right_logical3A_206 : i32 to vector<16xi32>
      %shift_right_logical3A_208 = arith.shrui %get3A_202, %shift_right_logical3A_207 : vector<16xi32>
      %swap3A_209 = arith.constant 112 : index
      %swap3A_210 = tpu.vector_load %arg10[%swap3A_209] {strides = array<i32>} : memref<128xi32, #tpu.memory_space<vmem>>, vector<16xi32>,
      tpu.vector_store %arg10[%swap3A_209], %shift_right_logical3A_208 {strides = array<i32>} : memref<128xi32, #tpu.memory_space<vmem>>, vector<16xi32>,
      %dma_start3A_211 = arith.constant 0 : i32
      %dma_start3A_212 = arith.constant 0 : i32
      %dma_start3A_213 = tpu.memref_slice %arg2[%dma_start3A_211, %dma_start3A_212] : memref<10240x128xf32, #tpu.memory_space<hbm>> -> memref<10240x128xf32, #tpu.memory_space<hbm>>
      tpu.enqueue_indirect_dma source(%dma_start3A_213 : memref<10240x128xf32, #tpu.memory_space<hbm>>) target(%arg12 : memref<128x128xf32, #tpu.memory_space<vmem>>) offsets(%arg9 : memref<128xi32, #tpu.memory_space<vmem>>) semaphore(%arg15 : memref<!tpu.dma_semaphore, #tpu.memory_space<semaphore_mem>>)
      %dma_wait3A = arith.constant 0 : i32
      %dma_wait3A_214 = arith.constant 0 : i32
      %dma_wait3A_215 = tpu.memref_slice %arg2[%dma_wait3A, %dma_wait3A_214] : memref<10240x128xf32, #tpu.memory_space<hbm>> -> memref<10240x128xf32, #tpu.memory_space<hbm>>
      tpu.wait_indirect_dma semaphore(%arg14 : memref<!tpu.dma_semaphore, #tpu.memory_space<semaphore_mem>>) src(%dma_wait3A_215 : memref<10240x128xf32, #tpu.memory_space<hbm>>) dst(%arg11 : memref<128x128xf32, #tpu.memory_space<vmem>>)
      "tpu.region"() ({
        %run_scoped3A = tpu.sem_alloc : memref<!tpu.dma_semaphore, #tpu.memory_space<semaphore_mem>>
        %dma_start3A_221 = arith.constant 0 : i32
        %dma_start3A_222 = arith.constant 0 : i32
        %dma_start3A_223 = tpu.memref_slice %arg13[%dma_start3A_221, %dma_start3A_222] : memref<10240x128xf32, #tpu.memory_space<vmem_shared>> -> memref<10240x128xf32, #tpu.memory_space<vmem_shared>>
        tpu.enqueue_indirect_dma source(%arg11 : memref<128x128xf32, #tpu.memory_space<vmem>>) target(%dma_start3A_223 : memref<10240x128xf32, #tpu.memory_space<vmem_shared>>) offsets(%arg8 : memref<128xi32, #tpu.memory_space<vmem>>) semaphore(%run_scoped3A : memref<!tpu.dma_semaphore, #tpu.memory_space<semaphore_mem>>) {add = true}
        %dma_wait3A_224 = arith.constant 0 : i32
        %dma_wait3A_225 = arith.constant 0 : i32
        %dma_wait3A_226 = tpu.memref_slice %arg13[%dma_wait3A_224, %dma_wait3A_225] : memref<10240x128xf32, #tpu.memory_space<vmem_shared>> -> memref<10240x128xf32, #tpu.memory_space<vmem_shared>>
        tpu.wait_indirect_dma semaphore(%run_scoped3A : memref<!tpu.dma_semaphore, #tpu.memory_space<semaphore_mem>>) src(%arg11 : memref<128x128xf32, #tpu.memory_space<vmem>>) dst(%dma_wait3A_226 : memref<10240x128xf32, #tpu.memory_space<vmem_shared>>)
        tpu.yield
      }) : () -> ()
      %lt3A = arith.constant 39 : i32
      %lt3A_216 = arith.cmpi slt, %scan3A_94, %lt3A : i32
      %convert_element_type3A = arith.extui %lt3A_216 : i1 to i32
      %cond3A = arith.constant 0 : i32
      %cond3A_217 = arith.cmpi ne, %convert_element_type3A, %cond3A : i32
      scf.if %cond3A_217 {
        %add3A_221 = arith.constant 2 : i32
        %add3A_222 = arith.addi %mul3A_96, %add3A_221 : i32
        %mul3A_223 = arith.constant 128 : i32
        %mul3A_224 = arith.muli %add3A_222, %mul3A_223 : i32
        %add3A_225 = arith.constant 0 : i32
        %add3A_226 = arith.addi %mul3A_224, %add3A_225 : i32
        %get3A_227 = arith.index_cast %add3A_226 : i32 to index
        %get3A_228 = tpu.vector_load %arg6[%get3A_227] {strides = array<i32>} : memref<10240xi32, #tpu.memory_space<vmem>>, vector<16xi32>,
        %and3A_229 = arith.andi %get3A_228, %broadcast_in_dim3A_5 : vector<16xi32>
        %swap3A_230 = arith.constant 0 : index
        %swap3A_231 = tpu.vector_load %arg7[%swap3A_230] {strides = array<i32>} : memref<128xi32, #tpu.memory_space<vmem>>, vector<16xi32>,
        tpu.vector_store %arg7[%swap3A_230], %and3A_229 {strides = array<i32>} : memref<128xi32, #tpu.memory_space<vmem>>, vector<16xi32>,
        %shift_right_logical3A_232 = arith.constant 14 : i32
        %shift_right_logical3A_233 = vector.broadcast %shift_right_logical3A_232 : i32 to vector<16xi32>
        %shift_right_logical3A_234 = arith.shrui %get3A_228, %shift_right_logical3A_233 : vector<16xi32>
        %swap3A_235 = arith.constant 0 : index
        %swap3A_236 = tpu.vector_load %arg8[%swap3A_235] {strides = array<i32>} : memref<128xi32, #tpu.memory_space<vmem>>, vector<16xi32>,
        tpu.vector_store %arg8[%swap3A_235], %shift_right_logical3A_234 {strides = array<i32>} : memref<128xi32, #tpu.memory_space<vmem>>, vector<16xi32>,
        %mul3A_237 = arith.constant 128 : i32
        %mul3A_238 = arith.muli %add3A_222, %mul3A_237 : i32
        %add3A_239 = arith.constant 16 : i32
        %add3A_240 = arith.addi %mul3A_238, %add3A_239 : i32
        %get3A_241 = arith.index_cast %add3A_240 : i32 to index
        %get3A_242 = tpu.vector_load %arg6[%get3A_241] {strides = array<i32>} : memref<10240xi32, #tpu.memory_space<vmem>>, vector<16xi32>,
        %and3A_243 = arith.andi %get3A_242, %broadcast_in_dim3A_5 : vector<16xi32>
        %swap3A_244 = arith.constant 16 : index
        %swap3A_245 = tpu.vector_load %arg7[%swap3A_244] {strides = array<i32>} : memref<128xi32, #tpu.memory_space<vmem>>, vector<16xi32>,
        tpu.vector_store %arg7[%swap3A_244], %and3A_243 {strides = array<i32>} : memref<128xi32, #tpu.memory_space<vmem>>, vector<16xi32>,
        %shift_right_logical3A_246 = arith.constant 14 : i32
        %shift_right_logical3A_247 = vector.broadcast %shift_right_logical3A_246 : i32 to vector<16xi32>
        %shift_right_logical3A_248 = arith.shrui %get3A_242, %shift_right_logical3A_247 : vector<16xi32>
        %swap3A_249 = arith.constant 16 : index
        %swap3A_250 = tpu.vector_load %arg8[%swap3A_249] {strides = array<i32>} : memref<128xi32, #tpu.memory_space<vmem>>, vector<16xi32>,
        tpu.vector_store %arg8[%swap3A_249], %shift_right_logical3A_248 {strides = array<i32>} : memref<128xi32, #tpu.memory_space<vmem>>, vector<16xi32>,
        %mul3A_251 = arith.constant 128 : i32
        %mul3A_252 = arith.muli %add3A_222, %mul3A_251 : i32
        %add3A_253 = arith.constant 32 : i32
        %add3A_254 = arith.addi %mul3A_252, %add3A_253 : i32
        %get3A_255 = arith.index_cast %add3A_254 : i32 to index
        %get3A_256 = tpu.vector_load %arg6[%get3A_255] {strides = array<i32>} : memref<10240xi32, #tpu.memory_space<vmem>>, vector<16xi32>,
        %and3A_257 = arith.andi %get3A_256, %broadcast_in_dim3A_5 : vector<16xi32>
        %swap3A_258 = arith.constant 32 : index
        %swap3A_259 = tpu.vector_load %arg7[%swap3A_258] {strides = array<i32>} : memref<128xi32, #tpu.memory_space<vmem>>, vector<16xi32>,
        tpu.vector_store %arg7[%swap3A_258], %and3A_257 {strides = array<i32>} : memref<128xi32, #tpu.memory_space<vmem>>, vector<16xi32>,
        %shift_right_logical3A_260 = arith.constant 14 : i32
        %shift_right_logical3A_261 = vector.broadcast %shift_right_logical3A_260 : i32 to vector<16xi32>
        %shift_right_logical3A_262 = arith.shrui %get3A_256, %shift_right_logical3A_261 : vector<16xi32>
        %swap3A_263 = arith.constant 32 : index
        %swap3A_264 = tpu.vector_load %arg8[%swap3A_263] {strides = array<i32>} : memref<128xi32, #tpu.memory_space<vmem>>, vector<16xi32>,
        tpu.vector_store %arg8[%swap3A_263], %shift_right_logical3A_262 {strides = array<i32>} : memref<128xi32, #tpu.memory_space<vmem>>, vector<16xi32>,
        %mul3A_265 = arith.constant 128 : i32
        %mul3A_266 = arith.muli %add3A_222, %mul3A_265 : i32
        %add3A_267 = arith.constant 48 : i32
        %add3A_268 = arith.addi %mul3A_266, %add3A_267 : i32
        %get3A_269 = arith.index_cast %add3A_268 : i32 to index
        %get3A_270 = tpu.vector_load %arg6[%get3A_269] {strides = array<i32>} : memref<10240xi32, #tpu.memory_space<vmem>>, vector<16xi32>,
        %and3A_271 = arith.andi %get3A_270, %broadcast_in_dim3A_5 : vector<16xi32>
        %swap3A_272 = arith.constant 48 : index
        %swap3A_273 = tpu.vector_load %arg7[%swap3A_272] {strides = array<i32>} : memref<128xi32, #tpu.memory_space<vmem>>, vector<16xi32>,
        tpu.vector_store %arg7[%swap3A_272], %and3A_271 {strides = array<i32>} : memref<128xi32, #tpu.memory_space<vmem>>, vector<16xi32>,
        %shift_right_logical3A_274 = arith.constant 14 : i32
        %shift_right_logical3A_275 = vector.broadcast %shift_right_logical3A_274 : i32 to vector<16xi32>
        %shift_right_logical3A_276 = arith.shrui %get3A_270, %shift_right_logical3A_275 : vector<16xi32>
        %swap3A_277 = arith.constant 48 : index
        %swap3A_278 = tpu.vector_load %arg8[%swap3A_277] {strides = array<i32>} : memref<128xi32, #tpu.memory_space<vmem>>, vector<16xi32>,
        tpu.vector_store %arg8[%swap3A_277], %shift_right_logical3A_276 {strides = array<i32>} : memref<128xi32, #tpu.memory_space<vmem>>, vector<16xi32>,
        %mul3A_279 = arith.constant 128 : i32
        %mul3A_280 = arith.muli %add3A_222, %mul3A_279 : i32
        %add3A_281 = arith.constant 64 : i32
        %add3A_282 = arith.addi %mul3A_280, %add3A_281 : i32
        %get3A_283 = arith.index_cast %add3A_282 : i32 to index
        %get3A_284 = tpu.vector_load %arg6[%get3A_283] {strides = array<i32>} : memref<10240xi32, #tpu.memory_space<vmem>>, vector<16xi32>,
        %and3A_285 = arith.andi %get3A_284, %broadcast_in_dim3A_5 : vector<16xi32>
        %swap3A_286 = arith.constant 64 : index
        %swap3A_287 = tpu.vector_load %arg7[%swap3A_286] {strides = array<i32>} : memref<128xi32, #tpu.memory_space<vmem>>, vector<16xi32>,
        tpu.vector_store %arg7[%swap3A_286], %and3A_285 {strides = array<i32>} : memref<128xi32, #tpu.memory_space<vmem>>, vector<16xi32>,
        %shift_right_logical3A_288 = arith.constant 14 : i32
        %shift_right_logical3A_289 = vector.broadcast %shift_right_logical3A_288 : i32 to vector<16xi32>
        %shift_right_logical3A_290 = arith.shrui %get3A_284, %shift_right_logical3A_289 : vector<16xi32>
        %swap3A_291 = arith.constant 64 : index
        %swap3A_292 = tpu.vector_load %arg8[%swap3A_291] {strides = array<i32>} : memref<128xi32, #tpu.memory_space<vmem>>, vector<16xi32>,
        tpu.vector_store %arg8[%swap3A_291], %shift_right_logical3A_290 {strides = array<i32>} : memref<128xi32, #tpu.memory_space<vmem>>, vector<16xi32>,
        %mul3A_293 = arith.constant 128 : i32
        %mul3A_294 = arith.muli %add3A_222, %mul3A_293 : i32
        %add3A_295 = arith.constant 80 : i32
        %add3A_296 = arith.addi %mul3A_294, %add3A_295 : i32
        %get3A_297 = arith.index_cast %add3A_296 : i32 to index
        %get3A_298 = tpu.vector_load %arg6[%get3A_297] {strides = array<i32>} : memref<10240xi32, #tpu.memory_space<vmem>>, vector<16xi32>,
        %and3A_299 = arith.andi %get3A_298, %broadcast_in_dim3A_5 : vector<16xi32>
        %swap3A_300 = arith.constant 80 : index
        %swap3A_301 = tpu.vector_load %arg7[%swap3A_300] {strides = array<i32>} : memref<128xi32, #tpu.memory_space<vmem>>, vector<16xi32>,
        tpu.vector_store %arg7[%swap3A_300], %and3A_299 {strides = array<i32>} : memref<128xi32, #tpu.memory_space<vmem>>, vector<16xi32>,
        %shift_right_logical3A_302 = arith.constant 14 : i32
        %shift_right_logical3A_303 = vector.broadcast %shift_right_logical3A_302 : i32 to vector<16xi32>
        %shift_right_logical3A_304 = arith.shrui %get3A_298, %shift_right_logical3A_303 : vector<16xi32>
        %swap3A_305 = arith.constant 80 : index
        %swap3A_306 = tpu.vector_load %arg8[%swap3A_305] {strides = array<i32>} : memref<128xi32, #tpu.memory_space<vmem>>, vector<16xi32>,
        tpu.vector_store %arg8[%swap3A_305], %shift_right_logical3A_304 {strides = array<i32>} : memref<128xi32, #tpu.memory_space<vmem>>, vector<16xi32>,
        %mul3A_307 = arith.constant 128 : i32
        %mul3A_308 = arith.muli %add3A_222, %mul3A_307 : i32
        %add3A_309 = arith.constant 96 : i32
        %add3A_310 = arith.addi %mul3A_308, %add3A_309 : i32
        %get3A_311 = arith.index_cast %add3A_310 : i32 to index
        %get3A_312 = tpu.vector_load %arg6[%get3A_311] {strides = array<i32>} : memref<10240xi32, #tpu.memory_space<vmem>>, vector<16xi32>,
        %and3A_313 = arith.andi %get3A_312, %broadcast_in_dim3A_5 : vector<16xi32>
        %swap3A_314 = arith.constant 96 : index
        %swap3A_315 = tpu.vector_load %arg7[%swap3A_314] {strides = array<i32>} : memref<128xi32, #tpu.memory_space<vmem>>, vector<16xi32>,
        tpu.vector_store %arg7[%swap3A_314], %and3A_313 {strides = array<i32>} : memref<128xi32, #tpu.memory_space<vmem>>, vector<16xi32>,
        %shift_right_logical3A_316 = arith.constant 14 : i32
        %shift_right_logical3A_317 = vector.broadcast %shift_right_logical3A_316 : i32 to vector<16xi32>
        %shift_right_logical3A_318 = arith.shrui %get3A_312, %shift_right_logical3A_317 : vector<16xi32>
        %swap3A_319 = arith.constant 96 : index
        %swap3A_320 = tpu.vector_load %arg8[%swap3A_319] {strides = array<i32>} : memref<128xi32, #tpu.memory_space<vmem>>, vector<16xi32>,
        tpu.vector_store %arg8[%swap3A_319], %shift_right_logical3A_318 {strides = array<i32>} : memref<128xi32, #tpu.memory_space<vmem>>, vector<16xi32>,
        %mul3A_321 = arith.constant 128 : i32
        %mul3A_322 = arith.muli %add3A_222, %mul3A_321 : i32
        %add3A_323 = arith.constant 112 : i32
        %add3A_324 = arith.addi %mul3A_322, %add3A_323 : i32
        %get3A_325 = arith.index_cast %add3A_324 : i32 to index
        %get3A_326 = tpu.vector_load %arg6[%get3A_325] {strides = array<i32>} : memref<10240xi32, #tpu.memory_space<vmem>>, vector<16xi32>,
        %and3A_327 = arith.andi %get3A_326, %broadcast_in_dim3A_5 : vector<16xi32>
        %swap3A_328 = arith.constant 112 : index
        %swap3A_329 = tpu.vector_load %arg7[%swap3A_328] {strides = array<i32>} : memref<128xi32, #tpu.memory_space<vmem>>, vector<16xi32>,
        tpu.vector_store %arg7[%swap3A_328], %and3A_327 {strides = array<i32>} : memref<128xi32, #tpu.memory_space<vmem>>, vector<16xi32>,
        %shift_right_logical3A_330 = arith.constant 14 : i32
        %shift_right_logical3A_331 = vector.broadcast %shift_right_logical3A_330 : i32 to vector<16xi32>
        %shift_right_logical3A_332 = arith.shrui %get3A_326, %shift_right_logical3A_331 : vector<16xi32>
        %swap3A_333 = arith.constant 112 : index
        %swap3A_334 = tpu.vector_load %arg8[%swap3A_333] {strides = array<i32>} : memref<128xi32, #tpu.memory_space<vmem>>, vector<16xi32>,
        tpu.vector_store %arg8[%swap3A_333], %shift_right_logical3A_332 {strides = array<i32>} : memref<128xi32, #tpu.memory_space<vmem>>, vector<16xi32>,
        %dma_start3A_335 = arith.constant 0 : i32
        %dma_start3A_336 = arith.constant 0 : i32
        %dma_start3A_337 = tpu.memref_slice %arg2[%dma_start3A_335, %dma_start3A_336] : memref<10240x128xf32, #tpu.memory_space<hbm>> -> memref<10240x128xf32, #tpu.memory_space<hbm>>
        tpu.enqueue_indirect_dma source(%dma_start3A_337 : memref<10240x128xf32, #tpu.memory_space<hbm>>) target(%arg11 : memref<128x128xf32, #tpu.memory_space<vmem>>) offsets(%arg7 : memref<128xi32, #tpu.memory_space<vmem>>) semaphore(%arg14 : memref<!tpu.dma_semaphore, #tpu.memory_space<semaphore_mem>>)
      } else {
      }
      %dma_wait3A_218 = arith.constant 0 : i32
      %dma_wait3A_219 = arith.constant 0 : i32
      %dma_wait3A_220 = tpu.memref_slice %arg2[%dma_wait3A_218, %dma_wait3A_219] : memref<10240x128xf32, #tpu.memory_space<hbm>> -> memref<10240x128xf32, #tpu.memory_space<hbm>>
      tpu.wait_indirect_dma semaphore(%arg15 : memref<!tpu.dma_semaphore, #tpu.memory_space<semaphore_mem>>) src(%dma_wait3A_220 : memref<10240x128xf32, #tpu.memory_space<hbm>>) dst(%arg12 : memref<128x128xf32, #tpu.memory_space<vmem>>)
      "tpu.region"() ({
        %run_scoped3A = tpu.sem_alloc : memref<!tpu.dma_semaphore, #tpu.memory_space<semaphore_mem>>
        %dma_start3A_221 = arith.constant 0 : i32
        %dma_start3A_222 = arith.constant 0 : i32
        %dma_start3A_223 = tpu.memref_slice %arg13[%dma_start3A_221, %dma_start3A_222] : memref<10240x128xf32, #tpu.memory_space<vmem_shared>> -> memref<10240x128xf32, #tpu.memory_space<vmem_shared>>
        tpu.enqueue_indirect_dma source(%arg12 : memref<128x128xf32, #tpu.memory_space<vmem>>) target(%dma_start3A_223 : memref<10240x128xf32, #tpu.memory_space<vmem_shared>>) offsets(%arg10 : memref<128xi32, #tpu.memory_space<vmem>>) semaphore(%run_scoped3A : memref<!tpu.dma_semaphore, #tpu.memory_space<semaphore_mem>>) {add = true}
        %dma_wait3A_224 = arith.constant 0 : i32
        %dma_wait3A_225 = arith.constant 0 : i32
        %dma_wait3A_226 = tpu.memref_slice %arg13[%dma_wait3A_224, %dma_wait3A_225] : memref<10240x128xf32, #tpu.memory_space<vmem_shared>> -> memref<10240x128xf32, #tpu.memory_space<vmem_shared>>
        tpu.wait_indirect_dma semaphore(%run_scoped3A : memref<!tpu.dma_semaphore, #tpu.memory_space<semaphore_mem>>) src(%arg12 : memref<128x128xf32, #tpu.memory_space<vmem>>) dst(%dma_wait3A_226 : memref<10240x128xf32, #tpu.memory_space<vmem_shared>>)
        tpu.yield
      }) : () -> ()
    }
    %scan3A_88 = arith.constant 40 : i32
    %barrier3A_89 = arith.constant 0 : index
    tpu.barrier barrier_id(%barrier3A_89)
    %mul3A_90 = arith.constant 640 : i32
    %mul3A_91 = arith.muli %arg1, %mul3A_90 : i32
    %mul3A_92 = arith.constant 640 : i32
    %mul3A_93 = arith.muli %arg1, %mul3A_92 : i32
    "tpu.region"() ({
      %run_scoped3A = tpu.sem_alloc : memref<!tpu.dma_semaphore, #tpu.memory_space<semaphore_mem>>
      %dma_start3A_94 = arith.constant 0 : i32
      %dma_start3A_95 = tpu.memref_slice %arg5[%arg0, %mul3A_93, %dma_start3A_94] : memref<2x10240x128xf32, #tpu.memory_space<hbm>> -> memref<1x640x128xf32, #tpu.memory_space<hbm>>
      %dma_start3A_96 = tpu.memref_squeeze %dma_start3A_95 : memref<1x640x128xf32, #tpu.memory_space<hbm>> -> memref<640x128xf32, #tpu.memory_space<hbm>>
      %dma_start3A_97 = arith.constant 0 : i32
      %dma_start3A_98 = tpu.memref_slice %arg13[%mul3A_91, %dma_start3A_97] : memref<10240x128xf32, #tpu.memory_space<vmem_shared>> -> memref<640x128xf32, #tpu.memory_space<vmem_shared>>
      tpu.enqueue_dma source(%dma_start3A_98 : memref<640x128xf32, #tpu.memory_space<vmem_shared>>) target(%dma_start3A_96 : memref<640x128xf32, #tpu.memory_space<hbm>>) target_semaphore(%run_scoped3A : memref<!tpu.dma_semaphore, #tpu.memory_space<semaphore_mem>>)
      %dma_wait3A = arith.constant 0 : i32
      %dma_wait3A_99 = tpu.memref_slice %arg5[%arg0, %mul3A_93, %dma_wait3A] : memref<2x10240x128xf32, #tpu.memory_space<hbm>> -> memref<1x640x128xf32, #tpu.memory_space<hbm>>
      %dma_wait3A_100 = tpu.memref_squeeze %dma_wait3A_99 : memref<1x640x128xf32, #tpu.memory_space<hbm>> -> memref<640x128xf32, #tpu.memory_space<hbm>>
      %dma_wait3A_101 = arith.constant 0 : i32
      %dma_wait3A_102 = tpu.memref_slice %arg13[%mul3A_91, %dma_wait3A_101] : memref<10240x128xf32, #tpu.memory_space<vmem_shared>> -> memref<640x128xf32, #tpu.memory_space<vmem_shared>>
      tpu.wait_dma2 semaphore(%run_scoped3A : memref<!tpu.dma_semaphore, #tpu.memory_space<semaphore_mem>>) src(%dma_wait3A_102 : memref<640x128xf32, #tpu.memory_space<vmem_shared>>) dst(%dma_wait3A_100 : memref<640x128xf32, #tpu.memory_space<hbm>>)
      tpu.yield
    }) : () -> ()
    return
  }
}

#map = affine_map<(d0, d1) -> (0, 0)>
#map1 = affine_map<(d0, d1) -> (0, 0, 0)>
module attributes {stable_mosaic.version = 14 : i64} {
  func.func @agg(%arg0: i32, %arg1: i32, %arg2: memref<10240x128xf32, #tpu.memory_space<hbm>>, %arg3: memref<32x10240xi32, #tpu.memory_space<hbm>>, %arg4: memref<10240x128xf32, #tpu.memory_space<hbm>>, %arg5: memref<2x10240x128xf32, #tpu.memory_space<hbm>>, %arg6: memref<10240xi32, #tpu.memory_space<vmem>>, %arg7: memref<128xi32, #tpu.memory_space<vmem>>, %arg8: memref<128xi32, #tpu.memory_space<vmem>>, %arg9: memref<128xi32, #tpu.memory_space<vmem>>, %arg10: memref<128xi32, #tpu.memory_space<vmem>>, %arg11: memref<128x128xf32, #tpu.memory_space<vmem>>, %arg12: memref<128x128xf32, #tpu.memory_space<vmem>>, %arg13: memref<10240x128xf32, #tpu.memory_space<vmem_shared>>, %arg14: memref<!tpu.dma_semaphore, #tpu.memory_space<semaphore_mem>>, %arg15: memref<!tpu.dma_semaphore, #tpu.memory_space<semaphore_mem>>) attributes {dimension_semantics = [#tpu.dimension_semantics<core_parallel>, #tpu.dimension_semantics<subcore_parallel>], iteration_bounds = array<i64: 2, 16>, scalar_prefetch = 0 : i64, scratch_operands = 10 : i64, tpu.core_type = #tpu.core_type<sc_vector_subcore>, window_params = [{transform_indices = #map}, {transform_indices = #map}, {transform_indices = #map}, {transform_indices = #map1}]} {
    %mul3A = arith.constant 16 : i32
    %mul3A_0 = arith.muli %arg0, %mul3A : i32
    %add3A = arith.addi %mul3A_0, %arg1 : i32
    %mul3A_1 = arith.constant 640 : i32
    %mul3A_2 = arith.muli %arg1, %mul3A_1 : i32
    %mul3A_3 = arith.constant 640 : i32
    %mul3A_4 = arith.muli %arg1, %mul3A_3 : i32
    "tpu.region"() ({
      %run_scoped3A = tpu.sem_alloc : memref<!tpu.dma_semaphore, #tpu.memory_space<semaphore_mem>>
      %dma_start3A_94 = arith.constant 0 : i32
      %dma_start3A_95 = tpu.memref_slice %arg13[%mul3A_4, %dma_start3A_94] : memref<10240x128xf32, #tpu.memory_space<vmem_shared>> -> memref<640x128xf32, #tpu.memory_space<vmem_shared>>
      %dma_start3A_96 = arith.constant 0 : i32
      %dma_start3A_97 = tpu.memref_slice %arg4[%mul3A_2, %dma_start3A_96] : memref<10240x128xf32, #tpu.memory_space<hbm>> -> memref<640x128xf32, #tpu.memory_space<hbm>>
      tpu.enqueue_dma source(%dma_start3A_97 : memref<640x128xf32, #tpu.memory_space<hbm>>) target(%dma_start3A_95 : memref<640x128xf32, #tpu.memory_space<vmem_shared>>) target_semaphore(%run_scoped3A : memref<!tpu.dma_semaphore, #tpu.memory_space<semaphore_mem>>)
      %dma_wait3A = arith.constant 0 : i32
      %dma_wait3A_98 = tpu.memref_slice %arg13[%mul3A_4, %dma_wait3A] : memref<10240x128xf32, #tpu.memory_space<vmem_shared>> -> memref<640x128xf32, #tpu.memory_space<vmem_shared>>
      %dma_wait3A_99 = arith.constant 0 : i32
      %dma_wait3A_100 = tpu.memref_slice %arg4[%mul3A_2, %dma_wait3A_99] : memref<10240x128xf32, #tpu.memory_space<hbm>> -> memref<640x128xf32, #tpu.memory_space<hbm>>
      tpu.wait_dma2 semaphore(%run_scoped3A : memref<!tpu.dma_semaphore, #tpu.memory_space<semaphore_mem>>) src(%dma_wait3A_100 : memref<640x128xf32, #tpu.memory_space<hbm>>) dst(%dma_wait3A_98 : memref<640x128xf32, #tpu.memory_space<vmem_shared>>)
      tpu.yield
    }) : () -> ()
    "tpu.region"() ({
      %run_scoped3A = tpu.sem_alloc : memref<!tpu.dma_semaphore, #tpu.memory_space<semaphore_mem>>
      %dma_start3A_94 = arith.constant 0 : i32
      %dma_start3A_95 = tpu.memref_slice %arg3[%add3A, %dma_start3A_94] : memref<32x10240xi32, #tpu.memory_space<hbm>> -> memref<1x10240xi32, #tpu.memory_space<hbm>>
      %dma_start3A_96 = tpu.memref_squeeze %dma_start3A_95 : memref<1x10240xi32, #tpu.memory_space<hbm>> -> memref<10240xi32, #tpu.memory_space<hbm>>
      %dma_start3A_97 = arith.constant 0 : i32
      %dma_start3A_98 = tpu.memref_slice %arg3[%add3A, %dma_start3A_97] : memref<32x10240xi32, #tpu.memory_space<hbm>> -> memref<1x10240xi32, #tpu.memory_space<hbm>>
      %dma_start3A_99 = tpu.memref_squeeze %dma_start3A_98 : memref<1x10240xi32, #tpu.memory_space<hbm>> -> memref<10240xi32, #tpu.memory_space<hbm>>
      tpu.enqueue_dma source(%dma_start3A_99 : memref<10240xi32, #tpu.memory_space<hbm>>) target(%arg6 : memref<10240xi32, #tpu.memory_space<vmem>>) target_semaphore(%run_scoped3A : memref<!tpu.dma_semaphore, #tpu.memory_space<semaphore_mem>>)
      %dma_wait3A = arith.constant 0 : i32
      %dma_wait3A_100 = tpu.memref_slice %arg3[%add3A, %dma_wait3A] : memref<32x10240xi32, #tpu.memory_space<hbm>> -> memref<1x10240xi32, #tpu.memory_space<hbm>>
      %dma_wait3A_101 = tpu.memref_squeeze %dma_wait3A_100 : memref<1x10240xi32, #tpu.memory_space<hbm>> -> memref<10240xi32, #tpu.memory_space<hbm>>
      %dma_wait3A_102 = arith.constant 0 : i32
      %dma_wait3A_103 = tpu.memref_slice %arg3[%add3A, %dma_wait3A_102] : memref<32x10240xi32, #tpu.memory_space<hbm>> -> memref<1x10240xi32, #tpu.memory_space<hbm>>
      %dma_wait3A_104 = tpu.memref_squeeze %dma_wait3A_103 : memref<1x10240xi32, #tpu.memory_space<hbm>> -> memref<10240xi32, #tpu.memory_space<hbm>>
      tpu.wait_dma2 semaphore(%run_scoped3A : memref<!tpu.dma_semaphore, #tpu.memory_space<semaphore_mem>>) src(%dma_wait3A_104 : memref<10240xi32, #tpu.memory_space<hbm>>) dst(%arg6 : memref<10240xi32, #tpu.memory_space<vmem>>)
      tpu.yield
    }) : () -> ()
    %barrier3A = arith.constant 0 : index
    tpu.barrier barrier_id(%barrier3A)
    %broadcast_in_dim3A = arith.constant 16383 : i32
    %broadcast_in_dim3A_5 = vector.broadcast %broadcast_in_dim3A : i32 to vector<16xi32>
    %get3A = arith.constant 0 : index
    %get3A_6 = tpu.vector_load %arg6[%get3A] {strides = array<i32>} : memref<10240xi32, #tpu.memory_space<vmem>>, vector<16xi32>,
    %and3A = arith.andi %get3A_6, %broadcast_in_dim3A_5 : vector<16xi32>
    %swap3A = arith.constant 0 : index
    %swap3A_7 = tpu.vector_load %arg7[%swap3A] {strides = array<i32>} : memref<128xi32, #tpu.memory_space<vmem>>, vector<16xi32>,
    tpu.vector_store %arg7[%swap3A], %and3A {strides = array<i32>} : memref<128xi32, #tpu.memory_space<vmem>>, vector<16xi32>,
    %shift_right_logical3A = arith.constant 14 : i32
    %shift_right_logical3A_8 = vector.broadcast %shift_right_logical3A : i32 to vector<16xi32>
    %shift_right_logical3A_9 = arith.shrui %get3A_6, %shift_right_logical3A_8 : vector<16xi32>
    %swap3A_10 = arith.constant 0 : index
    %swap3A_11 = tpu.vector_load %arg8[%swap3A_10] {strides = array<i32>} : memref<128xi32, #tpu.memory_space<vmem>>, vector<16xi32>,
    tpu.vector_store %arg8[%swap3A_10], %shift_right_logical3A_9 {strides = array<i32>} : memref<128xi32, #tpu.memory_space<vmem>>, vector<16xi32>,
    %get3A_12 = arith.constant 16 : index
    %get3A_13 = tpu.vector_load %arg6[%get3A_12] {strides = array<i32>} : memref<10240xi32, #tpu.memory_space<vmem>>, vector<16xi32>,
    %and3A_14 = arith.andi %get3A_13, %broadcast_in_dim3A_5 : vector<16xi32>
    %swap3A_15 = arith.constant 16 : index
    %swap3A_16 = tpu.vector_load %arg7[%swap3A_15] {strides = array<i32>} : memref<128xi32, #tpu.memory_space<vmem>>, vector<16xi32>,
    tpu.vector_store %arg7[%swap3A_15], %and3A_14 {strides = array<i32>} : memref<128xi32, #tpu.memory_space<vmem>>, vector<16xi32>,
    %shift_right_logical3A_17 = arith.constant 14 : i32
    %shift_right_logical3A_18 = vector.broadcast %shift_right_logical3A_17 : i32 to vector<16xi32>
    %shift_right_logical3A_19 = arith.shrui %get3A_13, %shift_right_logical3A_18 : vector<16xi32>
    %swap3A_20 = arith.constant 16 : index
    %swap3A_21 = tpu.vector_load %arg8[%swap3A_20] {strides = array<i32>} : memref<128xi32, #tpu.memory_space<vmem>>, vector<16xi32>,
    tpu.vector_store %arg8[%swap3A_20], %shift_right_logical3A_19 {strides = array<i32>} : memref<128xi32, #tpu.memory_space<vmem>>, vector<16xi32>,
    %get3A_22 = arith.constant 32 : index
    %get3A_23 = tpu.vector_load %arg6[%get3A_22] {strides = array<i32>} : memref<10240xi32, #tpu.memory_space<vmem>>, vector<16xi32>,
    %and3A_24 = arith.andi %get3A_23, %broadcast_in_dim3A_5 : vector<16xi32>
    %swap3A_25 = arith.constant 32 : index
    %swap3A_26 = tpu.vector_load %arg7[%swap3A_25] {strides = array<i32>} : memref<128xi32, #tpu.memory_space<vmem>>, vector<16xi32>,
    tpu.vector_store %arg7[%swap3A_25], %and3A_24 {strides = array<i32>} : memref<128xi32, #tpu.memory_space<vmem>>, vector<16xi32>,
    %shift_right_logical3A_27 = arith.constant 14 : i32
    %shift_right_logical3A_28 = vector.broadcast %shift_right_logical3A_27 : i32 to vector<16xi32>
    %shift_right_logical3A_29 = arith.shrui %get3A_23, %shift_right_logical3A_28 : vector<16xi32>
    %swap3A_30 = arith.constant 32 : index
    %swap3A_31 = tpu.vector_load %arg8[%swap3A_30] {strides = array<i32>} : memref<128xi32, #tpu.memory_space<vmem>>, vector<16xi32>,
    tpu.vector_store %arg8[%swap3A_30], %shift_right_logical3A_29 {strides = array<i32>} : memref<128xi32, #tpu.memory_space<vmem>>, vector<16xi32>,
    %get3A_32 = arith.constant 48 : index
    %get3A_33 = tpu.vector_load %arg6[%get3A_32] {strides = array<i32>} : memref<10240xi32, #tpu.memory_space<vmem>>, vector<16xi32>,
    %and3A_34 = arith.andi %get3A_33, %broadcast_in_dim3A_5 : vector<16xi32>
    %swap3A_35 = arith.constant 48 : index
    %swap3A_36 = tpu.vector_load %arg7[%swap3A_35] {strides = array<i32>} : memref<128xi32, #tpu.memory_space<vmem>>, vector<16xi32>,
    tpu.vector_store %arg7[%swap3A_35], %and3A_34 {strides = array<i32>} : memref<128xi32, #tpu.memory_space<vmem>>, vector<16xi32>,
    %shift_right_logical3A_37 = arith.constant 14 : i32
    %shift_right_logical3A_38 = vector.broadcast %shift_right_logical3A_37 : i32 to vector<16xi32>
    %shift_right_logical3A_39 = arith.shrui %get3A_33, %shift_right_logical3A_38 : vector<16xi32>
    %swap3A_40 = arith.constant 48 : index
    %swap3A_41 = tpu.vector_load %arg8[%swap3A_40] {strides = array<i32>} : memref<128xi32, #tpu.memory_space<vmem>>, vector<16xi32>,
    tpu.vector_store %arg8[%swap3A_40], %shift_right_logical3A_39 {strides = array<i32>} : memref<128xi32, #tpu.memory_space<vmem>>, vector<16xi32>,
    %get3A_42 = arith.constant 64 : index
    %get3A_43 = tpu.vector_load %arg6[%get3A_42] {strides = array<i32>} : memref<10240xi32, #tpu.memory_space<vmem>>, vector<16xi32>,
    %and3A_44 = arith.andi %get3A_43, %broadcast_in_dim3A_5 : vector<16xi32>
    %swap3A_45 = arith.constant 64 : index
    %swap3A_46 = tpu.vector_load %arg7[%swap3A_45] {strides = array<i32>} : memref<128xi32, #tpu.memory_space<vmem>>, vector<16xi32>,
    tpu.vector_store %arg7[%swap3A_45], %and3A_44 {strides = array<i32>} : memref<128xi32, #tpu.memory_space<vmem>>, vector<16xi32>,
    %shift_right_logical3A_47 = arith.constant 14 : i32
    %shift_right_logical3A_48 = vector.broadcast %shift_right_logical3A_47 : i32 to vector<16xi32>
    %shift_right_logical3A_49 = arith.shrui %get3A_43, %shift_right_logical3A_48 : vector<16xi32>
    %swap3A_50 = arith.constant 64 : index
    %swap3A_51 = tpu.vector_load %arg8[%swap3A_50] {strides = array<i32>} : memref<128xi32, #tpu.memory_space<vmem>>, vector<16xi32>,
    tpu.vector_store %arg8[%swap3A_50], %shift_right_logical3A_49 {strides = array<i32>} : memref<128xi32, #tpu.memory_space<vmem>>, vector<16xi32>,
    %get3A_52 = arith.constant 80 : index
    %get3A_53 = tpu.vector_load %arg6[%get3A_52] {strides = array<i32>} : memref<10240xi32, #tpu.memory_space<vmem>>, vector<16xi32>,
    %and3A_54 = arith.andi %get3A_53, %broadcast_in_dim3A_5 : vector<16xi32>
    %swap3A_55 = arith.constant 80 : index
    %swap3A_56 = tpu.vector_load %arg7[%swap3A_55] {strides = array<i32>} : memref<128xi32, #tpu.memory_space<vmem>>, vector<16xi32>,
    tpu.vector_store %arg7[%swap3A_55], %and3A_54 {strides = array<i32>} : memref<128xi32, #tpu.memory_space<vmem>>, vector<16xi32>,
    %shift_right_logical3A_57 = arith.constant 14 : i32
    %shift_right_logical3A_58 = vector.broadcast %shift_right_logical3A_57 : i32 to vector<16xi32>
    %shift_right_logical3A_59 = arith.shrui %get3A_53, %shift_right_logical3A_58 : vector<16xi32>
    %swap3A_60 = arith.constant 80 : index
    %swap3A_61 = tpu.vector_load %arg8[%swap3A_60] {strides = array<i32>} : memref<128xi32, #tpu.memory_space<vmem>>, vector<16xi32>,
    tpu.vector_store %arg8[%swap3A_60], %shift_right_logical3A_59 {strides = array<i32>} : memref<128xi32, #tpu.memory_space<vmem>>, vector<16xi32>,
    %get3A_62 = arith.constant 96 : index
    %get3A_63 = tpu.vector_load %arg6[%get3A_62] {strides = array<i32>} : memref<10240xi32, #tpu.memory_space<vmem>>, vector<16xi32>,
    %and3A_64 = arith.andi %get3A_63, %broadcast_in_dim3A_5 : vector<16xi32>
    %swap3A_65 = arith.constant 96 : index
    %swap3A_66 = tpu.vector_load %arg7[%swap3A_65] {strides = array<i32>} : memref<128xi32, #tpu.memory_space<vmem>>, vector<16xi32>,
    tpu.vector_store %arg7[%swap3A_65], %and3A_64 {strides = array<i32>} : memref<128xi32, #tpu.memory_space<vmem>>, vector<16xi32>,
    %shift_right_logical3A_67 = arith.constant 14 : i32
    %shift_right_logical3A_68 = vector.broadcast %shift_right_logical3A_67 : i32 to vector<16xi32>
    %shift_right_logical3A_69 = arith.shrui %get3A_63, %shift_right_logical3A_68 : vector<16xi32>
    %swap3A_70 = arith.constant 96 : index
    %swap3A_71 = tpu.vector_load %arg8[%swap3A_70] {strides = array<i32>} : memref<128xi32, #tpu.memory_space<vmem>>, vector<16xi32>,
    tpu.vector_store %arg8[%swap3A_70], %shift_right_logical3A_69 {strides = array<i32>} : memref<128xi32, #tpu.memory_space<vmem>>, vector<16xi32>,
    %get3A_72 = arith.constant 112 : index
    %get3A_73 = tpu.vector_load %arg6[%get3A_72] {strides = array<i32>} : memref<10240xi32, #tpu.memory_space<vmem>>, vector<16xi32>,
    %and3A_74 = arith.andi %get3A_73, %broadcast_in_dim3A_5 : vector<16xi32>
    %swap3A_75 = arith.constant 112 : index
    %swap3A_76 = tpu.vector_load %arg7[%swap3A_75] {strides = array<i32>} : memref<128xi32, #tpu.memory_space<vmem>>, vector<16xi32>,
    tpu.vector_store %arg7[%swap3A_75], %and3A_74 {strides = array<i32>} : memref<128xi32, #tpu.memory_space<vmem>>, vector<16xi32>,
    %shift_right_logical3A_77 = arith.constant 14 : i32
    %shift_right_logical3A_78 = vector.broadcast %shift_right_logical3A_77 : i32 to vector<16xi32>
    %shift_right_logical3A_79 = arith.shrui %get3A_73, %shift_right_logical3A_78 : vector<16xi32>
    %swap3A_80 = arith.constant 112 : index
    %swap3A_81 = tpu.vector_load %arg8[%swap3A_80] {strides = array<i32>} : memref<128xi32, #tpu.memory_space<vmem>>, vector<16xi32>,
    tpu.vector_store %arg8[%swap3A_80], %shift_right_logical3A_79 {strides = array<i32>} : memref<128xi32, #tpu.memory_space<vmem>>, vector<16xi32>,
    %dma_start3A = arith.constant 0 : i32
    %dma_start3A_82 = arith.constant 0 : i32
    %dma_start3A_83 = tpu.memref_slice %arg2[%dma_start3A, %dma_start3A_82] : memref<10240x128xf32, #tpu.memory_space<hbm>> -> memref<10240x128xf32, #tpu.memory_space<hbm>>
    tpu.enqueue_indirect_dma source(%dma_start3A_83 : memref<10240x128xf32, #tpu.memory_space<hbm>>) target(%arg11 : memref<128x128xf32, #tpu.memory_space<vmem>>) offsets(%arg7 : memref<128xi32, #tpu.memory_space<vmem>>) semaphore(%arg14 : memref<!tpu.dma_semaphore, #tpu.memory_space<semaphore_mem>>)
    %scan3A = arith.constant 0 : i32
    %scan3A_84 = arith.constant 0 : i32
    %scan3A_85 = arith.constant 40 : i32
    %scan3A_86 = arith.addi %scan3A_84, %scan3A_85 : i32
    %scan3A_87 = arith.constant 1 : i32
    scf.for %scan3A_94 = %scan3A_84 to %scan3A_86 step %scan3A_87  : i32 {
      %mul3A_95 = arith.constant 2 : i32
      %mul3A_96 = arith.muli %mul3A_95, %scan3A_94 : i32
      %add3A_97 = arith.constant 1 : i32
      %add3A_98 = arith.addi %mul3A_96, %add3A_97 : i32
      %mul3A_99 = arith.constant 128 : i32
      %mul3A_100 = arith.muli %add3A_98, %mul3A_99 : i32
      %add3A_101 = arith.constant 0 : i32
      %add3A_102 = arith.addi %mul3A_100, %add3A_101 : i32
      %get3A_103 = arith.index_cast %add3A_102 : i32 to index
      %get3A_104 = tpu.vector_load %arg6[%get3A_103] {strides = array<i32>} : memref<10240xi32, #tpu.memory_space<vmem>>, vector<16xi32>,
      %and3A_105 = arith.andi %get3A_104, %broadcast_in_dim3A_5 : vector<16xi32>
      %swap3A_106 = arith.constant 0 : index
      %swap3A_107 = tpu.vector_load %arg9[%swap3A_106] {strides = array<i32>} : memref<128xi32, #tpu.memory_space<vmem>>, vector<16xi32>,
      tpu.vector_store %arg9[%swap3A_106], %and3A_105 {strides = array<i32>} : memref<128xi32, #tpu.memory_space<vmem>>, vector<16xi32>,
      %shift_right_logical3A_108 = arith.constant 14 : i32
      %shift_right_logical3A_109 = vector.broadcast %shift_right_logical3A_108 : i32 to vector<16xi32>
      %shift_right_logical3A_110 = arith.shrui %get3A_104, %shift_right_logical3A_109 : vector<16xi32>
      %swap3A_111 = arith.constant 0 : index
      %swap3A_112 = tpu.vector_load %arg10[%swap3A_111] {strides = array<i32>} : memref<128xi32, #tpu.memory_space<vmem>>, vector<16xi32>,
      tpu.vector_store %arg10[%swap3A_111], %shift_right_logical3A_110 {strides = array<i32>} : memref<128xi32, #tpu.memory_space<vmem>>, vector<16xi32>,
      %mul3A_113 = arith.constant 128 : i32
      %mul3A_114 = arith.muli %add3A_98, %mul3A_113 : i32
      %add3A_115 = arith.constant 16 : i32
      %add3A_116 = arith.addi %mul3A_114, %add3A_115 : i32
      %get3A_117 = arith.index_cast %add3A_116 : i32 to index
      %get3A_118 = tpu.vector_load %arg6[%get3A_117] {strides = array<i32>} : memref<10240xi32, #tpu.memory_space<vmem>>, vector<16xi32>,
      %and3A_119 = arith.andi %get3A_118, %broadcast_in_dim3A_5 : vector<16xi32>
      %swap3A_120 = arith.constant 16 : index
      %swap3A_121 = tpu.vector_load %arg9[%swap3A_120] {strides = array<i32>} : memref<128xi32, #tpu.memory_space<vmem>>, vector<16xi32>,
      tpu.vector_store %arg9[%swap3A_120], %and3A_119 {strides = array<i32>} : memref<128xi32, #tpu.memory_space<vmem>>, vector<16xi32>,
      %shift_right_logical3A_122 = arith.constant 14 : i32
      %shift_right_logical3A_123 = vector.broadcast %shift_right_logical3A_122 : i32 to vector<16xi32>
      %shift_right_logical3A_124 = arith.shrui %get3A_118, %shift_right_logical3A_123 : vector<16xi32>
      %swap3A_125 = arith.constant 16 : index
      %swap3A_126 = tpu.vector_load %arg10[%swap3A_125] {strides = array<i32>} : memref<128xi32, #tpu.memory_space<vmem>>, vector<16xi32>,
      tpu.vector_store %arg10[%swap3A_125], %shift_right_logical3A_124 {strides = array<i32>} : memref<128xi32, #tpu.memory_space<vmem>>, vector<16xi32>,
      %mul3A_127 = arith.constant 128 : i32
      %mul3A_128 = arith.muli %add3A_98, %mul3A_127 : i32
      %add3A_129 = arith.constant 32 : i32
      %add3A_130 = arith.addi %mul3A_128, %add3A_129 : i32
      %get3A_131 = arith.index_cast %add3A_130 : i32 to index
      %get3A_132 = tpu.vector_load %arg6[%get3A_131] {strides = array<i32>} : memref<10240xi32, #tpu.memory_space<vmem>>, vector<16xi32>,
      %and3A_133 = arith.andi %get3A_132, %broadcast_in_dim3A_5 : vector<16xi32>
      %swap3A_134 = arith.constant 32 : index
      %swap3A_135 = tpu.vector_load %arg9[%swap3A_134] {strides = array<i32>} : memref<128xi32, #tpu.memory_space<vmem>>, vector<16xi32>,
      tpu.vector_store %arg9[%swap3A_134], %and3A_133 {strides = array<i32>} : memref<128xi32, #tpu.memory_space<vmem>>, vector<16xi32>,
      %shift_right_logical3A_136 = arith.constant 14 : i32
      %shift_right_logical3A_137 = vector.broadcast %shift_right_logical3A_136 : i32 to vector<16xi32>
      %shift_right_logical3A_138 = arith.shrui %get3A_132, %shift_right_logical3A_137 : vector<16xi32>
      %swap3A_139 = arith.constant 32 : index
      %swap3A_140 = tpu.vector_load %arg10[%swap3A_139] {strides = array<i32>} : memref<128xi32, #tpu.memory_space<vmem>>, vector<16xi32>,
      tpu.vector_store %arg10[%swap3A_139], %shift_right_logical3A_138 {strides = array<i32>} : memref<128xi32, #tpu.memory_space<vmem>>, vector<16xi32>,
      %mul3A_141 = arith.constant 128 : i32
      %mul3A_142 = arith.muli %add3A_98, %mul3A_141 : i32
      %add3A_143 = arith.constant 48 : i32
      %add3A_144 = arith.addi %mul3A_142, %add3A_143 : i32
      %get3A_145 = arith.index_cast %add3A_144 : i32 to index
      %get3A_146 = tpu.vector_load %arg6[%get3A_145] {strides = array<i32>} : memref<10240xi32, #tpu.memory_space<vmem>>, vector<16xi32>,
      %and3A_147 = arith.andi %get3A_146, %broadcast_in_dim3A_5 : vector<16xi32>
      %swap3A_148 = arith.constant 48 : index
      %swap3A_149 = tpu.vector_load %arg9[%swap3A_148] {strides = array<i32>} : memref<128xi32, #tpu.memory_space<vmem>>, vector<16xi32>,
      tpu.vector_store %arg9[%swap3A_148], %and3A_147 {strides = array<i32>} : memref<128xi32, #tpu.memory_space<vmem>>, vector<16xi32>,
      %shift_right_logical3A_150 = arith.constant 14 : i32
      %shift_right_logical3A_151 = vector.broadcast %shift_right_logical3A_150 : i32 to vector<16xi32>
      %shift_right_logical3A_152 = arith.shrui %get3A_146, %shift_right_logical3A_151 : vector<16xi32>
      %swap3A_153 = arith.constant 48 : index
      %swap3A_154 = tpu.vector_load %arg10[%swap3A_153] {strides = array<i32>} : memref<128xi32, #tpu.memory_space<vmem>>, vector<16xi32>,
      tpu.vector_store %arg10[%swap3A_153], %shift_right_logical3A_152 {strides = array<i32>} : memref<128xi32, #tpu.memory_space<vmem>>, vector<16xi32>,
      %mul3A_155 = arith.constant 128 : i32
      %mul3A_156 = arith.muli %add3A_98, %mul3A_155 : i32
      %add3A_157 = arith.constant 64 : i32
      %add3A_158 = arith.addi %mul3A_156, %add3A_157 : i32
      %get3A_159 = arith.index_cast %add3A_158 : i32 to index
      %get3A_160 = tpu.vector_load %arg6[%get3A_159] {strides = array<i32>} : memref<10240xi32, #tpu.memory_space<vmem>>, vector<16xi32>,
      %and3A_161 = arith.andi %get3A_160, %broadcast_in_dim3A_5 : vector<16xi32>
      %swap3A_162 = arith.constant 64 : index
      %swap3A_163 = tpu.vector_load %arg9[%swap3A_162] {strides = array<i32>} : memref<128xi32, #tpu.memory_space<vmem>>, vector<16xi32>,
      tpu.vector_store %arg9[%swap3A_162], %and3A_161 {strides = array<i32>} : memref<128xi32, #tpu.memory_space<vmem>>, vector<16xi32>,
      %shift_right_logical3A_164 = arith.constant 14 : i32
      %shift_right_logical3A_165 = vector.broadcast %shift_right_logical3A_164 : i32 to vector<16xi32>
      %shift_right_logical3A_166 = arith.shrui %get3A_160, %shift_right_logical3A_165 : vector<16xi32>
      %swap3A_167 = arith.constant 64 : index
      %swap3A_168 = tpu.vector_load %arg10[%swap3A_167] {strides = array<i32>} : memref<128xi32, #tpu.memory_space<vmem>>, vector<16xi32>,
      tpu.vector_store %arg10[%swap3A_167], %shift_right_logical3A_166 {strides = array<i32>} : memref<128xi32, #tpu.memory_space<vmem>>, vector<16xi32>,
      %mul3A_169 = arith.constant 128 : i32
      %mul3A_170 = arith.muli %add3A_98, %mul3A_169 : i32
      %add3A_171 = arith.constant 80 : i32
      %add3A_172 = arith.addi %mul3A_170, %add3A_171 : i32
      %get3A_173 = arith.index_cast %add3A_172 : i32 to index
      %get3A_174 = tpu.vector_load %arg6[%get3A_173] {strides = array<i32>} : memref<10240xi32, #tpu.memory_space<vmem>>, vector<16xi32>,
      %and3A_175 = arith.andi %get3A_174, %broadcast_in_dim3A_5 : vector<16xi32>
      %swap3A_176 = arith.constant 80 : index
      %swap3A_177 = tpu.vector_load %arg9[%swap3A_176] {strides = array<i32>} : memref<128xi32, #tpu.memory_space<vmem>>, vector<16xi32>,
      tpu.vector_store %arg9[%swap3A_176], %and3A_175 {strides = array<i32>} : memref<128xi32, #tpu.memory_space<vmem>>, vector<16xi32>,
      %shift_right_logical3A_178 = arith.constant 14 : i32
      %shift_right_logical3A_179 = vector.broadcast %shift_right_logical3A_178 : i32 to vector<16xi32>
      %shift_right_logical3A_180 = arith.shrui %get3A_174, %shift_right_logical3A_179 : vector<16xi32>
      %swap3A_181 = arith.constant 80 : index
      %swap3A_182 = tpu.vector_load %arg10[%swap3A_181] {strides = array<i32>} : memref<128xi32, #tpu.memory_space<vmem>>, vector<16xi32>,
      tpu.vector_store %arg10[%swap3A_181], %shift_right_logical3A_180 {strides = array<i32>} : memref<128xi32, #tpu.memory_space<vmem>>, vector<16xi32>,
      %mul3A_183 = arith.constant 128 : i32
      %mul3A_184 = arith.muli %add3A_98, %mul3A_183 : i32
      %add3A_185 = arith.constant 96 : i32
      %add3A_186 = arith.addi %mul3A_184, %add3A_185 : i32
      %get3A_187 = arith.index_cast %add3A_186 : i32 to index
      %get3A_188 = tpu.vector_load %arg6[%get3A_187] {strides = array<i32>} : memref<10240xi32, #tpu.memory_space<vmem>>, vector<16xi32>,
      %and3A_189 = arith.andi %get3A_188, %broadcast_in_dim3A_5 : vector<16xi32>
      %swap3A_190 = arith.constant 96 : index
      %swap3A_191 = tpu.vector_load %arg9[%swap3A_190] {strides = array<i32>} : memref<128xi32, #tpu.memory_space<vmem>>, vector<16xi32>,
      tpu.vector_store %arg9[%swap3A_190], %and3A_189 {strides = array<i32>} : memref<128xi32, #tpu.memory_space<vmem>>, vector<16xi32>,
      %shift_right_logical3A_192 = arith.constant 14 : i32
      %shift_right_logical3A_193 = vector.broadcast %shift_right_logical3A_192 : i32 to vector<16xi32>
      %shift_right_logical3A_194 = arith.shrui %get3A_188, %shift_right_logical3A_193 : vector<16xi32>
      %swap3A_195 = arith.constant 96 : index
      %swap3A_196 = tpu.vector_load %arg10[%swap3A_195] {strides = array<i32>} : memref<128xi32, #tpu.memory_space<vmem>>, vector<16xi32>,
      tpu.vector_store %arg10[%swap3A_195], %shift_right_logical3A_194 {strides = array<i32>} : memref<128xi32, #tpu.memory_space<vmem>>, vector<16xi32>,
      %mul3A_197 = arith.constant 128 : i32
      %mul3A_198 = arith.muli %add3A_98, %mul3A_197 : i32
      %add3A_199 = arith.constant 112 : i32
      %add3A_200 = arith.addi %mul3A_198, %add3A_199 : i32
      %get3A_201 = arith.index_cast %add3A_200 : i32 to index
      %get3A_202 = tpu.vector_load %arg6[%get3A_201] {strides = array<i32>} : memref<10240xi32, #tpu.memory_space<vmem>>, vector<16xi32>,
      %and3A_203 = arith.andi %get3A_202, %broadcast_in_dim3A_5 : vector<16xi32>
      %swap3A_204 = arith.constant 112 : index
      %swap3A_205 = tpu.vector_load %arg9[%swap3A_204] {strides = array<i32>} : memref<128xi32, #tpu.memory_space<vmem>>, vector<16xi32>,
      tpu.vector_store %arg9[%swap3A_204], %and3A_203 {strides = array<i32>} : memref<128xi32, #tpu.memory_space<vmem>>, vector<16xi32>,
      %shift_right_logical3A_206 = arith.constant 14 : i32
      %shift_right_logical3A_207 = vector.broadcast %shift_right_logical3A_206 : i32 to vector<16xi32>
      %shift_right_logical3A_208 = arith.shrui %get3A_202, %shift_right_logical3A_207 : vector<16xi32>
      %swap3A_209 = arith.constant 112 : index
      %swap3A_210 = tpu.vector_load %arg10[%swap3A_209] {strides = array<i32>} : memref<128xi32, #tpu.memory_space<vmem>>, vector<16xi32>,
      tpu.vector_store %arg10[%swap3A_209], %shift_right_logical3A_208 {strides = array<i32>} : memref<128xi32, #tpu.memory_space<vmem>>, vector<16xi32>,
      %dma_start3A_211 = arith.constant 0 : i32
      %dma_start3A_212 = arith.constant 0 : i32
      %dma_start3A_213 = tpu.memref_slice %arg2[%dma_start3A_211, %dma_start3A_212] : memref<10240x128xf32, #tpu.memory_space<hbm>> -> memref<10240x128xf32, #tpu.memory_space<hbm>>
      tpu.enqueue_indirect_dma source(%dma_start3A_213 : memref<10240x128xf32, #tpu.memory_space<hbm>>) target(%arg12 : memref<128x128xf32, #tpu.memory_space<vmem>>) offsets(%arg9 : memref<128xi32, #tpu.memory_space<vmem>>) semaphore(%arg15 : memref<!tpu.dma_semaphore, #tpu.memory_space<semaphore_mem>>)
      %dma_wait3A = arith.constant 0 : i32
      %dma_wait3A_214 = arith.constant 0 : i32
      %dma_wait3A_215 = tpu.memref_slice %arg2[%dma_wait3A, %dma_wait3A_214] : memref<10240x128xf32, #tpu.memory_space<hbm>> -> memref<10240x128xf32, #tpu.memory_space<hbm>>
      tpu.wait_indirect_dma semaphore(%arg14 : memref<!tpu.dma_semaphore, #tpu.memory_space<semaphore_mem>>) src(%dma_wait3A_215 : memref<10240x128xf32, #tpu.memory_space<hbm>>) dst(%arg11 : memref<128x128xf32, #tpu.memory_space<vmem>>)
      "tpu.region"() ({
        %run_scoped3A = tpu.sem_alloc : memref<!tpu.dma_semaphore, #tpu.memory_space<semaphore_mem>>
        %dma_start3A_221 = arith.constant 0 : i32
        %dma_start3A_222 = arith.constant 0 : i32
        %dma_start3A_223 = tpu.memref_slice %arg13[%dma_start3A_221, %dma_start3A_222] : memref<10240x128xf32, #tpu.memory_space<vmem_shared>> -> memref<10240x128xf32, #tpu.memory_space<vmem_shared>>
        tpu.enqueue_indirect_dma source(%arg11 : memref<128x128xf32, #tpu.memory_space<vmem>>) target(%dma_start3A_223 : memref<10240x128xf32, #tpu.memory_space<vmem_shared>>) offsets(%arg8 : memref<128xi32, #tpu.memory_space<vmem>>) semaphore(%run_scoped3A : memref<!tpu.dma_semaphore, #tpu.memory_space<semaphore_mem>>) {add = true}
        %dma_wait3A_224 = arith.constant 0 : i32
        %dma_wait3A_225 = arith.constant 0 : i32
        %dma_wait3A_226 = tpu.memref_slice %arg13[%dma_wait3A_224, %dma_wait3A_225] : memref<10240x128xf32, #tpu.memory_space<vmem_shared>> -> memref<10240x128xf32, #tpu.memory_space<vmem_shared>>
        tpu.wait_indirect_dma semaphore(%run_scoped3A : memref<!tpu.dma_semaphore, #tpu.memory_space<semaphore_mem>>) src(%arg11 : memref<128x128xf32, #tpu.memory_space<vmem>>) dst(%dma_wait3A_226 : memref<10240x128xf32, #tpu.memory_space<vmem_shared>>)
        tpu.yield
      }) : () -> ()
      %lt3A = arith.constant 39 : i32
      %lt3A_216 = arith.cmpi slt, %scan3A_94, %lt3A : i32
      %convert_element_type3A = arith.extui %lt3A_216 : i1 to i32
      %cond3A = arith.constant 0 : i32
      %cond3A_217 = arith.cmpi ne, %convert_element_type3A, %cond3A : i32
      scf.if %cond3A_217 {
        %add3A_221 = arith.constant 2 : i32
        %add3A_222 = arith.addi %mul3A_96, %add3A_221 : i32
        %mul3A_223 = arith.constant 128 : i32
        %mul3A_224 = arith.muli %add3A_222, %mul3A_223 : i32
        %add3A_225 = arith.constant 0 : i32
        %add3A_226 = arith.addi %mul3A_224, %add3A_225 : i32
        %get3A_227 = arith.index_cast %add3A_226 : i32 to index
        %get3A_228 = tpu.vector_load %arg6[%get3A_227] {strides = array<i32>} : memref<10240xi32, #tpu.memory_space<vmem>>, vector<16xi32>,
        %and3A_229 = arith.andi %get3A_228, %broadcast_in_dim3A_5 : vector<16xi32>
        %swap3A_230 = arith.constant 0 : index
        %swap3A_231 = tpu.vector_load %arg7[%swap3A_230] {strides = array<i32>} : memref<128xi32, #tpu.memory_space<vmem>>, vector<16xi32>,
        tpu.vector_store %arg7[%swap3A_230], %and3A_229 {strides = array<i32>} : memref<128xi32, #tpu.memory_space<vmem>>, vector<16xi32>,
        %shift_right_logical3A_232 = arith.constant 14 : i32
        %shift_right_logical3A_233 = vector.broadcast %shift_right_logical3A_232 : i32 to vector<16xi32>
        %shift_right_logical3A_234 = arith.shrui %get3A_228, %shift_right_logical3A_233 : vector<16xi32>
        %swap3A_235 = arith.constant 0 : index
        %swap3A_236 = tpu.vector_load %arg8[%swap3A_235] {strides = array<i32>} : memref<128xi32, #tpu.memory_space<vmem>>, vector<16xi32>,
        tpu.vector_store %arg8[%swap3A_235], %shift_right_logical3A_234 {strides = array<i32>} : memref<128xi32, #tpu.memory_space<vmem>>, vector<16xi32>,
        %mul3A_237 = arith.constant 128 : i32
        %mul3A_238 = arith.muli %add3A_222, %mul3A_237 : i32
        %add3A_239 = arith.constant 16 : i32
        %add3A_240 = arith.addi %mul3A_238, %add3A_239 : i32
        %get3A_241 = arith.index_cast %add3A_240 : i32 to index
        %get3A_242 = tpu.vector_load %arg6[%get3A_241] {strides = array<i32>} : memref<10240xi32, #tpu.memory_space<vmem>>, vector<16xi32>,
        %and3A_243 = arith.andi %get3A_242, %broadcast_in_dim3A_5 : vector<16xi32>
        %swap3A_244 = arith.constant 16 : index
        %swap3A_245 = tpu.vector_load %arg7[%swap3A_244] {strides = array<i32>} : memref<128xi32, #tpu.memory_space<vmem>>, vector<16xi32>,
        tpu.vector_store %arg7[%swap3A_244], %and3A_243 {strides = array<i32>} : memref<128xi32, #tpu.memory_space<vmem>>, vector<16xi32>,
        %shift_right_logical3A_246 = arith.constant 14 : i32
        %shift_right_logical3A_247 = vector.broadcast %shift_right_logical3A_246 : i32 to vector<16xi32>
        %shift_right_logical3A_248 = arith.shrui %get3A_242, %shift_right_logical3A_247 : vector<16xi32>
        %swap3A_249 = arith.constant 16 : index
        %swap3A_250 = tpu.vector_load %arg8[%swap3A_249] {strides = array<i32>} : memref<128xi32, #tpu.memory_space<vmem>>, vector<16xi32>,
        tpu.vector_store %arg8[%swap3A_249], %shift_right_logical3A_248 {strides = array<i32>} : memref<128xi32, #tpu.memory_space<vmem>>, vector<16xi32>,
        %mul3A_251 = arith.constant 128 : i32
        %mul3A_252 = arith.muli %add3A_222, %mul3A_251 : i32
        %add3A_253 = arith.constant 32 : i32
        %add3A_254 = arith.addi %mul3A_252, %add3A_253 : i32
        %get3A_255 = arith.index_cast %add3A_254 : i32 to index
        %get3A_256 = tpu.vector_load %arg6[%get3A_255] {strides = array<i32>} : memref<10240xi32, #tpu.memory_space<vmem>>, vector<16xi32>,
        %and3A_257 = arith.andi %get3A_256, %broadcast_in_dim3A_5 : vector<16xi32>
        %swap3A_258 = arith.constant 32 : index
        %swap3A_259 = tpu.vector_load %arg7[%swap3A_258] {strides = array<i32>} : memref<128xi32, #tpu.memory_space<vmem>>, vector<16xi32>,
        tpu.vector_store %arg7[%swap3A_258], %and3A_257 {strides = array<i32>} : memref<128xi32, #tpu.memory_space<vmem>>, vector<16xi32>,
        %shift_right_logical3A_260 = arith.constant 14 : i32
        %shift_right_logical3A_261 = vector.broadcast %shift_right_logical3A_260 : i32 to vector<16xi32>
        %shift_right_logical3A_262 = arith.shrui %get3A_256, %shift_right_logical3A_261 : vector<16xi32>
        %swap3A_263 = arith.constant 32 : index
        %swap3A_264 = tpu.vector_load %arg8[%swap3A_263] {strides = array<i32>} : memref<128xi32, #tpu.memory_space<vmem>>, vector<16xi32>,
        tpu.vector_store %arg8[%swap3A_263], %shift_right_logical3A_262 {strides = array<i32>} : memref<128xi32, #tpu.memory_space<vmem>>, vector<16xi32>,
        %mul3A_265 = arith.constant 128 : i32
        %mul3A_266 = arith.muli %add3A_222, %mul3A_265 : i32
        %add3A_267 = arith.constant 48 : i32
        %add3A_268 = arith.addi %mul3A_266, %add3A_267 : i32
        %get3A_269 = arith.index_cast %add3A_268 : i32 to index
        %get3A_270 = tpu.vector_load %arg6[%get3A_269] {strides = array<i32>} : memref<10240xi32, #tpu.memory_space<vmem>>, vector<16xi32>,
        %and3A_271 = arith.andi %get3A_270, %broadcast_in_dim3A_5 : vector<16xi32>
        %swap3A_272 = arith.constant 48 : index
        %swap3A_273 = tpu.vector_load %arg7[%swap3A_272] {strides = array<i32>} : memref<128xi32, #tpu.memory_space<vmem>>, vector<16xi32>,
        tpu.vector_store %arg7[%swap3A_272], %and3A_271 {strides = array<i32>} : memref<128xi32, #tpu.memory_space<vmem>>, vector<16xi32>,
        %shift_right_logical3A_274 = arith.constant 14 : i32
        %shift_right_logical3A_275 = vector.broadcast %shift_right_logical3A_274 : i32 to vector<16xi32>
        %shift_right_logical3A_276 = arith.shrui %get3A_270, %shift_right_logical3A_275 : vector<16xi32>
        %swap3A_277 = arith.constant 48 : index
        %swap3A_278 = tpu.vector_load %arg8[%swap3A_277] {strides = array<i32>} : memref<128xi32, #tpu.memory_space<vmem>>, vector<16xi32>,
        tpu.vector_store %arg8[%swap3A_277], %shift_right_logical3A_276 {strides = array<i32>} : memref<128xi32, #tpu.memory_space<vmem>>, vector<16xi32>,
        %mul3A_279 = arith.constant 128 : i32
        %mul3A_280 = arith.muli %add3A_222, %mul3A_279 : i32
        %add3A_281 = arith.constant 64 : i32
        %add3A_282 = arith.addi %mul3A_280, %add3A_281 : i32
        %get3A_283 = arith.index_cast %add3A_282 : i32 to index
        %get3A_284 = tpu.vector_load %arg6[%get3A_283] {strides = array<i32>} : memref<10240xi32, #tpu.memory_space<vmem>>, vector<16xi32>,
        %and3A_285 = arith.andi %get3A_284, %broadcast_in_dim3A_5 : vector<16xi32>
        %swap3A_286 = arith.constant 64 : index
        %swap3A_287 = tpu.vector_load %arg7[%swap3A_286] {strides = array<i32>} : memref<128xi32, #tpu.memory_space<vmem>>, vector<16xi32>,
        tpu.vector_store %arg7[%swap3A_286], %and3A_285 {strides = array<i32>} : memref<128xi32, #tpu.memory_space<vmem>>, vector<16xi32>,
        %shift_right_logical3A_288 = arith.constant 14 : i32
        %shift_right_logical3A_289 = vector.broadcast %shift_right_logical3A_288 : i32 to vector<16xi32>
        %shift_right_logical3A_290 = arith.shrui %get3A_284, %shift_right_logical3A_289 : vector<16xi32>
        %swap3A_291 = arith.constant 64 : index
        %swap3A_292 = tpu.vector_load %arg8[%swap3A_291] {strides = array<i32>} : memref<128xi32, #tpu.memory_space<vmem>>, vector<16xi32>,
        tpu.vector_store %arg8[%swap3A_291], %shift_right_logical3A_290 {strides = array<i32>} : memref<128xi32, #tpu.memory_space<vmem>>, vector<16xi32>,
        %mul3A_293 = arith.constant 128 : i32
        %mul3A_294 = arith.muli %add3A_222, %mul3A_293 : i32
        %add3A_295 = arith.constant 80 : i32
        %add3A_296 = arith.addi %mul3A_294, %add3A_295 : i32
        %get3A_297 = arith.index_cast %add3A_296 : i32 to index
        %get3A_298 = tpu.vector_load %arg6[%get3A_297] {strides = array<i32>} : memref<10240xi32, #tpu.memory_space<vmem>>, vector<16xi32>,
        %and3A_299 = arith.andi %get3A_298, %broadcast_in_dim3A_5 : vector<16xi32>
        %swap3A_300 = arith.constant 80 : index
        %swap3A_301 = tpu.vector_load %arg7[%swap3A_300] {strides = array<i32>} : memref<128xi32, #tpu.memory_space<vmem>>, vector<16xi32>,
        tpu.vector_store %arg7[%swap3A_300], %and3A_299 {strides = array<i32>} : memref<128xi32, #tpu.memory_space<vmem>>, vector<16xi32>,
        %shift_right_logical3A_302 = arith.constant 14 : i32
        %shift_right_logical3A_303 = vector.broadcast %shift_right_logical3A_302 : i32 to vector<16xi32>
        %shift_right_logical3A_304 = arith.shrui %get3A_298, %shift_right_logical3A_303 : vector<16xi32>
        %swap3A_305 = arith.constant 80 : index
        %swap3A_306 = tpu.vector_load %arg8[%swap3A_305] {strides = array<i32>} : memref<128xi32, #tpu.memory_space<vmem>>, vector<16xi32>,
        tpu.vector_store %arg8[%swap3A_305], %shift_right_logical3A_304 {strides = array<i32>} : memref<128xi32, #tpu.memory_space<vmem>>, vector<16xi32>,
        %mul3A_307 = arith.constant 128 : i32
        %mul3A_308 = arith.muli %add3A_222, %mul3A_307 : i32
        %add3A_309 = arith.constant 96 : i32
        %add3A_310 = arith.addi %mul3A_308, %add3A_309 : i32
        %get3A_311 = arith.index_cast %add3A_310 : i32 to index
        %get3A_312 = tpu.vector_load %arg6[%get3A_311] {strides = array<i32>} : memref<10240xi32, #tpu.memory_space<vmem>>, vector<16xi32>,
        %and3A_313 = arith.andi %get3A_312, %broadcast_in_dim3A_5 : vector<16xi32>
        %swap3A_314 = arith.constant 96 : index
        %swap3A_315 = tpu.vector_load %arg7[%swap3A_314] {strides = array<i32>} : memref<128xi32, #tpu.memory_space<vmem>>, vector<16xi32>,
        tpu.vector_store %arg7[%swap3A_314], %and3A_313 {strides = array<i32>} : memref<128xi32, #tpu.memory_space<vmem>>, vector<16xi32>,
        %shift_right_logical3A_316 = arith.constant 14 : i32
        %shift_right_logical3A_317 = vector.broadcast %shift_right_logical3A_316 : i32 to vector<16xi32>
        %shift_right_logical3A_318 = arith.shrui %get3A_312, %shift_right_logical3A_317 : vector<16xi32>
        %swap3A_319 = arith.constant 96 : index
        %swap3A_320 = tpu.vector_load %arg8[%swap3A_319] {strides = array<i32>} : memref<128xi32, #tpu.memory_space<vmem>>, vector<16xi32>,
        tpu.vector_store %arg8[%swap3A_319], %shift_right_logical3A_318 {strides = array<i32>} : memref<128xi32, #tpu.memory_space<vmem>>, vector<16xi32>,
        %mul3A_321 = arith.constant 128 : i32
        %mul3A_322 = arith.muli %add3A_222, %mul3A_321 : i32
        %add3A_323 = arith.constant 112 : i32
        %add3A_324 = arith.addi %mul3A_322, %add3A_323 : i32
        %get3A_325 = arith.index_cast %add3A_324 : i32 to index
        %get3A_326 = tpu.vector_load %arg6[%get3A_325] {strides = array<i32>} : memref<10240xi32, #tpu.memory_space<vmem>>, vector<16xi32>,
        %and3A_327 = arith.andi %get3A_326, %broadcast_in_dim3A_5 : vector<16xi32>
        %swap3A_328 = arith.constant 112 : index
        %swap3A_329 = tpu.vector_load %arg7[%swap3A_328] {strides = array<i32>} : memref<128xi32, #tpu.memory_space<vmem>>, vector<16xi32>,
        tpu.vector_store %arg7[%swap3A_328], %and3A_327 {strides = array<i32>} : memref<128xi32, #tpu.memory_space<vmem>>, vector<16xi32>,
        %shift_right_logical3A_330 = arith.constant 14 : i32
        %shift_right_logical3A_331 = vector.broadcast %shift_right_logical3A_330 : i32 to vector<16xi32>
        %shift_right_logical3A_332 = arith.shrui %get3A_326, %shift_right_logical3A_331 : vector<16xi32>
        %swap3A_333 = arith.constant 112 : index
        %swap3A_334 = tpu.vector_load %arg8[%swap3A_333] {strides = array<i32>} : memref<128xi32, #tpu.memory_space<vmem>>, vector<16xi32>,
        tpu.vector_store %arg8[%swap3A_333], %shift_right_logical3A_332 {strides = array<i32>} : memref<128xi32, #tpu.memory_space<vmem>>, vector<16xi32>,
        %dma_start3A_335 = arith.constant 0 : i32
        %dma_start3A_336 = arith.constant 0 : i32
        %dma_start3A_337 = tpu.memref_slice %arg2[%dma_start3A_335, %dma_start3A_336] : memref<10240x128xf32, #tpu.memory_space<hbm>> -> memref<10240x128xf32, #tpu.memory_space<hbm>>
        tpu.enqueue_indirect_dma source(%dma_start3A_337 : memref<10240x128xf32, #tpu.memory_space<hbm>>) target(%arg11 : memref<128x128xf32, #tpu.memory_space<vmem>>) offsets(%arg7 : memref<128xi32, #tpu.memory_space<vmem>>) semaphore(%arg14 : memref<!tpu.dma_semaphore, #tpu.memory_space<semaphore_mem>>)
      } else {
      }
      %dma_wait3A_218 = arith.constant 0 : i32
      %dma_wait3A_219 = arith.constant 0 : i32
      %dma_wait3A_220 = tpu.memref_slice %arg2[%dma_wait3A_218, %dma_wait3A_219] : memref<10240x128xf32, #tpu.memory_space<hbm>> -> memref<10240x128xf32, #tpu.memory_space<hbm>>
      tpu.wait_indirect_dma semaphore(%arg15 : memref<!tpu.dma_semaphore, #tpu.memory_space<semaphore_mem>>) src(%dma_wait3A_220 : memref<10240x128xf32, #tpu.memory_space<hbm>>) dst(%arg12 : memref<128x128xf32, #tpu.memory_space<vmem>>)
      "tpu.region"() ({
        %run_scoped3A = tpu.sem_alloc : memref<!tpu.dma_semaphore, #tpu.memory_space<semaphore_mem>>
        %dma_start3A_221 = arith.constant 0 : i32
        %dma_start3A_222 = arith.constant 0 : i32
        %dma_start3A_223 = tpu.memref_slice %arg13[%dma_start3A_221, %dma_start3A_222] : memref<10240x128xf32, #tpu.memory_space<vmem_shared>> -> memref<10240x128xf32, #tpu.memory_space<vmem_shared>>
        tpu.enqueue_indirect_dma source(%arg12 : memref<128x128xf32, #tpu.memory_space<vmem>>) target(%dma_start3A_223 : memref<10240x128xf32, #tpu.memory_space<vmem_shared>>) offsets(%arg10 : memref<128xi32, #tpu.memory_space<vmem>>) semaphore(%run_scoped3A : memref<!tpu.dma_semaphore, #tpu.memory_space<semaphore_mem>>) {add = true}
        %dma_wait3A_224 = arith.constant 0 : i32
        %dma_wait3A_225 = arith.constant 0 : i32
        %dma_wait3A_226 = tpu.memref_slice %arg13[%dma_wait3A_224, %dma_wait3A_225] : memref<10240x128xf32, #tpu.memory_space<vmem_shared>> -> memref<10240x128xf32, #tpu.memory_space<vmem_shared>>
        tpu.wait_indirect_dma semaphore(%run_scoped3A : memref<!tpu.dma_semaphore, #tpu.memory_space<semaphore_mem>>) src(%arg12 : memref<128x128xf32, #tpu.memory_space<vmem>>) dst(%dma_wait3A_226 : memref<10240x128xf32, #tpu.memory_space<vmem_shared>>)
        tpu.yield
      }) : () -> ()
    }
    %scan3A_88 = arith.constant 40 : i32
    %barrier3A_89 = arith.constant 0 : index
    tpu.barrier barrier_id(%barrier3A_89)
    %mul3A_90 = arith.constant 640 : i32
    %mul3A_91 = arith.muli %arg1, %mul3A_90 : i32
    %mul3A_92 = arith.constant 640 : i32
    %mul3A_93 = arith.muli %arg1, %mul3A_92 : i32
    "tpu.region"() ({
      %run_scoped3A = tpu.sem_alloc : memref<!tpu.dma_semaphore, #tpu.memory_space<semaphore_mem>>
      %dma_start3A_94 = arith.constant 0 : i32
      %dma_start3A_95 = tpu.memref_slice %arg5[%arg0, %mul3A_93, %dma_start3A_94] : memref<2x10240x128xf32, #tpu.memory_space<hbm>> -> memref<1x640x128xf32, #tpu.memory_space<hbm>>
      %dma_start3A_96 = tpu.memref_squeeze %dma_start3A_95 : memref<1x640x128xf32, #tpu.memory_space<hbm>> -> memref<640x128xf32, #tpu.memory_space<hbm>>
      %dma_start3A_97 = arith.constant 0 : i32
      %dma_start3A_98 = tpu.memref_slice %arg13[%mul3A_91, %dma_start3A_97] : memref<10240x128xf32, #tpu.memory_space<vmem_shared>> -> memref<640x128xf32, #tpu.memory_space<vmem_shared>>
      tpu.enqueue_dma source(%dma_start3A_98 : memref<640x128xf32, #tpu.memory_space<vmem_shared>>) target(%dma_start3A_96 : memref<640x128xf32, #tpu.memory_space<hbm>>) target_semaphore(%run_scoped3A : memref<!tpu.dma_semaphore, #tpu.memory_space<semaphore_mem>>)
      %dma_wait3A = arith.constant 0 : i32
      %dma_wait3A_99 = tpu.memref_slice %arg5[%arg0, %mul3A_93, %dma_wait3A] : memref<2x10240x128xf32, #tpu.memory_space<hbm>> -> memref<1x640x128xf32, #tpu.memory_space<hbm>>
      %dma_wait3A_100 = tpu.memref_squeeze %dma_wait3A_99 : memref<1x640x128xf32, #tpu.memory_space<hbm>> -> memref<640x128xf32, #tpu.memory_space<hbm>>
      %dma_wait3A_101 = arith.constant 0 : i32
      %dma_wait3A_102 = tpu.memref_slice %arg13[%mul3A_91, %dma_wait3A_101] : memref<10240x128xf32, #tpu.memory_space<vmem_shared>> -> memref<640x128xf32, #tpu.memory_space<vmem_shared>>
      tpu.wait_dma2 semaphore(%run_scoped3A : memref<!tpu.dma_semaphore, #tpu.memory_space<semaphore_mem>>) src(%dma_wait3A_102 : memref<640x128xf32, #tpu.memory_space<vmem_shared>>) dst(%dma_wait3A_100 : memref<640x128xf32, #tpu.memory_space<hbm>>)
      tpu.yield
    }) : () -> ()
    return
  }
}

#map = affine_map<(d0, d1) -> (0, 0)>
#map1 = affine_map<(d0, d1) -> (0)>
module attributes {stable_mosaic.version = 14 : i64} {
  func.func @cvec(%arg0: i32, %arg1: i32, %arg2: memref<2x10240xf32, #tpu.memory_space<hbm>>, %arg3: memref<32x10240xi32, #tpu.memory_space<hbm>>, %arg4: memref<32x10240xi32, #tpu.memory_space<hbm>>, %arg5: memref<10240xf32, #tpu.memory_space<hbm>>, %arg6: memref<2x10240xf32, #tpu.memory_space<hbm>>, %arg7: memref<10240xi32, #tpu.memory_space<vmem>>, %arg8: memref<10240xi32, #tpu.memory_space<vmem>>, %arg9: memref<2x640xf32, #tpu.memory_space<vmem>>, %arg10: memref<640xf32, #tpu.memory_space<vmem>>, %arg11: memref<10240xf32, #tpu.memory_space<vmem>>, %arg12: memref<10240xf32, #tpu.memory_space<vmem>>, %arg13: memref<16x640xf32, #tpu.memory_space<vmem>>, %arg14: memref<640xf32, #tpu.memory_space<vmem>>, %arg15: memref<10240xf32, #tpu.memory_space<vmem_shared>>, %arg16: memref<16x10240xf32, #tpu.memory_space<vmem_shared>>) attributes {dimension_semantics = [#tpu.dimension_semantics<core_parallel>, #tpu.dimension_semantics<subcore_parallel>], iteration_bounds = array<i64: 2, 16>, scalar_prefetch = 0 : i64, scratch_operands = 10 : i64, tpu.core_type = #tpu.core_type<sc_vector_subcore>, window_params = [{transform_indices = #map}, {transform_indices = #map}, {transform_indices = #map}, {transform_indices = #map1}, {transform_indices = #map}]} {
    %mul3A = arith.constant 16 : i32
    %mul3A_0 = arith.muli %arg0, %mul3A : i32
    %add3A = arith.addi %mul3A_0, %arg1 : i32
    "tpu.region"() ({
      %run_scoped3A = tpu.sem_alloc : memref<!tpu.dma_semaphore, #tpu.memory_space<semaphore_mem>>
      %dma_start3A = arith.constant 0 : i32
      %dma_start3A_36 = tpu.memref_slice %arg3[%add3A, %dma_start3A] : memref<32x10240xi32, #tpu.memory_space<hbm>> -> memref<1x10240xi32, #tpu.memory_space<hbm>>
      %dma_start3A_37 = tpu.memref_squeeze %dma_start3A_36 : memref<1x10240xi32, #tpu.memory_space<hbm>> -> memref<10240xi32, #tpu.memory_space<hbm>>
      %dma_start3A_38 = arith.constant 0 : i32
      %dma_start3A_39 = tpu.memref_slice %arg3[%add3A, %dma_start3A_38] : memref<32x10240xi32, #tpu.memory_space<hbm>> -> memref<1x10240xi32, #tpu.memory_space<hbm>>
      %dma_start3A_40 = tpu.memref_squeeze %dma_start3A_39 : memref<1x10240xi32, #tpu.memory_space<hbm>> -> memref<10240xi32, #tpu.memory_space<hbm>>
      tpu.enqueue_dma source(%dma_start3A_40 : memref<10240xi32, #tpu.memory_space<hbm>>) target(%arg7 : memref<10240xi32, #tpu.memory_space<vmem>>) target_semaphore(%run_scoped3A : memref<!tpu.dma_semaphore, #tpu.memory_space<semaphore_mem>>)
      %dma_wait3A = arith.constant 0 : i32
      %dma_wait3A_41 = tpu.memref_slice %arg3[%add3A, %dma_wait3A] : memref<32x10240xi32, #tpu.memory_space<hbm>> -> memref<1x10240xi32, #tpu.memory_space<hbm>>
      %dma_wait3A_42 = tpu.memref_squeeze %dma_wait3A_41 : memref<1x10240xi32, #tpu.memory_space<hbm>> -> memref<10240xi32, #tpu.memory_space<hbm>>
      %dma_wait3A_43 = arith.constant 0 : i32
      %dma_wait3A_44 = tpu.memref_slice %arg3[%add3A, %dma_wait3A_43] : memref<32x10240xi32, #tpu.memory_space<hbm>> -> memref<1x10240xi32, #tpu.memory_space<hbm>>
      %dma_wait3A_45 = tpu.memref_squeeze %dma_wait3A_44 : memref<1x10240xi32, #tpu.memory_space<hbm>> -> memref<10240xi32, #tpu.memory_space<hbm>>
      tpu.wait_dma2 semaphore(%run_scoped3A : memref<!tpu.dma_semaphore, #tpu.memory_space<semaphore_mem>>) src(%dma_wait3A_45 : memref<10240xi32, #tpu.memory_space<hbm>>) dst(%arg7 : memref<10240xi32, #tpu.memory_space<vmem>>)
      tpu.yield
    }) : () -> ()
    "tpu.region"() ({
      %run_scoped3A = tpu.sem_alloc : memref<!tpu.dma_semaphore, #tpu.memory_space<semaphore_mem>>
      %dma_start3A = arith.constant 0 : i32
      %dma_start3A_36 = tpu.memref_slice %arg4[%add3A, %dma_start3A] : memref<32x10240xi32, #tpu.memory_space<hbm>> -> memref<1x10240xi32, #tpu.memory_space<hbm>>
      %dma_start3A_37 = tpu.memref_squeeze %dma_start3A_36 : memref<1x10240xi32, #tpu.memory_space<hbm>> -> memref<10240xi32, #tpu.memory_space<hbm>>
      %dma_start3A_38 = arith.constant 0 : i32
      %dma_start3A_39 = tpu.memref_slice %arg4[%add3A, %dma_start3A_38] : memref<32x10240xi32, #tpu.memory_space<hbm>> -> memref<1x10240xi32, #tpu.memory_space<hbm>>
      %dma_start3A_40 = tpu.memref_squeeze %dma_start3A_39 : memref<1x10240xi32, #tpu.memory_space<hbm>> -> memref<10240xi32, #tpu.memory_space<hbm>>
      tpu.enqueue_dma source(%dma_start3A_40 : memref<10240xi32, #tpu.memory_space<hbm>>) target(%arg8 : memref<10240xi32, #tpu.memory_space<vmem>>) target_semaphore(%run_scoped3A : memref<!tpu.dma_semaphore, #tpu.memory_space<semaphore_mem>>)
      %dma_wait3A = arith.constant 0 : i32
      %dma_wait3A_41 = tpu.memref_slice %arg4[%add3A, %dma_wait3A] : memref<32x10240xi32, #tpu.memory_space<hbm>> -> memref<1x10240xi32, #tpu.memory_space<hbm>>
      %dma_wait3A_42 = tpu.memref_squeeze %dma_wait3A_41 : memref<1x10240xi32, #tpu.memory_space<hbm>> -> memref<10240xi32, #tpu.memory_space<hbm>>
      %dma_wait3A_43 = arith.constant 0 : i32
      %dma_wait3A_44 = tpu.memref_slice %arg4[%add3A, %dma_wait3A_43] : memref<32x10240xi32, #tpu.memory_space<hbm>> -> memref<1x10240xi32, #tpu.memory_space<hbm>>
      %dma_wait3A_45 = tpu.memref_squeeze %dma_wait3A_44 : memref<1x10240xi32, #tpu.memory_space<hbm>> -> memref<10240xi32, #tpu.memory_space<hbm>>
      tpu.wait_dma2 semaphore(%run_scoped3A : memref<!tpu.dma_semaphore, #tpu.memory_space<semaphore_mem>>) src(%dma_wait3A_45 : memref<10240xi32, #tpu.memory_space<hbm>>) dst(%arg8 : memref<10240xi32, #tpu.memory_space<vmem>>)
      tpu.yield
    }) : () -> ()
    %mul3A_1 = arith.constant 640 : i32
    %mul3A_2 = arith.muli %arg1, %mul3A_1 : i32
    "tpu.region"() ({
      %run_scoped3A = tpu.sem_alloc : memref<!tpu.dma_semaphore, #tpu.memory_space<semaphore_mem>>
      %dma_start3A = arith.constant 0 : i32
      %dma_start3A_36 = tpu.memref_slice %arg2[%dma_start3A, %mul3A_2] : memref<2x10240xf32, #tpu.memory_space<hbm>> -> memref<2x640xf32, #tpu.memory_space<hbm>>
      %dma_start3A_37 = arith.constant 0 : i32
      %dma_start3A_38 = tpu.memref_slice %arg2[%dma_start3A_37, %mul3A_2] : memref<2x10240xf32, #tpu.memory_space<hbm>> -> memref<2x640xf32, #tpu.memory_space<hbm>>
      tpu.enqueue_dma source(%dma_start3A_38 : memref<2x640xf32, #tpu.memory_space<hbm>>) target(%arg9 : memref<2x640xf32, #tpu.memory_space<vmem>>) target_semaphore(%run_scoped3A : memref<!tpu.dma_semaphore, #tpu.memory_space<semaphore_mem>>)
      %dma_wait3A = arith.constant 0 : i32
      %dma_wait3A_39 = tpu.memref_slice %arg2[%dma_wait3A, %mul3A_2] : memref<2x10240xf32, #tpu.memory_space<hbm>> -> memref<2x640xf32, #tpu.memory_space<hbm>>
      %dma_wait3A_40 = arith.constant 0 : i32
      %dma_wait3A_41 = tpu.memref_slice %arg2[%dma_wait3A_40, %mul3A_2] : memref<2x10240xf32, #tpu.memory_space<hbm>> -> memref<2x640xf32, #tpu.memory_space<hbm>>
      tpu.wait_dma2 semaphore(%run_scoped3A : memref<!tpu.dma_semaphore, #tpu.memory_space<semaphore_mem>>) src(%dma_wait3A_41 : memref<2x640xf32, #tpu.memory_space<hbm>>) dst(%arg9 : memref<2x640xf32, #tpu.memory_space<vmem>>)
      tpu.yield
    }) : () -> ()
    %broadcast_in_dim3A = arith.constant 0.000000e+00 : f32
    %broadcast_in_dim3A_3 = vector.broadcast %broadcast_in_dim3A : f32 to vector<16xf32>
    %iota3A = tpu.iota {dimensions = array<i32: 0>} : vector<16xi32>
    %scan3A = arith.constant 0 : i32
    %scan3A_4 = arith.constant 0 : i32
    %scan3A_5 = arith.constant 40 : i32
    %scan3A_6 = arith.addi %scan3A_4, %scan3A_5 : i32
    %scan3A_7 = arith.constant 1 : i32
    scf.for %scan3A_36 = %scan3A_4 to %scan3A_6 step %scan3A_7  : i32 {
      %mul3A_37 = arith.constant 16 : i32
      %mul3A_38 = arith.muli %scan3A_36, %mul3A_37 : i32
      %get3A = arith.constant 0 : i32
      %get3A_39 = arith.index_cast %get3A : i32 to index
      %get3A_40 = arith.index_cast %mul3A_38 : i32 to index
      %get3A_41 = tpu.vector_load %arg9[%get3A_39, %get3A_40] {strides = array<i32>} : memref<2x640xf32, #tpu.memory_space<vmem>>, vector<16xf32>,
      %mul3A_42 = arith.constant 16 : i32
      %mul3A_43 = arith.muli %scan3A_36, %mul3A_42 : i32
      %get3A_44 = arith.constant 1 : i32
      %get3A_45 = arith.index_cast %get3A_44 : i32 to index
      %get3A_46 = arith.index_cast %mul3A_43 : i32 to index
      %get3A_47 = tpu.vector_load %arg9[%get3A_45, %get3A_46] {strides = array<i32>} : memref<2x640xf32, #tpu.memory_space<vmem>>, vector<16xf32>,
      %add3A_48 = arith.addf %get3A_41, %get3A_47 : vector<16xf32>
      %max3A = arith.constant 1.000000e+00 : f32
      %max3A_49 = vector.broadcast %max3A : f32 to vector<16xf32>
      %max3A_50 = arith.maximumf %add3A_48, %max3A_49 : vector<16xf32>
      %div3A = arith.constant 1.000000e+00 : f32
      %div3A_51 = vector.broadcast %div3A : f32 to vector<16xf32>
      %div3A_52 = arith.divf %div3A_51, %max3A_50 : vector<16xf32>
      %mul3A_53 = arith.constant 640 : i32
      %mul3A_54 = arith.muli %arg1, %mul3A_53 : i32
      %mul3A_55 = arith.constant 16 : i32
      %mul3A_56 = arith.muli %scan3A_36, %mul3A_55 : i32
      %add3A_57 = arith.addi %mul3A_54, %mul3A_56 : i32
      %add3A_58 = vector.broadcast %add3A_57 : i32 to vector<16xi32>
      %add3A_59 = arith.addi %add3A_58, %iota3A : vector<16xi32>
      %lt3A = arith.constant 10000 : i32
      %lt3A_60 = vector.broadcast %lt3A : i32 to vector<16xi32>
      %lt3A_61 = arith.cmpi slt, %add3A_59, %lt3A_60 : vector<16xi32>
      %jit3A = arith.constant 0.000000e+00 : f32
      %broadcast_in_dim3A_62 = vector.broadcast %jit3A : f32 to vector<16xf32>
      %select_n3A = arith.select %lt3A_61, %div3A_52, %broadcast_in_dim3A_62 : vector<16xi1>, vector<16xf32>
      %mul3A_63 = arith.constant 16 : i32
      %mul3A_64 = arith.muli %scan3A_36, %mul3A_63 : i32
      %swap3A = arith.index_cast %mul3A_64 : i32 to index
      %swap3A_65 = tpu.vector_load %arg10[%swap3A] {strides = array<i32>} : memref<640xf32, #tpu.memory_space<vmem>>, vector<16xf32>,
      tpu.vector_store %arg10[%swap3A], %select_n3A {strides = array<i32>} : memref<640xf32, #tpu.memory_space<vmem>>, vector<16xf32>,
    }
    %scan3A_8 = arith.constant 40 : i32
    %mul3A_9 = arith.constant 640 : i32
    %mul3A_10 = arith.muli %arg1, %mul3A_9 : i32
    "tpu.region"() ({
      %run_scoped3A = tpu.sem_alloc : memref<!tpu.dma_semaphore, #tpu.memory_space<semaphore_mem>>
      %dma_start3A = tpu.memref_slice %arg15[%mul3A_10] : memref<10240xf32, #tpu.memory_space<vmem_shared>> -> memref<640xf32, #tpu.memory_space<vmem_shared>>
      %dma_start3A_36 = tpu.memref_slice %arg15[%mul3A_10] : memref<10240xf32, #tpu.memory_space<vmem_shared>> -> memref<640xf32, #tpu.memory_space<vmem_shared>>
      tpu.enqueue_dma source(%arg10 : memref<640xf32, #tpu.memory_space<vmem>>) target(%dma_start3A_36 : memref<640xf32, #tpu.memory_space<vmem_shared>>) target_semaphore(%run_scoped3A : memref<!tpu.dma_semaphore, #tpu.memory_space<semaphore_mem>>)
      %dma_wait3A = tpu.memref_slice %arg15[%mul3A_10] : memref<10240xf32, #tpu.memory_space<vmem_shared>> -> memref<640xf32, #tpu.memory_space<vmem_shared>>
      %dma_wait3A_37 = tpu.memref_slice %arg15[%mul3A_10] : memref<10240xf32, #tpu.memory_space<vmem_shared>> -> memref<640xf32, #tpu.memory_space<vmem_shared>>
      tpu.wait_dma2 semaphore(%run_scoped3A : memref<!tpu.dma_semaphore, #tpu.memory_space<semaphore_mem>>) src(%arg10 : memref<640xf32, #tpu.memory_space<vmem>>) dst(%dma_wait3A_37 : memref<640xf32, #tpu.memory_space<vmem_shared>>)
      tpu.yield
    }) : () -> ()
    %eq3A = arith.constant 0 : i32
    %eq3A_11 = arith.cmpi eq, %arg0, %eq3A : i32
    %convert_element_type3A = arith.extui %eq3A_11 : i1 to i32
    %cond3A = arith.constant 0 : i32
    %cond3A_12 = arith.cmpi ne, %convert_element_type3A, %cond3A : i32
    scf.if %cond3A_12 {
      %mul3A_36 = arith.constant 640 : i32
      %mul3A_37 = arith.muli %arg1, %mul3A_36 : i32
      "tpu.region"() ({
        %run_scoped3A = tpu.sem_alloc : memref<!tpu.dma_semaphore, #tpu.memory_space<semaphore_mem>>
        %dma_start3A = tpu.memref_slice %arg5[%mul3A_37] : memref<10240xf32, #tpu.memory_space<hbm>> -> memref<640xf32, #tpu.memory_space<hbm>>
        %dma_start3A_38 = tpu.memref_slice %arg5[%mul3A_37] : memref<10240xf32, #tpu.memory_space<hbm>> -> memref<640xf32, #tpu.memory_space<hbm>>
        tpu.enqueue_dma source(%arg10 : memref<640xf32, #tpu.memory_space<vmem>>) target(%dma_start3A_38 : memref<640xf32, #tpu.memory_space<hbm>>) target_semaphore(%run_scoped3A : memref<!tpu.dma_semaphore, #tpu.memory_space<semaphore_mem>>)
        %dma_wait3A = tpu.memref_slice %arg5[%mul3A_37] : memref<10240xf32, #tpu.memory_space<hbm>> -> memref<640xf32, #tpu.memory_space<hbm>>
        %dma_wait3A_39 = tpu.memref_slice %arg5[%mul3A_37] : memref<10240xf32, #tpu.memory_space<hbm>> -> memref<640xf32, #tpu.memory_space<hbm>>
        tpu.wait_dma2 semaphore(%run_scoped3A : memref<!tpu.dma_semaphore, #tpu.memory_space<semaphore_mem>>) src(%arg10 : memref<640xf32, #tpu.memory_space<vmem>>) dst(%dma_wait3A_39 : memref<640xf32, #tpu.memory_space<hbm>>)
        tpu.yield
      }) : () -> ()
    } else {
    }
    %scan3A_13 = arith.constant 0 : i32
    %scan3A_14 = arith.constant 0 : i32
    %scan3A_15 = arith.constant 640 : i32
    %scan3A_16 = arith.addi %scan3A_14, %scan3A_15 : i32
    %scan3A_17 = arith.constant 1 : i32
    scf.for %scan3A_36 = %scan3A_14 to %scan3A_16 step %scan3A_17  : i32 {
      %mul3A_37 = arith.constant 16 : i32
      %mul3A_38 = arith.muli %scan3A_36, %mul3A_37 : i32
      %swap3A = arith.index_cast %mul3A_38 : i32 to index
      %swap3A_39 = tpu.vector_load %arg12[%swap3A] {strides = array<i32>} : memref<10240xf32, #tpu.memory_space<vmem>>, vector<16xf32>,
      tpu.vector_store %arg12[%swap3A], %broadcast_in_dim3A_3 {strides = array<i32>} : memref<10240xf32, #tpu.memory_space<vmem>>, vector<16xf32>,
    }
    %scan3A_18 = arith.constant 640 : i32
    %barrier3A = arith.constant 0 : index
    tpu.barrier barrier_id(%barrier3A)
    "tpu.region"() ({
      %run_scoped3A = tpu.sem_alloc : memref<!tpu.dma_semaphore, #tpu.memory_space<semaphore_mem>>
      tpu.enqueue_dma source(%arg15 : memref<10240xf32, #tpu.memory_space<vmem_shared>>) target(%arg11 : memref<10240xf32, #tpu.memory_space<vmem>>) target_semaphore(%run_scoped3A : memref<!tpu.dma_semaphore, #tpu.memory_space<semaphore_mem>>)
      tpu.wait_dma2 semaphore(%run_scoped3A : memref<!tpu.dma_semaphore, #tpu.memory_space<semaphore_mem>>) src(%arg15 : memref<10240xf32, #tpu.memory_space<vmem_shared>>) dst(%arg11 : memref<10240xf32, #tpu.memory_space<vmem>>)
      tpu.yield
    }) : () -> ()
    %scan3A_19 = arith.constant 0 : i32
    %scan3A_20 = arith.constant 0 : i32
    %scan3A_21 = arith.constant 640 : i32
    %scan3A_22 = arith.addi %scan3A_20, %scan3A_21 : i32
    %scan3A_23 = arith.constant 1 : i32
    scf.for %scan3A_36 = %scan3A_20 to %scan3A_22 step %scan3A_23  : i32 {
      %mul3A_37 = arith.constant 16 : i32
      %mul3A_38 = arith.muli %scan3A_36, %mul3A_37 : i32
      %get3A = arith.index_cast %mul3A_38 : i32 to index
      %get3A_39 = tpu.vector_load %arg8[%get3A] {strides = array<i32>} : memref<10240xi32, #tpu.memory_space<vmem>>, vector<16xi32>,
      %gather3A = tpu.vector_load_idx %arg11[%get3A_39] : memref<10240xf32, #tpu.memory_space<vmem>>[vector<16xi32>], vector<16xf32>,
      %mul3A_40 = arith.constant 16 : i32
      %mul3A_41 = arith.muli %scan3A_36, %mul3A_40 : i32
      %get3A_42 = arith.index_cast %mul3A_41 : i32 to index
      %get3A_43 = tpu.vector_load %arg7[%get3A_42] {strides = array<i32>} : memref<10240xi32, #tpu.memory_space<vmem>>, vector<16xi32>,
      tpu.vector_store_idx %arg12[%get3A_43], %gather3A {add = true} : memref<10240xf32, #tpu.memory_space<vmem>>[vector<16xi32>], vector<16xf32>,
    }
    %scan3A_24 = arith.constant 640 : i32
    "tpu.region"() ({
      %run_scoped3A = tpu.sem_alloc : memref<!tpu.dma_semaphore, #tpu.memory_space<semaphore_mem>>
      %dma_start3A = arith.constant 0 : i32
      %dma_start3A_36 = tpu.memref_slice %arg16[%arg1, %dma_start3A] : memref<16x10240xf32, #tpu.memory_space<vmem_shared>> -> memref<1x10240xf32, #tpu.memory_space<vmem_shared>>
      %dma_start3A_37 = tpu.memref_squeeze %dma_start3A_36 : memref<1x10240xf32, #tpu.memory_space<vmem_shared>> -> memref<10240xf32, #tpu.memory_space<vmem_shared>>
      %dma_start3A_38 = arith.constant 0 : i32
      %dma_start3A_39 = tpu.memref_slice %arg16[%arg1, %dma_start3A_38] : memref<16x10240xf32, #tpu.memory_space<vmem_shared>> -> memref<1x10240xf32, #tpu.memory_space<vmem_shared>>
      %dma_start3A_40 = tpu.memref_squeeze %dma_start3A_39 : memref<1x10240xf32, #tpu.memory_space<vmem_shared>> -> memref<10240xf32, #tpu.memory_space<vmem_shared>>
      tpu.enqueue_dma source(%arg12 : memref<10240xf32, #tpu.memory_space<vmem>>) target(%dma_start3A_40 : memref<10240xf32, #tpu.memory_space<vmem_shared>>) target_semaphore(%run_scoped3A : memref<!tpu.dma_semaphore, #tpu.memory_space<semaphore_mem>>)
      %dma_wait3A = arith.constant 0 : i32
      %dma_wait3A_41 = tpu.memref_slice %arg16[%arg1, %dma_wait3A] : memref<16x10240xf32, #tpu.memory_space<vmem_shared>> -> memref<1x10240xf32, #tpu.memory_space<vmem_shared>>
      %dma_wait3A_42 = tpu.memref_squeeze %dma_wait3A_41 : memref<1x10240xf32, #tpu.memory_space<vmem_shared>> -> memref<10240xf32, #tpu.memory_space<vmem_shared>>
      %dma_wait3A_43 = arith.constant 0 : i32
      %dma_wait3A_44 = tpu.memref_slice %arg16[%arg1, %dma_wait3A_43] : memref<16x10240xf32, #tpu.memory_space<vmem_shared>> -> memref<1x10240xf32, #tpu.memory_space<vmem_shared>>
      %dma_wait3A_45 = tpu.memref_squeeze %dma_wait3A_44 : memref<1x10240xf32, #tpu.memory_space<vmem_shared>> -> memref<10240xf32, #tpu.memory_space<vmem_shared>>
      tpu.wait_dma2 semaphore(%run_scoped3A : memref<!tpu.dma_semaphore, #tpu.memory_space<semaphore_mem>>) src(%arg12 : memref<10240xf32, #tpu.memory_space<vmem>>) dst(%dma_wait3A_45 : memref<10240xf32, #tpu.memory_space<vmem_shared>>)
      tpu.yield
    }) : () -> ()
    %barrier3A_25 = arith.constant 0 : index
    tpu.barrier barrier_id(%barrier3A_25)
    %mul3A_26 = arith.constant 640 : i32
    %mul3A_27 = arith.muli %arg1, %mul3A_26 : i32
    "tpu.region"() ({
      %run_scoped3A = tpu.sem_alloc : memref<!tpu.dma_semaphore, #tpu.memory_space<semaphore_mem>>
      %dma_start3A = arith.constant 0 : i32
      %dma_start3A_36 = tpu.memref_slice %arg16[%dma_start3A, %mul3A_27] : memref<16x10240xf32, #tpu.memory_space<vmem_shared>> -> memref<16x640xf32, #tpu.memory_space<vmem_shared>>
      %dma_start3A_37 = arith.constant 0 : i32
      %dma_start3A_38 = tpu.memref_slice %arg16[%dma_start3A_37, %mul3A_27] : memref<16x10240xf32, #tpu.memory_space<vmem_shared>> -> memref<16x640xf32, #tpu.memory_space<vmem_shared>>
      tpu.enqueue_dma source(%dma_start3A_38 : memref<16x640xf32, #tpu.memory_space<vmem_shared>>) target(%arg13 : memref<16x640xf32, #tpu.memory_space<vmem>>) target_semaphore(%run_scoped3A : memref<!tpu.dma_semaphore, #tpu.memory_space<semaphore_mem>>)
      %dma_wait3A = arith.constant 0 : i32
      %dma_wait3A_39 = tpu.memref_slice %arg16[%dma_wait3A, %mul3A_27] : memref<16x10240xf32, #tpu.memory_space<vmem_shared>> -> memref<16x640xf32, #tpu.memory_space<vmem_shared>>
      %dma_wait3A_40 = arith.constant 0 : i32
      %dma_wait3A_41 = tpu.memref_slice %arg16[%dma_wait3A_40, %mul3A_27] : memref<16x10240xf32, #tpu.memory_space<vmem_shared>> -> memref<16x640xf32, #tpu.memory_space<vmem_shared>>
      tpu.wait_dma2 semaphore(%run_scoped3A : memref<!tpu.dma_semaphore, #tpu.memory_space<semaphore_mem>>) src(%dma_wait3A_41 : memref<16x640xf32, #tpu.memory_space<vmem_shared>>) dst(%arg13 : memref<16x640xf32, #tpu.memory_space<vmem>>)
      tpu.yield
    }) : () -> ()
    %scan3A_28 = arith.constant 0 : i32
    %scan3A_29 = arith.constant 0 : i32
    %scan3A_30 = arith.constant 40 : i32
    %scan3A_31 = arith.addi %scan3A_29, %scan3A_30 : i32
    %scan3A_32 = arith.constant 1 : i32
    scf.for %scan3A_36 = %scan3A_29 to %scan3A_31 step %scan3A_32  : i32 {
      %mul3A_37 = arith.constant 16 : i32
      %mul3A_38 = arith.muli %scan3A_36, %mul3A_37 : i32
      %get3A = arith.constant 0 : i32
      %get3A_39 = arith.index_cast %get3A : i32 to index
      %get3A_40 = arith.index_cast %mul3A_38 : i32 to index
      %get3A_41 = tpu.vector_load %arg13[%get3A_39, %get3A_40] {strides = array<i32>} : memref<16x640xf32, #tpu.memory_space<vmem>>, vector<16xf32>,
      %mul3A_42 = arith.constant 16 : i32
      %mul3A_43 = arith.muli %scan3A_36, %mul3A_42 : i32
      %get3A_44 = arith.constant 1 : i32
      %get3A_45 = arith.index_cast %get3A_44 : i32 to index
      %get3A_46 = arith.index_cast %mul3A_43 : i32 to index
      %get3A_47 = tpu.vector_load %arg13[%get3A_45, %get3A_46] {strides = array<i32>} : memref<16x640xf32, #tpu.memory_space<vmem>>, vector<16xf32>,
      %add3A_48 = arith.addf %get3A_41, %get3A_47 : vector<16xf32>
      %mul3A_49 = arith.constant 16 : i32
      %mul3A_50 = arith.muli %scan3A_36, %mul3A_49 : i32
      %get3A_51 = arith.constant 2 : i32
      %get3A_52 = arith.index_cast %get3A_51 : i32 to index
      %get3A_53 = arith.index_cast %mul3A_50 : i32 to index
      %get3A_54 = tpu.vector_load %arg13[%get3A_52, %get3A_53] {strides = array<i32>} : memref<16x640xf32, #tpu.memory_space<vmem>>, vector<16xf32>,
      %add3A_55 = arith.addf %add3A_48, %get3A_54 : vector<16xf32>
      %mul3A_56 = arith.constant 16 : i32
      %mul3A_57 = arith.muli %scan3A_36, %mul3A_56 : i32
      %get3A_58 = arith.constant 3 : i32
      %get3A_59 = arith.index_cast %get3A_58 : i32 to index
      %get3A_60 = arith.index_cast %mul3A_57 : i32 to index
      %get3A_61 = tpu.vector_load %arg13[%get3A_59, %get3A_60] {strides = array<i32>} : memref<16x640xf32, #tpu.memory_space<vmem>>, vector<16xf32>,
      %add3A_62 = arith.addf %add3A_55, %get3A_61 : vector<16xf32>
      %mul3A_63 = arith.constant 16 : i32
      %mul3A_64 = arith.muli %scan3A_36, %mul3A_63 : i32
      %get3A_65 = arith.constant 4 : i32
      %get3A_66 = arith.index_cast %get3A_65 : i32 to index
      %get3A_67 = arith.index_cast %mul3A_64 : i32 to index
      %get3A_68 = tpu.vector_load %arg13[%get3A_66, %get3A_67] {strides = array<i32>} : memref<16x640xf32, #tpu.memory_space<vmem>>, vector<16xf32>,
      %add3A_69 = arith.addf %add3A_62, %get3A_68 : vector<16xf32>
      %mul3A_70 = arith.constant 16 : i32
      %mul3A_71 = arith.muli %scan3A_36, %mul3A_70 : i32
      %get3A_72 = arith.constant 5 : i32
      %get3A_73 = arith.index_cast %get3A_72 : i32 to index
      %get3A_74 = arith.index_cast %mul3A_71 : i32 to index
      %get3A_75 = tpu.vector_load %arg13[%get3A_73, %get3A_74] {strides = array<i32>} : memref<16x640xf32, #tpu.memory_space<vmem>>, vector<16xf32>,
      %add3A_76 = arith.addf %add3A_69, %get3A_75 : vector<16xf32>
      %mul3A_77 = arith.constant 16 : i32
      %mul3A_78 = arith.muli %scan3A_36, %mul3A_77 : i32
      %get3A_79 = arith.constant 6 : i32
      %get3A_80 = arith.index_cast %get3A_79 : i32 to index
      %get3A_81 = arith.index_cast %mul3A_78 : i32 to index
      %get3A_82 = tpu.vector_load %arg13[%get3A_80, %get3A_81] {strides = array<i32>} : memref<16x640xf32, #tpu.memory_space<vmem>>, vector<16xf32>,
      %add3A_83 = arith.addf %add3A_76, %get3A_82 : vector<16xf32>
      %mul3A_84 = arith.constant 16 : i32
      %mul3A_85 = arith.muli %scan3A_36, %mul3A_84 : i32
      %get3A_86 = arith.constant 7 : i32
      %get3A_87 = arith.index_cast %get3A_86 : i32 to index
      %get3A_88 = arith.index_cast %mul3A_85 : i32 to index
      %get3A_89 = tpu.vector_load %arg13[%get3A_87, %get3A_88] {strides = array<i32>} : memref<16x640xf32, #tpu.memory_space<vmem>>, vector<16xf32>,
      %add3A_90 = arith.addf %add3A_83, %get3A_89 : vector<16xf32>
      %mul3A_91 = arith.constant 16 : i32
      %mul3A_92 = arith.muli %scan3A_36, %mul3A_91 : i32
      %get3A_93 = arith.constant 8 : i32
      %get3A_94 = arith.index_cast %get3A_93 : i32 to index
      %get3A_95 = arith.index_cast %mul3A_92 : i32 to index
      %get3A_96 = tpu.vector_load %arg13[%get3A_94, %get3A_95] {strides = array<i32>} : memref<16x640xf32, #tpu.memory_space<vmem>>, vector<16xf32>,
      %add3A_97 = arith.addf %add3A_90, %get3A_96 : vector<16xf32>
      %mul3A_98 = arith.constant 16 : i32
      %mul3A_99 = arith.muli %scan3A_36, %mul3A_98 : i32
      %get3A_100 = arith.constant 9 : i32
      %get3A_101 = arith.index_cast %get3A_100 : i32 to index
      %get3A_102 = arith.index_cast %mul3A_99 : i32 to index
      %get3A_103 = tpu.vector_load %arg13[%get3A_101, %get3A_102] {strides = array<i32>} : memref<16x640xf32, #tpu.memory_space<vmem>>, vector<16xf32>,
      %add3A_104 = arith.addf %add3A_97, %get3A_103 : vector<16xf32>
      %mul3A_105 = arith.constant 16 : i32
      %mul3A_106 = arith.muli %scan3A_36, %mul3A_105 : i32
      %get3A_107 = arith.constant 10 : i32
      %get3A_108 = arith.index_cast %get3A_107 : i32 to index
      %get3A_109 = arith.index_cast %mul3A_106 : i32 to index
      %get3A_110 = tpu.vector_load %arg13[%get3A_108, %get3A_109] {strides = array<i32>} : memref<16x640xf32, #tpu.memory_space<vmem>>, vector<16xf32>,
      %add3A_111 = arith.addf %add3A_104, %get3A_110 : vector<16xf32>
      %mul3A_112 = arith.constant 16 : i32
      %mul3A_113 = arith.muli %scan3A_36, %mul3A_112 : i32
      %get3A_114 = arith.constant 11 : i32
      %get3A_115 = arith.index_cast %get3A_114 : i32 to index
      %get3A_116 = arith.index_cast %mul3A_113 : i32 to index
      %get3A_117 = tpu.vector_load %arg13[%get3A_115, %get3A_116] {strides = array<i32>} : memref<16x640xf32, #tpu.memory_space<vmem>>, vector<16xf32>,
      %add3A_118 = arith.addf %add3A_111, %get3A_117 : vector<16xf32>
      %mul3A_119 = arith.constant 16 : i32
      %mul3A_120 = arith.muli %scan3A_36, %mul3A_119 : i32
      %get3A_121 = arith.constant 12 : i32
      %get3A_122 = arith.index_cast %get3A_121 : i32 to index
      %get3A_123 = arith.index_cast %mul3A_120 : i32 to index
      %get3A_124 = tpu.vector_load %arg13[%get3A_122, %get3A_123] {strides = array<i32>} : memref<16x640xf32, #tpu.memory_space<vmem>>, vector<16xf32>,
      %add3A_125 = arith.addf %add3A_118, %get3A_124 : vector<16xf32>
      %mul3A_126 = arith.constant 16 : i32
      %mul3A_127 = arith.muli %scan3A_36, %mul3A_126 : i32
      %get3A_128 = arith.constant 13 : i32
      %get3A_129 = arith.index_cast %get3A_128 : i32 to index
      %get3A_130 = arith.index_cast %mul3A_127 : i32 to index
      %get3A_131 = tpu.vector_load %arg13[%get3A_129, %get3A_130] {strides = array<i32>} : memref<16x640xf32, #tpu.memory_space<vmem>>, vector<16xf32>,
      %add3A_132 = arith.addf %add3A_125, %get3A_131 : vector<16xf32>
      %mul3A_133 = arith.constant 16 : i32
      %mul3A_134 = arith.muli %scan3A_36, %mul3A_133 : i32
      %get3A_135 = arith.constant 14 : i32
      %get3A_136 = arith.index_cast %get3A_135 : i32 to index
      %get3A_137 = arith.index_cast %mul3A_134 : i32 to index
      %get3A_138 = tpu.vector_load %arg13[%get3A_136, %get3A_137] {strides = array<i32>} : memref<16x640xf32, #tpu.memory_space<vmem>>, vector<16xf32>,
      %add3A_139 = arith.addf %add3A_132, %get3A_138 : vector<16xf32>
      %mul3A_140 = arith.constant 16 : i32
      %mul3A_141 = arith.muli %scan3A_36, %mul3A_140 : i32
      %get3A_142 = arith.constant 15 : i32
      %get3A_143 = arith.index_cast %get3A_142 : i32 to index
      %get3A_144 = arith.index_cast %mul3A_141 : i32 to index
      %get3A_145 = tpu.vector_load %arg13[%get3A_143, %get3A_144] {strides = array<i32>} : memref<16x640xf32, #tpu.memory_space<vmem>>, vector<16xf32>,
      %add3A_146 = arith.addf %add3A_139, %get3A_145 : vector<16xf32>
      %mul3A_147 = arith.constant 16 : i32
      %mul3A_148 = arith.muli %scan3A_36, %mul3A_147 : i32
      %swap3A = arith.index_cast %mul3A_148 : i32 to index
      %swap3A_149 = tpu.vector_load %arg14[%swap3A] {strides = array<i32>} : memref<640xf32, #tpu.memory_space<vmem>>, vector<16xf32>,
      tpu.vector_store %arg14[%swap3A], %add3A_146 {strides = array<i32>} : memref<640xf32, #tpu.memory_space<vmem>>, vector<16xf32>,
    }
    %scan3A_33 = arith.constant 40 : i32
    %mul3A_34 = arith.constant 640 : i32
    %mul3A_35 = arith.muli %arg1, %mul3A_34 : i32
    "tpu.region"() ({
      %run_scoped3A = tpu.sem_alloc : memref<!tpu.dma_semaphore, #tpu.memory_space<semaphore_mem>>
      %dma_start3A = tpu.memref_slice %arg6[%arg0, %mul3A_35] : memref<2x10240xf32, #tpu.memory_space<hbm>> -> memref<1x640xf32, #tpu.memory_space<hbm>>
      %dma_start3A_36 = tpu.memref_squeeze %dma_start3A : memref<1x640xf32, #tpu.memory_space<hbm>> -> memref<640xf32, #tpu.memory_space<hbm>>
      %dma_start3A_37 = tpu.memref_slice %arg6[%arg0, %mul3A_35] : memref<2x10240xf32, #tpu.memory_space<hbm>> -> memref<1x640xf32, #tpu.memory_space<hbm>>
      %dma_start3A_38 = tpu.memref_squeeze %dma_start3A_37 : memref<1x640xf32, #tpu.memory_space<hbm>> -> memref<640xf32, #tpu.memory_space<hbm>>
      tpu.enqueue_dma source(%arg14 : memref<640xf32, #tpu.memory_space<vmem>>) target(%dma_start3A_38 : memref<640xf32, #tpu.memory_space<hbm>>) target_semaphore(%run_scoped3A : memref<!tpu.dma_semaphore, #tpu.memory_space<semaphore_mem>>)
      %dma_wait3A = tpu.memref_slice %arg6[%arg0, %mul3A_35] : memref<2x10240xf32, #tpu.memory_space<hbm>> -> memref<1x640xf32, #tpu.memory_space<hbm>>
      %dma_wait3A_39 = tpu.memref_squeeze %dma_wait3A : memref<1x640xf32, #tpu.memory_space<hbm>> -> memref<640xf32, #tpu.memory_space<hbm>>
      %dma_wait3A_40 = tpu.memref_slice %arg6[%arg0, %mul3A_35] : memref<2x10240xf32, #tpu.memory_space<hbm>> -> memref<1x640xf32, #tpu.memory_space<hbm>>
      %dma_wait3A_41 = tpu.memref_squeeze %dma_wait3A_40 : memref<1x640xf32, #tpu.memory_space<hbm>> -> memref<640xf32, #tpu.memory_space<hbm>>
      tpu.wait_dma2 semaphore(%run_scoped3A : memref<!tpu.dma_semaphore, #tpu.memory_space<semaphore_mem>>) src(%arg14 : memref<640xf32, #tpu.memory_space<vmem>>) dst(%dma_wait3A_41 : memref<640xf32, #tpu.memory_space<hbm>>)
      tpu.yield
    }) : () -> ()
    return
  }
}

#map = affine_map<(d0, d1) -> (0, 0)>
#map1 = affine_map<(d0, d1) -> (0, 0, 0)>
module attributes {stable_mosaic.version = 14 : i64} {
  func.func @agg(%arg0: i32, %arg1: i32, %arg2: memref<10240x128xf32, #tpu.memory_space<hbm>>, %arg3: memref<32x10240xi32, #tpu.memory_space<hbm>>, %arg4: memref<10240x128xf32, #tpu.memory_space<hbm>>, %arg5: memref<2x10240x128xf32, #tpu.memory_space<hbm>>, %arg6: memref<10240xi32, #tpu.memory_space<vmem>>, %arg7: memref<128xi32, #tpu.memory_space<vmem>>, %arg8: memref<128xi32, #tpu.memory_space<vmem>>, %arg9: memref<128xi32, #tpu.memory_space<vmem>>, %arg10: memref<128xi32, #tpu.memory_space<vmem>>, %arg11: memref<128x128xf32, #tpu.memory_space<vmem>>, %arg12: memref<128x128xf32, #tpu.memory_space<vmem>>, %arg13: memref<10240x128xf32, #tpu.memory_space<vmem_shared>>, %arg14: memref<!tpu.dma_semaphore, #tpu.memory_space<semaphore_mem>>, %arg15: memref<!tpu.dma_semaphore, #tpu.memory_space<semaphore_mem>>) attributes {dimension_semantics = [#tpu.dimension_semantics<core_parallel>, #tpu.dimension_semantics<subcore_parallel>], iteration_bounds = array<i64: 2, 16>, scalar_prefetch = 0 : i64, scratch_operands = 10 : i64, tpu.core_type = #tpu.core_type<sc_vector_subcore>, window_params = [{transform_indices = #map}, {transform_indices = #map}, {transform_indices = #map}, {transform_indices = #map1}]} {
    %mul3A = arith.constant 16 : i32
    %mul3A_0 = arith.muli %arg0, %mul3A : i32
    %add3A = arith.addi %mul3A_0, %arg1 : i32
    %mul3A_1 = arith.constant 640 : i32
    %mul3A_2 = arith.muli %arg1, %mul3A_1 : i32
    %mul3A_3 = arith.constant 640 : i32
    %mul3A_4 = arith.muli %arg1, %mul3A_3 : i32
    "tpu.region"() ({
      %run_scoped3A = tpu.sem_alloc : memref<!tpu.dma_semaphore, #tpu.memory_space<semaphore_mem>>
      %dma_start3A_94 = arith.constant 0 : i32
      %dma_start3A_95 = tpu.memref_slice %arg13[%mul3A_4, %dma_start3A_94] : memref<10240x128xf32, #tpu.memory_space<vmem_shared>> -> memref<640x128xf32, #tpu.memory_space<vmem_shared>>
      %dma_start3A_96 = arith.constant 0 : i32
      %dma_start3A_97 = tpu.memref_slice %arg4[%mul3A_2, %dma_start3A_96] : memref<10240x128xf32, #tpu.memory_space<hbm>> -> memref<640x128xf32, #tpu.memory_space<hbm>>
      tpu.enqueue_dma source(%dma_start3A_97 : memref<640x128xf32, #tpu.memory_space<hbm>>) target(%dma_start3A_95 : memref<640x128xf32, #tpu.memory_space<vmem_shared>>) target_semaphore(%run_scoped3A : memref<!tpu.dma_semaphore, #tpu.memory_space<semaphore_mem>>)
      %dma_wait3A = arith.constant 0 : i32
      %dma_wait3A_98 = tpu.memref_slice %arg13[%mul3A_4, %dma_wait3A] : memref<10240x128xf32, #tpu.memory_space<vmem_shared>> -> memref<640x128xf32, #tpu.memory_space<vmem_shared>>
      %dma_wait3A_99 = arith.constant 0 : i32
      %dma_wait3A_100 = tpu.memref_slice %arg4[%mul3A_2, %dma_wait3A_99] : memref<10240x128xf32, #tpu.memory_space<hbm>> -> memref<640x128xf32, #tpu.memory_space<hbm>>
      tpu.wait_dma2 semaphore(%run_scoped3A : memref<!tpu.dma_semaphore, #tpu.memory_space<semaphore_mem>>) src(%dma_wait3A_100 : memref<640x128xf32, #tpu.memory_space<hbm>>) dst(%dma_wait3A_98 : memref<640x128xf32, #tpu.memory_space<vmem_shared>>)
      tpu.yield
    }) : () -> ()
    "tpu.region"() ({
      %run_scoped3A = tpu.sem_alloc : memref<!tpu.dma_semaphore, #tpu.memory_space<semaphore_mem>>
      %dma_start3A_94 = arith.constant 0 : i32
      %dma_start3A_95 = tpu.memref_slice %arg3[%add3A, %dma_start3A_94] : memref<32x10240xi32, #tpu.memory_space<hbm>> -> memref<1x10240xi32, #tpu.memory_space<hbm>>
      %dma_start3A_96 = tpu.memref_squeeze %dma_start3A_95 : memref<1x10240xi32, #tpu.memory_space<hbm>> -> memref<10240xi32, #tpu.memory_space<hbm>>
      %dma_start3A_97 = arith.constant 0 : i32
      %dma_start3A_98 = tpu.memref_slice %arg3[%add3A, %dma_start3A_97] : memref<32x10240xi32, #tpu.memory_space<hbm>> -> memref<1x10240xi32, #tpu.memory_space<hbm>>
      %dma_start3A_99 = tpu.memref_squeeze %dma_start3A_98 : memref<1x10240xi32, #tpu.memory_space<hbm>> -> memref<10240xi32, #tpu.memory_space<hbm>>
      tpu.enqueue_dma source(%dma_start3A_99 : memref<10240xi32, #tpu.memory_space<hbm>>) target(%arg6 : memref<10240xi32, #tpu.memory_space<vmem>>) target_semaphore(%run_scoped3A : memref<!tpu.dma_semaphore, #tpu.memory_space<semaphore_mem>>)
      %dma_wait3A = arith.constant 0 : i32
      %dma_wait3A_100 = tpu.memref_slice %arg3[%add3A, %dma_wait3A] : memref<32x10240xi32, #tpu.memory_space<hbm>> -> memref<1x10240xi32, #tpu.memory_space<hbm>>
      %dma_wait3A_101 = tpu.memref_squeeze %dma_wait3A_100 : memref<1x10240xi32, #tpu.memory_space<hbm>> -> memref<10240xi32, #tpu.memory_space<hbm>>
      %dma_wait3A_102 = arith.constant 0 : i32
      %dma_wait3A_103 = tpu.memref_slice %arg3[%add3A, %dma_wait3A_102] : memref<32x10240xi32, #tpu.memory_space<hbm>> -> memref<1x10240xi32, #tpu.memory_space<hbm>>
      %dma_wait3A_104 = tpu.memref_squeeze %dma_wait3A_103 : memref<1x10240xi32, #tpu.memory_space<hbm>> -> memref<10240xi32, #tpu.memory_space<hbm>>
      tpu.wait_dma2 semaphore(%run_scoped3A : memref<!tpu.dma_semaphore, #tpu.memory_space<semaphore_mem>>) src(%dma_wait3A_104 : memref<10240xi32, #tpu.memory_space<hbm>>) dst(%arg6 : memref<10240xi32, #tpu.memory_space<vmem>>)
      tpu.yield
    }) : () -> ()
    %barrier3A = arith.constant 0 : index
    tpu.barrier barrier_id(%barrier3A)
    %broadcast_in_dim3A = arith.constant 16383 : i32
    %broadcast_in_dim3A_5 = vector.broadcast %broadcast_in_dim3A : i32 to vector<16xi32>
    %get3A = arith.constant 0 : index
    %get3A_6 = tpu.vector_load %arg6[%get3A] {strides = array<i32>} : memref<10240xi32, #tpu.memory_space<vmem>>, vector<16xi32>,
    %and3A = arith.andi %get3A_6, %broadcast_in_dim3A_5 : vector<16xi32>
    %swap3A = arith.constant 0 : index
    %swap3A_7 = tpu.vector_load %arg7[%swap3A] {strides = array<i32>} : memref<128xi32, #tpu.memory_space<vmem>>, vector<16xi32>,
    tpu.vector_store %arg7[%swap3A], %and3A {strides = array<i32>} : memref<128xi32, #tpu.memory_space<vmem>>, vector<16xi32>,
    %shift_right_logical3A = arith.constant 14 : i32
    %shift_right_logical3A_8 = vector.broadcast %shift_right_logical3A : i32 to vector<16xi32>
    %shift_right_logical3A_9 = arith.shrui %get3A_6, %shift_right_logical3A_8 : vector<16xi32>
    %swap3A_10 = arith.constant 0 : index
    %swap3A_11 = tpu.vector_load %arg8[%swap3A_10] {strides = array<i32>} : memref<128xi32, #tpu.memory_space<vmem>>, vector<16xi32>,
    tpu.vector_store %arg8[%swap3A_10], %shift_right_logical3A_9 {strides = array<i32>} : memref<128xi32, #tpu.memory_space<vmem>>, vector<16xi32>,
    %get3A_12 = arith.constant 16 : index
    %get3A_13 = tpu.vector_load %arg6[%get3A_12] {strides = array<i32>} : memref<10240xi32, #tpu.memory_space<vmem>>, vector<16xi32>,
    %and3A_14 = arith.andi %get3A_13, %broadcast_in_dim3A_5 : vector<16xi32>
    %swap3A_15 = arith.constant 16 : index
    %swap3A_16 = tpu.vector_load %arg7[%swap3A_15] {strides = array<i32>} : memref<128xi32, #tpu.memory_space<vmem>>, vector<16xi32>,
    tpu.vector_store %arg7[%swap3A_15], %and3A_14 {strides = array<i32>} : memref<128xi32, #tpu.memory_space<vmem>>, vector<16xi32>,
    %shift_right_logical3A_17 = arith.constant 14 : i32
    %shift_right_logical3A_18 = vector.broadcast %shift_right_logical3A_17 : i32 to vector<16xi32>
    %shift_right_logical3A_19 = arith.shrui %get3A_13, %shift_right_logical3A_18 : vector<16xi32>
    %swap3A_20 = arith.constant 16 : index
    %swap3A_21 = tpu.vector_load %arg8[%swap3A_20] {strides = array<i32>} : memref<128xi32, #tpu.memory_space<vmem>>, vector<16xi32>,
    tpu.vector_store %arg8[%swap3A_20], %shift_right_logical3A_19 {strides = array<i32>} : memref<128xi32, #tpu.memory_space<vmem>>, vector<16xi32>,
    %get3A_22 = arith.constant 32 : index
    %get3A_23 = tpu.vector_load %arg6[%get3A_22] {strides = array<i32>} : memref<10240xi32, #tpu.memory_space<vmem>>, vector<16xi32>,
    %and3A_24 = arith.andi %get3A_23, %broadcast_in_dim3A_5 : vector<16xi32>
    %swap3A_25 = arith.constant 32 : index
    %swap3A_26 = tpu.vector_load %arg7[%swap3A_25] {strides = array<i32>} : memref<128xi32, #tpu.memory_space<vmem>>, vector<16xi32>,
    tpu.vector_store %arg7[%swap3A_25], %and3A_24 {strides = array<i32>} : memref<128xi32, #tpu.memory_space<vmem>>, vector<16xi32>,
    %shift_right_logical3A_27 = arith.constant 14 : i32
    %shift_right_logical3A_28 = vector.broadcast %shift_right_logical3A_27 : i32 to vector<16xi32>
    %shift_right_logical3A_29 = arith.shrui %get3A_23, %shift_right_logical3A_28 : vector<16xi32>
    %swap3A_30 = arith.constant 32 : index
    %swap3A_31 = tpu.vector_load %arg8[%swap3A_30] {strides = array<i32>} : memref<128xi32, #tpu.memory_space<vmem>>, vector<16xi32>,
    tpu.vector_store %arg8[%swap3A_30], %shift_right_logical3A_29 {strides = array<i32>} : memref<128xi32, #tpu.memory_space<vmem>>, vector<16xi32>,
    %get3A_32 = arith.constant 48 : index
    %get3A_33 = tpu.vector_load %arg6[%get3A_32] {strides = array<i32>} : memref<10240xi32, #tpu.memory_space<vmem>>, vector<16xi32>,
    %and3A_34 = arith.andi %get3A_33, %broadcast_in_dim3A_5 : vector<16xi32>
    %swap3A_35 = arith.constant 48 : index
    %swap3A_36 = tpu.vector_load %arg7[%swap3A_35] {strides = array<i32>} : memref<128xi32, #tpu.memory_space<vmem>>, vector<16xi32>,
    tpu.vector_store %arg7[%swap3A_35], %and3A_34 {strides = array<i32>} : memref<128xi32, #tpu.memory_space<vmem>>, vector<16xi32>,
    %shift_right_logical3A_37 = arith.constant 14 : i32
    %shift_right_logical3A_38 = vector.broadcast %shift_right_logical3A_37 : i32 to vector<16xi32>
    %shift_right_logical3A_39 = arith.shrui %get3A_33, %shift_right_logical3A_38 : vector<16xi32>
    %swap3A_40 = arith.constant 48 : index
    %swap3A_41 = tpu.vector_load %arg8[%swap3A_40] {strides = array<i32>} : memref<128xi32, #tpu.memory_space<vmem>>, vector<16xi32>,
    tpu.vector_store %arg8[%swap3A_40], %shift_right_logical3A_39 {strides = array<i32>} : memref<128xi32, #tpu.memory_space<vmem>>, vector<16xi32>,
    %get3A_42 = arith.constant 64 : index
    %get3A_43 = tpu.vector_load %arg6[%get3A_42] {strides = array<i32>} : memref<10240xi32, #tpu.memory_space<vmem>>, vector<16xi32>,
    %and3A_44 = arith.andi %get3A_43, %broadcast_in_dim3A_5 : vector<16xi32>
    %swap3A_45 = arith.constant 64 : index
    %swap3A_46 = tpu.vector_load %arg7[%swap3A_45] {strides = array<i32>} : memref<128xi32, #tpu.memory_space<vmem>>, vector<16xi32>,
    tpu.vector_store %arg7[%swap3A_45], %and3A_44 {strides = array<i32>} : memref<128xi32, #tpu.memory_space<vmem>>, vector<16xi32>,
    %shift_right_logical3A_47 = arith.constant 14 : i32
    %shift_right_logical3A_48 = vector.broadcast %shift_right_logical3A_47 : i32 to vector<16xi32>
    %shift_right_logical3A_49 = arith.shrui %get3A_43, %shift_right_logical3A_48 : vector<16xi32>
    %swap3A_50 = arith.constant 64 : index
    %swap3A_51 = tpu.vector_load %arg8[%swap3A_50] {strides = array<i32>} : memref<128xi32, #tpu.memory_space<vmem>>, vector<16xi32>,
    tpu.vector_store %arg8[%swap3A_50], %shift_right_logical3A_49 {strides = array<i32>} : memref<128xi32, #tpu.memory_space<vmem>>, vector<16xi32>,
    %get3A_52 = arith.constant 80 : index
    %get3A_53 = tpu.vector_load %arg6[%get3A_52] {strides = array<i32>} : memref<10240xi32, #tpu.memory_space<vmem>>, vector<16xi32>,
    %and3A_54 = arith.andi %get3A_53, %broadcast_in_dim3A_5 : vector<16xi32>
    %swap3A_55 = arith.constant 80 : index
    %swap3A_56 = tpu.vector_load %arg7[%swap3A_55] {strides = array<i32>} : memref<128xi32, #tpu.memory_space<vmem>>, vector<16xi32>,
    tpu.vector_store %arg7[%swap3A_55], %and3A_54 {strides = array<i32>} : memref<128xi32, #tpu.memory_space<vmem>>, vector<16xi32>,
    %shift_right_logical3A_57 = arith.constant 14 : i32
    %shift_right_logical3A_58 = vector.broadcast %shift_right_logical3A_57 : i32 to vector<16xi32>
    %shift_right_logical3A_59 = arith.shrui %get3A_53, %shift_right_logical3A_58 : vector<16xi32>
    %swap3A_60 = arith.constant 80 : index
    %swap3A_61 = tpu.vector_load %arg8[%swap3A_60] {strides = array<i32>} : memref<128xi32, #tpu.memory_space<vmem>>, vector<16xi32>,
    tpu.vector_store %arg8[%swap3A_60], %shift_right_logical3A_59 {strides = array<i32>} : memref<128xi32, #tpu.memory_space<vmem>>, vector<16xi32>,
    %get3A_62 = arith.constant 96 : index
    %get3A_63 = tpu.vector_load %arg6[%get3A_62] {strides = array<i32>} : memref<10240xi32, #tpu.memory_space<vmem>>, vector<16xi32>,
    %and3A_64 = arith.andi %get3A_63, %broadcast_in_dim3A_5 : vector<16xi32>
    %swap3A_65 = arith.constant 96 : index
    %swap3A_66 = tpu.vector_load %arg7[%swap3A_65] {strides = array<i32>} : memref<128xi32, #tpu.memory_space<vmem>>, vector<16xi32>,
    tpu.vector_store %arg7[%swap3A_65], %and3A_64 {strides = array<i32>} : memref<128xi32, #tpu.memory_space<vmem>>, vector<16xi32>,
    %shift_right_logical3A_67 = arith.constant 14 : i32
    %shift_right_logical3A_68 = vector.broadcast %shift_right_logical3A_67 : i32 to vector<16xi32>
    %shift_right_logical3A_69 = arith.shrui %get3A_63, %shift_right_logical3A_68 : vector<16xi32>
    %swap3A_70 = arith.constant 96 : index
    %swap3A_71 = tpu.vector_load %arg8[%swap3A_70] {strides = array<i32>} : memref<128xi32, #tpu.memory_space<vmem>>, vector<16xi32>,
    tpu.vector_store %arg8[%swap3A_70], %shift_right_logical3A_69 {strides = array<i32>} : memref<128xi32, #tpu.memory_space<vmem>>, vector<16xi32>,
    %get3A_72 = arith.constant 112 : index
    %get3A_73 = tpu.vector_load %arg6[%get3A_72] {strides = array<i32>} : memref<10240xi32, #tpu.memory_space<vmem>>, vector<16xi32>,
    %and3A_74 = arith.andi %get3A_73, %broadcast_in_dim3A_5 : vector<16xi32>
    %swap3A_75 = arith.constant 112 : index
    %swap3A_76 = tpu.vector_load %arg7[%swap3A_75] {strides = array<i32>} : memref<128xi32, #tpu.memory_space<vmem>>, vector<16xi32>,
    tpu.vector_store %arg7[%swap3A_75], %and3A_74 {strides = array<i32>} : memref<128xi32, #tpu.memory_space<vmem>>, vector<16xi32>,
    %shift_right_logical3A_77 = arith.constant 14 : i32
    %shift_right_logical3A_78 = vector.broadcast %shift_right_logical3A_77 : i32 to vector<16xi32>
    %shift_right_logical3A_79 = arith.shrui %get3A_73, %shift_right_logical3A_78 : vector<16xi32>
    %swap3A_80 = arith.constant 112 : index
    %swap3A_81 = tpu.vector_load %arg8[%swap3A_80] {strides = array<i32>} : memref<128xi32, #tpu.memory_space<vmem>>, vector<16xi32>,
    tpu.vector_store %arg8[%swap3A_80], %shift_right_logical3A_79 {strides = array<i32>} : memref<128xi32, #tpu.memory_space<vmem>>, vector<16xi32>,
    %dma_start3A = arith.constant 0 : i32
    %dma_start3A_82 = arith.constant 0 : i32
    %dma_start3A_83 = tpu.memref_slice %arg2[%dma_start3A, %dma_start3A_82] : memref<10240x128xf32, #tpu.memory_space<hbm>> -> memref<10240x128xf32, #tpu.memory_space<hbm>>
    tpu.enqueue_indirect_dma source(%dma_start3A_83 : memref<10240x128xf32, #tpu.memory_space<hbm>>) target(%arg11 : memref<128x128xf32, #tpu.memory_space<vmem>>) offsets(%arg7 : memref<128xi32, #tpu.memory_space<vmem>>) semaphore(%arg14 : memref<!tpu.dma_semaphore, #tpu.memory_space<semaphore_mem>>)
    %scan3A = arith.constant 0 : i32
    %scan3A_84 = arith.constant 0 : i32
    %scan3A_85 = arith.constant 40 : i32
    %scan3A_86 = arith.addi %scan3A_84, %scan3A_85 : i32
    %scan3A_87 = arith.constant 1 : i32
    scf.for %scan3A_94 = %scan3A_84 to %scan3A_86 step %scan3A_87  : i32 {
      %mul3A_95 = arith.constant 2 : i32
      %mul3A_96 = arith.muli %mul3A_95, %scan3A_94 : i32
      %add3A_97 = arith.constant 1 : i32
      %add3A_98 = arith.addi %mul3A_96, %add3A_97 : i32
      %mul3A_99 = arith.constant 128 : i32
      %mul3A_100 = arith.muli %add3A_98, %mul3A_99 : i32
      %add3A_101 = arith.constant 0 : i32
      %add3A_102 = arith.addi %mul3A_100, %add3A_101 : i32
      %get3A_103 = arith.index_cast %add3A_102 : i32 to index
      %get3A_104 = tpu.vector_load %arg6[%get3A_103] {strides = array<i32>} : memref<10240xi32, #tpu.memory_space<vmem>>, vector<16xi32>,
      %and3A_105 = arith.andi %get3A_104, %broadcast_in_dim3A_5 : vector<16xi32>
      %swap3A_106 = arith.constant 0 : index
      %swap3A_107 = tpu.vector_load %arg9[%swap3A_106] {strides = array<i32>} : memref<128xi32, #tpu.memory_space<vmem>>, vector<16xi32>,
      tpu.vector_store %arg9[%swap3A_106], %and3A_105 {strides = array<i32>} : memref<128xi32, #tpu.memory_space<vmem>>, vector<16xi32>,
      %shift_right_logical3A_108 = arith.constant 14 : i32
      %shift_right_logical3A_109 = vector.broadcast %shift_right_logical3A_108 : i32 to vector<16xi32>
      %shift_right_logical3A_110 = arith.shrui %get3A_104, %shift_right_logical3A_109 : vector<16xi32>
      %swap3A_111 = arith.constant 0 : index
      %swap3A_112 = tpu.vector_load %arg10[%swap3A_111] {strides = array<i32>} : memref<128xi32, #tpu.memory_space<vmem>>, vector<16xi32>,
      tpu.vector_store %arg10[%swap3A_111], %shift_right_logical3A_110 {strides = array<i32>} : memref<128xi32, #tpu.memory_space<vmem>>, vector<16xi32>,
      %mul3A_113 = arith.constant 128 : i32
      %mul3A_114 = arith.muli %add3A_98, %mul3A_113 : i32
      %add3A_115 = arith.constant 16 : i32
      %add3A_116 = arith.addi %mul3A_114, %add3A_115 : i32
      %get3A_117 = arith.index_cast %add3A_116 : i32 to index
      %get3A_118 = tpu.vector_load %arg6[%get3A_117] {strides = array<i32>} : memref<10240xi32, #tpu.memory_space<vmem>>, vector<16xi32>,
      %and3A_119 = arith.andi %get3A_118, %broadcast_in_dim3A_5 : vector<16xi32>
      %swap3A_120 = arith.constant 16 : index
      %swap3A_121 = tpu.vector_load %arg9[%swap3A_120] {strides = array<i32>} : memref<128xi32, #tpu.memory_space<vmem>>, vector<16xi32>,
      tpu.vector_store %arg9[%swap3A_120], %and3A_119 {strides = array<i32>} : memref<128xi32, #tpu.memory_space<vmem>>, vector<16xi32>,
      %shift_right_logical3A_122 = arith.constant 14 : i32
      %shift_right_logical3A_123 = vector.broadcast %shift_right_logical3A_122 : i32 to vector<16xi32>
      %shift_right_logical3A_124 = arith.shrui %get3A_118, %shift_right_logical3A_123 : vector<16xi32>
      %swap3A_125 = arith.constant 16 : index
      %swap3A_126 = tpu.vector_load %arg10[%swap3A_125] {strides = array<i32>} : memref<128xi32, #tpu.memory_space<vmem>>, vector<16xi32>,
      tpu.vector_store %arg10[%swap3A_125], %shift_right_logical3A_124 {strides = array<i32>} : memref<128xi32, #tpu.memory_space<vmem>>, vector<16xi32>,
      %mul3A_127 = arith.constant 128 : i32
      %mul3A_128 = arith.muli %add3A_98, %mul3A_127 : i32
      %add3A_129 = arith.constant 32 : i32
      %add3A_130 = arith.addi %mul3A_128, %add3A_129 : i32
      %get3A_131 = arith.index_cast %add3A_130 : i32 to index
      %get3A_132 = tpu.vector_load %arg6[%get3A_131] {strides = array<i32>} : memref<10240xi32, #tpu.memory_space<vmem>>, vector<16xi32>,
      %and3A_133 = arith.andi %get3A_132, %broadcast_in_dim3A_5 : vector<16xi32>
      %swap3A_134 = arith.constant 32 : index
      %swap3A_135 = tpu.vector_load %arg9[%swap3A_134] {strides = array<i32>} : memref<128xi32, #tpu.memory_space<vmem>>, vector<16xi32>,
      tpu.vector_store %arg9[%swap3A_134], %and3A_133 {strides = array<i32>} : memref<128xi32, #tpu.memory_space<vmem>>, vector<16xi32>,
      %shift_right_logical3A_136 = arith.constant 14 : i32
      %shift_right_logical3A_137 = vector.broadcast %shift_right_logical3A_136 : i32 to vector<16xi32>
      %shift_right_logical3A_138 = arith.shrui %get3A_132, %shift_right_logical3A_137 : vector<16xi32>
      %swap3A_139 = arith.constant 32 : index
      %swap3A_140 = tpu.vector_load %arg10[%swap3A_139] {strides = array<i32>} : memref<128xi32, #tpu.memory_space<vmem>>, vector<16xi32>,
      tpu.vector_store %arg10[%swap3A_139], %shift_right_logical3A_138 {strides = array<i32>} : memref<128xi32, #tpu.memory_space<vmem>>, vector<16xi32>,
      %mul3A_141 = arith.constant 128 : i32
      %mul3A_142 = arith.muli %add3A_98, %mul3A_141 : i32
      %add3A_143 = arith.constant 48 : i32
      %add3A_144 = arith.addi %mul3A_142, %add3A_143 : i32
      %get3A_145 = arith.index_cast %add3A_144 : i32 to index
      %get3A_146 = tpu.vector_load %arg6[%get3A_145] {strides = array<i32>} : memref<10240xi32, #tpu.memory_space<vmem>>, vector<16xi32>,
      %and3A_147 = arith.andi %get3A_146, %broadcast_in_dim3A_5 : vector<16xi32>
      %swap3A_148 = arith.constant 48 : index
      %swap3A_149 = tpu.vector_load %arg9[%swap3A_148] {strides = array<i32>} : memref<128xi32, #tpu.memory_space<vmem>>, vector<16xi32>,
      tpu.vector_store %arg9[%swap3A_148], %and3A_147 {strides = array<i32>} : memref<128xi32, #tpu.memory_space<vmem>>, vector<16xi32>,
      %shift_right_logical3A_150 = arith.constant 14 : i32
      %shift_right_logical3A_151 = vector.broadcast %shift_right_logical3A_150 : i32 to vector<16xi32>
      %shift_right_logical3A_152 = arith.shrui %get3A_146, %shift_right_logical3A_151 : vector<16xi32>
      %swap3A_153 = arith.constant 48 : index
      %swap3A_154 = tpu.vector_load %arg10[%swap3A_153] {strides = array<i32>} : memref<128xi32, #tpu.memory_space<vmem>>, vector<16xi32>,
      tpu.vector_store %arg10[%swap3A_153], %shift_right_logical3A_152 {strides = array<i32>} : memref<128xi32, #tpu.memory_space<vmem>>, vector<16xi32>,
      %mul3A_155 = arith.constant 128 : i32
      %mul3A_156 = arith.muli %add3A_98, %mul3A_155 : i32
      %add3A_157 = arith.constant 64 : i32
      %add3A_158 = arith.addi %mul3A_156, %add3A_157 : i32
      %get3A_159 = arith.index_cast %add3A_158 : i32 to index
      %get3A_160 = tpu.vector_load %arg6[%get3A_159] {strides = array<i32>} : memref<10240xi32, #tpu.memory_space<vmem>>, vector<16xi32>,
      %and3A_161 = arith.andi %get3A_160, %broadcast_in_dim3A_5 : vector<16xi32>
      %swap3A_162 = arith.constant 64 : index
      %swap3A_163 = tpu.vector_load %arg9[%swap3A_162] {strides = array<i32>} : memref<128xi32, #tpu.memory_space<vmem>>, vector<16xi32>,
      tpu.vector_store %arg9[%swap3A_162], %and3A_161 {strides = array<i32>} : memref<128xi32, #tpu.memory_space<vmem>>, vector<16xi32>,
      %shift_right_logical3A_164 = arith.constant 14 : i32
      %shift_right_logical3A_165 = vector.broadcast %shift_right_logical3A_164 : i32 to vector<16xi32>
      %shift_right_logical3A_166 = arith.shrui %get3A_160, %shift_right_logical3A_165 : vector<16xi32>
      %swap3A_167 = arith.constant 64 : index
      %swap3A_168 = tpu.vector_load %arg10[%swap3A_167] {strides = array<i32>} : memref<128xi32, #tpu.memory_space<vmem>>, vector<16xi32>,
      tpu.vector_store %arg10[%swap3A_167], %shift_right_logical3A_166 {strides = array<i32>} : memref<128xi32, #tpu.memory_space<vmem>>, vector<16xi32>,
      %mul3A_169 = arith.constant 128 : i32
      %mul3A_170 = arith.muli %add3A_98, %mul3A_169 : i32
      %add3A_171 = arith.constant 80 : i32
      %add3A_172 = arith.addi %mul3A_170, %add3A_171 : i32
      %get3A_173 = arith.index_cast %add3A_172 : i32 to index
      %get3A_174 = tpu.vector_load %arg6[%get3A_173] {strides = array<i32>} : memref<10240xi32, #tpu.memory_space<vmem>>, vector<16xi32>,
      %and3A_175 = arith.andi %get3A_174, %broadcast_in_dim3A_5 : vector<16xi32>
      %swap3A_176 = arith.constant 80 : index
      %swap3A_177 = tpu.vector_load %arg9[%swap3A_176] {strides = array<i32>} : memref<128xi32, #tpu.memory_space<vmem>>, vector<16xi32>,
      tpu.vector_store %arg9[%swap3A_176], %and3A_175 {strides = array<i32>} : memref<128xi32, #tpu.memory_space<vmem>>, vector<16xi32>,
      %shift_right_logical3A_178 = arith.constant 14 : i32
      %shift_right_logical3A_179 = vector.broadcast %shift_right_logical3A_178 : i32 to vector<16xi32>
      %shift_right_logical3A_180 = arith.shrui %get3A_174, %shift_right_logical3A_179 : vector<16xi32>
      %swap3A_181 = arith.constant 80 : index
      %swap3A_182 = tpu.vector_load %arg10[%swap3A_181] {strides = array<i32>} : memref<128xi32, #tpu.memory_space<vmem>>, vector<16xi32>,
      tpu.vector_store %arg10[%swap3A_181], %shift_right_logical3A_180 {strides = array<i32>} : memref<128xi32, #tpu.memory_space<vmem>>, vector<16xi32>,
      %mul3A_183 = arith.constant 128 : i32
      %mul3A_184 = arith.muli %add3A_98, %mul3A_183 : i32
      %add3A_185 = arith.constant 96 : i32
      %add3A_186 = arith.addi %mul3A_184, %add3A_185 : i32
      %get3A_187 = arith.index_cast %add3A_186 : i32 to index
      %get3A_188 = tpu.vector_load %arg6[%get3A_187] {strides = array<i32>} : memref<10240xi32, #tpu.memory_space<vmem>>, vector<16xi32>,
      %and3A_189 = arith.andi %get3A_188, %broadcast_in_dim3A_5 : vector<16xi32>
      %swap3A_190 = arith.constant 96 : index
      %swap3A_191 = tpu.vector_load %arg9[%swap3A_190] {strides = array<i32>} : memref<128xi32, #tpu.memory_space<vmem>>, vector<16xi32>,
      tpu.vector_store %arg9[%swap3A_190], %and3A_189 {strides = array<i32>} : memref<128xi32, #tpu.memory_space<vmem>>, vector<16xi32>,
      %shift_right_logical3A_192 = arith.constant 14 : i32
      %shift_right_logical3A_193 = vector.broadcast %shift_right_logical3A_192 : i32 to vector<16xi32>
      %shift_right_logical3A_194 = arith.shrui %get3A_188, %shift_right_logical3A_193 : vector<16xi32>
      %swap3A_195 = arith.constant 96 : index
      %swap3A_196 = tpu.vector_load %arg10[%swap3A_195] {strides = array<i32>} : memref<128xi32, #tpu.memory_space<vmem>>, vector<16xi32>,
      tpu.vector_store %arg10[%swap3A_195], %shift_right_logical3A_194 {strides = array<i32>} : memref<128xi32, #tpu.memory_space<vmem>>, vector<16xi32>,
      %mul3A_197 = arith.constant 128 : i32
      %mul3A_198 = arith.muli %add3A_98, %mul3A_197 : i32
      %add3A_199 = arith.constant 112 : i32
      %add3A_200 = arith.addi %mul3A_198, %add3A_199 : i32
      %get3A_201 = arith.index_cast %add3A_200 : i32 to index
      %get3A_202 = tpu.vector_load %arg6[%get3A_201] {strides = array<i32>} : memref<10240xi32, #tpu.memory_space<vmem>>, vector<16xi32>,
      %and3A_203 = arith.andi %get3A_202, %broadcast_in_dim3A_5 : vector<16xi32>
      %swap3A_204 = arith.constant 112 : index
      %swap3A_205 = tpu.vector_load %arg9[%swap3A_204] {strides = array<i32>} : memref<128xi32, #tpu.memory_space<vmem>>, vector<16xi32>,
      tpu.vector_store %arg9[%swap3A_204], %and3A_203 {strides = array<i32>} : memref<128xi32, #tpu.memory_space<vmem>>, vector<16xi32>,
      %shift_right_logical3A_206 = arith.constant 14 : i32
      %shift_right_logical3A_207 = vector.broadcast %shift_right_logical3A_206 : i32 to vector<16xi32>
      %shift_right_logical3A_208 = arith.shrui %get3A_202, %shift_right_logical3A_207 : vector<16xi32>
      %swap3A_209 = arith.constant 112 : index
      %swap3A_210 = tpu.vector_load %arg10[%swap3A_209] {strides = array<i32>} : memref<128xi32, #tpu.memory_space<vmem>>, vector<16xi32>,
      tpu.vector_store %arg10[%swap3A_209], %shift_right_logical3A_208 {strides = array<i32>} : memref<128xi32, #tpu.memory_space<vmem>>, vector<16xi32>,
      %dma_start3A_211 = arith.constant 0 : i32
      %dma_start3A_212 = arith.constant 0 : i32
      %dma_start3A_213 = tpu.memref_slice %arg2[%dma_start3A_211, %dma_start3A_212] : memref<10240x128xf32, #tpu.memory_space<hbm>> -> memref<10240x128xf32, #tpu.memory_space<hbm>>
      tpu.enqueue_indirect_dma source(%dma_start3A_213 : memref<10240x128xf32, #tpu.memory_space<hbm>>) target(%arg12 : memref<128x128xf32, #tpu.memory_space<vmem>>) offsets(%arg9 : memref<128xi32, #tpu.memory_space<vmem>>) semaphore(%arg15 : memref<!tpu.dma_semaphore, #tpu.memory_space<semaphore_mem>>)
      %dma_wait3A = arith.constant 0 : i32
      %dma_wait3A_214 = arith.constant 0 : i32
      %dma_wait3A_215 = tpu.memref_slice %arg2[%dma_wait3A, %dma_wait3A_214] : memref<10240x128xf32, #tpu.memory_space<hbm>> -> memref<10240x128xf32, #tpu.memory_space<hbm>>
      tpu.wait_indirect_dma semaphore(%arg14 : memref<!tpu.dma_semaphore, #tpu.memory_space<semaphore_mem>>) src(%dma_wait3A_215 : memref<10240x128xf32, #tpu.memory_space<hbm>>) dst(%arg11 : memref<128x128xf32, #tpu.memory_space<vmem>>)
      "tpu.region"() ({
        %run_scoped3A = tpu.sem_alloc : memref<!tpu.dma_semaphore, #tpu.memory_space<semaphore_mem>>
        %dma_start3A_221 = arith.constant 0 : i32
        %dma_start3A_222 = arith.constant 0 : i32
        %dma_start3A_223 = tpu.memref_slice %arg13[%dma_start3A_221, %dma_start3A_222] : memref<10240x128xf32, #tpu.memory_space<vmem_shared>> -> memref<10240x128xf32, #tpu.memory_space<vmem_shared>>
        tpu.enqueue_indirect_dma source(%arg11 : memref<128x128xf32, #tpu.memory_space<vmem>>) target(%dma_start3A_223 : memref<10240x128xf32, #tpu.memory_space<vmem_shared>>) offsets(%arg8 : memref<128xi32, #tpu.memory_space<vmem>>) semaphore(%run_scoped3A : memref<!tpu.dma_semaphore, #tpu.memory_space<semaphore_mem>>) {add = true}
        %dma_wait3A_224 = arith.constant 0 : i32
        %dma_wait3A_225 = arith.constant 0 : i32
        %dma_wait3A_226 = tpu.memref_slice %arg13[%dma_wait3A_224, %dma_wait3A_225] : memref<10240x128xf32, #tpu.memory_space<vmem_shared>> -> memref<10240x128xf32, #tpu.memory_space<vmem_shared>>
        tpu.wait_indirect_dma semaphore(%run_scoped3A : memref<!tpu.dma_semaphore, #tpu.memory_space<semaphore_mem>>) src(%arg11 : memref<128x128xf32, #tpu.memory_space<vmem>>) dst(%dma_wait3A_226 : memref<10240x128xf32, #tpu.memory_space<vmem_shared>>)
        tpu.yield
      }) : () -> ()
      %lt3A = arith.constant 39 : i32
      %lt3A_216 = arith.cmpi slt, %scan3A_94, %lt3A : i32
      %convert_element_type3A = arith.extui %lt3A_216 : i1 to i32
      %cond3A = arith.constant 0 : i32
      %cond3A_217 = arith.cmpi ne, %convert_element_type3A, %cond3A : i32
      scf.if %cond3A_217 {
        %add3A_221 = arith.constant 2 : i32
        %add3A_222 = arith.addi %mul3A_96, %add3A_221 : i32
        %mul3A_223 = arith.constant 128 : i32
        %mul3A_224 = arith.muli %add3A_222, %mul3A_223 : i32
        %add3A_225 = arith.constant 0 : i32
        %add3A_226 = arith.addi %mul3A_224, %add3A_225 : i32
        %get3A_227 = arith.index_cast %add3A_226 : i32 to index
        %get3A_228 = tpu.vector_load %arg6[%get3A_227] {strides = array<i32>} : memref<10240xi32, #tpu.memory_space<vmem>>, vector<16xi32>,
        %and3A_229 = arith.andi %get3A_228, %broadcast_in_dim3A_5 : vector<16xi32>
        %swap3A_230 = arith.constant 0 : index
        %swap3A_231 = tpu.vector_load %arg7[%swap3A_230] {strides = array<i32>} : memref<128xi32, #tpu.memory_space<vmem>>, vector<16xi32>,
        tpu.vector_store %arg7[%swap3A_230], %and3A_229 {strides = array<i32>} : memref<128xi32, #tpu.memory_space<vmem>>, vector<16xi32>,
        %shift_right_logical3A_232 = arith.constant 14 : i32
        %shift_right_logical3A_233 = vector.broadcast %shift_right_logical3A_232 : i32 to vector<16xi32>
        %shift_right_logical3A_234 = arith.shrui %get3A_228, %shift_right_logical3A_233 : vector<16xi32>
        %swap3A_235 = arith.constant 0 : index
        %swap3A_236 = tpu.vector_load %arg8[%swap3A_235] {strides = array<i32>} : memref<128xi32, #tpu.memory_space<vmem>>, vector<16xi32>,
        tpu.vector_store %arg8[%swap3A_235], %shift_right_logical3A_234 {strides = array<i32>} : memref<128xi32, #tpu.memory_space<vmem>>, vector<16xi32>,
        %mul3A_237 = arith.constant 128 : i32
        %mul3A_238 = arith.muli %add3A_222, %mul3A_237 : i32
        %add3A_239 = arith.constant 16 : i32
        %add3A_240 = arith.addi %mul3A_238, %add3A_239 : i32
        %get3A_241 = arith.index_cast %add3A_240 : i32 to index
        %get3A_242 = tpu.vector_load %arg6[%get3A_241] {strides = array<i32>} : memref<10240xi32, #tpu.memory_space<vmem>>, vector<16xi32>,
        %and3A_243 = arith.andi %get3A_242, %broadcast_in_dim3A_5 : vector<16xi32>
        %swap3A_244 = arith.constant 16 : index
        %swap3A_245 = tpu.vector_load %arg7[%swap3A_244] {strides = array<i32>} : memref<128xi32, #tpu.memory_space<vmem>>, vector<16xi32>,
        tpu.vector_store %arg7[%swap3A_244], %and3A_243 {strides = array<i32>} : memref<128xi32, #tpu.memory_space<vmem>>, vector<16xi32>,
        %shift_right_logical3A_246 = arith.constant 14 : i32
        %shift_right_logical3A_247 = vector.broadcast %shift_right_logical3A_246 : i32 to vector<16xi32>
        %shift_right_logical3A_248 = arith.shrui %get3A_242, %shift_right_logical3A_247 : vector<16xi32>
        %swap3A_249 = arith.constant 16 : index
        %swap3A_250 = tpu.vector_load %arg8[%swap3A_249] {strides = array<i32>} : memref<128xi32, #tpu.memory_space<vmem>>, vector<16xi32>,
        tpu.vector_store %arg8[%swap3A_249], %shift_right_logical3A_248 {strides = array<i32>} : memref<128xi32, #tpu.memory_space<vmem>>, vector<16xi32>,
        %mul3A_251 = arith.constant 128 : i32
        %mul3A_252 = arith.muli %add3A_222, %mul3A_251 : i32
        %add3A_253 = arith.constant 32 : i32
        %add3A_254 = arith.addi %mul3A_252, %add3A_253 : i32
        %get3A_255 = arith.index_cast %add3A_254 : i32 to index
        %get3A_256 = tpu.vector_load %arg6[%get3A_255] {strides = array<i32>} : memref<10240xi32, #tpu.memory_space<vmem>>, vector<16xi32>,
        %and3A_257 = arith.andi %get3A_256, %broadcast_in_dim3A_5 : vector<16xi32>
        %swap3A_258 = arith.constant 32 : index
        %swap3A_259 = tpu.vector_load %arg7[%swap3A_258] {strides = array<i32>} : memref<128xi32, #tpu.memory_space<vmem>>, vector<16xi32>,
        tpu.vector_store %arg7[%swap3A_258], %and3A_257 {strides = array<i32>} : memref<128xi32, #tpu.memory_space<vmem>>, vector<16xi32>,
        %shift_right_logical3A_260 = arith.constant 14 : i32
        %shift_right_logical3A_261 = vector.broadcast %shift_right_logical3A_260 : i32 to vector<16xi32>
        %shift_right_logical3A_262 = arith.shrui %get3A_256, %shift_right_logical3A_261 : vector<16xi32>
        %swap3A_263 = arith.constant 32 : index
        %swap3A_264 = tpu.vector_load %arg8[%swap3A_263] {strides = array<i32>} : memref<128xi32, #tpu.memory_space<vmem>>, vector<16xi32>,
        tpu.vector_store %arg8[%swap3A_263], %shift_right_logical3A_262 {strides = array<i32>} : memref<128xi32, #tpu.memory_space<vmem>>, vector<16xi32>,
        %mul3A_265 = arith.constant 128 : i32
        %mul3A_266 = arith.muli %add3A_222, %mul3A_265 : i32
        %add3A_267 = arith.constant 48 : i32
        %add3A_268 = arith.addi %mul3A_266, %add3A_267 : i32
        %get3A_269 = arith.index_cast %add3A_268 : i32 to index
        %get3A_270 = tpu.vector_load %arg6[%get3A_269] {strides = array<i32>} : memref<10240xi32, #tpu.memory_space<vmem>>, vector<16xi32>,
        %and3A_271 = arith.andi %get3A_270, %broadcast_in_dim3A_5 : vector<16xi32>
        %swap3A_272 = arith.constant 48 : index
        %swap3A_273 = tpu.vector_load %arg7[%swap3A_272] {strides = array<i32>} : memref<128xi32, #tpu.memory_space<vmem>>, vector<16xi32>,
        tpu.vector_store %arg7[%swap3A_272], %and3A_271 {strides = array<i32>} : memref<128xi32, #tpu.memory_space<vmem>>, vector<16xi32>,
        %shift_right_logical3A_274 = arith.constant 14 : i32
        %shift_right_logical3A_275 = vector.broadcast %shift_right_logical3A_274 : i32 to vector<16xi32>
        %shift_right_logical3A_276 = arith.shrui %get3A_270, %shift_right_logical3A_275 : vector<16xi32>
        %swap3A_277 = arith.constant 48 : index
        %swap3A_278 = tpu.vector_load %arg8[%swap3A_277] {strides = array<i32>} : memref<128xi32, #tpu.memory_space<vmem>>, vector<16xi32>,
        tpu.vector_store %arg8[%swap3A_277], %shift_right_logical3A_276 {strides = array<i32>} : memref<128xi32, #tpu.memory_space<vmem>>, vector<16xi32>,
        %mul3A_279 = arith.constant 128 : i32
        %mul3A_280 = arith.muli %add3A_222, %mul3A_279 : i32
        %add3A_281 = arith.constant 64 : i32
        %add3A_282 = arith.addi %mul3A_280, %add3A_281 : i32
        %get3A_283 = arith.index_cast %add3A_282 : i32 to index
        %get3A_284 = tpu.vector_load %arg6[%get3A_283] {strides = array<i32>} : memref<10240xi32, #tpu.memory_space<vmem>>, vector<16xi32>,
        %and3A_285 = arith.andi %get3A_284, %broadcast_in_dim3A_5 : vector<16xi32>
        %swap3A_286 = arith.constant 64 : index
        %swap3A_287 = tpu.vector_load %arg7[%swap3A_286] {strides = array<i32>} : memref<128xi32, #tpu.memory_space<vmem>>, vector<16xi32>,
        tpu.vector_store %arg7[%swap3A_286], %and3A_285 {strides = array<i32>} : memref<128xi32, #tpu.memory_space<vmem>>, vector<16xi32>,
        %shift_right_logical3A_288 = arith.constant 14 : i32
        %shift_right_logical3A_289 = vector.broadcast %shift_right_logical3A_288 : i32 to vector<16xi32>
        %shift_right_logical3A_290 = arith.shrui %get3A_284, %shift_right_logical3A_289 : vector<16xi32>
        %swap3A_291 = arith.constant 64 : index
        %swap3A_292 = tpu.vector_load %arg8[%swap3A_291] {strides = array<i32>} : memref<128xi32, #tpu.memory_space<vmem>>, vector<16xi32>,
        tpu.vector_store %arg8[%swap3A_291], %shift_right_logical3A_290 {strides = array<i32>} : memref<128xi32, #tpu.memory_space<vmem>>, vector<16xi32>,
        %mul3A_293 = arith.constant 128 : i32
        %mul3A_294 = arith.muli %add3A_222, %mul3A_293 : i32
        %add3A_295 = arith.constant 80 : i32
        %add3A_296 = arith.addi %mul3A_294, %add3A_295 : i32
        %get3A_297 = arith.index_cast %add3A_296 : i32 to index
        %get3A_298 = tpu.vector_load %arg6[%get3A_297] {strides = array<i32>} : memref<10240xi32, #tpu.memory_space<vmem>>, vector<16xi32>,
        %and3A_299 = arith.andi %get3A_298, %broadcast_in_dim3A_5 : vector<16xi32>
        %swap3A_300 = arith.constant 80 : index
        %swap3A_301 = tpu.vector_load %arg7[%swap3A_300] {strides = array<i32>} : memref<128xi32, #tpu.memory_space<vmem>>, vector<16xi32>,
        tpu.vector_store %arg7[%swap3A_300], %and3A_299 {strides = array<i32>} : memref<128xi32, #tpu.memory_space<vmem>>, vector<16xi32>,
        %shift_right_logical3A_302 = arith.constant 14 : i32
        %shift_right_logical3A_303 = vector.broadcast %shift_right_logical3A_302 : i32 to vector<16xi32>
        %shift_right_logical3A_304 = arith.shrui %get3A_298, %shift_right_logical3A_303 : vector<16xi32>
        %swap3A_305 = arith.constant 80 : index
        %swap3A_306 = tpu.vector_load %arg8[%swap3A_305] {strides = array<i32>} : memref<128xi32, #tpu.memory_space<vmem>>, vector<16xi32>,
        tpu.vector_store %arg8[%swap3A_305], %shift_right_logical3A_304 {strides = array<i32>} : memref<128xi32, #tpu.memory_space<vmem>>, vector<16xi32>,
        %mul3A_307 = arith.constant 128 : i32
        %mul3A_308 = arith.muli %add3A_222, %mul3A_307 : i32
        %add3A_309 = arith.constant 96 : i32
        %add3A_310 = arith.addi %mul3A_308, %add3A_309 : i32
        %get3A_311 = arith.index_cast %add3A_310 : i32 to index
        %get3A_312 = tpu.vector_load %arg6[%get3A_311] {strides = array<i32>} : memref<10240xi32, #tpu.memory_space<vmem>>, vector<16xi32>,
        %and3A_313 = arith.andi %get3A_312, %broadcast_in_dim3A_5 : vector<16xi32>
        %swap3A_314 = arith.constant 96 : index
        %swap3A_315 = tpu.vector_load %arg7[%swap3A_314] {strides = array<i32>} : memref<128xi32, #tpu.memory_space<vmem>>, vector<16xi32>,
        tpu.vector_store %arg7[%swap3A_314], %and3A_313 {strides = array<i32>} : memref<128xi32, #tpu.memory_space<vmem>>, vector<16xi32>,
        %shift_right_logical3A_316 = arith.constant 14 : i32
        %shift_right_logical3A_317 = vector.broadcast %shift_right_logical3A_316 : i32 to vector<16xi32>
        %shift_right_logical3A_318 = arith.shrui %get3A_312, %shift_right_logical3A_317 : vector<16xi32>
        %swap3A_319 = arith.constant 96 : index
        %swap3A_320 = tpu.vector_load %arg8[%swap3A_319] {strides = array<i32>} : memref<128xi32, #tpu.memory_space<vmem>>, vector<16xi32>,
        tpu.vector_store %arg8[%swap3A_319], %shift_right_logical3A_318 {strides = array<i32>} : memref<128xi32, #tpu.memory_space<vmem>>, vector<16xi32>,
        %mul3A_321 = arith.constant 128 : i32
        %mul3A_322 = arith.muli %add3A_222, %mul3A_321 : i32
        %add3A_323 = arith.constant 112 : i32
        %add3A_324 = arith.addi %mul3A_322, %add3A_323 : i32
        %get3A_325 = arith.index_cast %add3A_324 : i32 to index
        %get3A_326 = tpu.vector_load %arg6[%get3A_325] {strides = array<i32>} : memref<10240xi32, #tpu.memory_space<vmem>>, vector<16xi32>,
        %and3A_327 = arith.andi %get3A_326, %broadcast_in_dim3A_5 : vector<16xi32>
        %swap3A_328 = arith.constant 112 : index
        %swap3A_329 = tpu.vector_load %arg7[%swap3A_328] {strides = array<i32>} : memref<128xi32, #tpu.memory_space<vmem>>, vector<16xi32>,
        tpu.vector_store %arg7[%swap3A_328], %and3A_327 {strides = array<i32>} : memref<128xi32, #tpu.memory_space<vmem>>, vector<16xi32>,
        %shift_right_logical3A_330 = arith.constant 14 : i32
        %shift_right_logical3A_331 = vector.broadcast %shift_right_logical3A_330 : i32 to vector<16xi32>
        %shift_right_logical3A_332 = arith.shrui %get3A_326, %shift_right_logical3A_331 : vector<16xi32>
        %swap3A_333 = arith.constant 112 : index
        %swap3A_334 = tpu.vector_load %arg8[%swap3A_333] {strides = array<i32>} : memref<128xi32, #tpu.memory_space<vmem>>, vector<16xi32>,
        tpu.vector_store %arg8[%swap3A_333], %shift_right_logical3A_332 {strides = array<i32>} : memref<128xi32, #tpu.memory_space<vmem>>, vector<16xi32>,
        %dma_start3A_335 = arith.constant 0 : i32
        %dma_start3A_336 = arith.constant 0 : i32
        %dma_start3A_337 = tpu.memref_slice %arg2[%dma_start3A_335, %dma_start3A_336] : memref<10240x128xf32, #tpu.memory_space<hbm>> -> memref<10240x128xf32, #tpu.memory_space<hbm>>
        tpu.enqueue_indirect_dma source(%dma_start3A_337 : memref<10240x128xf32, #tpu.memory_space<hbm>>) target(%arg11 : memref<128x128xf32, #tpu.memory_space<vmem>>) offsets(%arg7 : memref<128xi32, #tpu.memory_space<vmem>>) semaphore(%arg14 : memref<!tpu.dma_semaphore, #tpu.memory_space<semaphore_mem>>)
      } else {
      }
      %dma_wait3A_218 = arith.constant 0 : i32
      %dma_wait3A_219 = arith.constant 0 : i32
      %dma_wait3A_220 = tpu.memref_slice %arg2[%dma_wait3A_218, %dma_wait3A_219] : memref<10240x128xf32, #tpu.memory_space<hbm>> -> memref<10240x128xf32, #tpu.memory_space<hbm>>
      tpu.wait_indirect_dma semaphore(%arg15 : memref<!tpu.dma_semaphore, #tpu.memory_space<semaphore_mem>>) src(%dma_wait3A_220 : memref<10240x128xf32, #tpu.memory_space<hbm>>) dst(%arg12 : memref<128x128xf32, #tpu.memory_space<vmem>>)
      "tpu.region"() ({
        %run_scoped3A = tpu.sem_alloc : memref<!tpu.dma_semaphore, #tpu.memory_space<semaphore_mem>>
        %dma_start3A_221 = arith.constant 0 : i32
        %dma_start3A_222 = arith.constant 0 : i32
        %dma_start3A_223 = tpu.memref_slice %arg13[%dma_start3A_221, %dma_start3A_222] : memref<10240x128xf32, #tpu.memory_space<vmem_shared>> -> memref<10240x128xf32, #tpu.memory_space<vmem_shared>>
        tpu.enqueue_indirect_dma source(%arg12 : memref<128x128xf32, #tpu.memory_space<vmem>>) target(%dma_start3A_223 : memref<10240x128xf32, #tpu.memory_space<vmem_shared>>) offsets(%arg10 : memref<128xi32, #tpu.memory_space<vmem>>) semaphore(%run_scoped3A : memref<!tpu.dma_semaphore, #tpu.memory_space<semaphore_mem>>) {add = true}
        %dma_wait3A_224 = arith.constant 0 : i32
        %dma_wait3A_225 = arith.constant 0 : i32
        %dma_wait3A_226 = tpu.memref_slice %arg13[%dma_wait3A_224, %dma_wait3A_225] : memref<10240x128xf32, #tpu.memory_space<vmem_shared>> -> memref<10240x128xf32, #tpu.memory_space<vmem_shared>>
        tpu.wait_indirect_dma semaphore(%run_scoped3A : memref<!tpu.dma_semaphore, #tpu.memory_space<semaphore_mem>>) src(%arg12 : memref<128x128xf32, #tpu.memory_space<vmem>>) dst(%dma_wait3A_226 : memref<10240x128xf32, #tpu.memory_space<vmem_shared>>)
        tpu.yield
      }) : () -> ()
    }
    %scan3A_88 = arith.constant 40 : i32
    %barrier3A_89 = arith.constant 0 : index
    tpu.barrier barrier_id(%barrier3A_89)
    %mul3A_90 = arith.constant 640 : i32
    %mul3A_91 = arith.muli %arg1, %mul3A_90 : i32
    %mul3A_92 = arith.constant 640 : i32
    %mul3A_93 = arith.muli %arg1, %mul3A_92 : i32
    "tpu.region"() ({
      %run_scoped3A = tpu.sem_alloc : memref<!tpu.dma_semaphore, #tpu.memory_space<semaphore_mem>>
      %dma_start3A_94 = arith.constant 0 : i32
      %dma_start3A_95 = tpu.memref_slice %arg5[%arg0, %mul3A_93, %dma_start3A_94] : memref<2x10240x128xf32, #tpu.memory_space<hbm>> -> memref<1x640x128xf32, #tpu.memory_space<hbm>>
      %dma_start3A_96 = tpu.memref_squeeze %dma_start3A_95 : memref<1x640x128xf32, #tpu.memory_space<hbm>> -> memref<640x128xf32, #tpu.memory_space<hbm>>
      %dma_start3A_97 = arith.constant 0 : i32
      %dma_start3A_98 = tpu.memref_slice %arg13[%mul3A_91, %dma_start3A_97] : memref<10240x128xf32, #tpu.memory_space<vmem_shared>> -> memref<640x128xf32, #tpu.memory_space<vmem_shared>>
      tpu.enqueue_dma source(%dma_start3A_98 : memref<640x128xf32, #tpu.memory_space<vmem_shared>>) target(%dma_start3A_96 : memref<640x128xf32, #tpu.memory_space<hbm>>) target_semaphore(%run_scoped3A : memref<!tpu.dma_semaphore, #tpu.memory_space<semaphore_mem>>)
      %dma_wait3A = arith.constant 0 : i32
      %dma_wait3A_99 = tpu.memref_slice %arg5[%arg0, %mul3A_93, %dma_wait3A] : memref<2x10240x128xf32, #tpu.memory_space<hbm>> -> memref<1x640x128xf32, #tpu.memory_space<hbm>>
      %dma_wait3A_100 = tpu.memref_squeeze %dma_wait3A_99 : memref<1x640x128xf32, #tpu.memory_space<hbm>> -> memref<640x128xf32, #tpu.memory_space<hbm>>
      %dma_wait3A_101 = arith.constant 0 : i32
      %dma_wait3A_102 = tpu.memref_slice %arg13[%mul3A_91, %dma_wait3A_101] : memref<10240x128xf32, #tpu.memory_space<vmem_shared>> -> memref<640x128xf32, #tpu.memory_space<vmem_shared>>
      tpu.wait_dma2 semaphore(%run_scoped3A : memref<!tpu.dma_semaphore, #tpu.memory_space<semaphore_mem>>) src(%dma_wait3A_102 : memref<640x128xf32, #tpu.memory_space<vmem_shared>>) dst(%dma_wait3A_100 : memref<640x128xf32, #tpu.memory_space<hbm>>)
      tpu.yield
    }) : () -> ()
    return
  }
}

module attributes {stable_mosaic.version = 14 : i64} {
  func.func @_combine_body(%arg0: i32, %arg1: memref<2560x128xf32, #tpu.memory_space<vmem>>, %arg2: memref<2x2560x128xf32, #tpu.memory_space<vmem>>, %arg3: memref<2560x128xf32, #tpu.memory_space<vmem>>, %arg4: memref<128x128xf32, #tpu.memory_space<vmem>>, %arg5: memref<128x128xf32, #tpu.memory_space<vmem>>, %arg6: memref<1x128xf32, #tpu.memory_space<vmem>>, %arg7: memref<2560x128xf32, #tpu.memory_space<vmem>>) attributes {dimension_semantics = [#tpu.dimension_semantics<arbitrary>], iteration_bounds = array<i64: 4>, scalar_prefetch = 0 : i64, scratch_operands = 0 : i64, tpu.core_type = #tpu.core_type<tc>, window_params = [{transform_indices = @transform_0, window_bounds = array<i64: 2560, 128>}, {transform_indices = @transform_1, window_bounds = array<i64: 2, 2560, 128>}, {transform_indices = @transform_2, window_bounds = array<i64: 2560, 128>}, {pipeline_mode = #tpu.pipeline_mode<synchronous>, transform_indices = @transform_3, window_bounds = array<i64: 128, 128>}, {pipeline_mode = #tpu.pipeline_mode<synchronous>, transform_indices = @transform_4, window_bounds = array<i64: 128, 128>}, {pipeline_mode = #tpu.pipeline_mode<synchronous>, transform_indices = @transform_5, window_bounds = array<i64: 1, 128>}, {transform_indices = @transform_6, window_bounds = array<i64: 2560, 128>}]} {
    %get3A = arith.constant 0 : index
    %get3A_0 = arith.constant 0 : index
    %get3A_1 = arith.constant 0 : index
    %get3A_2 = vector.load %arg2[%get3A, %get3A_0, %get3A_1] : memref<2x2560x128xf32, #tpu.memory_space<vmem>>, vector<1x2560x128xf32>
    %get3A_3 = vector.shape_cast %get3A_2 : vector<1x2560x128xf32> to vector<2560x128xf32>
    %get3A_4 = arith.constant 1 : index
    %get3A_5 = arith.constant 0 : index
    %get3A_6 = arith.constant 0 : index
    %get3A_7 = vector.load %arg2[%get3A_4, %get3A_5, %get3A_6] : memref<2x2560x128xf32, #tpu.memory_space<vmem>>, vector<1x2560x128xf32>
    %get3A_8 = vector.shape_cast %get3A_7 : vector<1x2560x128xf32> to vector<2560x128xf32>
    %add3A = arith.addf %get3A_3, %get3A_8 : vector<2560x128xf32>
    %get3A_9 = arith.constant 0 : index
    %get3A_10 = arith.constant 0 : index
    %get3A_11 = vector.load %arg3[%get3A_9, %get3A_10] : memref<2560x128xf32, #tpu.memory_space<vmem>>, vector<2560x128xf32>
    %mul3A = arith.mulf %add3A, %get3A_11 : vector<2560x128xf32>
    %get3A_12 = arith.constant 0 : index
    %get3A_13 = arith.constant 0 : index
    %get3A_14 = vector.load %arg4[%get3A_12, %get3A_13] : memref<128x128xf32, #tpu.memory_space<vmem>>, vector<128x128xf32>
    %dot_general3A = arith.constant dense<0.000000e+00> : vector<2560x128xf32>
    %dot_general3A_15 = tpu.matmul %mul3A, %get3A_14, %dot_general3A {dimension_numbers = #tpu.dot_dimension_numbers<[1], [0], [0], [1], [0, 0, 1, 1], [], []>, transpose_lhs_hint = false} : vector<2560x128xf32>, vector<128x128xf32>, vector<2560x128xf32> -> vector<2560x128xf32>
    %get3A_16 = arith.constant 0 : index
    %get3A_17 = arith.constant 0 : index
    %get3A_18 = vector.load %arg1[%get3A_16, %get3A_17] : memref<2560x128xf32, #tpu.memory_space<vmem>>, vector<2560x128xf32>
    %get3A_19 = arith.constant 0 : index
    %get3A_20 = arith.constant 0 : index
    %get3A_21 = vector.load %arg5[%get3A_19, %get3A_20] : memref<128x128xf32, #tpu.memory_space<vmem>>, vector<128x128xf32>
    %dot_general3A_22 = arith.constant dense<0.000000e+00> : vector<2560x128xf32>
    %dot_general3A_23 = tpu.matmul %get3A_18, %get3A_21, %dot_general3A_22 {dimension_numbers = #tpu.dot_dimension_numbers<[1], [0], [0], [1], [0, 0, 1, 1], [], []>, transpose_lhs_hint = false} : vector<2560x128xf32>, vector<128x128xf32>, vector<2560x128xf32> -> vector<2560x128xf32>
    %add3A_24 = arith.addf %dot_general3A_23, %dot_general3A_15 : vector<2560x128xf32>
    %get3A_25 = arith.constant 0 : index
    %get3A_26 = arith.constant 0 : index
    %get3A_27 = vector.load %arg6[%get3A_25, %get3A_26] : memref<1x128xf32, #tpu.memory_space<vmem>>, vector<1x128xf32>
    %add3A_28 = vector.broadcast %get3A_27 : vector<1x128xf32> to vector<2560x128xf32>
    %add3A_29 = arith.addf %add3A_24, %add3A_28 : vector<2560x128xf32>
    %max3A = arith.constant 0.000000e+00 : f32
    %max3A_30 = vector.broadcast %max3A : f32 to vector<2560x128xf32>
    %max3A_31 = arith.maximumf %add3A_29, %max3A_30 : vector<2560x128xf32>
    %swap3A = arith.constant 0 : index
    %swap3A_32 = arith.constant 0 : index
    %swap3A_33 = vector.load %arg7[%swap3A, %swap3A_32] : memref<2560x128xf32, #tpu.memory_space<vmem>>, vector<2560x128xf32>
    tpu.vector_store %arg7[%swap3A, %swap3A_32], %max3A_31 {strides = array<i32>} : memref<2560x128xf32, #tpu.memory_space<vmem>>, vector<2560x128xf32>,
    return
  }
  func.func @transform_0(%arg0: i32) -> (i32, i32) {
    %c0_i32 = arith.constant 0 : i32
    %c0_i32_0 = arith.constant 0 : i32
    return %arg0, %c0_i32 : i32, i32
  }
  func.func @transform_1(%arg0: i32) -> (i32, i32, i32) {
    %c0_i32 = arith.constant 0 : i32
    %c0_i32_0 = arith.constant 0 : i32
    %c0_i32_1 = arith.constant 0 : i32
    return %c0_i32, %arg0, %c0_i32_0 : i32, i32, i32
  }
  func.func @transform_2(%arg0: i32) -> (i32, i32) {
    %c0_i32 = arith.constant 0 : i32
    %c0_i32_0 = arith.constant 0 : i32
    return %arg0, %c0_i32 : i32, i32
  }
  func.func @transform_3(%arg0: i32) -> (i32, i32) {
    %c0_i32 = arith.constant 0 : i32
    %c0_i32_0 = arith.constant 0 : i32
    %c0_i32_1 = arith.constant 0 : i32
    return %c0_i32, %c0_i32_0 : i32, i32
  }
  func.func @transform_4(%arg0: i32) -> (i32, i32) {
    %c0_i32 = arith.constant 0 : i32
    %c0_i32_0 = arith.constant 0 : i32
    %c0_i32_1 = arith.constant 0 : i32
    return %c0_i32, %c0_i32_0 : i32, i32
  }
  func.func @transform_5(%arg0: i32) -> (i32, i32) {
    %c0_i32 = arith.constant 0 : i32
    %c0_i32_0 = arith.constant 0 : i32
    %c0_i32_1 = arith.constant 0 : i32
    return %c0_i32, %c0_i32_0 : i32, i32
  }
  func.func @transform_6(%arg0: i32) -> (i32, i32) {
    %c0_i32 = arith.constant 0 : i32
    %c0_i32_0 = arith.constant 0 : i32
    return %arg0, %c0_i32 : i32, i32
  }
}

module attributes {stable_mosaic.version = 14 : i64} {
  func.func @_readout_body(%arg0: i32, %arg1: memref<2560x128xf32, #tpu.memory_space<vmem>>, %arg2: memref<2x2560x128xf32, #tpu.memory_space<vmem>>, %arg3: memref<2560x128xf32, #tpu.memory_space<vmem>>, %arg4: memref<128x128xf32, #tpu.memory_space<vmem>>, %arg5: memref<128x128xf32, #tpu.memory_space<vmem>>, %arg6: memref<1x128xf32, #tpu.memory_space<vmem>>, %arg7: memref<2x2560xf32, #tpu.memory_space<vmem>>, %arg8: memref<128x16xf32, #tpu.memory_space<vmem>>, %arg9: memref<128x16xf32, #tpu.memory_space<vmem>>, %arg10: memref<1x16xf32, #tpu.memory_space<vmem>>, %arg11: memref<1x128xf32, #tpu.memory_space<vmem>>, %arg12: memref<1x128xf32, #tpu.memory_space<vmem>>, %arg13: memref<1x16xf32, #tpu.memory_space<vmem>>) attributes {dimension_semantics = [#tpu.dimension_semantics<arbitrary>], iteration_bounds = array<i64: 4>, scalar_prefetch = 0 : i64, scratch_operands = 0 : i64, tpu.core_type = #tpu.core_type<tc>, window_params = [{transform_indices = @transform_0, window_bounds = array<i64: 2560, 128>}, {transform_indices = @transform_1, window_bounds = array<i64: 2, 2560, 128>}, {transform_indices = @transform_2, window_bounds = array<i64: 2560, 128>}, {pipeline_mode = #tpu.pipeline_mode<synchronous>, transform_indices = @transform_3, window_bounds = array<i64: 128, 128>}, {pipeline_mode = #tpu.pipeline_mode<synchronous>, transform_indices = @transform_4, window_bounds = array<i64: 128, 128>}, {pipeline_mode = #tpu.pipeline_mode<synchronous>, transform_indices = @transform_5, window_bounds = array<i64: 1, 128>}, {transform_indices = @transform_6, window_bounds = array<i64: 2, 2560>}, {pipeline_mode = #tpu.pipeline_mode<synchronous>, transform_indices = @transform_7, window_bounds = array<i64: 128, 16>}, {pipeline_mode = #tpu.pipeline_mode<synchronous>, transform_indices = @transform_8, window_bounds = array<i64: 128, 16>}, {pipeline_mode = #tpu.pipeline_mode<synchronous>, transform_indices = @transform_9, window_bounds = array<i64: 1, 16>}, {pipeline_mode = #tpu.pipeline_mode<synchronous>, transform_indices = @transform_10, window_bounds = array<i64: 1, 128>}, {pipeline_mode = #tpu.pipeline_mode<synchronous>, transform_indices = @transform_11, window_bounds = array<i64: 1, 128>}, {pipeline_mode = #tpu.pipeline_mode<synchronous>, transform_indices = @transform_12, window_bounds = array<i64: 1, 16>}]} {
    %get3A = arith.constant 0 : index
    %get3A_0 = arith.constant 0 : index
    %get3A_1 = arith.constant 0 : index
    %get3A_2 = vector.load %arg2[%get3A, %get3A_0, %get3A_1] : memref<2x2560x128xf32, #tpu.memory_space<vmem>>, vector<1x2560x128xf32>
    %get3A_3 = vector.shape_cast %get3A_2 : vector<1x2560x128xf32> to vector<2560x128xf32>
    %get3A_4 = arith.constant 1 : index
    %get3A_5 = arith.constant 0 : index
    %get3A_6 = arith.constant 0 : index
    %get3A_7 = vector.load %arg2[%get3A_4, %get3A_5, %get3A_6] : memref<2x2560x128xf32, #tpu.memory_space<vmem>>, vector<1x2560x128xf32>
    %get3A_8 = vector.shape_cast %get3A_7 : vector<1x2560x128xf32> to vector<2560x128xf32>
    %add3A = arith.addf %get3A_3, %get3A_8 : vector<2560x128xf32>
    %get3A_9 = arith.constant 0 : index
    %get3A_10 = arith.constant 0 : index
    %get3A_11 = vector.load %arg3[%get3A_9, %get3A_10] : memref<2560x128xf32, #tpu.memory_space<vmem>>, vector<2560x128xf32>
    %mul3A = arith.mulf %add3A, %get3A_11 : vector<2560x128xf32>
    %get3A_12 = arith.constant 0 : index
    %get3A_13 = arith.constant 0 : index
    %get3A_14 = vector.load %arg4[%get3A_12, %get3A_13] : memref<128x128xf32, #tpu.memory_space<vmem>>, vector<128x128xf32>
    %dot_general3A = arith.constant dense<0.000000e+00> : vector<2560x128xf32>
    %dot_general3A_15 = tpu.matmul %mul3A, %get3A_14, %dot_general3A {dimension_numbers = #tpu.dot_dimension_numbers<[1], [0], [0], [1], [0, 0, 1, 1], [], []>, transpose_lhs_hint = false} : vector<2560x128xf32>, vector<128x128xf32>, vector<2560x128xf32> -> vector<2560x128xf32>
    %get3A_16 = arith.constant 0 : index
    %get3A_17 = arith.constant 0 : index
    %get3A_18 = vector.load %arg1[%get3A_16, %get3A_17] : memref<2560x128xf32, #tpu.memory_space<vmem>>, vector<2560x128xf32>
    %get3A_19 = arith.constant 0 : index
    %get3A_20 = arith.constant 0 : index
    %get3A_21 = vector.load %arg5[%get3A_19, %get3A_20] : memref<128x128xf32, #tpu.memory_space<vmem>>, vector<128x128xf32>
    %dot_general3A_22 = arith.constant dense<0.000000e+00> : vector<2560x128xf32>
    %dot_general3A_23 = tpu.matmul %get3A_18, %get3A_21, %dot_general3A_22 {dimension_numbers = #tpu.dot_dimension_numbers<[1], [0], [0], [1], [0, 0, 1, 1], [], []>, transpose_lhs_hint = false} : vector<2560x128xf32>, vector<128x128xf32>, vector<2560x128xf32> -> vector<2560x128xf32>
    %add3A_24 = arith.addf %dot_general3A_23, %dot_general3A_15 : vector<2560x128xf32>
    %get3A_25 = arith.constant 0 : index
    %get3A_26 = arith.constant 0 : index
    %get3A_27 = vector.load %arg6[%get3A_25, %get3A_26] : memref<1x128xf32, #tpu.memory_space<vmem>>, vector<1x128xf32>
    %add3A_28 = vector.broadcast %get3A_27 : vector<1x128xf32> to vector<2560x128xf32>
    %add3A_29 = arith.addf %add3A_24, %add3A_28 : vector<2560x128xf32>
    %max3A = arith.constant 0.000000e+00 : f32
    %max3A_30 = vector.broadcast %max3A : f32 to vector<2560x128xf32>
    %max3A_31 = arith.maximumf %add3A_29, %max3A_30 : vector<2560x128xf32>
    %iota3A = tpu.iota {dimensions = array<i32: 0>} : vector<2560x128xi32>
    %mul3A_32 = arith.constant 2560 : i32
    %mul3A_33 = arith.muli %arg0, %mul3A_32 : i32
    %add3A_34 = vector.broadcast %mul3A_33 : i32 to vector<2560x128xi32>
    %add3A_35 = arith.addi %iota3A, %add3A_34 : vector<2560x128xi32>
    %lt3A = arith.constant 10000 : i32
    %lt3A_36 = vector.broadcast %lt3A : i32 to vector<2560x128xi32>
    %lt3A_37 = arith.cmpi slt, %add3A_35, %lt3A_36 : vector<2560x128xi32>
    %jit3A = arith.constant 0.000000e+00 : f32
    %broadcast_in_dim3A = vector.broadcast %jit3A : f32 to vector<2560x128xf32>
    %select_n3A = arith.select %lt3A_37, %max3A_31, %broadcast_in_dim3A : vector<2560x128xi1>, vector<2560x128xf32>
    %reduce_sum3A = arith.constant dense<0.000000e+00> : vector<128xf32>
    %reduce_sum3A_38 = vector.multi_reduction <add>, %select_n3A, %reduce_sum3A [0] : vector<2560x128xf32> to vector<128xf32>
    %broadcast_in_dim3A_39 = vector.shape_cast %reduce_sum3A_38 : vector<128xf32> to vector<1x128xf32>
    %get3A_40 = arith.constant 0 : index
    %get3A_41 = arith.constant 0 : index
    %get3A_42 = vector.load %arg7[%get3A_40, %get3A_41] : memref<2x2560xf32, #tpu.memory_space<vmem>>, vector<1x2560xf32>
    %get3A_43 = arith.constant 1 : index
    %get3A_44 = arith.constant 0 : index
    %get3A_45 = vector.load %arg7[%get3A_43, %get3A_44] : memref<2x2560xf32, #tpu.memory_space<vmem>>, vector<1x2560xf32>
    %add3A_46 = arith.addf %get3A_42, %get3A_45 : vector<1x2560xf32>
    %dot_general3A_47 = arith.constant dense<0.000000e+00> : vector<1x128xf32>
    %dot_general3A_48 = tpu.matmul %add3A_46, %max3A_31, %dot_general3A_47 {dimension_numbers = #tpu.dot_dimension_numbers<[1], [0], [0], [1], [0, 0, 1, 1], [], []>, transpose_lhs_hint = false} : vector<1x2560xf32>, vector<2560x128xf32>, vector<1x128xf32> -> vector<1x128xf32>
    %eq3A = arith.constant 0 : i32
    %eq3A_49 = arith.cmpi eq, %arg0, %eq3A : i32
    %convert_element_type3A = arith.extui %eq3A_49 : i1 to i32
    %cond3A = arith.constant 0 : i32
    %cond3A_50 = arith.cmpi ne, %convert_element_type3A, %cond3A : i32
    scf.if %cond3A_50 {
      %swap3A = arith.constant 0 : index
      %swap3A_60 = arith.constant 0 : index
      %swap3A_61 = vector.load %arg11[%swap3A, %swap3A_60] : memref<1x128xf32, #tpu.memory_space<vmem>>, vector<1x128xf32>
      tpu.vector_store %arg11[%swap3A, %swap3A_60], %broadcast_in_dim3A_39 {strides = array<i32>} : memref<1x128xf32, #tpu.memory_space<vmem>>, vector<1x128xf32>,
      %swap3A_62 = arith.constant 0 : index
      %swap3A_63 = arith.constant 0 : index
      %swap3A_64 = vector.load %arg12[%swap3A_62, %swap3A_63] : memref<1x128xf32, #tpu.memory_space<vmem>>, vector<1x128xf32>
      tpu.vector_store %arg12[%swap3A_62, %swap3A_63], %dot_general3A_48 {strides = array<i32>} : memref<1x128xf32, #tpu.memory_space<vmem>>, vector<1x128xf32>,
    } else {
    }
    %gt3A = arith.constant 0 : i32
    %gt3A_51 = arith.cmpi sgt, %arg0, %gt3A : i32
    %convert_element_type3A_52 = arith.extui %gt3A_51 : i1 to i32
    %cond3A_53 = arith.constant 0 : i32
    %cond3A_54 = arith.cmpi ne, %convert_element_type3A_52, %cond3A_53 : i32
    scf.if %cond3A_54 {
      %get3A_60 = arith.constant 0 : index
      %get3A_61 = arith.constant 0 : index
      %get3A_62 = vector.load %arg11[%get3A_60, %get3A_61] : memref<1x128xf32, #tpu.memory_space<vmem>>, vector<1x128xf32>
      %add3A_63 = arith.addf %get3A_62, %broadcast_in_dim3A_39 : vector<1x128xf32>
      %swap3A = arith.constant 0 : index
      %swap3A_64 = arith.constant 0 : index
      %swap3A_65 = vector.load %arg11[%swap3A, %swap3A_64] : memref<1x128xf32, #tpu.memory_space<vmem>>, vector<1x128xf32>
      tpu.vector_store %arg11[%swap3A, %swap3A_64], %add3A_63 {strides = array<i32>} : memref<1x128xf32, #tpu.memory_space<vmem>>, vector<1x128xf32>,
      %get3A_66 = arith.constant 0 : index
      %get3A_67 = arith.constant 0 : index
      %get3A_68 = vector.load %arg12[%get3A_66, %get3A_67] : memref<1x128xf32, #tpu.memory_space<vmem>>, vector<1x128xf32>
      %add3A_69 = arith.addf %get3A_68, %dot_general3A_48 : vector<1x128xf32>
      %swap3A_70 = arith.constant 0 : index
      %swap3A_71 = arith.constant 0 : index
      %swap3A_72 = vector.load %arg12[%swap3A_70, %swap3A_71] : memref<1x128xf32, #tpu.memory_space<vmem>>, vector<1x128xf32>
      tpu.vector_store %arg12[%swap3A_70, %swap3A_71], %add3A_69 {strides = array<i32>} : memref<1x128xf32, #tpu.memory_space<vmem>>, vector<1x128xf32>,
    } else {
    }
    %eq3A_55 = arith.constant 3 : i32
    %eq3A_56 = arith.cmpi eq, %arg0, %eq3A_55 : i32
    %convert_element_type3A_57 = arith.extui %eq3A_56 : i1 to i32
    %cond3A_58 = arith.constant 0 : i32
    %cond3A_59 = arith.cmpi ne, %convert_element_type3A_57, %cond3A_58 : i32
    scf.if %cond3A_59 {
      %get3A_60 = arith.constant 0 : index
      %get3A_61 = arith.constant 0 : index
      %get3A_62 = vector.load %arg11[%get3A_60, %get3A_61] : memref<1x128xf32, #tpu.memory_space<vmem>>, vector<1x128xf32>
      %mul3A_63 = arith.constant 9.99999974E-5 : f32
      %mul3A_64 = vector.broadcast %mul3A_63 : f32 to vector<1x128xf32>
      %mul3A_65 = arith.mulf %get3A_62, %mul3A_64 : vector<1x128xf32>
      %get3A_66 = arith.constant 0 : index
      %get3A_67 = arith.constant 0 : index
      %get3A_68 = vector.load %arg8[%get3A_66, %get3A_67] : memref<128x16xf32, #tpu.memory_space<vmem>>, vector<128x16xf32>
      %dot_general3A_69 = arith.constant dense<0.000000e+00> : vector<1x16xf32>
      %dot_general3A_70 = tpu.matmul %mul3A_65, %get3A_68, %dot_general3A_69 {dimension_numbers = #tpu.dot_dimension_numbers<[1], [0], [0], [1], [0, 0, 1, 1], [], []>, transpose_lhs_hint = false} : vector<1x128xf32>, vector<128x16xf32>, vector<1x16xf32> -> vector<1x16xf32>
      %get3A_71 = arith.constant 0 : index
      %get3A_72 = arith.constant 0 : index
      %get3A_73 = vector.load %arg12[%get3A_71, %get3A_72] : memref<1x128xf32, #tpu.memory_space<vmem>>, vector<1x128xf32>
      %mul3A_74 = arith.constant 9.99999974E-5 : f32
      %mul3A_75 = vector.broadcast %mul3A_74 : f32 to vector<1x128xf32>
      %mul3A_76 = arith.mulf %get3A_73, %mul3A_75 : vector<1x128xf32>
      %get3A_77 = arith.constant 0 : index
      %get3A_78 = arith.constant 0 : index
      %get3A_79 = vector.load %arg9[%get3A_77, %get3A_78] : memref<128x16xf32, #tpu.memory_space<vmem>>, vector<128x16xf32>
      %dot_general3A_80 = arith.constant dense<0.000000e+00> : vector<1x16xf32>
      %dot_general3A_81 = tpu.matmul %mul3A_76, %get3A_79, %dot_general3A_80 {dimension_numbers = #tpu.dot_dimension_numbers<[1], [0], [0], [1], [0, 0, 1, 1], [], []>, transpose_lhs_hint = false} : vector<1x128xf32>, vector<128x16xf32>, vector<1x16xf32> -> vector<1x16xf32>
      %add3A_82 = arith.addf %dot_general3A_70, %dot_general3A_81 : vector<1x16xf32>
      %get3A_83 = arith.constant 0 : index
      %get3A_84 = arith.constant 0 : index
      %get3A_85 = vector.load %arg10[%get3A_83, %get3A_84] : memref<1x16xf32, #tpu.memory_space<vmem>>, vector<1x16xf32>
      %add3A_86 = arith.addf %add3A_82, %get3A_85 : vector<1x16xf32>
      %swap3A = arith.constant 0 : index
      %swap3A_87 = arith.constant 0 : index
      %swap3A_88 = vector.load %arg13[%swap3A, %swap3A_87] : memref<1x16xf32, #tpu.memory_space<vmem>>, vector<1x16xf32>
      tpu.vector_store %arg13[%swap3A, %swap3A_87], %add3A_86 {strides = array<i32>} : memref<1x16xf32, #tpu.memory_space<vmem>>, vector<1x16xf32>,
    } else {
    }
    return
  }
  func.func @transform_0(%arg0: i32) -> (i32, i32) {
    %c0_i32 = arith.constant 0 : i32
    %c0_i32_0 = arith.constant 0 : i32
    return %arg0, %c0_i32 : i32, i32
  }
  func.func @transform_1(%arg0: i32) -> (i32, i32, i32) {
    %c0_i32 = arith.constant 0 : i32
    %c0_i32_0 = arith.constant 0 : i32
    %c0_i32_1 = arith.constant 0 : i32
    return %c0_i32, %arg0, %c0_i32_0 : i32, i32, i32
  }
  func.func @transform_2(%arg0: i32) -> (i32, i32) {
    %c0_i32 = arith.constant 0 : i32
    %c0_i32_0 = arith.constant 0 : i32
    return %arg0, %c0_i32 : i32, i32
  }
  func.func @transform_3(%arg0: i32) -> (i32, i32) {
    %c0_i32 = arith.constant 0 : i32
    %c0_i32_0 = arith.constant 0 : i32
    %c0_i32_1 = arith.constant 0 : i32
    return %c0_i32, %c0_i32_0 : i32, i32
  }
  func.func @transform_4(%arg0: i32) -> (i32, i32) {
    %c0_i32 = arith.constant 0 : i32
    %c0_i32_0 = arith.constant 0 : i32
    %c0_i32_1 = arith.constant 0 : i32
    return %c0_i32, %c0_i32_0 : i32, i32
  }
  func.func @transform_5(%arg0: i32) -> (i32, i32) {
    %c0_i32 = arith.constant 0 : i32
    %c0_i32_0 = arith.constant 0 : i32
    %c0_i32_1 = arith.constant 0 : i32
    return %c0_i32, %c0_i32_0 : i32, i32
  }
  func.func @transform_6(%arg0: i32) -> (i32, i32) {
    %c0_i32 = arith.constant 0 : i32
    %c0_i32_0 = arith.constant 0 : i32
    return %c0_i32, %arg0 : i32, i32
  }
  func.func @transform_7(%arg0: i32) -> (i32, i32) {
    %c0_i32 = arith.constant 0 : i32
    %c0_i32_0 = arith.constant 0 : i32
    %c0_i32_1 = arith.constant 0 : i32
    return %c0_i32, %c0_i32_0 : i32, i32
  }
  func.func @transform_8(%arg0: i32) -> (i32, i32) {
    %c0_i32 = arith.constant 0 : i32
    %c0_i32_0 = arith.constant 0 : i32
    %c0_i32_1 = arith.constant 0 : i32
    return %c0_i32, %c0_i32_0 : i32, i32
  }
  func.func @transform_9(%arg0: i32) -> (i32, i32) {
    %c0_i32 = arith.constant 0 : i32
    %c0_i32_0 = arith.constant 0 : i32
    %c0_i32_1 = arith.constant 0 : i32
    return %c0_i32, %c0_i32_0 : i32, i32
  }
  func.func @transform_10(%arg0: i32) -> (i32, i32) {
    %c0_i32 = arith.constant 0 : i32
    %c0_i32_0 = arith.constant 0 : i32
    %c0_i32_1 = arith.constant 0 : i32
    return %c0_i32, %c0_i32_0 : i32, i32
  }
  func.func @transform_11(%arg0: i32) -> (i32, i32) {
    %c0_i32 = arith.constant 0 : i32
    %c0_i32_0 = arith.constant 0 : i32
    %c0_i32_1 = arith.constant 0 : i32
    return %c0_i32, %c0_i32_0 : i32, i32
  }
  func.func @transform_12(%arg0: i32) -> (i32, i32) {
    %c0_i32 = arith.constant 0 : i32
    %c0_i32_0 = arith.constant 0 : i32
    %c0_i32_1 = arith.constant 0 : i32
    return %c0_i32, %c0_i32_0 : i32, i32
  }
}

</mosaic_0001>

<sc_bundles>
// kernel: kernel.10.cloned.1.call-start
scs
__scs_entry_jumppad:
0x0: {  	(pc) =	sbr.rel $0x88, $3  }
0x1: {  	(tag) =	ssettag $0x0;
	lr =	simm.s32 $0x1  }
0x2: {  	[smem:$0x3F93] =	sst lr;
	_ =	strace $0xD0000000  }
0x3: {  	_ = 	snop  }
0x4: {  	_ = 	snop  }
0x5: {  	_ = 	snop  }
0x6: {  	_ = 	snop  }
0x7: {  	_ = 	snop  }
__scs_overlays_trampoline_lowered:
0x8: {  	[smem:$0x3FA2] =	sst s0  }
0x9: {  	[smem:$0x3FA3] =	sst s1  }
0xa: {  	[smem:$0x3FA4] =	sst s2  }
0xb: {  	[smem:$0x3FA5] =	sst s3  }
0xc: {  	[smem:$0x3FA6] =	sst s4  }
0xd: {  	[smem:$0x3FA7] =	sst s5  }
0xe: {  	[smem:$0x3FA8] =	sst s6  }
0xf: {  	[smem:$0x3FA9] =	sst s7  }
0x10: {  	[smem:$0x3FAA] =	sst s8  }
0x11: {  	[smem:$0x3FAB] =	sst s9;
	s0 =	simm.s32 @!p0 $0x0  }
0x12: {  	s1 =	sld [smem:$0x3F91];
	s0 =	simm.s32 @p0 $0x1  }
0x13: {  	[smem:$0x3FAC] =	sst s0;
	s0 =	simm.s32 @!p1 $0x0  }
0x14: {  	s2 =	sld [smem:$0x3F90];
	s0 =	simm.s32 @p1 $0x1  }
0x15: {  	[smem:$0x3FAD] =	sst s0;
	s0 =	simm.s32 @!p2 $0x0  }
0x16: {  	s3 =	sld [smem:$0x3FDB];
	s0 =	simm.s32 @p2 $0x1  }
0x17: {  	s4 =	simm.s32 $0x1BF5;
	[smem:$0x3FAF] =	sst s0  }
0x18: {  	s0 =	sld [smem:$0x3F92];
	_ =	swait.ge [sflag:s4], $0x0  }
0x19: {  	s7 =	sld [smem:$0x3F93]  }
0x1a: {  	s8 =	sadd.s32 $0xFFFFE003, lr  }
0x1b: {  	s9 =	sadd.s32 $0xFFFFFEF7, lr;
	s5 =	simm.s32 $0xFFFFFFFF;
	p2 =	slt.u32 s8, $0xFFFFF086  }
0x1c: {  	p1 =	slt.u32 s9, $0xF7A;
	s5 =	simm.s32 @!p2 $0x0  }
0x1d: {  	s5 =	simm.s32 @p1 $0x1;
	p0 =	seq.s32 s7, s2  }
0x1e: {  	s7 =	smul.u32 @!p0 $0xF7A, s2;
	p2 =	seq.s32 @!p0 s5, $0x0  }
0x1f: {  	s9 =	smul.u32 $0xF7A, s1;
	s8 =	simm.s32 @!p0 $0x1BF5;
	p2 =	por !p2, p0  }
0x20: {  	[sflag:s8] =	ssyncset.s32 @!p0 $0xFFFFF086;
	s6 =	sadd.s32 @!p0 s3, s7;
	s7 =	simm.s32 @!p0 $0x108  }
0x21: {  	s3 =	sadd.s32 s3, s9;
	s6 =	sadd.s32 @!p0 $0x88, s6;
	s7 =	simm.s32 @p2 $0x1082  }
0x22: {  	[simem:s7], [sflag:s8] =	dma.local @!p0 [hbm:s6], $0xF7A  }
0x23: {  	s9 =	sor.u32 $0xD0000000, s2;
	s6 =	simm.s32 $0x108;
	_ =	swait.ge @!p0 [sflag:s8], $0x0  }
0x24: {  	s3 =	sadd.s32 $0x88, s3;
	s6 =	simm.s32 @!p1 $0x1082;
	[sflag:s4] =	ssyncset.s32 $0xFFFFF086  }
0x25: {  	[simem:s6], [sflag:s4] =	dma.local [hbm:s3], $0xF7A  }
0x26: {  	[smem:$0x3F93] =	sst s1;
	(tag) =	ssettag s2;
	_ =	strace s9  }
0x27: {  	s1 =	sld [smem:$0x3FA3]  }
0x28: {  	s2 =	sld [smem:$0x3FA4]  }
0x29: {  	s4 =	sld [smem:$0x3FA6]  }
0x2a: {  	p0 =	seq.s32 s5, $0x0;
	s5 =	sld [smem:$0x3FA7]  }
0x2b: {  	s6 =	sld [smem:$0x3FA8]  }
0x2c: {  	s7 =	sld [smem:$0x3FA9]  }
0x2d: {  	s3 =	simm.s32 $0x108;
	s8 =	sld [smem:$0x3FAA]  }
0x2e: {  	s3 =	simm.s32 @!p0 $0x1082;
	s9 =	sld [smem:$0x3FAB]  }
0x2f: {  	lr =	sadd.s32 s0, s3;
	s0 =	sld [smem:$0x3FA2]  }
0x30: {  	s3 =	sld [smem:$0x3FA5]  }
0x31: {  	[smem:$0x3FAE] =	sst s10  }
0x32: {  	s10 =	sld [smem:$0x3FAC];
	_ =	sdelay $0x3  }
0x33: {  	p0 =	seq.s32 s10, $0x1;
	s10 =	sld [smem:$0x3FAE];
	_ =	sdelay $0x3  }
0x34: {  	[smem:$0x3FAE] =	sst s10  }
0x35: {  	s10 =	sld [smem:$0x3FAD];
	_ =	sdelay $0x3  }
0x36: {  	p1 =	seq.s32 s10, $0x1;
	s10 =	sld [smem:$0x3FAE];
	_ =	sdelay $0x3  }
0x37: {  	[smem:$0x3FAE] =	sst s10  }
0x38: {  	s10 =	sld [smem:$0x3FAF]  }
0x39: {  	_ = 	snop;
	(pc) =	sbr.ind lr, $3  }
0x3a: {  	_ = 	snop  }
0x3b: {  	_ = 	snop  }
0x3c: {  	p2 =	seq.s32 s10, $0x1;
	s10 =	sld [smem:$0x3FAE]  }
0x3d: {  	_ =	shalt  }
0x3e: {  	_ =	shalt  }
0x3f: {  	_ =	shalt  }
0x40: {  	_ =	shalt  }
0x41: {  	_ =	shalt  }
0x42: {  	_ =	shalt  }
0x43: {  	_ =	shalt  }
0x44: {  	_ =	shalt  }
0x45: {  	_ =	shalt  }
0x46: {  	_ =	shalt  }
0x47: {  	_ =	shalt  }
0x48: {  	_ =	shalt  }
0x49: {  	_ =	shalt  }
0x4a: {  	_ =	shalt  }
0x4b: {  	_ =	shalt  }
0x4c: {  	_ =	shalt  }
0x4d: {  	_ =	shalt  }
0x4e: {  	_ =	shalt  }
0x4f: {  	_ =	shalt  }
0x50: {  	_ =	shalt  }
0x51: {  	_ =	shalt  }
0x52: {  	_ =	shalt  }
0x53: {  	_ =	shalt  }
0x54: {  	_ =	shalt  }
0x55: {  	_ =	shalt  }
0x56: {  	_ =	shalt  }
0x57: {  	_ =	shalt  }
0x58: {  	_ =	shalt  }
0x59: {  	_ =	shalt  }
0x5a: {  	_ =	shalt  }
0x5b: {  	_ =	shalt  }
0x5c: {  	_ =	shalt  }
0x5d: {  	_ =	shalt  }
0x5e: {  	_ =	shalt  }
0x5f: {  	_ =	shalt  }
0x60: {  	_ =	shalt  }
0x61: {  	_ =	shalt  }
0x62: {  	_ =	shalt  }
0x63: {  	_ =	shalt  }
0x64: {  	_ =	shalt  }
0x65: {  	_ =	shalt  }
0x66: {  	_ =	shalt  }
0x67: {  	_ =	shalt  }
0x68: {  	_ =	shalt  }
0x69: {  	_ =	shalt  }
0x6a: {  	_ =	shalt  }
0x6b: {  	_ =	shalt  }
0x6c: {  	_ =	shalt  }
0x6d: {  	_ =	shalt  }
0x6e: {  	_ =	shalt  }
0x6f: {  	_ =	shalt  }
0x70: {  	_ =	shalt  }
0x71: {  	_ =	shalt  }
0x72: {  	_ =	shalt  }
0x73: {  	_ =	shalt  }
0x74: {  	_ =	shalt  }
0x75: {  	_ =	shalt  }
0x76: {  	_ =	shalt  }
0x77: {  	_ =	shalt  }
0x78: {  	_ =	shalt  }
0x79: {  	_ =	shalt  }
0x7a: {  	_ =	shalt  }
0x7b: {  	_ =	shalt  }
0x7c: {  	_ =	shalt  }
0x7d: {  	_ =	shalt  }
0x7e: {  	_ =	shalt  }
0x7f: {  	_ =	shalt  }
0x80: {  	_ =	shalt  }
0x81: {  	_ =	shalt  }
0x82: {  	_ =	shalt  }
0x83: {  	_ =	shalt  }
0x84: {  	_ =	shalt  }
0x85: {  	_ =	shalt  }
0x86: {  	_ =	shalt  }
0x87: {  	_ =	shalt  }
.Lfunc_end0:
.L_simem_size_0:
called_computation_lowered:
.L_overlay_start_0:
0x88: {  	s2 =	sld [smem:$0x3FD9]  }
0x89: {  	s3 =	sld [smem:$0x3FFE];
	_ =	sdelay $0x1  }
0x8a: {  	s1 =	srdreg.scid  }
0x8b: {  	s0 =	sand.u32 $0x1, s1  }
0x8c: {  	s16 =	sshll.u32 s0, $0xA;
	s2 =	sadd.s32 s3, s2  }
0x8d: {  	s2 =	sadd.s32 s2, s16  }
0x8e: {  	[smem:$0x3FBA] =	sst s2  }
0x8f: {  	_ = 	snop  }
0x90: {  	(tm) =	ssettm $0x1  }
0x91: {  	s17 =	sld [smem:$0x3FFB];
	_ =	sdelay $0x3  }
0x92: {  	_ =	strace s17  }
0x93: {  	s2 =	sld [smem:$0x3FFC];
	_ =	sdelay $0x3  }
0x94: {  	_ =	strace s2  }
0x95: {  	s2 =	sld [smem:$0x3FFD];
	_ =	sdelay $0x3  }
0x96: {  	_ =	strace s2  }
0x97: {  	_ =	strace $0x8FFFFFFF  }
0x98: {  	s18 =	sld [smem:$0x3FDB];
	_ =	sdelay $0x1  }
0x99: {  	s19 =	simm.s32 $_scs_section_size  }
0x9a: {  	s4 =	simm.s32 $_size__tile_overlayer_lowered;
	s5 =	simm.s32 $_tile_overlayer_lowered  }
0x9b: {  	s22 =	simm.s32 $0x1BFF;
	s21 =	sshll.u32 s5, $0x1;
	s2 =	sadd.s32 s19, s18  }
0x9c: {  	s6 =	simm.s32 $0x0;
	s20 =	sshll.u32 s4, $0x1;
	s4 =	sadd.s32 s21, s2  }
0x9d: {  	[timem:s6], [sflag:s22] =	dma.local [hbm:s4], s20  }
0x9e: {  	_ =	swait.ge [sflag:s22], s20  }
0x9f: {  	s3 =	ssub.s32 $0x0, s20;
	[sflag:s22] =	ssyncset.done $0x0  }
0xa0: {  	[sflag:s22] =	ssyncadd.s32 s3;
	_ =	sdelay $0x1  }
0xa1: {  	s23 =	simm.s32 $0x1B8B  }
0xa2: {  	_ =	swait.ge [sflag:s23], $0x1  }
0xa3: {  	[sflag:s23] =	ssyncset.done $0x0  }
0xa4: {  	s25 =	simm.s32 $0x1B8E;
	s24 =	sld [smem:$0x3FFE];
	[sflag:s23] =	ssyncadd.s32 $0xFFFFFFFF  }
0xa5: {  	s26 =	simm.s32 $execute0_lowered;
	[smem:$0x3FD2] =	sst s25  }
0xa6: {  	s4 =	sshll.u32 s26, $0x1;
	_ =	strace $0x80000046;
	[dreg:$0x1] =	wrdreg $0xFFFFFFFF  }
0xa7: {  	s28 =	simm.s32 $_size_execute0_lowered;
	s2 =	sadd.s32 s2, s4;
	[dreg:$0x0] =	wrdreg $0x0  }
0xa8: {  	s4 =	sshll.u32 s28, $0x1;
	[dreg:$0x2] =	wrdreg s2  }
0xa9: {  	[dreg:$0x3] =	wrdreg s4  }
0xaa: {  	[dreg:$0x4] =	wrdreg $0xC0  }
0xab: {  	_ =	task [dreg:s6], $0x5FFFF  }
0xac: {  	[dreg:$0x1] =	wrdreg $0xFFFFFFFF  }
0xad: {  	[dreg:$0x0] =	wrdreg $0x60  }
0xae: {  	[dreg:$0x2] =	wrdreg s24  }
0xaf: {  	[dreg:$0x3] =	wrdreg $0x7A800  }
0xb0: {  	[dreg:$0x4] =	wrdreg $0xA  }
0xb1: {  	_ =	task.clear_ibuf [dreg:s6], $0x5FFFF;
	_ =	strace $0x90000046  }
0xb2: {  	s29 =	simm.s32 $0xA;
	_ =	strace $0x80000048  }
0xb3: {  	_ =	swait.ge [sflag:s29], $0x1  }
0xb4: {  	[sflag:s29] =	ssyncadd.s32 $0xFFFFFFFF  }
0xb5: {  	_ =	strace $0x90000048  }
0xb6: {  	_ =	sfence  }
0xb7: {  	s30 =	sld [smem:$0x0];
	_ =	sdelay $0x2  }
0xb8: {  	s31 =	sshll.u32 s1, $0xD;
	s1 =	sshrl.u32 s1, $0x2  }
0xb9: {  	s3 =	sand.u32 $0x4000, s31;
	s1 =	sadd.s32 s1, s30  }
0xba: {  	s0 =	sor.u32 s3, s0;
	s1 =	sshll.u32 s1, $0x11  }
0xbb: {  	s0 =	sor.u32 s1, s0  }
0xbc: {  	s0 =	sadd.s32 $0x8F2B, s0  }
0xbd: {  	[sflag:s0] =	ssyncadd.remote.s32 $0x1  }
0xbe: {  	_ =	sfence.sel $0xFFFF  }
0xbf: {  	[dreg:$0x0] =	wrdreg $0xFFFFFFFF;
	(pc) =	sbr.abs _section_cstart, $3  }
0xc0: {  	[dreg:$0x1] =	wrdreg $0xFFFFFFFF  }
0xc1: {  	_ =	task.clear_ibuf [dreg:s6], $0x2FFFF;
	_ =	strace $0x9FFFFFFF  }
0xc2: {  	(tm) =	ssettm $0x7FFFFFFF  }
0xc3: {  	_ =	shalt  }
tec
execute0_lowered:
.L_overlay_start_1:
0x0: {  	(tag) =	ssettag $0x1  }
0x1: {  	s0 =	srdreg.scid;
	s4 =	rddreg [dreg:$0x0]  }
0x2: {  	s5 =	rddreg [dreg:$0x1];
	s12 =	simm.s32 $0x1400;
	s13 =	simm.s32 $0x14000  }
0x3: {  	s14 =	simm.s32 $0x5000;
	s15 =	simm.s32 $0x100;
	s16 =	simm.s32 $0x7800  }
0x4: {  	s17 =	simm.s32 $0x0;
	s3 =	sand.u32 $0x1, s0;
	s0 =	stileid.u32  }
0x5: {  	s1 =	sshll.u32 s3, $0x4;
	s7 =	sshll.u32 s0, $0x7;
	s8 =	smul.u32 $0x500, s0  }
0x6: {  	s9 =	sshll.u32 s3, $0x7;
	s10 =	sshrl.u32 s0, $0x3;
	s3 =	ssub.s32 $0x2, s3  }
0x7: {  	s28 =	smul.u32 $0x5000, s0;
	s2 =	sor.u32 s0, s1;
	s1 =	rddreg [dreg:$0x2]  }
0x8: {  	s7 =	sand.u32 $0x380, s7;
	s26 =	smul.u32 $0x50000, s10;
	s29 =	sshrl.u32 s3, $0x1  }
0x9: {  	s10 =	simm.s32 $0x1;
	s6 =	sshrl.u32 s2, $0x3;
	s2 =	simm.s32 $0x0  }
0xa: {  	s8 =	sor.u32 s9, s8;
	s11 =	ssub.s32 s3, s29;
	s6 =	smul.u32 $0x14000, s6  }
0xb: {  	s31 =	sshrl.u32 s28, $0x2;
	[smem:$0x7FF] =	sst s2;
	s8 =	sshrl.u32 s8, $0x3  }
0xc: {  	s9 =	sshrl.u32 s26, $0x2;
	_ =	strace $0x80000047;
	s6 =	sor.u32 s7, s6  }
0xd: {  	s8 =	sadd.s32 s8, s4;
	s30 =	sadd.s32 s9, s5;
	s6 =	sshrl.u32 s6, $0x3  }
0xe: {  	s5 =	sadd.s32 s31, s5;
	s9 =	simm.s32 $0x400;
	s6 =	sadd.s32 s6, s4  }
0xf: {  	s4 =	sadd.s32 s7, s30;
	s7 =	smax.u32 s11, $0x1;
	s11 =	simm.s32 $0x2800  }
0x10: {  	v0 =	vimm.f32 $0.0e+00;
	v1 =	vimm.f32 $1.000000000e+00;
	s3 =	sadd.s32 $0x4200, s6;
	s6 =	sadd.s32 $0xE200, s8;
	s8 =	simm.s32 $0x80  }
.LBB2_1:
0x11: {  	[tilespmem:s2], [sflag:$0x1] =	stream.strided.gather [hbm4b:s3+s8], $0x2800, s9, s8, $0x38;
	[tilespmem:$0xA280] =	vst v63  }
0x12: {  	_ =	swait.ge [sflag:s10], $0x2800  }
0x13: {  	[sflag:s10] =	ssyncset.done $0x0  }
0x14: {  	s18 =	simm.s32 $0x0;
	[sflag:s10] =	ssyncadd.s32 $0xFFFFD800  }
.LBB2_2:
0x15: {  	p0 =	sne.s32 s18, $0x9FC0  }
.Ltmp0:
0x16: {  	_ = 	snop;
	(pc) =	sbr.rel @p0 .LBB2_2-.Ltmp0, $3  }
0x17: {  	_ =	sdelay $0x1  }
0x18: {  	s19 =	sshra.s32 s18, $0x2  }
0x19: {  	s18 =	sadd.s32 $0x40, s18;
	[tilespmem:s19+$0x2800] =	vst v0  }
0x1a: {  	s19 =	simm.s32 $0x0;
	s18 =	simm.s32 $0x40  }
.LBB2_4:
0x1b: {  	p0 =	sne.s32 s18, $0x9FC0;
	v2 =	vld [tilespmem:s19+$0x0];
	_ =	sdelay $0x3  }
.Ltmp1:
0x1c: {  	(pc) =	sbr.rel @p0 .LBB2_4-.Ltmp1, $2  }
0x1d: {  	_ =	sdelay $0x2  }
0x1e: {  	s19 =	sshra.s32 s18, $0x2;
	s18 =	sadd.s32 $0x40, s18;
	[tilespmem:v2+s11+$0x0] =	vst.idx.add.f32.msk $0xffff, v1  }
0x1f: {  	v2 =	vld [tilespmem:s19+$0x0];
	_ =	sdelay $0x7  }
0x20: {  	[tilespmem:v2+s11+$0x0] =	vst.idx.add.f32.msk $0xffff, v1  }
0x21: {  	[spmem:s4] =	stream.strided.scatter [tilespmem:s11], [sflag:$0x1], $0x2800, s9, s8, $0x38;
	[tilespmem:$0xA280] =	vst v63  }
0x22: {  	_ =	swait.ge [sflag:s10], $0x2800  }
0x23: {  	[sflag:s10] =	ssyncset.done $0x0  }
0x24: {  	[sflag:s10] =	ssyncadd.s32 $0xFFFFD800  }
0x25: {  	[bflag:$0x0] =	sbarrier.arrive $0xFFFF  }
0x26: {  	[tilespmem:s14], [sflag:$0x1] =	stream.strided.gather [spmem:s5], $0x2800, s13, s12, $0x38;
	[tilespmem:$0xA280] =	vst v63  }
0x27: {  	s18 =	simm.s32 $0x0;
	_ =	swait.ge [sflag:s10], $0x2800  }
0x28: {  	s30 =	sand.u32 $0x70, s18;
	s18 =	sand.u32 $0x1C00, s18;
	[sflag:s10] =	ssyncset.done $0x0  }
0x29: {  	s18 =	sor.u32 s30, s18;
	[sflag:s10] =	ssyncadd.s32 $0xFFFFD800  }
0x2a: {  	v2 =	vld [tilespmem:s18+$0x5080]  }
0x2b: {  	v3 =	vld [tilespmem:s18+$0x5000];
	_ =	sdelay $0x1  }
0x2c: {  	v4 =	vld [tilespmem:s18+$0x5100];
	_ =	sdelay $0x1  }
0x2d: {  	v5 =	vld [tilespmem:s18+$0x5180]  }
0x2e: {  	v2 =	vadd.f32 v2, v3  }
0x2f: {  	v3 =	vld [tilespmem:s18+$0x5200]  }
0x30: {  	v2 =	vadd.f32 v4, v2  }
0x31: {  	v56 =	vld [tilespmem:s18+$0x5280]  }
0x32: {  	v2 =	vadd.f32 v5, v2  }
0x33: {  	v57 =	vld [tilespmem:s18+$0x5300]  }
0x34: {  	v2 =	vadd.f32 v3, v2  }
0x35: {  	v3 =	vld [tilespmem:s18+$0x5380]  }
0x36: {  	v2 =	vadd.f32 v56, v2  }
0x37: {  	v58 =	vld [tilespmem:s18+$0x6400]  }
0x38: {  	v2 =	vadd.f32 v57, v2  }
0x39: {  	v59 =	vld [tilespmem:s18+$0x6480]  }
0x3a: {  	v2 =	vadd.f32 v3, v2  }
0x3b: {  	v3 =	vld [tilespmem:s18+$0x6500]  }
0x3c: {  	v2 =	vadd.f32 v58, v2  }
0x3d: {  	v60 =	vld [tilespmem:s18+$0x6580]  }
0x3e: {  	v2 =	vadd.f32 v59, v2  }
0x3f: {  	v61 =	vld [tilespmem:s18+$0x6600]  }
0x40: {  	v2 =	vadd.f32 v3, v2  }
0x41: {  	v3 =	vld [tilespmem:s18+$0x6680]  }
0x42: {  	v2 =	vadd.f32 v60, v2  }
0x43: {  	v62 =	vld [tilespmem:s18+$0x6700]  }
0x44: {  	v2 =	vadd.f32 v61, v2  }
0x45: {  	v63 =	vld [tilespmem:s18+$0x6780]  }
0x46: {  	v2 =	vadd.f32 v3, v2;
	_ =	sdelay $0x1  }
0x47: {  	v2 =	vadd.f32 v62, v2;
	_ =	sdelay $0x1  }
0x48: {  	s31 =	simm.s32 $0x10;
	s20 =	simm.s32 $0x80;
	v2 =	vadd.f32 v63, v2  }
0x49: {  	s19 =	sand.u32 $0x70, s31;
	s21 =	sand.u32 $0x1C00, s20;
	s18 =	simm.s32 $0x7800  }
0x4a: {  	s19 =	sor.u32 s19, s21;
	s21 =	simm.s32 $0x20;
	[tilespmem:s18+$0x0] =	vst v2  }
.LBB2_6:
0x4b: {  	p0 =	sne.s32 s21, $0x270;
	v2 =	vld [tilespmem:s19+$0x5080]  }
0x4c: {  	v3 =	vld [tilespmem:s19+$0x5000];
	_ =	sdelay $0x1  }
0x4d: {  	v4 =	vld [tilespmem:s19+$0x5100];
	_ =	sdelay $0x1  }
0x4e: {  	v5 =	vld [tilespmem:s19+$0x5180]  }
0x4f: {  	v2 =	vadd.f32 v2, v3  }
0x50: {  	v3 =	vld [tilespmem:s19+$0x5200]  }
0x51: {  	v2 =	vadd.f32 v4, v2  }
0x52: {  	v4 =	vld [tilespmem:s19+$0x5280]  }
0x53: {  	v2 =	vadd.f32 v5, v2  }
0x54: {  	v5 =	vld [tilespmem:s19+$0x5300]  }
0x55: {  	v2 =	vadd.f32 v3, v2  }
0x56: {  	v3 =	vld [tilespmem:s19+$0x5380]  }
0x57: {  	v2 =	vadd.f32 v4, v2  }
0x58: {  	v4 =	vld [tilespmem:s19+$0x6400]  }
0x59: {  	v2 =	vadd.f32 v5, v2  }
0x5a: {  	v5 =	vld [tilespmem:s19+$0x6480]  }
0x5b: {  	v2 =	vadd.f32 v3, v2  }
0x5c: {  	v3 =	vld [tilespmem:s19+$0x6500]  }
0x5d: {  	v2 =	vadd.f32 v4, v2  }
0x5e: {  	v4 =	vld [tilespmem:s19+$0x6580]  }
0x5f: {  	v2 =	vadd.f32 v5, v2  }
0x60: {  	v5 =	vld [tilespmem:s19+$0x6600]  }
0x61: {  	v2 =	vadd.f32 v3, v2  }
0x62: {  	v3 =	vld [tilespmem:s19+$0x6680]  }
0x63: {  	v2 =	vadd.f32 v4, v2  }
0x64: {  	v4 =	vld [tilespmem:s19+$0x6700]  }
0x65: {  	v2 =	vadd.f32 v5, v2  }
0x66: {  	v5 =	vld [tilespmem:s19+$0x6780]  }
0x67: {  	v2 =	vadd.f32 v3, v2;
	_ =	sdelay $0x1  }
.Ltmp2:
0x68: {  	v2 =	vadd.f32 v4, v2;
	(pc) =	sbr.rel @p0 .LBB2_6-.Ltmp2, $4  }
0x69: {  	_ = 	snop  }
0x6a: {  	s20 =	sadd.s32 $0x80, s20;
	v2 =	vadd.f32 v5, v2  }
0x6b: {  	s18 =	sadd.s32 $0x10, s18;
	s22 =	sand.u32 $0x1C00, s20;
	s19 =	sand.u32 $0x70, s21  }
0x6c: {  	s21 =	sadd.s32 $0x10, s21;
	s19 =	sor.u32 s19, s22;
	[tilespmem:s18+$0x0] =	vst v2  }
0x6d: {  	v2 =	vld [tilespmem:s19+$0x5080]  }
0x6e: {  	v3 =	vld [tilespmem:s19+$0x5000];
	_ =	sdelay $0x1  }
0x6f: {  	v4 =	vld [tilespmem:s19+$0x5100];
	_ =	sdelay $0x1  }
0x70: {  	v5 =	vld [tilespmem:s19+$0x5180]  }
0x71: {  	v2 =	vadd.f32 v2, v3  }
0x72: {  	v3 =	vld [tilespmem:s19+$0x5200]  }
0x73: {  	v2 =	vadd.f32 v4, v2  }
0x74: {  	v56 =	vld [tilespmem:s19+$0x5280]  }
0x75: {  	v2 =	vadd.f32 v5, v2  }
0x76: {  	v57 =	vld [tilespmem:s19+$0x5300]  }
0x77: {  	v2 =	vadd.f32 v3, v2  }
0x78: {  	v3 =	vld [tilespmem:s19+$0x5380]  }
0x79: {  	v2 =	vadd.f32 v56, v2  }
0x7a: {  	v58 =	vld [tilespmem:s19+$0x6400]  }
0x7b: {  	v2 =	vadd.f32 v57, v2  }
0x7c: {  	v59 =	vld [tilespmem:s19+$0x6480]  }
0x7d: {  	v2 =	vadd.f32 v3, v2  }
0x7e: {  	v3 =	vld [tilespmem:s19+$0x6500]  }
0x7f: {  	v2 =	vadd.f32 v58, v2  }
0x80: {  	v60 =	vld [tilespmem:s19+$0x6580]  }
0x81: {  	v2 =	vadd.f32 v59, v2  }
0x82: {  	v61 =	vld [tilespmem:s19+$0x6600]  }
0x83: {  	v2 =	vadd.f32 v3, v2  }
0x84: {  	v3 =	vld [tilespmem:s19+$0x6680]  }
0x85: {  	v2 =	vadd.f32 v60, v2  }
0x86: {  	v62 =	vld [tilespmem:s19+$0x6700]  }
0x87: {  	v2 =	vadd.f32 v61, v2  }
0x88: {  	v63 =	vld [tilespmem:s19+$0x6780]  }
0x89: {  	v2 =	vadd.f32 v3, v2;
	_ =	sdelay $0x1  }
0x8a: {  	v2 =	vadd.f32 v62, v2;
	_ =	sdelay $0x1  }
0x8b: {  	s17 =	sadd.s32 $0x1, s17;
	v2 =	vadd.f32 v63, v2  }
0x8c: {  	s18 =	sadd.s32 $0x10, s18;
	p0 =	sne.s32 s17, s7  }
.Ltmp3:
0x8d: {  	[tilespmem:s18+$0x0] =	vst v2;
	(pc) =	sbr.rel @p0 .LBB2_1-.Ltmp3, $4  }
0x8e: {  	[hbm4b:s6+s8] =	stream.strided.scatter [tilespmem:s16], [sflag:$0x1], $0x280, s15, s8, $0x38;
	[tilespmem:$0xA280] =	vst v63  }
0x8f: {  	_ =	swait.ge [sflag:s10], $0x280  }
0x90: {  	[sflag:s10] =	ssyncset.done $0x0  }
0x91: {  	[sflag:s10] =	ssyncadd.s32 $0xFFFFFD80  }
0x92: {  	_ =	sfence.sel $0x180000  }
0x93: {  	[bflag:$0x0] =	sbarrier.arrive $0xFFFF  }
0x94: {  	p0 =	sne.s32 s0, $0x0;
	_ =	strace $0x90000047  }
0x95: {  	s0 =	sadd.s32 @!p0 $0x100000, s1;
	[bflag:$0x2] =	sbarrier.arrive $0xFFFF  }
0x96: {  	[sflag:s0] =	ssyncadd.tile.s32 @!p0 $0x1;
	_ =	shalt  }
.Lfunc_end2:
_tile_overlayer_lowered:
.L_overlay_start_2:
0x97: {  	(tag) =	ssettag $0x2  }
0x98: {  	s0 =	rddreg [dreg:$0x0];
	s2 =	stileid.u32  }
0x99: {  	s1 =	rddreg [dreg:$0x1];
	p0 =	sne.s32 s2, $0x0  }
0x9a: {  	s3 =	rddreg [dreg:$0x2];
	[bflag:$0x3] =	sbarrier.arrive $0xFFFF;
	s2 =	simm.s32 @!p0 $0x1C01  }
0x9b: {  	[timem:s3], [sflag:s2] =	dma.local @!p0 [hbm:s0], s1  }
0x9c: {  	s0 =	simm.s32 @!p0 $0x1  }
0x9d: {  	_ =	swait.ge @!p0 [sflag:s0], s1  }
0x9e: {  	s1 =	ssub.s32 @!p0 $0x0, s1;
	[sflag:s0] =	ssyncset.done @!p0 $0x0  }
0x9f: {  	[sflag:s0] =	ssyncadd.s32 @!p0 s1  }
0xa0: {  	[bflag:$0x3] =	sbarrier.arrive $0xFFFF  }
0xa1: {  	_ =	shalt  }

// kernel: kernel.13.cloned.1.call-start
scs
__scs_entry_jumppad:
0x0: {  	(pc) =	sbr.rel $0x88, $3  }
0x1: {  	(tag) =	ssettag $0x0;
	lr =	simm.s32 $0x1  }
0x2: {  	[smem:$0x3F93] =	sst lr;
	_ =	strace $0xD0000000  }
0x3: {  	_ = 	snop  }
0x4: {  	_ = 	snop  }
0x5: {  	_ = 	snop  }
0x6: {  	_ = 	snop  }
0x7: {  	_ = 	snop  }
__scs_overlays_trampoline_lowered:
0x8: {  	[smem:$0x3FA2] =	sst s0  }
0x9: {  	[smem:$0x3FA3] =	sst s1  }
0xa: {  	[smem:$0x3FA4] =	sst s2  }
0xb: {  	[smem:$0x3FA5] =	sst s3  }
0xc: {  	[smem:$0x3FA6] =	sst s4  }
0xd: {  	[smem:$0x3FA7] =	sst s5  }
0xe: {  	[smem:$0x3FA8] =	sst s6  }
0xf: {  	[smem:$0x3FA9] =	sst s7  }
0x10: {  	[smem:$0x3FAA] =	sst s8  }
0x11: {  	[smem:$0x3FAB] =	sst s9;
	s0 =	simm.s32 @!p0 $0x0  }
0x12: {  	s1 =	sld [smem:$0x3F91];
	s0 =	simm.s32 @p0 $0x1  }
0x13: {  	[smem:$0x3FAC] =	sst s0;
	s0 =	simm.s32 @!p1 $0x0  }
0x14: {  	s2 =	sld [smem:$0x3F90];
	s0 =	simm.s32 @p1 $0x1  }
0x15: {  	[smem:$0x3FAD] =	sst s0;
	s0 =	simm.s32 @!p2 $0x0  }
0x16: {  	s3 =	sld [smem:$0x3FDB];
	s0 =	simm.s32 @p2 $0x1  }
0x17: {  	s4 =	simm.s32 $0x1BF5;
	[smem:$0x3FAF] =	sst s0  }
0x18: {  	s0 =	sld [smem:$0x3F92];
	_ =	swait.ge [sflag:s4], $0x0  }
0x19: {  	s7 =	sld [smem:$0x3F93]  }
0x1a: {  	s8 =	sadd.s32 $0xFFFFE003, lr  }
0x1b: {  	s9 =	sadd.s32 $0xFFFFFEF7, lr;
	s5 =	simm.s32 $0xFFFFFFFF;
	p2 =	slt.u32 s8, $0xFFFFF086  }
0x1c: {  	p1 =	slt.u32 s9, $0xF7A;
	s5 =	simm.s32 @!p2 $0x0  }
0x1d: {  	s5 =	simm.s32 @p1 $0x1;
	p0 =	seq.s32 s7, s2  }
0x1e: {  	s7 =	smul.u32 @!p0 $0xF7A, s2;
	p2 =	seq.s32 @!p0 s5, $0x0  }
0x1f: {  	s9 =	smul.u32 $0xF7A, s1;
	s8 =	simm.s32 @!p0 $0x1BF5;
	p2 =	por !p2, p0  }
0x20: {  	[sflag:s8] =	ssyncset.s32 @!p0 $0xFFFFF086;
	s6 =	sadd.s32 @!p0 s3, s7;
	s7 =	simm.s32 @!p0 $0x108  }
0x21: {  	s3 =	sadd.s32 s3, s9;
	s6 =	sadd.s32 @!p0 $0x88, s6;
	s7 =	simm.s32 @p2 $0x1082  }
0x22: {  	[simem:s7], [sflag:s8] =	dma.local @!p0 [hbm:s6], $0xF7A  }
0x23: {  	s9 =	sor.u32 $0xD0000000, s2;
	s6 =	simm.s32 $0x108;
	_ =	swait.ge @!p0 [sflag:s8], $0x0  }
0x24: {  	s3 =	sadd.s32 $0x88, s3;
	s6 =	simm.s32 @!p1 $0x1082;
	[sflag:s4] =	ssyncset.s32 $0xFFFFF086  }
0x25: {  	[simem:s6], [sflag:s4] =	dma.local [hbm:s3], $0xF7A  }
0x26: {  	[smem:$0x3F93] =	sst s1;
	(tag) =	ssettag s2;
	_ =	strace s9  }
0x27: {  	s1 =	sld [smem:$0x3FA3]  }
0x28: {  	s2 =	sld [smem:$0x3FA4]  }
0x29: {  	s4 =	sld [smem:$0x3FA6]  }
0x2a: {  	p0 =	seq.s32 s5, $0x0;
	s5 =	sld [smem:$0x3FA7]  }
0x2b: {  	s6 =	sld [smem:$0x3FA8]  }
0x2c: {  	s7 =	sld [smem:$0x3FA9]  }
0x2d: {  	s3 =	simm.s32 $0x108;
	s8 =	sld [smem:$0x3FAA]  }
0x2e: {  	s3 =	simm.s32 @!p0 $0x1082;
	s9 =	sld [smem:$0x3FAB]  }
0x2f: {  	lr =	sadd.s32 s0, s3;
	s0 =	sld [smem:$0x3FA2]  }
0x30: {  	s3 =	sld [smem:$0x3FA5]  }
0x31: {  	[smem:$0x3FAE] =	sst s10  }
0x32: {  	s10 =	sld [smem:$0x3FAC];
	_ =	sdelay $0x3  }
0x33: {  	p0 =	seq.s32 s10, $0x1;
	s10 =	sld [smem:$0x3FAE];
	_ =	sdelay $0x3  }
0x34: {  	[smem:$0x3FAE] =	sst s10  }
0x35: {  	s10 =	sld [smem:$0x3FAD];
	_ =	sdelay $0x3  }
0x36: {  	p1 =	seq.s32 s10, $0x1;
	s10 =	sld [smem:$0x3FAE];
	_ =	sdelay $0x3  }
0x37: {  	[smem:$0x3FAE] =	sst s10  }
0x38: {  	s10 =	sld [smem:$0x3FAF]  }
0x39: {  	_ = 	snop;
	(pc) =	sbr.ind lr, $3  }
0x3a: {  	_ = 	snop  }
0x3b: {  	_ = 	snop  }
0x3c: {  	p2 =	seq.s32 s10, $0x1;
	s10 =	sld [smem:$0x3FAE]  }
0x3d: {  	_ =	shalt  }
0x3e: {  	_ =	shalt  }
0x3f: {  	_ =	shalt  }
0x40: {  	_ =	shalt  }
0x41: {  	_ =	shalt  }
0x42: {  	_ =	shalt  }
0x43: {  	_ =	shalt  }
0x44: {  	_ =	shalt  }
0x45: {  	_ =	shalt  }
0x46: {  	_ =	shalt  }
0x47: {  	_ =	shalt  }
0x48: {  	_ =	shalt  }
0x49: {  	_ =	shalt  }
0x4a: {  	_ =	shalt  }
0x4b: {  	_ =	shalt  }
0x4c: {  	_ =	shalt  }
0x4d: {  	_ =	shalt  }
0x4e: {  	_ =	shalt  }
0x4f: {  	_ =	shalt  }
0x50: {  	_ =	shalt  }
0x51: {  	_ =	shalt  }
0x52: {  	_ =	shalt  }
0x53: {  	_ =	shalt  }
0x54: {  	_ =	shalt  }
0x55: {  	_ =	shalt  }
0x56: {  	_ =	shalt  }
0x57: {  	_ =	shalt  }
0x58: {  	_ =	shalt  }
0x59: {  	_ =	shalt  }
0x5a: {  	_ =	shalt  }
0x5b: {  	_ =	shalt  }
0x5c: {  	_ =	shalt  }
0x5d: {  	_ =	shalt  }
0x5e: {  	_ =	shalt  }
0x5f: {  	_ =	shalt  }
0x60: {  	_ =	shalt  }
0x61: {  	_ =	shalt  }
0x62: {  	_ =	shalt  }
0x63: {  	_ =	shalt  }
0x64: {  	_ =	shalt  }
0x65: {  	_ =	shalt  }
0x66: {  	_ =	shalt  }
0x67: {  	_ =	shalt  }
0x68: {  	_ =	shalt  }
0x69: {  	_ =	shalt  }
0x6a: {  	_ =	shalt  }
0x6b: {  	_ =	shalt  }
0x6c: {  	_ =	shalt  }
0x6d: {  	_ =	shalt  }
0x6e: {  	_ =	shalt  }
0x6f: {  	_ =	shalt  }
0x70: {  	_ =	shalt  }
0x71: {  	_ =	shalt  }
0x72: {  	_ =	shalt  }
0x73: {  	_ =	shalt  }
0x74: {  	_ =	shalt  }
0x75: {  	_ =	shalt  }
0x76: {  	_ =	shalt  }
0x77: {  	_ =	shalt  }
0x78: {  	_ =	shalt  }
0x79: {  	_ =	shalt  }
0x7a: {  	_ =	shalt  }
0x7b: {  	_ =	shalt  }
0x7c: {  	_ =	shalt  }
0x7d: {  	_ =	shalt  }
0x7e: {  	_ =	shalt  }
0x7f: {  	_ =	shalt  }
0x80: {  	_ =	shalt  }
0x81: {  	_ =	shalt  }
0x82: {  	_ =	shalt  }
0x83: {  	_ =	shalt  }
0x84: {  	_ =	shalt  }
0x85: {  	_ =	shalt  }
0x86: {  	_ =	shalt  }
0x87: {  	_ =	shalt  }
.Lfunc_end0:
.L_simem_size_0:
called_computation.1_lowered:
.L_overlay_start_0:
0x88: {  	s2 =	sld [smem:$0x3FD9]  }
0x89: {  	s3 =	sld [smem:$0x3FFE];
	_ =	sdelay $0x1  }
0x8a: {  	s1 =	srdreg.scid  }
0x8b: {  	s0 =	sand.u32 $0x1, s1  }
0x8c: {  	s17 =	sshll.u32 s0, $0xA;
	s2 =	sadd.s32 s3, s2  }
0x8d: {  	s2 =	sadd.s32 s2, s17  }
0x8e: {  	[smem:$0x3FBA] =	sst s2  }
0x8f: {  	_ = 	snop  }
0x90: {  	(tm) =	ssettm $0x1  }
0x91: {  	s18 =	sld [smem:$0x3FFB];
	_ =	sdelay $0x3  }
0x92: {  	_ =	strace s18  }
0x93: {  	s2 =	sld [smem:$0x3FFC];
	_ =	sdelay $0x3  }
0x94: {  	_ =	strace s2  }
0x95: {  	s2 =	sld [smem:$0x3FFD];
	_ =	sdelay $0x3  }
0x96: {  	_ =	strace s2  }
0x97: {  	_ =	strace $0x8FFFFFFF  }
0x98: {  	s19 =	sld [smem:$0x3FDB];
	_ =	sdelay $0x1  }
0x99: {  	s20 =	simm.s32 $_scs_section_size  }
0x9a: {  	s4 =	simm.s32 $_size__tile_overlayer_lowered;
	s5 =	simm.s32 $_tile_overlayer_lowered  }
0x9b: {  	s6 =	simm.s32 $0x1BFF;
	s21 =	sshll.u32 s5, $0x1;
	s3 =	sadd.s32 s20, s19  }
0x9c: {  	s22 =	simm.s32 $0x0;
	s4 =	sshll.u32 s4, $0x1;
	s5 =	sadd.s32 s21, s3  }
0x9d: {  	[timem:s22], [sflag:s6] =	dma.local [hbm:s5], s4  }
0x9e: {  	_ =	swait.ge [sflag:s6], s4  }
0x9f: {  	s4 =	ssub.s32 $0x0, s4;
	[sflag:s6] =	ssyncset.done $0x0  }
0xa0: {  	[sflag:s6] =	ssyncadd.s32 s4;
	_ =	sdelay $0x1  }
0xa1: {  	s23 =	simm.s32 $0x1B8B  }
0xa2: {  	_ =	swait.ge [sflag:s23], $0x1  }
0xa3: {  	[sflag:s23] =	ssyncset.done $0x0  }
0xa4: {  	[sflag:s23] =	ssyncadd.s32 $0xFFFFFFFF  }
0xa5: {  	s4 =	sld [smem:$0x0]  }
0xa6: {  	s5 =	sand.u32 $0xFFFFFFFE, s1  }
0xa7: {  	p0 =	sne.s32 s1, s5  }
0xa8: {  	s5 =	sshll.u32 @p0 s5, $0xE  }
0xa9: {  	s5 =	sadd.s32 @p0 $0x11B8D, s5;
	s6 =	sshll.u32 @p0 s4, $0x11  }
0xaa: {  	s5 =	sor.u32 @p0 s6, s5  }
0xab: {  	[sflag:s5] =	ssyncadd.remote.s32 @p0 $0x1;
	_ =	sdelay $0x1  }
0xac: {  	s5 =	simm.s32 @p0 $0x1B8D  }
0xad: {  	_ =	swait.eq @p0 [sflag:s5], $0x1  }
0xae: {  	[sflag:s5] =	ssyncadd.s32 @p0 $0xFFFFFFFF  }
0xaf: {  	s6 =	sshll.u32 @!p0 s1, $0xE  }
0xb0: {  	s6 =	sor.u32 @!p0 $0x4000, s6;
	s5 =	simm.s32 @!p0 $0x1B8D  }
0xb1: {  	s4 =	sshll.u32 @!p0 s4, $0x11;
	s6 =	sadd.s32 @!p0 $0x11B8D, s6;
	_ =	swait.eq @!p0 [sflag:s5], $0x1  }
0xb2: {  	s4 =	sor.u32 @!p0 s4, s6;
	[sflag:s5] =	ssyncadd.s32 @!p0 $0xFFFFFFFF  }
0xb3: {  	s25 =	simm.s32 $0x1B8E;
	s24 =	sld [smem:$0x3FFE];
	[sflag:s4] =	ssyncadd.remote.s32 @!p0 $0x1  }
0xb4: {  	s26 =	simm.s32 $execute0_lowered;
	[smem:$0x3FD2] =	sst s25  }
0xb5: {  	s5 =	sshll.u32 s26, $0x1;
	_ =	strace $0x8000004C;
	[dreg:$0x1] =	wrdreg $0xFFFFFFFF  }
0xb6: {  	s28 =	simm.s32 $_size_execute0_lowered;
	s3 =	sadd.s32 s3, s5;
	[dreg:$0x0] =	wrdreg $0x0  }
0xb7: {  	s5 =	sshll.u32 s28, $0x1;
	[dreg:$0x2] =	wrdreg s3  }
0xb8: {  	[dreg:$0x3] =	wrdreg s5  }
0xb9: {  	[dreg:$0x4] =	wrdreg $0xC0  }
0xba: {  	_ =	task [dreg:s22], $0x5FFFF  }
0xbb: {  	[dreg:$0x1] =	wrdreg $0xFFFFFFFF  }
0xbc: {  	[dreg:$0x0] =	wrdreg $0x60  }
0xbd: {  	[dreg:$0x2] =	wrdreg s24  }
0xbe: {  	[dreg:$0x3] =	wrdreg $0xD2000  }
0xbf: {  	[dreg:$0x4] =	wrdreg $0xD4800  }
0xc0: {  	[dreg:$0x5] =	wrdreg $0xA  }
0xc1: {  	_ =	task.clear_ibuf [dreg:s22], $0x6FFFF;
	_ =	strace $0x9000004C  }
0xc2: {  	s29 =	simm.s32 $0xA;
	_ =	strace $0x8000004E  }
0xc3: {  	_ =	swait.ge [sflag:s29], $0x1  }
0xc4: {  	[sflag:s29] =	ssyncadd.s32 $0xFFFFFFFF  }
0xc5: {  	_ =	strace $0x9000004E  }
0xc6: {  	_ =	sfence  }
0xc7: {  	s30 =	sld [smem:$0x0];
	_ =	sdelay $0x2  }
0xc8: {  	s31 =	sshll.u32 s1, $0xD;
	s1 =	sshrl.u32 s1, $0x2  }
0xc9: {  	s4 =	sand.u32 $0x4000, s31;
	s1 =	sadd.s32 s1, s30  }
0xca: {  	s0 =	sor.u32 s4, s0;
	s1 =	sshll.u32 s1, $0x11  }
0xcb: {  	s0 =	sor.u32 s1, s0  }
0xcc: {  	s0 =	sadd.s32 $0x8F2B, s0  }
0xcd: {  	[sflag:s0] =	ssyncadd.remote.s32 $0x1  }
0xce: {  	_ =	sfence.sel $0xFFFF  }
0xcf: {  	[dreg:$0x0] =	wrdreg $0xFFFFFFFF;
	(pc) =	sbr.abs _section_cstart, $3  }
0xd0: {  	[dreg:$0x1] =	wrdreg $0xFFFFFFFF  }
0xd1: {  	_ =	task.clear_ibuf [dreg:s22], $0x2FFFF;
	_ =	strace $0x9FFFFFFF  }
0xd2: {  	(tm) =	ssettm $0x7FFFFFFF  }
0xd3: {  	_ =	shalt  }
tec
execute0_lowered:
.L_overlay_start_1:
0x0: {  	(tag) =	ssettag $0x1  }
0x1: {  	s0 =	srdreg.scid;
	s1 =	rddreg [dreg:$0x0]  }
0x2: {  	s15 =	rddreg [dreg:$0x1];
	s2 =	stileid.u32  }
0x3: {  	s11 =	rddreg [dreg:$0x2];
	s16 =	simm.s32 $0x1;
	s17 =	simm.s32 $0x2800  }
0x4: {  	s18 =	simm.s32 $0x5000;
	s19 =	simm.s32 $0x5500;
	s20 =	simm.s32 $0x5780  }
0x5: {  	s21 =	simm.s32 $0x7F80;
	s22 =	simm.s32 $0x1400;
	s23 =	simm.s32 $0x14000  }
0x6: {  	s24 =	simm.s32 $0xA780;
	s25 =	simm.s32 $0x100;
	s28 =	simm.s32 $0x0  }
0x7: {  	s0 =	sand.u32 $0x1, s0;
	s5 =	smul.u32 $0x500, s2;
	s26 =	sshll.u32 s2, $0x7  }
0x8: {  	s12 =	sshrl.u32 s2, $0x3;
	s14 =	smul.u32 $0x5000, s2;
	s3 =	sshll.u32 s0, $0x4  }
0x9: {  	s10 =	sand.u32 $0x380, s26;
	s29 =	sshll.u32 s0, $0x7;
	s30 =	ssub.s32 $0x2, s0  }
0xa: {  	s12 =	smul.u32 $0x50000, s12;
	p0 =	sne.s32 s0, $0x0;
	s26 =	simm.s32 $0xCF80  }
0xb: {  	s3 =	sor.u32 s2, s3;
	s7 =	sshrl.u32 s5, $0x3;
	s5 =	sor.u32 s29, s5  }
0xc: {  	s13 =	sshrl.u32 s30, $0x1;
	s31 =	sshrl.u32 s14, $0x2;
	s14 =	simm.s32 $0x80  }
0xd: {  	s4 =	sshrl.u32 s3, $0x3;
	s3 =	simm.s32 $0x0;
	s7 =	sadd.s32 s7, s1  }
0xe: {  	s5 =	sshrl.u32 s5, $0x3;
	s13 =	ssub.s32 s30, s13;
	s6 =	smul.u32 $0x14000, s4  }
0xf: {  	s12 =	sshrl.u32 s12, $0x2;
	[smem:$0x7FF] =	sst s3;
	s4 =	smul.u32 $0x280, s2  }
0x10: {  	s7 =	sadd.s32 $0xE200, s7;
	s12 =	sadd.s32 s12, s11;
	s11 =	sadd.s32 s31, s11  }
0x11: {  	s13 =	smax.u32 s13, $0x1;
	_ =	strace $0x8000004D;
	s6 =	sor.u32 s10, s6  }
0x12: {  	s8 =	sshrl.u32 s4, $0x3;
	s10 =	sadd.s32 s10, s12;
	s6 =	sshrl.u32 s6, $0x3  }
0x13: {  	s9 =	sadd.s32 s8, s1;
	s8 =	sadd.s32 s4, s15;
	s15 =	simm.s32 $0x400  }
0x14: {  	s6 =	sadd.s32 s6, s1;
	s1 =	sadd.s32 s5, s1;
	s9 =	sadd.s32 $0xC2C00, s9  }
0x15: {  	v0 =	vimm.f32 $0.0e+00;
	s5 =	sadd.s32 $0xEC00, s6;
	s6 =	sadd.s32 $0x4200, s6;
	s12 =	sadd.s32 $0xC3200, s1  }
.LBB2_1:
0x16: {  	[tilespmem:s3], [sflag:$0x1] =	stream.strided.gather [hbm4b:s5+s14], $0x2800, s15, s14, $0x38;
	[tilespmem:$0xFC80] =	vst v63  }
0x17: {  	_ =	swait.ge [sflag:s16], $0x2800  }
0x18: {  	[sflag:s16] =	ssyncset.done $0x0  }
0x19: {  	[sflag:s16] =	ssyncadd.s32 $0xFFFFD800  }
0x1a: {  	[tilespmem:s17], [sflag:$0x1] =	stream.strided.gather [hbm4b:s6+s14], $0x2800, s15, s14, $0x38;
	[tilespmem:$0xFC80] =	vst v63  }
0x1b: {  	_ =	swait.ge [sflag:s16], $0x2800  }
0x1c: {  	[sflag:s16] =	ssyncset.done $0x0  }
0x1d: {  	[sflag:s16] =	ssyncadd.s32 $0xFFFFD800  }
0x1e: {  	[tilespmem:s18], [sflag:$0x1] =	stream.linear.gather [hbm4b:s7+s3], $0x500, $0x38;
	[tilespmem:$0xFC80] =	vst v63  }
0x1f: {  	_ =	swait.ge [sflag:s16], $0x500  }
0x20: {  	s0 =	sand.u32 $0x70, s3;
	s1 =	sand.u32 $0x700, s3;
	[sflag:s16] =	ssyncset.done $0x0  }
0x21: {  	s0 =	sor.u32 s0, s1;
	[sflag:s16] =	ssyncadd.s32 $0xFFFFFB00  }
0x22: {  	v1 =	vld [tilespmem:s0+$0x5080]  }
0x23: {  	v2 =	vld [tilespmem:s0+$0x5000];
	_ =	sdelay $0x4  }
0x24: {  	v1 =	vadd.f32 v1, v2;
	_ =	sdelay $0x1  }
0x25: {  	v1 =	vmax.f32 v1, $1.000000000e+00  }
0x26: {  	(erf) = vrcp.f32 v1;
	_ =	sdelay $0x7  }
0x27: {  	s2 =	sadd.s32 $0x0, s4  }
0x28: {  	s30 =	simm.s32 $0x20;
	s1 =	simm.s32 $0x10;
	p1 =	slt.u32 s2, $0x2710;
	v1 =	vpop (erf)  }
0x29: {  	s29 =	sand.u32 $0x700, s30;
	s2 =	sand.u32 $0x70, s1;
	v1 =	vpsel !p1, $0x0, v1  }
0x2a: {  	s31 =	simm.s32 $0x20;
	s0 =	sor.u32 s2, s29;
	s29 =	simm.s32 $0x5500;
	[tilespmem:s19+$0x0] =	vst v1  }
.LBB2_2:
0x2b: {  	p1 =	sne.s32 s31, $0x270;
	v1 =	vld [tilespmem:s0+$0x5080]  }
0x2c: {  	v2 =	vld [tilespmem:s0+$0x5000];
	_ =	sdelay $0x4  }
0x2d: {  	v1 =	vadd.f32 v1, v2;
	_ =	sdelay $0x1  }
0x2e: {  	v1 =	vmax.f32 v1, $1.000000000e+00  }
0x2f: {  	(erf) = vrcp.f32 v1;
	_ =	sdelay $0x6  }
.Ltmp0:
0x30: {  	(pc) =	sbr.rel @p1 .LBB2_2-.Ltmp0, $4  }
0x31: {  	s0 =	sadd.s32 s1, s4;
	s1 =	smov.u32 s31  }
0x32: {  	s30 =	sadd.s32 $0x20, s30;
	p2 =	slt.u32 s0, $0x2710;
	v1 =	vpop (erf)  }
0x33: {  	s29 =	sadd.s32 $0x10, s29;
	s2 =	sand.u32 $0x700, s30;
	s0 =	sand.u32 $0x70, s31;
	v1 =	vpsel !p2, $0x0, v1  }
0x34: {  	s31 =	sadd.s32 $0x10, s31;
	s0 =	sor.u32 s0, s2;
	[tilespmem:s29+$0x0] =	vst v1  }
0x35: {  	v1 =	vld [tilespmem:s0+$0x5080]  }
0x36: {  	v2 =	vld [tilespmem:s0+$0x5000];
	_ =	sdelay $0x4  }
0x37: {  	v1 =	vadd.f32 v1, v2;
	_ =	sdelay $0x1  }
0x38: {  	v1 =	vmax.f32 v1, $1.000000000e+00  }
0x39: {  	(erf) = vrcp.f32 v1;
	_ =	sdelay $0x7  }
0x3a: {  	s30 =	sadd.s32 s1, s4  }
0x3b: {  	p1 =	slt.u32 s30, $0x2710;
	v1 =	vpop (erf)  }
0x3c: {  	s31 =	sadd.s32 $0x10, s29;
	v1 =	vpsel !p1, $0x0, v1  }
0x3d: {  	[tilespmem:s31+$0x0] =	vst v1  }
0x3e: {  	[spmem:s8] =	stream.linear.scatter [tilespmem:s19], [sflag:$0x1], $0x280, $0x38;
	[tilespmem:$0xFC80] =	vst v63  }
0x3f: {  	_ =	swait.ge [sflag:s16], $0x280  }
0x40: {  	[sflag:s16] =	ssyncset.done $0x0  }
0x41: {  	s0 =	simm.s32 @!p0 $0x0;
	s1 =	simm.s32 @!p0 $0x5500;
	[sflag:s16] =	ssyncadd.s32 $0xFFFFFD80  }
0x42: {  	[hbm4b:s9+s0] =	stream.linear.scatter @!p0 [tilespmem:s1], [sflag:$0x1], $0x280, $0x38;
	[tilespmem:$0xFC80] =	vst v63  }
0x43: {  	s0 =	simm.s32 @!p0 $0x1  }
0x44: {  	_ =	swait.ge @!p0 [sflag:s0], $0x280  }
0x45: {  	[sflag:s0] =	ssyncset.done @!p0 $0x0  }
0x46: {  	s1 =	simm.s32 $0x0;
	[sflag:s0] =	ssyncadd.s32 @!p0 $0xFFFFFD80;
	s0 =	simm.s32 $0x40  }
.LBB2_4:
0x47: {  	p1 =	sne.s32 s0, $0x9FC0;
	[tilespmem:s1+$0x7F80] =	vst v0;
	s1 =	smov.u32 s0;
	s0 =	sadd.s32 $0x40, s0  }
.Ltmp1:
0x48: {  	(pc) =	sbr.rel @p1 .LBB2_4-.Ltmp1, $2  }
0x49: {  	_ =	sdelay $0x2  }
0x4a: {  	s1 =	sshra.s32 s1, $0x2  }
0x4b: {  	[tilespmem:s1+$0x7F80] =	vst v0  }
0x4c: {  	[bflag:$0x0] =	sbarrier.arrive $0xFFFF  }
0x4d: {  	s0 =	rddreg [dreg:$0x1]  }
0x4e: {  	[tilespmem:s20], [sflag:$0x1] =	stream.linear.gather [spmem:s0], $0x2800, $0x38;
	[tilespmem:$0xFC80] =	vst v63  }
0x4f: {  	_ =	swait.ge [sflag:s16], $0x2800  }
0x50: {  	[sflag:s16] =	ssyncset.done $0x0  }
0x51: {  	s29 =	simm.s32 $0x0;
	s1 =	simm.s32 $0x40;
	[sflag:s16] =	ssyncadd.s32 $0xFFFFD800  }
.LBB2_6:
0x52: {  	p1 =	sne.s32 s1, $0x9FC0;
	v1 =	vld [tilespmem:s29+$0x2800];
	_ =	sdelay $0x5  }
0x53: {  	v2 =	vld [tilespmem:s29+$0x0];
	_ =	sdelay $0x1  }
0x54: {  	v1 =	vld.idx.msk [tilespmem:v1+s20+$0x0], $0xffff;
	_ =	sdelay $0x1  }
.Ltmp2:
0x55: {  	(pc) =	sbr.rel @p1 .LBB2_6-.Ltmp2, $2  }
0x56: {  	_ =	sdelay $0x2  }
0x57: {  	s29 =	sshra.s32 s1, $0x2;
	s1 =	sadd.s32 $0x40, s1;
	[tilespmem:v2+s21+$0x0] =	vst.idx.add.f32.msk $0xffff, v1  }
0x58: {  	v1 =	vld [tilespmem:s29+$0x2800];
	_ =	sdelay $0x4  }
0x59: {  	v2 =	vld [tilespmem:s29+$0x0];
	_ =	sdelay $0x2  }
0x5a: {  	v1 =	vld.idx.msk [tilespmem:v1+s20+$0x0], $0xffff;
	_ =	sdelay $0x4  }
0x5b: {  	[tilespmem:v2+s21+$0x0] =	vst.idx.add.f32.msk $0xffff, v1  }
0x5c: {  	[spmem:s10] =	stream.strided.scatter [tilespmem:s21], [sflag:$0x1], $0x2800, s15, s14, $0x38;
	[tilespmem:$0xFC80] =	vst v63  }
0x5d: {  	_ =	swait.ge [sflag:s16], $0x2800  }
0x5e: {  	[sflag:s16] =	ssyncset.done $0x0  }
0x5f: {  	[sflag:s16] =	ssyncadd.s32 $0xFFFFD800  }
0x60: {  	[bflag:$0x0] =	sbarrier.arrive $0xFFFF  }
0x61: {  	[tilespmem:s24], [sflag:$0x1] =	stream.strided.gather [spmem:s11], $0x2800, s23, s22, $0x38;
	[tilespmem:$0xFC80] =	vst v63  }
0x62: {  	s0 =	simm.s32 $0x0;
	_ =	swait.ge [sflag:s16], $0x2800  }
0x63: {  	s1 =	sand.u32 $0x70, s0;
	s0 =	sand.u32 $0x1C00, s0;
	[sflag:s16] =	ssyncset.done $0x0  }
0x64: {  	s0 =	sor.u32 s1, s0;
	[sflag:s16] =	ssyncadd.s32 $0xFFFFD800  }
0x65: {  	v1 =	vld [tilespmem:s0+$0xA800]  }
0x66: {  	v2 =	vld [tilespmem:s0+$0xA780];
	_ =	sdelay $0x1  }
0x67: {  	v3 =	vld [tilespmem:s0+$0xA880];
	_ =	sdelay $0x1  }
0x68: {  	v4 =	vld [tilespmem:s0+$0xA900]  }
0x69: {  	v1 =	vadd.f32 v1, v2  }
0x6a: {  	v2 =	vld [tilespmem:s0+$0xA980]  }
0x6b: {  	v1 =	vadd.f32 v3, v1  }
0x6c: {  	v3 =	vld [tilespmem:s0+$0xAA00]  }
0x6d: {  	v1 =	vadd.f32 v4, v1  }
0x6e: {  	v60 =	vld [tilespmem:s0+$0xAA80]  }
0x6f: {  	v1 =	vadd.f32 v2, v1  }
0x70: {  	v2 =	vld [tilespmem:s0+$0xAB00]  }
0x71: {  	v1 =	vadd.f32 v3, v1  }
0x72: {  	v3 =	vld [tilespmem:s0+$0xBB80]  }
0x73: {  	v1 =	vadd.f32 v60, v1  }
0x74: {  	v61 =	vld [tilespmem:s0+$0xBC00]  }
0x75: {  	v1 =	vadd.f32 v2, v1  }
0x76: {  	v2 =	vld [tilespmem:s0+$0xBC80]  }
0x77: {  	v1 =	vadd.f32 v3, v1  }
0x78: {  	v3 =	vld [tilespmem:s0+$0xBD00]  }
0x79: {  	v1 =	vadd.f32 v61, v1  }
0x7a: {  	v62 =	vld [tilespmem:s0+$0xBD80]  }
0x7b: {  	v1 =	vadd.f32 v2, v1  }
0x7c: {  	v2 =	vld [tilespmem:s0+$0xBE00]  }
0x7d: {  	v1 =	vadd.f32 v3, v1  }
0x7e: {  	v3 =	vld [tilespmem:s0+$0xBE80]  }
0x7f: {  	v1 =	vadd.f32 v62, v1  }
0x80: {  	v63 =	vld [tilespmem:s0+$0xBF00]  }
0x81: {  	v1 =	vadd.f32 v2, v1;
	_ =	sdelay $0x1  }
0x82: {  	v1 =	vadd.f32 v3, v1;
	_ =	sdelay $0x1  }
0x83: {  	s31 =	simm.s32 $0x80;
	s1 =	simm.s32 $0x10;
	v1 =	vadd.f32 v63, v1  }
0x84: {  	s29 =	simm.s32 $0xCF80;
	s2 =	sand.u32 $0x1C00, s31;
	s0 =	sand.u32 $0x70, s1  }
0x85: {  	s1 =	simm.s32 $0x20;
	s30 =	sor.u32 s0, s2;
	[tilespmem:s29+$0x0] =	vst v1  }
.LBB2_8:
0x86: {  	p1 =	sne.s32 s1, $0x270;
	v1 =	vld [tilespmem:s30+$0xA800]  }
0x87: {  	v2 =	vld [tilespmem:s30+$0xA780];
	_ =	sdelay $0x1  }
0x88: {  	v3 =	vld [tilespmem:s30+$0xA880];
	_ =	sdelay $0x1  }
0x89: {  	v4 =	vld [tilespmem:s30+$0xA900]  }
0x8a: {  	v1 =	vadd.f32 v1, v2  }
0x8b: {  	v2 =	vld [tilespmem:s30+$0xA980]  }
0x8c: {  	v1 =	vadd.f32 v3, v1  }
0x8d: {  	v3 =	vld [tilespmem:s30+$0xAA00]  }
0x8e: {  	v1 =	vadd.f32 v4, v1  }
0x8f: {  	v4 =	vld [tilespmem:s30+$0xAA80]  }
0x90: {  	v1 =	vadd.f32 v2, v1  }
0x91: {  	v2 =	vld [tilespmem:s30+$0xAB00]  }
0x92: {  	v1 =	vadd.f32 v3, v1  }
0x93: {  	v3 =	vld [tilespmem:s30+$0xBB80]  }
0x94: {  	v1 =	vadd.f32 v4, v1  }
0x95: {  	v4 =	vld [tilespmem:s30+$0xBC00]  }
0x96: {  	v1 =	vadd.f32 v2, v1  }
0x97: {  	v2 =	vld [tilespmem:s30+$0xBC80]  }
0x98: {  	v1 =	vadd.f32 v3, v1  }
0x99: {  	v3 =	vld [tilespmem:s30+$0xBD00]  }
0x9a: {  	v1 =	vadd.f32 v4, v1  }
0x9b: {  	v4 =	vld [tilespmem:s30+$0xBD80]  }
0x9c: {  	v1 =	vadd.f32 v2, v1  }
0x9d: {  	v2 =	vld [tilespmem:s30+$0xBE00]  }
0x9e: {  	v1 =	vadd.f32 v3, v1  }
0x9f: {  	v3 =	vld [tilespmem:s30+$0xBE80]  }
0xa0: {  	v1 =	vadd.f32 v4, v1  }
0xa1: {  	v4 =	vld [tilespmem:s30+$0xBF00]  }
0xa2: {  	v1 =	vadd.f32 v2, v1;
	_ =	sdelay $0x1  }
.Ltmp3:
0xa3: {  	v1 =	vadd.f32 v3, v1;
	(pc) =	sbr.rel @p1 .LBB2_8-.Ltmp3, $4  }
0xa4: {  	_ = 	snop  }
0xa5: {  	s31 =	sadd.s32 $0x80, s31;
	v1 =	vadd.f32 v4, v1  }
0xa6: {  	s0 =	sand.u32 $0x70, s1;
	s29 =	sadd.s32 $0x10, s29;
	s2 =	sand.u32 $0x1C00, s31  }
0xa7: {  	s1 =	sadd.s32 $0x10, s1;
	s30 =	sor.u32 s0, s2;
	[tilespmem:s29+$0x0] =	vst v1  }
0xa8: {  	v1 =	vld [tilespmem:s30+$0xA800]  }
0xa9: {  	v2 =	vld [tilespmem:s30+$0xA780];
	_ =	sdelay $0x1  }
0xaa: {  	v3 =	vld [tilespmem:s30+$0xA880];
	_ =	sdelay $0x1  }
0xab: {  	v4 =	vld [tilespmem:s30+$0xA900]  }
0xac: {  	v1 =	vadd.f32 v1, v2  }
0xad: {  	v2 =	vld [tilespmem:s30+$0xA980]  }
0xae: {  	v1 =	vadd.f32 v3, v1  }
0xaf: {  	v3 =	vld [tilespmem:s30+$0xAA00]  }
0xb0: {  	v1 =	vadd.f32 v4, v1  }
0xb1: {  	v60 =	vld [tilespmem:s30+$0xAA80]  }
0xb2: {  	v1 =	vadd.f32 v2, v1  }
0xb3: {  	v2 =	vld [tilespmem:s30+$0xAB00]  }
0xb4: {  	v1 =	vadd.f32 v3, v1  }
0xb5: {  	v3 =	vld [tilespmem:s30+$0xBB80]  }
0xb6: {  	v1 =	vadd.f32 v60, v1  }
0xb7: {  	v61 =	vld [tilespmem:s30+$0xBC00]  }
0xb8: {  	v1 =	vadd.f32 v2, v1  }
0xb9: {  	v2 =	vld [tilespmem:s30+$0xBC80]  }
0xba: {  	v1 =	vadd.f32 v3, v1  }
0xbb: {  	v3 =	vld [tilespmem:s30+$0xBD00]  }
0xbc: {  	v1 =	vadd.f32 v61, v1  }
0xbd: {  	v62 =	vld [tilespmem:s30+$0xBD80]  }
0xbe: {  	v1 =	vadd.f32 v2, v1  }
0xbf: {  	v2 =	vld [tilespmem:s30+$0xBE00]  }
0xc0: {  	v1 =	vadd.f32 v3, v1  }
0xc1: {  	v3 =	vld [tilespmem:s30+$0xBE80]  }
0xc2: {  	v1 =	vadd.f32 v62, v1  }
0xc3: {  	v63 =	vld [tilespmem:s30+$0xBF00]  }
0xc4: {  	v1 =	vadd.f32 v2, v1;
	_ =	sdelay $0x1  }
0xc5: {  	v1 =	vadd.f32 v3, v1;
	_ =	sdelay $0x1  }
0xc6: {  	s28 =	sadd.s32 $0x1, s28;
	v1 =	vadd.f32 v63, v1  }
0xc7: {  	s0 =	sadd.s32 $0x10, s29;
	p1 =	sne.s32 s28, s13  }
.Ltmp4:
0xc8: {  	[tilespmem:s0+$0x0] =	vst v1;
	(pc) =	sbr.rel @p1 .LBB2_1-.Ltmp4, $4  }
0xc9: {  	[hbm4b:s12+s14] =	stream.strided.scatter [tilespmem:s26], [sflag:$0x1], $0x280, s25, s14, $0x38;
	[tilespmem:$0xFC80] =	vst v63  }
0xca: {  	_ =	swait.ge [sflag:s16], $0x280  }
0xcb: {  	[sflag:s16] =	ssyncset.done $0x0  }
0xcc: {  	[sflag:s16] =	ssyncadd.s32 $0xFFFFFD80  }
0xcd: {  	_ =	sfence.sel $0x180000  }
0xce: {  	[bflag:$0x0] =	sbarrier.arrive $0xFFFF  }
0xcf: {  	_ =	strace $0x9000004D  }
0xd0: {  	s0 =	stileid.u32;
	[bflag:$0x2] =	sbarrier.arrive $0xFFFF  }
0xd1: {  	p0 =	sne.s32 s0, $0x0;
	s0 =	rddreg [dreg:$0x3]  }
0xd2: {  	s0 =	sadd.s32 @!p0 $0x100000, s0  }
0xd3: {  	[sflag:s0] =	ssyncadd.tile.s32 @!p0 $0x1;
	_ =	shalt  }
.Lfunc_end2:
_tile_overlayer_lowered:
.L_overlay_start_2:
0xd4: {  	(tag) =	ssettag $0x2  }
0xd5: {  	s0 =	rddreg [dreg:$0x0];
	s2 =	stileid.u32  }
0xd6: {  	s1 =	rddreg [dreg:$0x1];
	p0 =	sne.s32 s2, $0x0  }
0xd7: {  	s3 =	rddreg [dreg:$0x2];
	[bflag:$0x3] =	sbarrier.arrive $0xFFFF;
	s2 =	simm.s32 @!p0 $0x1C01  }
0xd8: {  	[timem:s3], [sflag:s2] =	dma.local @!p0 [hbm:s0], s1  }
0xd9: {  	s0 =	simm.s32 @!p0 $0x1  }
0xda: {  	_ =	swait.ge @!p0 [sflag:s0], s1  }
0xdb: {  	s1 =	ssub.s32 @!p0 $0x0, s1;
	[sflag:s0] =	ssyncset.done @!p0 $0x0  }
0xdc: {  	[sflag:s0] =	ssyncadd.s32 @!p0 s1  }
0xdd: {  	[bflag:$0x3] =	sbarrier.arrive $0xFFFF  }
0xde: {  	_ =	shalt  }

// kernel: kernel.16.cloned.1.call-start
scs
__scs_entry_jumppad:
0x0: {  	(pc) =	sbr.rel $0x88, $3  }
0x1: {  	(tag) =	ssettag $0x0;
	lr =	simm.s32 $0x1  }
0x2: {  	[smem:$0x3F93] =	sst lr;
	_ =	strace $0xD0000000  }
0x3: {  	_ = 	snop  }
0x4: {  	_ = 	snop  }
0x5: {  	_ = 	snop  }
0x6: {  	_ = 	snop  }
0x7: {  	_ = 	snop  }
__scs_overlays_trampoline_lowered:
0x8: {  	[smem:$0x3FA2] =	sst s0  }
0x9: {  	[smem:$0x3FA3] =	sst s1  }
0xa: {  	[smem:$0x3FA4] =	sst s2  }
0xb: {  	[smem:$0x3FA5] =	sst s3  }
0xc: {  	[smem:$0x3FA6] =	sst s4  }
0xd: {  	[smem:$0x3FA7] =	sst s5  }
0xe: {  	[smem:$0x3FA8] =	sst s6  }
0xf: {  	[smem:$0x3FA9] =	sst s7  }
0x10: {  	[smem:$0x3FAA] =	sst s8  }
0x11: {  	[smem:$0x3FAB] =	sst s9;
	s0 =	simm.s32 @!p0 $0x0  }
0x12: {  	s1 =	sld [smem:$0x3F91];
	s0 =	simm.s32 @p0 $0x1  }
0x13: {  	[smem:$0x3FAC] =	sst s0;
	s0 =	simm.s32 @!p1 $0x0  }
0x14: {  	s2 =	sld [smem:$0x3F90];
	s0 =	simm.s32 @p1 $0x1  }
0x15: {  	[smem:$0x3FAD] =	sst s0;
	s0 =	simm.s32 @!p2 $0x0  }
0x16: {  	s3 =	sld [smem:$0x3FDB];
	s0 =	simm.s32 @p2 $0x1  }
0x17: {  	s4 =	simm.s32 $0x1BF5;
	[smem:$0x3FAF] =	sst s0  }
0x18: {  	s0 =	sld [smem:$0x3F92];
	_ =	swait.ge [sflag:s4], $0x0  }
0x19: {  	s7 =	sld [smem:$0x3F93]  }
0x1a: {  	s8 =	sadd.s32 $0xFFFFE003, lr  }
0x1b: {  	s9 =	sadd.s32 $0xFFFFFEF7, lr;
	s5 =	simm.s32 $0xFFFFFFFF;
	p2 =	slt.u32 s8, $0xFFFFF086  }
0x1c: {  	p1 =	slt.u32 s9, $0xF7A;
	s5 =	simm.s32 @!p2 $0x0  }
0x1d: {  	s5 =	simm.s32 @p1 $0x1;
	p0 =	seq.s32 s7, s2  }
0x1e: {  	s7 =	smul.u32 @!p0 $0xF7A, s2;
	p2 =	seq.s32 @!p0 s5, $0x0  }
0x1f: {  	s9 =	smul.u32 $0xF7A, s1;
	s8 =	simm.s32 @!p0 $0x1BF5;
	p2 =	por !p2, p0  }
0x20: {  	[sflag:s8] =	ssyncset.s32 @!p0 $0xFFFFF086;
	s6 =	sadd.s32 @!p0 s3, s7;
	s7 =	simm.s32 @!p0 $0x108  }
0x21: {  	s3 =	sadd.s32 s3, s9;
	s6 =	sadd.s32 @!p0 $0x88, s6;
	s7 =	simm.s32 @p2 $0x1082  }
0x22: {  	[simem:s7], [sflag:s8] =	dma.local @!p0 [hbm:s6], $0xF7A  }
0x23: {  	s9 =	sor.u32 $0xD0000000, s2;
	s6 =	simm.s32 $0x108;
	_ =	swait.ge @!p0 [sflag:s8], $0x0  }
0x24: {  	s3 =	sadd.s32 $0x88, s3;
	s6 =	simm.s32 @!p1 $0x1082;
	[sflag:s4] =	ssyncset.s32 $0xFFFFF086  }
0x25: {  	[simem:s6], [sflag:s4] =	dma.local [hbm:s3], $0xF7A  }
0x26: {  	[smem:$0x3F93] =	sst s1;
	(tag) =	ssettag s2;
	_ =	strace s9  }
0x27: {  	s1 =	sld [smem:$0x3FA3]  }
0x28: {  	s2 =	sld [smem:$0x3FA4]  }
0x29: {  	s4 =	sld [smem:$0x3FA6]  }
0x2a: {  	p0 =	seq.s32 s5, $0x0;
	s5 =	sld [smem:$0x3FA7]  }
0x2b: {  	s6 =	sld [smem:$0x3FA8]  }
0x2c: {  	s7 =	sld [smem:$0x3FA9]  }
0x2d: {  	s3 =	simm.s32 $0x108;
	s8 =	sld [smem:$0x3FAA]  }
0x2e: {  	s3 =	simm.s32 @!p0 $0x1082;
	s9 =	sld [smem:$0x3FAB]  }
0x2f: {  	lr =	sadd.s32 s0, s3;
	s0 =	sld [smem:$0x3FA2]  }
0x30: {  	s3 =	sld [smem:$0x3FA5]  }
0x31: {  	[smem:$0x3FAE] =	sst s10  }
0x32: {  	s10 =	sld [smem:$0x3FAC];
	_ =	sdelay $0x3  }
0x33: {  	p0 =	seq.s32 s10, $0x1;
	s10 =	sld [smem:$0x3FAE];
	_ =	sdelay $0x3  }
0x34: {  	[smem:$0x3FAE] =	sst s10  }
0x35: {  	s10 =	sld [smem:$0x3FAD];
	_ =	sdelay $0x3  }
0x36: {  	p1 =	seq.s32 s10, $0x1;
	s10 =	sld [smem:$0x3FAE];
	_ =	sdelay $0x3  }
0x37: {  	[smem:$0x3FAE] =	sst s10  }
0x38: {  	s10 =	sld [smem:$0x3FAF]  }
0x39: {  	_ = 	snop;
	(pc) =	sbr.ind lr, $3  }
0x3a: {  	_ = 	snop  }
0x3b: {  	_ = 	snop  }
0x3c: {  	p2 =	seq.s32 s10, $0x1;
	s10 =	sld [smem:$0x3FAE]  }
0x3d: {  	_ =	shalt  }
0x3e: {  	_ =	shalt  }
0x3f: {  	_ =	shalt  }
0x40: {  	_ =	shalt  }
0x41: {  	_ =	shalt  }
0x42: {  	_ =	shalt  }
0x43: {  	_ =	shalt  }
0x44: {  	_ =	shalt  }
0x45: {  	_ =	shalt  }
0x46: {  	_ =	shalt  }
0x47: {  	_ =	shalt  }
0x48: {  	_ =	shalt  }
0x49: {  	_ =	shalt  }
0x4a: {  	_ =	shalt  }
0x4b: {  	_ =	shalt  }
0x4c: {  	_ =	shalt  }
0x4d: {  	_ =	shalt  }
0x4e: {  	_ =	shalt  }
0x4f: {  	_ =	shalt  }
0x50: {  	_ =	shalt  }
0x51: {  	_ =	shalt  }
0x52: {  	_ =	shalt  }
0x53: {  	_ =	shalt  }
0x54: {  	_ =	shalt  }
0x55: {  	_ =	shalt  }
0x56: {  	_ =	shalt  }
0x57: {  	_ =	shalt  }
0x58: {  	_ =	shalt  }
0x59: {  	_ =	shalt  }
0x5a: {  	_ =	shalt  }
0x5b: {  	_ =	shalt  }
0x5c: {  	_ =	shalt  }
0x5d: {  	_ =	shalt  }
0x5e: {  	_ =	shalt  }
0x5f: {  	_ =	shalt  }
0x60: {  	_ =	shalt  }
0x61: {  	_ =	shalt  }
0x62: {  	_ =	shalt  }
0x63: {  	_ =	shalt  }
0x64: {  	_ =	shalt  }
0x65: {  	_ =	shalt  }
0x66: {  	_ =	shalt  }
0x67: {  	_ =	shalt  }
0x68: {  	_ =	shalt  }
0x69: {  	_ =	shalt  }
0x6a: {  	_ =	shalt  }
0x6b: {  	_ =	shalt  }
0x6c: {  	_ =	shalt  }
0x6d: {  	_ =	shalt  }
0x6e: {  	_ =	shalt  }
0x6f: {  	_ =	shalt  }
0x70: {  	_ =	shalt  }
0x71: {  	_ =	shalt  }
0x72: {  	_ =	shalt  }
0x73: {  	_ =	shalt  }
0x74: {  	_ =	shalt  }
0x75: {  	_ =	shalt  }
0x76: {  	_ =	shalt  }
0x77: {  	_ =	shalt  }
0x78: {  	_ =	shalt  }
0x79: {  	_ =	shalt  }
0x7a: {  	_ =	shalt  }
0x7b: {  	_ =	shalt  }
0x7c: {  	_ =	shalt  }
0x7d: {  	_ =	shalt  }
0x7e: {  	_ =	shalt  }
0x7f: {  	_ =	shalt  }
0x80: {  	_ =	shalt  }
0x81: {  	_ =	shalt  }
0x82: {  	_ =	shalt  }
0x83: {  	_ =	shalt  }
0x84: {  	_ =	shalt  }
0x85: {  	_ =	shalt  }
0x86: {  	_ =	shalt  }
0x87: {  	_ =	shalt  }
.Lfunc_end0:
.L_simem_size_0:
called_computation.2_lowered:
.L_overlay_start_0:
0x88: {  	s2 =	sld [smem:$0x3FD9]  }
0x89: {  	s3 =	sld [smem:$0x3FFE];
	_ =	sdelay $0x1  }
0x8a: {  	s1 =	srdreg.scid  }
0x8b: {  	s0 =	sand.u32 $0x1, s1  }
0x8c: {  	s17 =	sshll.u32 s0, $0xA;
	s2 =	sadd.s32 s3, s2  }
0x8d: {  	s2 =	sadd.s32 s2, s17  }
0x8e: {  	[smem:$0x3FBA] =	sst s2  }
0x8f: {  	_ = 	snop  }
0x90: {  	(tm) =	ssettm $0x1  }
0x91: {  	s18 =	sld [smem:$0x3FFB];
	_ =	sdelay $0x3  }
0x92: {  	_ =	strace s18  }
0x93: {  	s2 =	sld [smem:$0x3FFC];
	_ =	sdelay $0x3  }
0x94: {  	_ =	strace s2  }
0x95: {  	s2 =	sld [smem:$0x3FFD];
	_ =	sdelay $0x3  }
0x96: {  	_ =	strace s2  }
0x97: {  	_ =	strace $0x8FFFFFFF  }
0x98: {  	s19 =	sld [smem:$0x3FDB];
	_ =	sdelay $0x1  }
0x99: {  	s20 =	simm.s32 $_scs_section_size  }
0x9a: {  	s4 =	simm.s32 $_size__tile_overlayer_lowered;
	s5 =	simm.s32 $_tile_overlayer_lowered  }
0x9b: {  	s6 =	simm.s32 $0x1BFF;
	s21 =	sshll.u32 s5, $0x1;
	s3 =	sadd.s32 s20, s19  }
0x9c: {  	s22 =	simm.s32 $0x0;
	s4 =	sshll.u32 s4, $0x1;
	s5 =	sadd.s32 s21, s3  }
0x9d: {  	[timem:s22], [sflag:s6] =	dma.local [hbm:s5], s4  }
0x9e: {  	_ =	swait.ge [sflag:s6], s4  }
0x9f: {  	s4 =	ssub.s32 $0x0, s4;
	[sflag:s6] =	ssyncset.done $0x0  }
0xa0: {  	[sflag:s6] =	ssyncadd.s32 s4;
	_ =	sdelay $0x1  }
0xa1: {  	s23 =	simm.s32 $0x1B8B  }
0xa2: {  	_ =	swait.ge [sflag:s23], $0x1  }
0xa3: {  	[sflag:s23] =	ssyncset.done $0x0  }
0xa4: {  	[sflag:s23] =	ssyncadd.s32 $0xFFFFFFFF  }
0xa5: {  	s4 =	sld [smem:$0x0]  }
0xa6: {  	s5 =	sand.u32 $0xFFFFFFFE, s1  }
0xa7: {  	p0 =	sne.s32 s1, s5  }
0xa8: {  	s5 =	sshll.u32 @p0 s5, $0xE  }
0xa9: {  	s5 =	sadd.s32 @p0 $0x11B8D, s5;
	s6 =	sshll.u32 @p0 s4, $0x11  }
0xaa: {  	s5 =	sor.u32 @p0 s6, s5  }
0xab: {  	[sflag:s5] =	ssyncadd.remote.s32 @p0 $0x1;
	_ =	sdelay $0x1  }
0xac: {  	s5 =	simm.s32 @p0 $0x1B8D  }
0xad: {  	_ =	swait.eq @p0 [sflag:s5], $0x1  }
0xae: {  	[sflag:s5] =	ssyncadd.s32 @p0 $0xFFFFFFFF  }
0xaf: {  	s6 =	sshll.u32 @!p0 s1, $0xE  }
0xb0: {  	s6 =	sor.u32 @!p0 $0x4000, s6;
	s5 =	simm.s32 @!p0 $0x1B8D  }
0xb1: {  	s4 =	sshll.u32 @!p0 s4, $0x11;
	s6 =	sadd.s32 @!p0 $0x11B8D, s6;
	_ =	swait.eq @!p0 [sflag:s5], $0x1  }
0xb2: {  	s4 =	sor.u32 @!p0 s4, s6;
	[sflag:s5] =	ssyncadd.s32 @!p0 $0xFFFFFFFF  }
0xb3: {  	s25 =	simm.s32 $0x1B8E;
	s24 =	sld [smem:$0x3FFE];
	[sflag:s4] =	ssyncadd.remote.s32 @!p0 $0x1  }
0xb4: {  	s26 =	simm.s32 $execute0_lowered;
	[smem:$0x3FD2] =	sst s25  }
0xb5: {  	s5 =	sshll.u32 s26, $0x1;
	_ =	strace $0x80000049;
	[dreg:$0x1] =	wrdreg $0xFFFFFFFF  }
0xb6: {  	s28 =	simm.s32 $_size_execute0_lowered;
	s3 =	sadd.s32 s3, s5;
	[dreg:$0x0] =	wrdreg $0x0  }
0xb7: {  	s5 =	sshll.u32 s28, $0x1;
	[dreg:$0x2] =	wrdreg s3  }
0xb8: {  	[dreg:$0x3] =	wrdreg s5  }
0xb9: {  	[dreg:$0x4] =	wrdreg $0xC0  }
0xba: {  	_ =	task [dreg:s22], $0x5FFFF  }
0xbb: {  	[dreg:$0x1] =	wrdreg $0xFFFFFFFF  }
0xbc: {  	[dreg:$0x0] =	wrdreg $0x60  }
0xbd: {  	[dreg:$0x2] =	wrdreg s24  }
0xbe: {  	[dreg:$0x3] =	wrdreg $0xAA000  }
0xbf: {  	[dreg:$0x4] =	wrdreg $0x9  }
0xc0: {  	_ =	task.clear_ibuf [dreg:s22], $0x5FFFF;
	_ =	strace $0x90000049  }
0xc1: {  	s29 =	simm.s32 $0x9;
	_ =	strace $0x8000004B  }
0xc2: {  	_ =	swait.ge [sflag:s29], $0x1  }
0xc3: {  	[sflag:s29] =	ssyncadd.s32 $0xFFFFFFFF  }
0xc4: {  	_ =	strace $0x9000004B  }
0xc5: {  	_ =	sfence  }
0xc6: {  	s30 =	sld [smem:$0x0];
	_ =	sdelay $0x2  }
0xc7: {  	s31 =	sshll.u32 s1, $0xD;
	s1 =	sshrl.u32 s1, $0x2  }
0xc8: {  	s4 =	sand.u32 $0x4000, s31;
	s1 =	sadd.s32 s1, s30  }
0xc9: {  	s0 =	sor.u32 s4, s0;
	s1 =	sshll.u32 s1, $0x11  }
0xca: {  	s0 =	sor.u32 s1, s0  }
0xcb: {  	s0 =	sadd.s32 $0x8F2B, s0  }
0xcc: {  	[sflag:s0] =	ssyncadd.remote.s32 $0x1  }
0xcd: {  	_ =	sfence.sel $0xFFFF  }
0xce: {  	[dreg:$0x0] =	wrdreg $0xFFFFFFFF;
	(pc) =	sbr.abs _section_cstart, $3  }
0xcf: {  	[dreg:$0x1] =	wrdreg $0xFFFFFFFF  }
0xd0: {  	_ =	task.clear_ibuf [dreg:s22], $0x2FFFF;
	_ =	strace $0x9FFFFFFF  }
0xd1: {  	(tm) =	ssettm $0x7FFFFFFF  }
tec
execute0_lowered:
.L_overlay_start_1:
0x0: {  	(tag) =	ssettag $0x1  }
0x1: {  	s6 =	rddreg [dreg:$0x0]  }
0x2: {  	s0 =	srdreg.scid;
	s2 =	rddreg [dreg:$0x1]  }
0x3: {  	s13 =	simm.s32 $0x400;
	s14 =	simm.s32 $0x2800;
	s15 =	simm.s32 $0x2A00  }
0x4: {  	s16 =	simm.s32 $0x2900;
	s17 =	simm.s32 $0x6A00;
	s18 =	simm.s32 $0x1  }
0x5: {  	s19 =	simm.s32 $0x2880;
	s5 =	sand.u32 $0x1, s0;
	s0 =	stileid.u32  }
0x6: {  	s20 =	simm.s32 $0x2;
	s21 =	simm.s32 $0x2980;
	s25 =	smul.u32 $0x14000, s0  }
0x7: {  	s22 =	simm.s32 $0x0;
	s1 =	sshll.u32 s5, $0x4;
	s9 =	smul.u32 $0x140000, s5  }
0x8: {  	s3 =	sshll.u32 s0, $0x7;
	s26 =	smul.u32 $0x50000, s0;
	s5 =	ssub.s32 $0x2, s5  }
0x9: {  	s31 =	sshll.u32 s0, $0x6;
	s1 =	sor.u32 s0, s1;
	s7 =	sand.u32 $0x380, s3  }
0xa: {  	s3 =	simm.s32 $0x0;
	s28 =	sshrl.u32 s5, $0x1;
	s1 =	sshrl.u32 s1, $0x3  }
0xb: {  	[smem:$0x7FF] =	sst s3;
	s10 =	sshrl.u32 s25, $0x3;
	s29 =	sshrl.u32 s26, $0x2  }
0xc: {  	s30 =	ssub.s32 s5, s28;
	s4 =	smul.u32 $0x14000, s1;
	s1 =	rddreg [dreg:$0x2]  }
0xd: {  	_ =	strace $0x8000004A;
	s10 =	sadd.s32 s10, s6;
	s12 =	sadd.s32 s29, s2  }
0xe: {  	s5 =	sadd.s32 $0x4AC00, s10;
	s10 =	sshrl.u32 s12, $0x3;
	s12 =	simm.s32 $0x80  }
0xf: {  	s4 =	sor.u32 s7, s4;
	s7 =	sadd.s32 s25, s9;
	s9 =	smax.u32 s30, $0x1  }
0x10: {  	s8 =	sshrl.u32 s4, $0x3;
	s4 =	sadd.s32 $0x18C00, s6;
	s7 =	sshrl.u32 s7, $0x3  }
0x11: {  	s8 =	sadd.s32 s8, s6;
	s11 =	sadd.s32 s7, s6;
	s6 =	sor.u32 $0x1C03, s31  }
0x12: {  	s7 =	sadd.s32 $0x40C00, s8;
	s8 =	sadd.s32 $0x72C00, s11;
	s11 =	simm.s32 $0x3  }
.LBB2_1:
0x13: {  	[spmem:s10], [sflag:s6] =	dma.local [hbm:s5], $0x2800  }
0x14: {  	_ =	swait.ge [sflag:s11], $0x2800  }
0x15: {  	[sflag:s11] =	ssyncset.done $0x0  }
0x16: {  	[sflag:s11] =	ssyncadd.s32 $0xFFFFD800  }
0x17: {  	[tilespmem:s3], [sflag:$0x3] =	stream.strided.gather [hbm4b:s7+s12], $0x2800, s13, s12, $0x38;
	[tilespmem:$0x1EA00] =	vst v63  }
0x18: {  	_ =	swait.ge [sflag:s11], $0x2800  }
0x19: {  	[sflag:s11] =	ssyncset.done $0x0  }
0x1a: {  	[sflag:s11] =	ssyncadd.s32 $0xFFFFD800  }
0x1b: {  	[bflag:$0x0] =	sbarrier.arrive $0xFFFF  }
0x1c: {  	v0 =	vld [tilespmem:$0x0];
	_ =	sdelay $0x1  }
0x1d: {  	v1 =	vld [tilespmem:$0x10];
	_ =	sdelay $0x1  }
0x1e: {  	v2 =	vld [tilespmem:$0x20]  }
0x1f: {  	v3 =	vand.u32 $0x3FFF, v0  }
0x20: {  	v0 =	vshrl.u32 v0, $0xE;
	[tilespmem:$0x2800] =	vst v3;
	v3 =	vld [tilespmem:$0x30]  }
0x21: {  	[tilespmem:$0x2880] =	vst v0;
	v0 =	vand.u32 $0x3FFF, v1  }
0x22: {  	[tilespmem:$0x2810] =	vst v0;
	v0 =	vshrl.u32 v1, $0xE;
	v1 =	vld [tilespmem:$0x40]  }
0x23: {  	[tilespmem:$0x2890] =	vst v0;
	v0 =	vand.u32 $0x3FFF, v2  }
0x24: {  	[tilespmem:$0x2820] =	vst v0;
	v0 =	vshrl.u32 v2, $0xE;
	v2 =	vld [tilespmem:$0x50]  }
0x25: {  	[tilespmem:$0x28A0] =	vst v0;
	v0 =	vand.u32 $0x3FFF, v3  }
0x26: {  	[tilespmem:$0x2830] =	vst v0;
	v0 =	vshrl.u32 v3, $0xE;
	v3 =	vld [tilespmem:$0x60]  }
0x27: {  	[tilespmem:$0x28B0] =	vst v0;
	v0 =	vand.u32 $0x3FFF, v1  }
0x28: {  	[tilespmem:$0x2840] =	vst v0;
	v0 =	vshrl.u32 v1, $0xE;
	v1 =	vld [tilespmem:$0x70]  }
0x29: {  	[tilespmem:$0x28C0] =	vst v0;
	v0 =	vand.u32 $0x3FFF, v2  }
0x2a: {  	[tilespmem:$0x2850] =	vst v0;
	v0 =	vshrl.u32 v2, $0xE  }
0x2b: {  	[tilespmem:$0x28D0] =	vst v0;
	v0 =	vand.u32 $0x3FFF, v3  }
0x2c: {  	[tilespmem:$0x2860] =	vst v0;
	v0 =	vshrl.u32 v3, $0xE  }
0x2d: {  	[tilespmem:$0x28E0] =	vst v0;
	v0 =	vand.u32 $0x3FFF, v1  }
0x2e: {  	[tilespmem:$0x2870] =	vst v0;
	v0 =	vshrl.u32 v1, $0xE  }
0x2f: {  	s23 =	simm.s32 $0x0;
	[tilespmem:$0x28F0] =	vst v0  }
0x30: {  	[tilespmem:s15], [sflag:$0x1] =	stream.indirect.gather [hbm4b:s4+s12], $0x80, s14, s12, $0xb8;
	[tilespmem:$0x1EA00] =	vst v63  }
0x31: {  	v0 =	vld [tilespmem:s23+$0x80];
	_ =	sdelay $0x4  }
0x32: {  	v1 =	vand.u32 $0x3FFF, v0  }
0x33: {  	v0 =	vshrl.u32 v0, $0xE;
	[tilespmem:$0x2900] =	vst v1  }
0x34: {  	[tilespmem:$0x2980] =	vst v0  }
0x35: {  	v0 =	vld [tilespmem:s23+$0x90];
	_ =	sdelay $0x4  }
0x36: {  	v1 =	vand.u32 $0x3FFF, v0  }
0x37: {  	v0 =	vshrl.u32 v0, $0xE;
	[tilespmem:$0x2910] =	vst v1  }
0x38: {  	[tilespmem:$0x2990] =	vst v0  }
0x39: {  	v0 =	vld [tilespmem:s23+$0xA0];
	_ =	sdelay $0x4  }
0x3a: {  	v1 =	vand.u32 $0x3FFF, v0  }
0x3b: {  	v0 =	vshrl.u32 v0, $0xE;
	[tilespmem:$0x2920] =	vst v1  }
0x3c: {  	[tilespmem:$0x29A0] =	vst v0  }
0x3d: {  	v0 =	vld [tilespmem:s23+$0xB0];
	_ =	sdelay $0x4  }
0x3e: {  	v1 =	vand.u32 $0x3FFF, v0  }
0x3f: {  	v0 =	vshrl.u32 v0, $0xE;
	[tilespmem:$0x2930] =	vst v1  }
0x40: {  	[tilespmem:$0x29B0] =	vst v0  }
0x41: {  	v0 =	vld [tilespmem:s23+$0xC0];
	_ =	sdelay $0x4  }
0x42: {  	v1 =	vand.u32 $0x3FFF, v0  }
0x43: {  	v0 =	vshrl.u32 v0, $0xE;
	[tilespmem:$0x2940] =	vst v1  }
0x44: {  	[tilespmem:$0x29C0] =	vst v0  }
0x45: {  	v0 =	vld [tilespmem:s23+$0xD0];
	_ =	sdelay $0x4  }
0x46: {  	v1 =	vand.u32 $0x3FFF, v0  }
0x47: {  	v0 =	vshrl.u32 v0, $0xE;
	[tilespmem:$0x2950] =	vst v1  }
0x48: {  	[tilespmem:$0x29D0] =	vst v0  }
0x49: {  	v0 =	vld [tilespmem:s23+$0xE0];
	_ =	sdelay $0x4  }
0x4a: {  	v1 =	vand.u32 $0x3FFF, v0  }
0x4b: {  	v0 =	vshrl.u32 v0, $0xE;
	[tilespmem:$0x2960] =	vst v1  }
0x4c: {  	[tilespmem:$0x29E0] =	vst v0  }
0x4d: {  	v0 =	vld [tilespmem:s23+$0xF0];
	_ =	sdelay $0x4  }
0x4e: {  	v1 =	vand.u32 $0x3FFF, v0  }
0x4f: {  	v0 =	vshrl.u32 v0, $0xE;
	[tilespmem:$0x2970] =	vst v1  }
0x50: {  	[tilespmem:$0x29F0] =	vst v0  }
0x51: {  	[tilespmem:s17], [sflag:$0x2] =	stream.indirect.gather [hbm4b:s4+s12], $0x80, s16, s12, $0xb8;
	[tilespmem:$0x1EA00] =	vst v63  }
0x52: {  	_ =	swait.ge [sflag:s18], $0x4000  }
0x53: {  	[sflag:s18] =	ssyncset.done $0x0  }
0x54: {  	[sflag:s18] =	ssyncadd.s32 $0xFFFFC000  }
0x55: {  	[spmem:s2] =	stream.indirect.scatter.add.f32 [tilespmem:s15], [sflag:$0x3], $0x80, s19, s12, $0xb8;
	[tilespmem:$0x1EA00] =	vst v63  }
0x56: {  	_ =	swait.ge [sflag:s11], $0x4000  }
0x57: {  	p1 =	por $0x0, $0x0;
	[sflag:s11] =	ssyncset.done $0x0  }
0x58: {  	s24 =	simm.s32 @!p1 $0x0;
	[sflag:s11] =	ssyncadd.s32 $0xFFFFC000  }
0x59: {  	v0 =	vld @!p1 [tilespmem:s24+$0x100];
	_ =	sdelay $0x4  }
0x5a: {  	v1 =	vand.u32 @!p1 $0x3FFF, v0  }
0x5b: {  	v0 =	vshrl.u32 @!p1 v0, $0xE;
	[tilespmem:$0x2800] =	vst @!p1 v1  }
0x5c: {  	[tilespmem:$0x2880] =	vst @!p1 v0  }
0x5d: {  	v0 =	vld @!p1 [tilespmem:s24+$0x110];
	_ =	sdelay $0x4  }
0x5e: {  	v1 =	vand.u32 @!p1 $0x3FFF, v0  }
0x5f: {  	v0 =	vshrl.u32 @!p1 v0, $0xE;
	[tilespmem:$0x2810] =	vst @!p1 v1  }
0x60: {  	[tilespmem:$0x2890] =	vst @!p1 v0  }
0x61: {  	v0 =	vld @!p1 [tilespmem:s24+$0x120];
	_ =	sdelay $0x4  }
0x62: {  	v1 =	vand.u32 @!p1 $0x3FFF, v0  }
0x63: {  	v0 =	vshrl.u32 @!p1 v0, $0xE;
	[tilespmem:$0x2820] =	vst @!p1 v1  }
0x64: {  	[tilespmem:$0x28A0] =	vst @!p1 v0  }
0x65: {  	v0 =	vld @!p1 [tilespmem:s24+$0x130];
	_ =	sdelay $0x4  }
0x66: {  	v1 =	vand.u32 @!p1 $0x3FFF, v0  }
0x67: {  	v0 =	vshrl.u32 @!p1 v0, $0xE;
	[tilespmem:$0x2830] =	vst @!p1 v1  }
0x68: {  	[tilespmem:$0x28B0] =	vst @!p1 v0  }
0x69: {  	v0 =	vld @!p1 [tilespmem:s24+$0x140];
	_ =	sdelay $0x4  }
0x6a: {  	v1 =	vand.u32 @!p1 $0x3FFF, v0  }
0x6b: {  	v0 =	vshrl.u32 @!p1 v0, $0xE;
	[tilespmem:$0x2840] =	vst @!p1 v1  }
0x6c: {  	[tilespmem:$0x28C0] =	vst @!p1 v0  }
0x6d: {  	v0 =	vld @!p1 [tilespmem:s24+$0x150];
	_ =	sdelay $0x4  }
0x6e: {  	v1 =	vand.u32 @!p1 $0x3FFF, v0  }
0x6f: {  	v0 =	vshrl.u32 @!p1 v0, $0xE;
	[tilespmem:$0x2850] =	vst @!p1 v1  }
0x70: {  	[tilespmem:$0x28D0] =	vst @!p1 v0  }
0x71: {  	v0 =	vld @!p1 [tilespmem:s24+$0x160];
	_ =	sdelay $0x4  }
0x72: {  	s26 =	simm.s32 @!p1 $0x80;
	v1 =	vand.u32 @!p1 $0x3FFF, v0  }
0x73: {  	s28 =	simm.s32 @!p1 $0x2800;
	s29 =	simm.s32 @!p1 $0x2A00;
	s23 =	simm.s32 $0x400;
	v0 =	vshrl.u32 @!p1 v0, $0xE;
	[tilespmem:$0x2860] =	vst @!p1 v1  }
.LBB2_2:
0x74: {  	[tilespmem:$0x28E0] =	vst @!p1 v0;
	s25 =	smov.u32 s23;
	s23 =	sadd.s32 $0x400, s23  }
0x75: {  	p0 =	sne.s32 s23, $0xA000;
	v0 =	vld @!p1 [tilespmem:s24+$0x170];
	_ =	sdelay $0x4  }
0x76: {  	v1 =	vand.u32 @!p1 $0x3FFF, v0;
	v0 =	vshrl.u32 @!p1 v0, $0xE  }
0x77: {  	[tilespmem:$0x2870] =	vst @!p1 v1  }
0x78: {  	[tilespmem:$0x28F0] =	vst @!p1 v0  }
0x79: {  	[tilespmem:s29], [sflag:$0x1] =	stream.indirect.gather @!p1 [hbm4b:s4+s26], $0x80, s28, s26, $0xb8;
	[tilespmem:$0x1EA00] =	vst v63  }
0x7a: {  	_ =	swait.ge [sflag:s20], $0x4000  }
0x7b: {  	[sflag:s20] =	ssyncset.done $0x0  }
0x7c: {  	[sflag:s20] =	ssyncadd.s32 $0xFFFFC000  }
0x7d: {  	[spmem:s2] =	stream.indirect.scatter.add.f32 [tilespmem:s17], [sflag:$0x3], $0x80, s21, s12, $0xb8;
	[tilespmem:$0x1EA00] =	vst v63  }
0x7e: {  	_ =	swait.ge [sflag:s11], $0x4000  }
0x7f: {  	[sflag:s11] =	ssyncset.done $0x0  }
0x80: {  	s24 =	sshra.s32 s25, $0x2;
	[sflag:s11] =	ssyncadd.s32 $0xFFFFC000  }
0x81: {  	v0 =	vld [tilespmem:s24+$0x80];
	_ =	sdelay $0x4  }
0x82: {  	v1 =	vand.u32 $0x3FFF, v0;
	v0 =	vshrl.u32 v0, $0xE  }
0x83: {  	[tilespmem:$0x2900] =	vst v1  }
0x84: {  	[tilespmem:$0x2980] =	vst v0  }
0x85: {  	v0 =	vld [tilespmem:s24+$0x90];
	_ =	sdelay $0x4  }
0x86: {  	v1 =	vand.u32 $0x3FFF, v0;
	v0 =	vshrl.u32 v0, $0xE  }
0x87: {  	[tilespmem:$0x2910] =	vst v1  }
0x88: {  	[tilespmem:$0x2990] =	vst v0  }
0x89: {  	v0 =	vld [tilespmem:s24+$0xA0];
	_ =	sdelay $0x4  }
0x8a: {  	v1 =	vand.u32 $0x3FFF, v0;
	v0 =	vshrl.u32 v0, $0xE  }
0x8b: {  	[tilespmem:$0x2920] =	vst v1  }
0x8c: {  	[tilespmem:$0x29A0] =	vst v0  }
0x8d: {  	v0 =	vld [tilespmem:s24+$0xB0];
	_ =	sdelay $0x4  }
0x8e: {  	v1 =	vand.u32 $0x3FFF, v0;
	v0 =	vshrl.u32 v0, $0xE  }
0x8f: {  	[tilespmem:$0x2930] =	vst v1  }
0x90: {  	[tilespmem:$0x29B0] =	vst v0  }
0x91: {  	v0 =	vld [tilespmem:s24+$0xC0];
	_ =	sdelay $0x4  }
0x92: {  	v1 =	vand.u32 $0x3FFF, v0;
	v0 =	vshrl.u32 v0, $0xE  }
0x93: {  	[tilespmem:$0x2940] =	vst v1  }
0x94: {  	[tilespmem:$0x29C0] =	vst v0  }
0x95: {  	v0 =	vld [tilespmem:s24+$0xD0];
	_ =	sdelay $0x4  }
0x96: {  	v1 =	vand.u32 $0x3FFF, v0;
	v0 =	vshrl.u32 v0, $0xE  }
0x97: {  	[tilespmem:$0x2950] =	vst v1  }
0x98: {  	[tilespmem:$0x29D0] =	vst v0  }
0x99: {  	v0 =	vld [tilespmem:s24+$0xE0];
	_ =	sdelay $0x4  }
0x9a: {  	v1 =	vand.u32 $0x3FFF, v0;
	v0 =	vshrl.u32 v0, $0xE  }
0x9b: {  	[tilespmem:$0x2960] =	vst v1  }
0x9c: {  	[tilespmem:$0x29E0] =	vst v0  }
0x9d: {  	v0 =	vld [tilespmem:s24+$0xF0];
	_ =	sdelay $0x4  }
0x9e: {  	v1 =	vand.u32 $0x3FFF, v0;
	v0 =	vshrl.u32 v0, $0xE  }
0x9f: {  	p1 =	seq.s32 s25, $0x9C00;
	[tilespmem:$0x2970] =	vst v1  }
0xa0: {  	s24 =	sshra.s32 @!p1 s25, $0x2;
	[tilespmem:$0x29F0] =	vst v0  }
0xa1: {  	[tilespmem:s17], [sflag:$0x2] =	stream.indirect.gather [hbm4b:s4+s12], $0x80, s16, s12, $0xb8;
	[tilespmem:$0x1EA00] =	vst v63  }
0xa2: {  	_ =	swait.ge [sflag:s18], $0x4000  }
0xa3: {  	[sflag:s18] =	ssyncset.done $0x0  }
0xa4: {  	[sflag:s18] =	ssyncadd.s32 $0xFFFFC000  }
0xa5: {  	[spmem:s2] =	stream.indirect.scatter.add.f32 [tilespmem:s15], [sflag:$0x3], $0x80, s19, s12, $0xb8;
	[tilespmem:$0x1EA00] =	vst v63  }
0xa6: {  	_ =	swait.ge [sflag:s11], $0x4000  }
0xa7: {  	[sflag:s11] =	ssyncset.done $0x0  }
0xa8: {  	[sflag:s11] =	ssyncadd.s32 $0xFFFFC000  }
0xa9: {  	v0 =	vld @!p1 [tilespmem:s24+$0x100];
	_ =	sdelay $0x4  }
0xaa: {  	v1 =	vand.u32 @!p1 $0x3FFF, v0;
	v0 =	vshrl.u32 @!p1 v0, $0xE  }
0xab: {  	[tilespmem:$0x2800] =	vst @!p1 v1  }
0xac: {  	[tilespmem:$0x2880] =	vst @!p1 v0  }
0xad: {  	v0 =	vld @!p1 [tilespmem:s24+$0x110];
	_ =	sdelay $0x4  }
0xae: {  	v1 =	vand.u32 @!p1 $0x3FFF, v0;
	v0 =	vshrl.u32 @!p1 v0, $0xE  }
0xaf: {  	[tilespmem:$0x2810] =	vst @!p1 v1  }
0xb0: {  	[tilespmem:$0x2890] =	vst @!p1 v0  }
0xb1: {  	v0 =	vld @!p1 [tilespmem:s24+$0x120];
	_ =	sdelay $0x4  }
0xb2: {  	v1 =	vand.u32 @!p1 $0x3FFF, v0;
	v0 =	vshrl.u32 @!p1 v0, $0xE  }
0xb3: {  	[tilespmem:$0x2820] =	vst @!p1 v1  }
0xb4: {  	[tilespmem:$0x28A0] =	vst @!p1 v0  }
0xb5: {  	v0 =	vld @!p1 [tilespmem:s24+$0x130];
	_ =	sdelay $0x4  }
0xb6: {  	v1 =	vand.u32 @!p1 $0x3FFF, v0;
	v0 =	vshrl.u32 @!p1 v0, $0xE  }
0xb7: {  	[tilespmem:$0x2830] =	vst @!p1 v1  }
0xb8: {  	[tilespmem:$0x28B0] =	vst @!p1 v0  }
0xb9: {  	v0 =	vld @!p1 [tilespmem:s24+$0x140];
	_ =	sdelay $0x4  }
0xba: {  	v1 =	vand.u32 @!p1 $0x3FFF, v0;
	v0 =	vshrl.u32 @!p1 v0, $0xE  }
0xbb: {  	[tilespmem:$0x2840] =	vst @!p1 v1  }
0xbc: {  	[tilespmem:$0x28C0] =	vst @!p1 v0  }
0xbd: {  	v0 =	vld @!p1 [tilespmem:s24+$0x150];
	_ =	sdelay $0x4  }
0xbe: {  	v1 =	vand.u32 @!p1 $0x3FFF, v0;
	v0 =	vshrl.u32 @!p1 v0, $0xE  }
0xbf: {  	[tilespmem:$0x2850] =	vst @!p1 v1  }
0xc0: {  	s26 =	simm.s32 @!p1 $0x80;
	s28 =	simm.s32 @!p1 $0x2800;
	s29 =	simm.s32 @!p1 $0x2A00;
	[tilespmem:$0x28D0] =	vst @!p1 v0  }
0xc1: {  	v0 =	vld @!p1 [tilespmem:s24+$0x160];
	_ =	sdelay $0x1  }
.Ltmp0:
0xc2: {  	(pc) =	sbr.rel @p0 .LBB2_2-.Ltmp0, $3  }
0xc3: {  	_ =	sdelay $0x1  }
0xc4: {  	v1 =	vand.u32 @!p1 $0x3FFF, v0;
	v0 =	vshrl.u32 @!p1 v0, $0xE  }
0xc5: {  	[tilespmem:$0x2860] =	vst @!p1 v1  }
0xc6: {  	[tilespmem:$0x28E0] =	vst @!p1 v0  }
0xc7: {  	v0 =	vld @!p1 [tilespmem:s24+$0x170];
	_ =	sdelay $0x4  }
0xc8: {  	v1 =	vand.u32 @!p1 $0x3FFF, v0  }
0xc9: {  	v0 =	vshrl.u32 @!p1 v0, $0xE;
	[tilespmem:$0x2870] =	vst @!p1 v1  }
0xca: {  	[tilespmem:$0x28F0] =	vst @!p1 v0  }
0xcb: {  	[tilespmem:s29], [sflag:$0x1] =	stream.indirect.gather @!p1 [hbm4b:s4+s26], $0x80, s28, s26, $0xb8;
	[tilespmem:$0x1EA00] =	vst v63  }
0xcc: {  	_ =	swait.ge [sflag:s20], $0x4000  }
0xcd: {  	[sflag:s20] =	ssyncset.done $0x0  }
0xce: {  	[sflag:s20] =	ssyncadd.s32 $0xFFFFC000  }
0xcf: {  	[spmem:s2] =	stream.indirect.scatter.add.f32 [tilespmem:s17], [sflag:$0x3], $0x80, s21, s12, $0xb8;
	[tilespmem:$0x1EA00] =	vst v63  }
0xd0: {  	_ =	swait.ge [sflag:s11], $0x4000  }
0xd1: {  	s22 =	sadd.s32 $0x1, s22;
	[sflag:s11] =	ssyncset.done $0x0  }
0xd2: {  	p0 =	sne.s32 s22, s9;
	[sflag:s11] =	ssyncadd.s32 $0xFFFFC000  }
.Ltmp1:
0xd3: {  	[bflag:$0x0] =	sbarrier.arrive $0xFFFF;
	(pc) =	sbr.rel @p0 .LBB2_1-.Ltmp1, $4  }
0xd4: {  	[hbm:s8], [sflag:s6] =	dma.local [spmem:s10], $0x2800  }
0xd5: {  	_ =	swait.ge [sflag:s11], $0x2800  }
0xd6: {  	[sflag:s11] =	ssyncset.done $0x0  }
0xd7: {  	[sflag:s11] =	ssyncadd.s32 $0xFFFFD800  }
0xd8: {  	_ =	sfence.sel $0x180000  }
0xd9: {  	[bflag:$0x0] =	sbarrier.arrive $0xFFFF  }
0xda: {  	p0 =	sne.s32 s0, $0x0;
	_ =	strace $0x9000004A  }
0xdb: {  	s0 =	sadd.s32 @!p0 $0x100000, s1;
	[bflag:$0x2] =	sbarrier.arrive $0xFFFF  }
0xdc: {  	[sflag:s0] =	ssyncadd.tile.s32 @!p0 $0x1;
	_ =	shalt  }
.Lfunc_end2:
_tile_overlayer_lowered:
.L_overlay_start_2:
0xdd: {  	(tag) =	ssettag $0x2  }
0xde: {  	s0 =	rddreg [dreg:$0x0];
	s2 =	stileid.u32  }
0xdf: {  	s1 =	rddreg [dreg:$0x1];
	p0 =	sne.s32 s2, $0x0  }
0xe0: {  	s3 =	rddreg [dreg:$0x2];
	[bflag:$0x3] =	sbarrier.arrive $0xFFFF;
	s2 =	simm.s32 @!p0 $0x1C03  }
0xe1: {  	[timem:s3], [sflag:s2] =	dma.local @!p0 [hbm:s0], s1  }
0xe2: {  	s0 =	simm.s32 @!p0 $0x3  }
0xe3: {  	_ =	swait.ge @!p0 [sflag:s0], s1  }
0xe4: {  	s1 =	ssub.s32 @!p0 $0x0, s1;
	[sflag:s0] =	ssyncset.done @!p0 $0x0  }
0xe5: {  	[sflag:s0] =	ssyncadd.s32 @!p0 s1  }
0xe6: {  	[bflag:$0x3] =	sbarrier.arrive $0xFFFF  }
0xe7: {  	_ =	shalt  }

// kernel: kernel.19.cloned.1.call-start
scs
__scs_entry_jumppad:
0x0: {  	(pc) =	sbr.rel $0x88, $3  }
0x1: {  	(tag) =	ssettag $0x0;
	lr =	simm.s32 $0x1  }
0x2: {  	[smem:$0x3F93] =	sst lr;
	_ =	strace $0xD0000000  }
0x3: {  	_ = 	snop  }
0x4: {  	_ = 	snop  }
0x5: {  	_ = 	snop  }
0x6: {  	_ = 	snop  }
0x7: {  	_ = 	snop  }
__scs_overlays_trampoline_lowered:
0x8: {  	[smem:$0x3FA2] =	sst s0  }
0x9: {  	[smem:$0x3FA3] =	sst s1  }
0xa: {  	[smem:$0x3FA4] =	sst s2  }
0xb: {  	[smem:$0x3FA5] =	sst s3  }
0xc: {  	[smem:$0x3FA6] =	sst s4  }
0xd: {  	[smem:$0x3FA7] =	sst s5  }
0xe: {  	[smem:$0x3FA8] =	sst s6  }
0xf: {  	[smem:$0x3FA9] =	sst s7  }
0x10: {  	[smem:$0x3FAA] =	sst s8  }
0x11: {  	[smem:$0x3FAB] =	sst s9;
	s0 =	simm.s32 @!p0 $0x0  }
0x12: {  	s1 =	sld [smem:$0x3F91];
	s0 =	simm.s32 @p0 $0x1  }
0x13: {  	[smem:$0x3FAC] =	sst s0;
	s0 =	simm.s32 @!p1 $0x0  }
0x14: {  	s2 =	sld [smem:$0x3F90];
	s0 =	simm.s32 @p1 $0x1  }
0x15: {  	[smem:$0x3FAD] =	sst s0;
	s0 =	simm.s32 @!p2 $0x0  }
0x16: {  	s3 =	sld [smem:$0x3FDB];
	s0 =	simm.s32 @p2 $0x1  }
0x17: {  	s4 =	simm.s32 $0x1BF5;
	[smem:$0x3FAF] =	sst s0  }
0x18: {  	s0 =	sld [smem:$0x3F92];
	_ =	swait.ge [sflag:s4], $0x0  }
0x19: {  	s7 =	sld [smem:$0x3F93]  }
0x1a: {  	s8 =	sadd.s32 $0xFFFFE003, lr  }
0x1b: {  	s9 =	sadd.s32 $0xFFFFFEF7, lr;
	s5 =	simm.s32 $0xFFFFFFFF;
	p2 =	slt.u32 s8, $0xFFFFF086  }
0x1c: {  	p1 =	slt.u32 s9, $0xF7A;
	s5 =	simm.s32 @!p2 $0x0  }
0x1d: {  	s5 =	simm.s32 @p1 $0x1;
	p0 =	seq.s32 s7, s2  }
0x1e: {  	s7 =	smul.u32 @!p0 $0xF7A, s2;
	p2 =	seq.s32 @!p0 s5, $0x0  }
0x1f: {  	s9 =	smul.u32 $0xF7A, s1;
	s8 =	simm.s32 @!p0 $0x1BF5;
	p2 =	por !p2, p0  }
0x20: {  	[sflag:s8] =	ssyncset.s32 @!p0 $0xFFFFF086;
	s6 =	sadd.s32 @!p0 s3, s7;
	s7 =	simm.s32 @!p0 $0x108  }
0x21: {  	s3 =	sadd.s32 s3, s9;
	s6 =	sadd.s32 @!p0 $0x88, s6;
	s7 =	simm.s32 @p2 $0x1082  }
0x22: {  	[simem:s7], [sflag:s8] =	dma.local @!p0 [hbm:s6], $0xF7A  }
0x23: {  	s9 =	sor.u32 $0xD0000000, s2;
	s6 =	simm.s32 $0x108;
	_ =	swait.ge @!p0 [sflag:s8], $0x0  }
0x24: {  	s3 =	sadd.s32 $0x88, s3;
	s6 =	simm.s32 @!p1 $0x1082;
	[sflag:s4] =	ssyncset.s32 $0xFFFFF086  }
0x25: {  	[simem:s6], [sflag:s4] =	dma.local [hbm:s3], $0xF7A  }
0x26: {  	[smem:$0x3F93] =	sst s1;
	(tag) =	ssettag s2;
	_ =	strace s9  }
0x27: {  	s1 =	sld [smem:$0x3FA3]  }
0x28: {  	s2 =	sld [smem:$0x3FA4]  }
0x29: {  	s4 =	sld [smem:$0x3FA6]  }
0x2a: {  	p0 =	seq.s32 s5, $0x0;
	s5 =	sld [smem:$0x3FA7]  }
0x2b: {  	s6 =	sld [smem:$0x3FA8]  }
0x2c: {  	s7 =	sld [smem:$0x3FA9]  }
0x2d: {  	s3 =	simm.s32 $0x108;
	s8 =	sld [smem:$0x3FAA]  }
0x2e: {  	s3 =	simm.s32 @!p0 $0x1082;
	s9 =	sld [smem:$0x3FAB]  }
0x2f: {  	lr =	sadd.s32 s0, s3;
	s0 =	sld [smem:$0x3FA2]  }
0x30: {  	s3 =	sld [smem:$0x3FA5]  }
0x31: {  	[smem:$0x3FAE] =	sst s10  }
0x32: {  	s10 =	sld [smem:$0x3FAC];
	_ =	sdelay $0x3  }
0x33: {  	p0 =	seq.s32 s10, $0x1;
	s10 =	sld [smem:$0x3FAE];
	_ =	sdelay $0x3  }
0x34: {  	[smem:$0x3FAE] =	sst s10  }
0x35: {  	s10 =	sld [smem:$0x3FAD];
	_ =	sdelay $0x3  }
0x36: {  	p1 =	seq.s32 s10, $0x1;
	s10 =	sld [smem:$0x3FAE];
	_ =	sdelay $0x3  }
0x37: {  	[smem:$0x3FAE] =	sst s10  }
0x38: {  	s10 =	sld [smem:$0x3FAF]  }
0x39: {  	_ = 	snop;
	(pc) =	sbr.ind lr, $3  }
0x3a: {  	_ = 	snop  }
0x3b: {  	_ = 	snop  }
0x3c: {  	p2 =	seq.s32 s10, $0x1;
	s10 =	sld [smem:$0x3FAE]  }
0x3d: {  	_ =	shalt  }
0x3e: {  	_ =	shalt  }
0x3f: {  	_ =	shalt  }
0x40: {  	_ =	shalt  }
0x41: {  	_ =	shalt  }
0x42: {  	_ =	shalt  }
0x43: {  	_ =	shalt  }
0x44: {  	_ =	shalt  }
0x45: {  	_ =	shalt  }
0x46: {  	_ =	shalt  }
0x47: {  	_ =	shalt  }
0x48: {  	_ =	shalt  }
0x49: {  	_ =	shalt  }
0x4a: {  	_ =	shalt  }
0x4b: {  	_ =	shalt  }
0x4c: {  	_ =	shalt  }
0x4d: {  	_ =	shalt  }
0x4e: {  	_ =	shalt  }
0x4f: {  	_ =	shalt  }
0x50: {  	_ =	shalt  }
0x51: {  	_ =	shalt  }
0x52: {  	_ =	shalt  }
0x53: {  	_ =	shalt  }
0x54: {  	_ =	shalt  }
0x55: {  	_ =	shalt  }
0x56: {  	_ =	shalt  }
0x57: {  	_ =	shalt  }
0x58: {  	_ =	shalt  }
0x59: {  	_ =	shalt  }
0x5a: {  	_ =	shalt  }
0x5b: {  	_ =	shalt  }
0x5c: {  	_ =	shalt  }
0x5d: {  	_ =	shalt  }
0x5e: {  	_ =	shalt  }
0x5f: {  	_ =	shalt  }
0x60: {  	_ =	shalt  }
0x61: {  	_ =	shalt  }
0x62: {  	_ =	shalt  }
0x63: {  	_ =	shalt  }
0x64: {  	_ =	shalt  }
0x65: {  	_ =	shalt  }
0x66: {  	_ =	shalt  }
0x67: {  	_ =	shalt  }
0x68: {  	_ =	shalt  }
0x69: {  	_ =	shalt  }
0x6a: {  	_ =	shalt  }
0x6b: {  	_ =	shalt  }
0x6c: {  	_ =	shalt  }
0x6d: {  	_ =	shalt  }
0x6e: {  	_ =	shalt  }
0x6f: {  	_ =	shalt  }
0x70: {  	_ =	shalt  }
0x71: {  	_ =	shalt  }
0x72: {  	_ =	shalt  }
0x73: {  	_ =	shalt  }
0x74: {  	_ =	shalt  }
0x75: {  	_ =	shalt  }
0x76: {  	_ =	shalt  }
0x77: {  	_ =	shalt  }
0x78: {  	_ =	shalt  }
0x79: {  	_ =	shalt  }
0x7a: {  	_ =	shalt  }
0x7b: {  	_ =	shalt  }
0x7c: {  	_ =	shalt  }
0x7d: {  	_ =	shalt  }
0x7e: {  	_ =	shalt  }
0x7f: {  	_ =	shalt  }
0x80: {  	_ =	shalt  }
0x81: {  	_ =	shalt  }
0x82: {  	_ =	shalt  }
0x83: {  	_ =	shalt  }
0x84: {  	_ =	shalt  }
0x85: {  	_ =	shalt  }
0x86: {  	_ =	shalt  }
0x87: {  	_ =	shalt  }
.Lfunc_end0:
.L_simem_size_0:
called_computation.3_lowered:
.L_overlay_start_0:
0x88: {  	s2 =	sld [smem:$0x3FD9]  }
0x89: {  	s3 =	sld [smem:$0x3FFE];
	_ =	sdelay $0x1  }
0x8a: {  	s1 =	srdreg.scid  }
0x8b: {  	s0 =	sand.u32 $0x1, s1  }
0x8c: {  	s16 =	sshll.u32 s0, $0xA;
	s2 =	sadd.s32 s3, s2  }
0x8d: {  	s2 =	sadd.s32 s2, s16  }
0x8e: {  	[smem:$0x3FBA] =	sst s2  }
0x8f: {  	_ = 	snop  }
0x90: {  	(tm) =	ssettm $0x1  }
0x91: {  	s17 =	sld [smem:$0x3FFB];
	_ =	sdelay $0x3  }
0x92: {  	_ =	strace s17  }
0x93: {  	s2 =	sld [smem:$0x3FFC];
	_ =	sdelay $0x3  }
0x94: {  	_ =	strace s2  }
0x95: {  	s2 =	sld [smem:$0x3FFD];
	_ =	sdelay $0x3  }
0x96: {  	_ =	strace s2  }
0x97: {  	_ =	strace $0x8FFFFFFF  }
0x98: {  	s18 =	sld [smem:$0x3FDB];
	_ =	sdelay $0x1  }
0x99: {  	s19 =	simm.s32 $_scs_section_size  }
0x9a: {  	s4 =	simm.s32 $_size__tile_overlayer_lowered;
	s5 =	simm.s32 $_tile_overlayer_lowered  }
0x9b: {  	s22 =	simm.s32 $0x1BFF;
	s21 =	sshll.u32 s5, $0x1;
	s2 =	sadd.s32 s19, s18  }
0x9c: {  	s6 =	simm.s32 $0x0;
	s20 =	sshll.u32 s4, $0x1;
	s4 =	sadd.s32 s21, s2  }
0x9d: {  	[timem:s6], [sflag:s22] =	dma.local [hbm:s4], s20  }
0x9e: {  	_ =	swait.ge [sflag:s22], s20  }
0x9f: {  	s3 =	ssub.s32 $0x0, s20;
	[sflag:s22] =	ssyncset.done $0x0  }
0xa0: {  	[sflag:s22] =	ssyncadd.s32 s3;
	_ =	sdelay $0x1  }
0xa1: {  	s23 =	simm.s32 $0x1B8B  }
0xa2: {  	_ =	swait.ge [sflag:s23], $0x1  }
0xa3: {  	[sflag:s23] =	ssyncset.done $0x0  }
0xa4: {  	s25 =	simm.s32 $0x1B8E;
	s24 =	sld [smem:$0x3FFE];
	[sflag:s23] =	ssyncadd.s32 $0xFFFFFFFF  }
0xa5: {  	s26 =	simm.s32 $execute0_lowered;
	[smem:$0x3FD2] =	sst s25  }
0xa6: {  	s4 =	sshll.u32 s26, $0x1;
	_ =	strace $0x8000004F;
	[dreg:$0x1] =	wrdreg $0xFFFFFFFF  }
0xa7: {  	s28 =	simm.s32 $_size_execute0_lowered;
	s2 =	sadd.s32 s2, s4;
	[dreg:$0x0] =	wrdreg $0x0  }
0xa8: {  	s4 =	sshll.u32 s28, $0x1;
	[dreg:$0x2] =	wrdreg s2  }
0xa9: {  	[dreg:$0x3] =	wrdreg s4  }
0xaa: {  	[dreg:$0x4] =	wrdreg $0xC0  }
0xab: {  	_ =	task [dreg:s6], $0x5FFFF  }
0xac: {  	[dreg:$0x1] =	wrdreg $0xFFFFFFFF  }
0xad: {  	[dreg:$0x0] =	wrdreg $0x60  }
0xae: {  	[dreg:$0x2] =	wrdreg s24  }
0xaf: {  	[dreg:$0x3] =	wrdreg $0xAA000  }
0xb0: {  	[dreg:$0x4] =	wrdreg $0x9  }
0xb1: {  	_ =	task.clear_ibuf [dreg:s6], $0x5FFFF;
	_ =	strace $0x9000004F  }
0xb2: {  	s29 =	simm.s32 $0x9;
	_ =	strace $0x80000051  }
0xb3: {  	_ =	swait.ge [sflag:s29], $0x1  }
0xb4: {  	[sflag:s29] =	ssyncadd.s32 $0xFFFFFFFF  }
0xb5: {  	_ =	strace $0x90000051  }
0xb6: {  	_ =	sfence  }
0xb7: {  	s30 =	sld [smem:$0x0];
	_ =	sdelay $0x2  }
0xb8: {  	s31 =	sshll.u32 s1, $0xD;
	s1 =	sshrl.u32 s1, $0x2  }
0xb9: {  	s3 =	sand.u32 $0x4000, s31;
	s1 =	sadd.s32 s1, s30  }
0xba: {  	s0 =	sor.u32 s3, s0;
	s1 =	sshll.u32 s1, $0x11  }
0xbb: {  	s0 =	sor.u32 s1, s0  }
0xbc: {  	s0 =	sadd.s32 $0x8F2B, s0  }
0xbd: {  	[sflag:s0] =	ssyncadd.remote.s32 $0x1  }
0xbe: {  	_ =	sfence.sel $0xFFFF  }
0xbf: {  	[dreg:$0x0] =	wrdreg $0xFFFFFFFF;
	(pc) =	sbr.abs _section_cstart, $3  }
0xc0: {  	[dreg:$0x1] =	wrdreg $0xFFFFFFFF  }
0xc1: {  	_ =	task.clear_ibuf [dreg:s6], $0x2FFFF;
	_ =	strace $0x9FFFFFFF  }
0xc2: {  	(tm) =	ssettm $0x7FFFFFFF  }
0xc3: {  	_ =	shalt  }
tec
execute0_lowered:
.L_overlay_start_1:
0x0: {  	(tag) =	ssettag $0x1  }
0x1: {  	s6 =	rddreg [dreg:$0x0]  }
0x2: {  	s0 =	srdreg.scid;
	s2 =	rddreg [dreg:$0x1]  }
0x3: {  	s13 =	simm.s32 $0x400;
	s14 =	simm.s32 $0x2800;
	s15 =	simm.s32 $0x2A00  }
0x4: {  	s16 =	simm.s32 $0x2900;
	s17 =	simm.s32 $0x6A00;
	s18 =	simm.s32 $0x1  }
0x5: {  	s19 =	simm.s32 $0x2880;
	s5 =	sand.u32 $0x1, s0;
	s0 =	stileid.u32  }
0x6: {  	s20 =	simm.s32 $0x2;
	s21 =	simm.s32 $0x2980;
	s25 =	smul.u32 $0x14000, s0  }
0x7: {  	s22 =	simm.s32 $0x0;
	s1 =	sshll.u32 s5, $0x4;
	s9 =	smul.u32 $0x140000, s5  }
0x8: {  	s3 =	sshll.u32 s0, $0x7;
	s26 =	smul.u32 $0x50000, s0;
	s5 =	ssub.s32 $0x2, s5  }
0x9: {  	s31 =	sshll.u32 s0, $0x6;
	s1 =	sor.u32 s0, s1;
	s7 =	sand.u32 $0x380, s3  }
0xa: {  	s3 =	simm.s32 $0x0;
	s28 =	sshrl.u32 s5, $0x1;
	s1 =	sshrl.u32 s1, $0x3  }
0xb: {  	[smem:$0x7FF] =	sst s3;
	s10 =	sshrl.u32 s25, $0x3;
	s29 =	sshrl.u32 s26, $0x2  }
0xc: {  	s30 =	ssub.s32 s5, s28;
	s4 =	smul.u32 $0x14000, s1;
	s1 =	rddreg [dreg:$0x2]  }
0xd: {  	_ =	strace $0x80000050;
	s10 =	sadd.s32 s10, s6;
	s12 =	sadd.s32 s29, s2  }
0xe: {  	s5 =	sadd.s32 $0x4AC00, s10;
	s10 =	sshrl.u32 s12, $0x3;
	s12 =	simm.s32 $0x80  }
0xf: {  	s4 =	sor.u32 s7, s4;
	s7 =	sadd.s32 s25, s9;
	s9 =	smax.u32 s30, $0x1  }
0x10: {  	s8 =	sshrl.u32 s4, $0x3;
	s4 =	sadd.s32 $0x4200, s6;
	s7 =	sshrl.u32 s7, $0x3  }
0x11: {  	s8 =	sadd.s32 s8, s6;
	s11 =	sadd.s32 s7, s6;
	s6 =	sor.u32 $0x1C03, s31  }
0x12: {  	s7 =	sadd.s32 $0x40C00, s8;
	s8 =	sadd.s32 $0x72C00, s11;
	s11 =	simm.s32 $0x3  }
.LBB2_1:
0x13: {  	[spmem:s10], [sflag:s6] =	dma.local [hbm:s5], $0x2800  }
0x14: {  	_ =	swait.ge [sflag:s11], $0x2800  }
0x15: {  	[sflag:s11] =	ssyncset.done $0x0  }
0x16: {  	[sflag:s11] =	ssyncadd.s32 $0xFFFFD800  }
0x17: {  	[tilespmem:s3], [sflag:$0x3] =	stream.strided.gather [hbm4b:s7+s12], $0x2800, s13, s12, $0x38;
	[tilespmem:$0x1EA00] =	vst v63  }
0x18: {  	_ =	swait.ge [sflag:s11], $0x2800  }
0x19: {  	[sflag:s11] =	ssyncset.done $0x0  }
0x1a: {  	[sflag:s11] =	ssyncadd.s32 $0xFFFFD800  }
0x1b: {  	[bflag:$0x0] =	sbarrier.arrive $0xFFFF  }
0x1c: {  	v0 =	vld [tilespmem:$0x0];
	_ =	sdelay $0x1  }
0x1d: {  	v1 =	vld [tilespmem:$0x10];
	_ =	sdelay $0x1  }
0x1e: {  	v2 =	vld [tilespmem:$0x20]  }
0x1f: {  	v3 =	vand.u32 $0x3FFF, v0  }
0x20: {  	v0 =	vshrl.u32 v0, $0xE;
	[tilespmem:$0x2800] =	vst v3;
	v3 =	vld [tilespmem:$0x30]  }
0x21: {  	[tilespmem:$0x2880] =	vst v0;
	v0 =	vand.u32 $0x3FFF, v1  }
0x22: {  	[tilespmem:$0x2810] =	vst v0;
	v0 =	vshrl.u32 v1, $0xE;
	v1 =	vld [tilespmem:$0x40]  }
0x23: {  	[tilespmem:$0x2890] =	vst v0;
	v0 =	vand.u32 $0x3FFF, v2  }
0x24: {  	[tilespmem:$0x2820] =	vst v0;
	v0 =	vshrl.u32 v2, $0xE;
	v2 =	vld [tilespmem:$0x50]  }
0x25: {  	[tilespmem:$0x28A0] =	vst v0;
	v0 =	vand.u32 $0x3FFF, v3  }
0x26: {  	[tilespmem:$0x2830] =	vst v0;
	v0 =	vshrl.u32 v3, $0xE;
	v3 =	vld [tilespmem:$0x60]  }
0x27: {  	[tilespmem:$0x28B0] =	vst v0;
	v0 =	vand.u32 $0x3FFF, v1  }
0x28: {  	[tilespmem:$0x2840] =	vst v0;
	v0 =	vshrl.u32 v1, $0xE;
	v1 =	vld [tilespmem:$0x70]  }
0x29: {  	[tilespmem:$0x28C0] =	vst v0;
	v0 =	vand.u32 $0x3FFF, v2  }
0x2a: {  	[tilespmem:$0x2850] =	vst v0;
	v0 =	vshrl.u32 v2, $0xE  }
0x2b: {  	[tilespmem:$0x28D0] =	vst v0;
	v0 =	vand.u32 $0x3FFF, v3  }
0x2c: {  	[tilespmem:$0x2860] =	vst v0;
	v0 =	vshrl.u32 v3, $0xE  }
0x2d: {  	[tilespmem:$0x28E0] =	vst v0;
	v0 =	vand.u32 $0x3FFF, v1  }
0x2e: {  	[tilespmem:$0x2870] =	vst v0;
	v0 =	vshrl.u32 v1, $0xE  }
0x2f: {  	s23 =	simm.s32 $0x0;
	[tilespmem:$0x28F0] =	vst v0  }
0x30: {  	[tilespmem:s15], [sflag:$0x1] =	stream.indirect.gather [hbm4b:s4+s12], $0x80, s14, s12, $0xb8;
	[tilespmem:$0x1EA00] =	vst v63  }
0x31: {  	v0 =	vld [tilespmem:s23+$0x80];
	_ =	sdelay $0x4  }
0x32: {  	v1 =	vand.u32 $0x3FFF, v0  }
0x33: {  	v0 =	vshrl.u32 v0, $0xE;
	[tilespmem:$0x2900] =	vst v1  }
0x34: {  	[tilespmem:$0x2980] =	vst v0  }
0x35: {  	v0 =	vld [tilespmem:s23+$0x90];
	_ =	sdelay $0x4  }
0x36: {  	v1 =	vand.u32 $0x3FFF, v0  }
0x37: {  	v0 =	vshrl.u32 v0, $0xE;
	[tilespmem:$0x2910] =	vst v1  }
0x38: {  	[tilespmem:$0x2990] =	vst v0  }
0x39: {  	v0 =	vld [tilespmem:s23+$0xA0];
	_ =	sdelay $0x4  }
0x3a: {  	v1 =	vand.u32 $0x3FFF, v0  }
0x3b: {  	v0 =	vshrl.u32 v0, $0xE;
	[tilespmem:$0x2920] =	vst v1  }
0x3c: {  	[tilespmem:$0x29A0] =	vst v0  }
0x3d: {  	v0 =	vld [tilespmem:s23+$0xB0];
	_ =	sdelay $0x4  }
0x3e: {  	v1 =	vand.u32 $0x3FFF, v0  }
0x3f: {  	v0 =	vshrl.u32 v0, $0xE;
	[tilespmem:$0x2930] =	vst v1  }
0x40: {  	[tilespmem:$0x29B0] =	vst v0  }
0x41: {  	v0 =	vld [tilespmem:s23+$0xC0];
	_ =	sdelay $0x4  }
0x42: {  	v1 =	vand.u32 $0x3FFF, v0  }
0x43: {  	v0 =	vshrl.u32 v0, $0xE;
	[tilespmem:$0x2940] =	vst v1  }
0x44: {  	[tilespmem:$0x29C0] =	vst v0  }
0x45: {  	v0 =	vld [tilespmem:s23+$0xD0];
	_ =	sdelay $0x4  }
0x46: {  	v1 =	vand.u32 $0x3FFF, v0  }
0x47: {  	v0 =	vshrl.u32 v0, $0xE;
	[tilespmem:$0x2950] =	vst v1  }
0x48: {  	[tilespmem:$0x29D0] =	vst v0  }
0x49: {  	v0 =	vld [tilespmem:s23+$0xE0];
	_ =	sdelay $0x4  }
0x4a: {  	v1 =	vand.u32 $0x3FFF, v0  }
0x4b: {  	v0 =	vshrl.u32 v0, $0xE;
	[tilespmem:$0x2960] =	vst v1  }
0x4c: {  	[tilespmem:$0x29E0] =	vst v0  }
0x4d: {  	v0 =	vld [tilespmem:s23+$0xF0];
	_ =	sdelay $0x4  }
0x4e: {  	v1 =	vand.u32 $0x3FFF, v0  }
0x4f: {  	v0 =	vshrl.u32 v0, $0xE;
	[tilespmem:$0x2970] =	vst v1  }
0x50: {  	[tilespmem:$0x29F0] =	vst v0  }
0x51: {  	[tilespmem:s17], [sflag:$0x2] =	stream.indirect.gather [hbm4b:s4+s12], $0x80, s16, s12, $0xb8;
	[tilespmem:$0x1EA00] =	vst v63  }
0x52: {  	_ =	swait.ge [sflag:s18], $0x4000  }
0x53: {  	[sflag:s18] =	ssyncset.done $0x0  }
0x54: {  	[sflag:s18] =	ssyncadd.s32 $0xFFFFC000  }
0x55: {  	[spmem:s2] =	stream.indirect.scatter.add.f32 [tilespmem:s15], [sflag:$0x3], $0x80, s19, s12, $0xb8;
	[tilespmem:$0x1EA00] =	vst v63  }
0x56: {  	_ =	swait.ge [sflag:s11], $0x4000  }
0x57: {  	p1 =	por $0x0, $0x0;
	[sflag:s11] =	ssyncset.done $0x0  }
0x58: {  	s24 =	simm.s32 @!p1 $0x0;
	[sflag:s11] =	ssyncadd.s32 $0xFFFFC000  }
0x59: {  	v0 =	vld @!p1 [tilespmem:s24+$0x100];
	_ =	sdelay $0x4  }
0x5a: {  	v1 =	vand.u32 @!p1 $0x3FFF, v0  }
0x5b: {  	v0 =	vshrl.u32 @!p1 v0, $0xE;
	[tilespmem:$0x2800] =	vst @!p1 v1  }
0x5c: {  	[tilespmem:$0x2880] =	vst @!p1 v0  }
0x5d: {  	v0 =	vld @!p1 [tilespmem:s24+$0x110];
	_ =	sdelay $0x4  }
0x5e: {  	v1 =	vand.u32 @!p1 $0x3FFF, v0  }
0x5f: {  	v0 =	vshrl.u32 @!p1 v0, $0xE;
	[tilespmem:$0x2810] =	vst @!p1 v1  }
0x60: {  	[tilespmem:$0x2890] =	vst @!p1 v0  }
0x61: {  	v0 =	vld @!p1 [tilespmem:s24+$0x120];
	_ =	sdelay $0x4  }
0x62: {  	v1 =	vand.u32 @!p1 $0x3FFF, v0  }
0x63: {  	v0 =	vshrl.u32 @!p1 v0, $0xE;
	[tilespmem:$0x2820] =	vst @!p1 v1  }
0x64: {  	[tilespmem:$0x28A0] =	vst @!p1 v0  }
0x65: {  	v0 =	vld @!p1 [tilespmem:s24+$0x130];
	_ =	sdelay $0x4  }
0x66: {  	v1 =	vand.u32 @!p1 $0x3FFF, v0  }
0x67: {  	v0 =	vshrl.u32 @!p1 v0, $0xE;
	[tilespmem:$0x2830] =	vst @!p1 v1  }
0x68: {  	[tilespmem:$0x28B0] =	vst @!p1 v0  }
0x69: {  	v0 =	vld @!p1 [tilespmem:s24+$0x140];
	_ =	sdelay $0x4  }
0x6a: {  	v1 =	vand.u32 @!p1 $0x3FFF, v0  }
0x6b: {  	v0 =	vshrl.u32 @!p1 v0, $0xE;
	[tilespmem:$0x2840] =	vst @!p1 v1  }
0x6c: {  	[tilespmem:$0x28C0] =	vst @!p1 v0  }
0x6d: {  	v0 =	vld @!p1 [tilespmem:s24+$0x150];
	_ =	sdelay $0x4  }
0x6e: {  	v1 =	vand.u32 @!p1 $0x3FFF, v0  }
0x6f: {  	v0 =	vshrl.u32 @!p1 v0, $0xE;
	[tilespmem:$0x2850] =	vst @!p1 v1  }
0x70: {  	[tilespmem:$0x28D0] =	vst @!p1 v0  }
0x71: {  	v0 =	vld @!p1 [tilespmem:s24+$0x160];
	_ =	sdelay $0x4  }
0x72: {  	s26 =	simm.s32 @!p1 $0x80;
	v1 =	vand.u32 @!p1 $0x3FFF, v0  }
0x73: {  	s28 =	simm.s32 @!p1 $0x2800;
	s29 =	simm.s32 @!p1 $0x2A00;
	s23 =	simm.s32 $0x400;
	v0 =	vshrl.u32 @!p1 v0, $0xE;
	[tilespmem:$0x2860] =	vst @!p1 v1  }
.LBB2_2:
0x74: {  	[tilespmem:$0x28E0] =	vst @!p1 v0;
	s25 =	smov.u32 s23;
	s23 =	sadd.s32 $0x400, s23  }
0x75: {  	p0 =	sne.s32 s23, $0xA000;
	v0 =	vld @!p1 [tilespmem:s24+$0x170];
	_ =	sdelay $0x4  }
0x76: {  	v1 =	vand.u32 @!p1 $0x3FFF, v0;
	v0 =	vshrl.u32 @!p1 v0, $0xE  }
0x77: {  	[tilespmem:$0x2870] =	vst @!p1 v1  }
0x78: {  	[tilespmem:$0x28F0] =	vst @!p1 v0  }
0x79: {  	[tilespmem:s29], [sflag:$0x1] =	stream.indirect.gather @!p1 [hbm4b:s4+s26], $0x80, s28, s26, $0xb8;
	[tilespmem:$0x1EA00] =	vst v63  }
0x7a: {  	_ =	swait.ge [sflag:s20], $0x4000  }
0x7b: {  	[sflag:s20] =	ssyncset.done $0x0  }
0x7c: {  	[sflag:s20] =	ssyncadd.s32 $0xFFFFC000  }
0x7d: {  	[spmem:s2] =	stream.indirect.scatter.add.f32 [tilespmem:s17], [sflag:$0x3], $0x80, s21, s12, $0xb8;
	[tilespmem:$0x1EA00] =	vst v63  }
0x7e: {  	_ =	swait.ge [sflag:s11], $0x4000  }
0x7f: {  	[sflag:s11] =	ssyncset.done $0x0  }
0x80: {  	s24 =	sshra.s32 s25, $0x2;
	[sflag:s11] =	ssyncadd.s32 $0xFFFFC000  }
0x81: {  	v0 =	vld [tilespmem:s24+$0x80];
	_ =	sdelay $0x4  }
0x82: {  	v1 =	vand.u32 $0x3FFF, v0;
	v0 =	vshrl.u32 v0, $0xE  }
0x83: {  	[tilespmem:$0x2900] =	vst v1  }
0x84: {  	[tilespmem:$0x2980] =	vst v0  }
0x85: {  	v0 =	vld [tilespmem:s24+$0x90];
	_ =	sdelay $0x4  }
0x86: {  	v1 =	vand.u32 $0x3FFF, v0;
	v0 =	vshrl.u32 v0, $0xE  }
0x87: {  	[tilespmem:$0x2910] =	vst v1  }
0x88: {  	[tilespmem:$0x2990] =	vst v0  }
0x89: {  	v0 =	vld [tilespmem:s24+$0xA0];
	_ =	sdelay $0x4  }
0x8a: {  	v1 =	vand.u32 $0x3FFF, v0;
	v0 =	vshrl.u32 v0, $0xE  }
0x8b: {  	[tilespmem:$0x2920] =	vst v1  }
0x8c: {  	[tilespmem:$0x29A0] =	vst v0  }
0x8d: {  	v0 =	vld [tilespmem:s24+$0xB0];
	_ =	sdelay $0x4  }
0x8e: {  	v1 =	vand.u32 $0x3FFF, v0;
	v0 =	vshrl.u32 v0, $0xE  }
0x8f: {  	[tilespmem:$0x2930] =	vst v1  }
0x90: {  	[tilespmem:$0x29B0] =	vst v0  }
0x91: {  	v0 =	vld [tilespmem:s24+$0xC0];
	_ =	sdelay $0x4  }
0x92: {  	v1 =	vand.u32 $0x3FFF, v0;
	v0 =	vshrl.u32 v0, $0xE  }
0x93: {  	[tilespmem:$0x2940] =	vst v1  }
0x94: {  	[tilespmem:$0x29C0] =	vst v0  }
0x95: {  	v0 =	vld [tilespmem:s24+$0xD0];
	_ =	sdelay $0x4  }
0x96: {  	v1 =	vand.u32 $0x3FFF, v0;
	v0 =	vshrl.u32 v0, $0xE  }
0x97: {  	[tilespmem:$0x2950] =	vst v1  }
0x98: {  	[tilespmem:$0x29D0] =	vst v0  }
0x99: {  	v0 =	vld [tilespmem:s24+$0xE0];
	_ =	sdelay $0x4  }
0x9a: {  	v1 =	vand.u32 $0x3FFF, v0;
	v0 =	vshrl.u32 v0, $0xE  }
0x9b: {  	[tilespmem:$0x2960] =	vst v1  }
0x9c: {  	[tilespmem:$0x29E0] =	vst v0  }
0x9d: {  	v0 =	vld [tilespmem:s24+$0xF0];
	_ =	sdelay $0x4  }
0x9e: {  	v1 =	vand.u32 $0x3FFF, v0;
	v0 =	vshrl.u32 v0, $0xE  }
0x9f: {  	p1 =	seq.s32 s25, $0x9C00;
	[tilespmem:$0x2970] =	vst v1  }
0xa0: {  	s24 =	sshra.s32 @!p1 s25, $0x2;
	[tilespmem:$0x29F0] =	vst v0  }
0xa1: {  	[tilespmem:s17], [sflag:$0x2] =	stream.indirect.gather [hbm4b:s4+s12], $0x80, s16, s12, $0xb8;
	[tilespmem:$0x1EA00] =	vst v63  }
0xa2: {  	_ =	swait.ge [sflag:s18], $0x4000  }
0xa3: {  	[sflag:s18] =	ssyncset.done $0x0  }
0xa4: {  	[sflag:s18] =	ssyncadd.s32 $0xFFFFC000  }
0xa5: {  	[spmem:s2] =	stream.indirect.scatter.add.f32 [tilespmem:s15], [sflag:$0x3], $0x80, s19, s12, $0xb8;
	[tilespmem:$0x1EA00] =	vst v63  }
0xa6: {  	_ =	swait.ge [sflag:s11], $0x4000  }
0xa7: {  	[sflag:s11] =	ssyncset.done $0x0  }
0xa8: {  	[sflag:s11] =	ssyncadd.s32 $0xFFFFC000  }
0xa9: {  	v0 =	vld @!p1 [tilespmem:s24+$0x100];
	_ =	sdelay $0x4  }
0xaa: {  	v1 =	vand.u32 @!p1 $0x3FFF, v0;
	v0 =	vshrl.u32 @!p1 v0, $0xE  }
0xab: {  	[tilespmem:$0x2800] =	vst @!p1 v1  }
0xac: {  	[tilespmem:$0x2880] =	vst @!p1 v0  }
0xad: {  	v0 =	vld @!p1 [tilespmem:s24+$0x110];
	_ =	sdelay $0x4  }
0xae: {  	v1 =	vand.u32 @!p1 $0x3FFF, v0;
	v0 =	vshrl.u32 @!p1 v0, $0xE  }
0xaf: {  	[tilespmem:$0x2810] =	vst @!p1 v1  }
0xb0: {  	[tilespmem:$0x2890] =	vst @!p1 v0  }
0xb1: {  	v0 =	vld @!p1 [tilespmem:s24+$0x120];
	_ =	sdelay $0x4  }
0xb2: {  	v1 =	vand.u32 @!p1 $0x3FFF, v0;
	v0 =	vshrl.u32 @!p1 v0, $0xE  }
0xb3: {  	[tilespmem:$0x2820] =	vst @!p1 v1  }
0xb4: {  	[tilespmem:$0x28A0] =	vst @!p1 v0  }
0xb5: {  	v0 =	vld @!p1 [tilespmem:s24+$0x130];
	_ =	sdelay $0x4  }
0xb6: {  	v1 =	vand.u32 @!p1 $0x3FFF, v0;
	v0 =	vshrl.u32 @!p1 v0, $0xE  }
0xb7: {  	[tilespmem:$0x2830] =	vst @!p1 v1  }
0xb8: {  	[tilespmem:$0x28B0] =	vst @!p1 v0  }
0xb9: {  	v0 =	vld @!p1 [tilespmem:s24+$0x140];
	_ =	sdelay $0x4  }
0xba: {  	v1 =	vand.u32 @!p1 $0x3FFF, v0;
	v0 =	vshrl.u32 @!p1 v0, $0xE  }
0xbb: {  	[tilespmem:$0x2840] =	vst @!p1 v1  }
0xbc: {  	[tilespmem:$0x28C0] =	vst @!p1 v0  }
0xbd: {  	v0 =	vld @!p1 [tilespmem:s24+$0x150];
	_ =	sdelay $0x4  }
0xbe: {  	v1 =	vand.u32 @!p1 $0x3FFF, v0;
	v0 =	vshrl.u32 @!p1 v0, $0xE  }
0xbf: {  	[tilespmem:$0x2850] =	vst @!p1 v1  }
0xc0: {  	s26 =	simm.s32 @!p1 $0x80;
	s28 =	simm.s32 @!p1 $0x2800;
	s29 =	simm.s32 @!p1 $0x2A00;
	[tilespmem:$0x28D0] =	vst @!p1 v0  }
0xc1: {  	v0 =	vld @!p1 [tilespmem:s24+$0x160];
	_ =	sdelay $0x1  }
.Ltmp0:
0xc2: {  	(pc) =	sbr.rel @p0 .LBB2_2-.Ltmp0, $3  }
0xc3: {  	_ =	sdelay $0x1  }
0xc4: {  	v1 =	vand.u32 @!p1 $0x3FFF, v0;
	v0 =	vshrl.u32 @!p1 v0, $0xE  }
0xc5: {  	[tilespmem:$0x2860] =	vst @!p1 v1  }
0xc6: {  	[tilespmem:$0x28E0] =	vst @!p1 v0  }
0xc7: {  	v0 =	vld @!p1 [tilespmem:s24+$0x170];
	_ =	sdelay $0x4  }
0xc8: {  	v1 =	vand.u32 @!p1 $0x3FFF, v0  }
0xc9: {  	v0 =	vshrl.u32 @!p1 v0, $0xE;
	[tilespmem:$0x2870] =	vst @!p1 v1  }
0xca: {  	[tilespmem:$0x28F0] =	vst @!p1 v0  }
0xcb: {  	[tilespmem:s29], [sflag:$0x1] =	stream.indirect.gather @!p1 [hbm4b:s4+s26], $0x80, s28, s26, $0xb8;
	[tilespmem:$0x1EA00] =	vst v63  }
0xcc: {  	_ =	swait.ge [sflag:s20], $0x4000  }
0xcd: {  	[sflag:s20] =	ssyncset.done $0x0  }
0xce: {  	[sflag:s20] =	ssyncadd.s32 $0xFFFFC000  }
0xcf: {  	[spmem:s2] =	stream.indirect.scatter.add.f32 [tilespmem:s17], [sflag:$0x3], $0x80, s21, s12, $0xb8;
	[tilespmem:$0x1EA00] =	vst v63  }
0xd0: {  	_ =	swait.ge [sflag:s11], $0x4000  }
0xd1: {  	s22 =	sadd.s32 $0x1, s22;
	[sflag:s11] =	ssyncset.done $0x0  }
0xd2: {  	p0 =	sne.s32 s22, s9;
	[sflag:s11] =	ssyncadd.s32 $0xFFFFC000  }
.Ltmp1:
0xd3: {  	[bflag:$0x0] =	sbarrier.arrive $0xFFFF;
	(pc) =	sbr.rel @p0 .LBB2_1-.Ltmp1, $4  }
0xd4: {  	[hbm:s8], [sflag:s6] =	dma.local [spmem:s10], $0x2800  }
0xd5: {  	_ =	swait.ge [sflag:s11], $0x2800  }
0xd6: {  	[sflag:s11] =	ssyncset.done $0x0  }
0xd7: {  	[sflag:s11] =	ssyncadd.s32 $0xFFFFD800  }
0xd8: {  	_ =	sfence.sel $0x180000  }
0xd9: {  	[bflag:$0x0] =	sbarrier.arrive $0xFFFF  }
0xda: {  	p0 =	sne.s32 s0, $0x0;
	_ =	strace $0x90000050  }
0xdb: {  	s0 =	sadd.s32 @!p0 $0x100000, s1;
	[bflag:$0x2] =	sbarrier.arrive $0xFFFF  }
0xdc: {  	[sflag:s0] =	ssyncadd.tile.s32 @!p0 $0x1;
	_ =	shalt  }
.Lfunc_end2:
_tile_overlayer_lowered:
.L_overlay_start_2:
0xdd: {  	(tag) =	ssettag $0x2  }
0xde: {  	s0 =	rddreg [dreg:$0x0];
	s2 =	stileid.u32  }
0xdf: {  	s1 =	rddreg [dreg:$0x1];
	p0 =	sne.s32 s2, $0x0  }
0xe0: {  	s3 =	rddreg [dreg:$0x2];
	[bflag:$0x3] =	sbarrier.arrive $0xFFFF;
	s2 =	simm.s32 @!p0 $0x1C03  }
0xe1: {  	[timem:s3], [sflag:s2] =	dma.local @!p0 [hbm:s0], s1  }
0xe2: {  	s0 =	simm.s32 @!p0 $0x3  }
0xe3: {  	_ =	swait.ge @!p0 [sflag:s0], s1  }
0xe4: {  	s1 =	ssub.s32 @!p0 $0x0, s1;
	[sflag:s0] =	ssyncset.done @!p0 $0x0  }
0xe5: {  	[sflag:s0] =	ssyncadd.s32 @!p0 s1  }
0xe6: {  	[bflag:$0x3] =	sbarrier.arrive $0xFFFF  }
0xe7: {  	_ =	shalt  }

// kernel: kernel.22.cloned.1.call-start
scs
__scs_entry_jumppad:
0x0: {  	(pc) =	sbr.rel $0x88, $3  }
0x1: {  	(tag) =	ssettag $0x0;
	lr =	simm.s32 $0x1  }
0x2: {  	[smem:$0x3F93] =	sst lr;
	_ =	strace $0xD0000000  }
0x3: {  	_ = 	snop  }
0x4: {  	_ = 	snop  }
0x5: {  	_ = 	snop  }
0x6: {  	_ = 	snop  }
0x7: {  	_ = 	snop  }
__scs_overlays_trampoline_lowered:
0x8: {  	[smem:$0x3FA2] =	sst s0  }
0x9: {  	[smem:$0x3FA3] =	sst s1  }
0xa: {  	[smem:$0x3FA4] =	sst s2  }
0xb: {  	[smem:$0x3FA5] =	sst s3  }
0xc: {  	[smem:$0x3FA6] =	sst s4  }
0xd: {  	[smem:$0x3FA7] =	sst s5  }
0xe: {  	[smem:$0x3FA8] =	sst s6  }
0xf: {  	[smem:$0x3FA9] =	sst s7  }
0x10: {  	[smem:$0x3FAA] =	sst s8  }
0x11: {  	[smem:$0x3FAB] =	sst s9;
	s0 =	simm.s32 @!p0 $0x0  }
0x12: {  	s1 =	sld [smem:$0x3F91];
	s0 =	simm.s32 @p0 $0x1  }
0x13: {  	[smem:$0x3FAC] =	sst s0;
	s0 =	simm.s32 @!p1 $0x0  }
0x14: {  	s2 =	sld [smem:$0x3F90];
	s0 =	simm.s32 @p1 $0x1  }
0x15: {  	[smem:$0x3FAD] =	sst s0;
	s0 =	simm.s32 @!p2 $0x0  }
0x16: {  	s3 =	sld [smem:$0x3FDB];
	s0 =	simm.s32 @p2 $0x1  }
0x17: {  	s4 =	simm.s32 $0x1BF5;
	[smem:$0x3FAF] =	sst s0  }
0x18: {  	s0 =	sld [smem:$0x3F92];
	_ =	swait.ge [sflag:s4], $0x0  }
0x19: {  	s7 =	sld [smem:$0x3F93]  }
0x1a: {  	s8 =	sadd.s32 $0xFFFFE003, lr  }
0x1b: {  	s9 =	sadd.s32 $0xFFFFFEF7, lr;
	s5 =	simm.s32 $0xFFFFFFFF;
	p2 =	slt.u32 s8, $0xFFFFF086  }
0x1c: {  	p1 =	slt.u32 s9, $0xF7A;
	s5 =	simm.s32 @!p2 $0x0  }
0x1d: {  	s5 =	simm.s32 @p1 $0x1;
	p0 =	seq.s32 s7, s2  }
0x1e: {  	s7 =	smul.u32 @!p0 $0xF7A, s2;
	p2 =	seq.s32 @!p0 s5, $0x0  }
0x1f: {  	s9 =	smul.u32 $0xF7A, s1;
	s8 =	simm.s32 @!p0 $0x1BF5;
	p2 =	por !p2, p0  }
0x20: {  	[sflag:s8] =	ssyncset.s32 @!p0 $0xFFFFF086;
	s6 =	sadd.s32 @!p0 s3, s7;
	s7 =	simm.s32 @!p0 $0x108  }
0x21: {  	s3 =	sadd.s32 s3, s9;
	s6 =	sadd.s32 @!p0 $0x88, s6;
	s7 =	simm.s32 @p2 $0x1082  }
0x22: {  	[simem:s7], [sflag:s8] =	dma.local @!p0 [hbm:s6], $0xF7A  }
0x23: {  	s9 =	sor.u32 $0xD0000000, s2;
	s6 =	simm.s32 $0x108;
	_ =	swait.ge @!p0 [sflag:s8], $0x0  }
0x24: {  	s3 =	sadd.s32 $0x88, s3;
	s6 =	simm.s32 @!p1 $0x1082;
	[sflag:s4] =	ssyncset.s32 $0xFFFFF086  }
0x25: {  	[simem:s6], [sflag:s4] =	dma.local [hbm:s3], $0xF7A  }
0x26: {  	[smem:$0x3F93] =	sst s1;
	(tag) =	ssettag s2;
	_ =	strace s9  }
0x27: {  	s1 =	sld [smem:$0x3FA3]  }
0x28: {  	s2 =	sld [smem:$0x3FA4]  }
0x29: {  	s4 =	sld [smem:$0x3FA6]  }
0x2a: {  	p0 =	seq.s32 s5, $0x0;
	s5 =	sld [smem:$0x3FA7]  }
0x2b: {  	s6 =	sld [smem:$0x3FA8]  }
0x2c: {  	s7 =	sld [smem:$0x3FA9]  }
0x2d: {  	s3 =	simm.s32 $0x108;
	s8 =	sld [smem:$0x3FAA]  }
0x2e: {  	s3 =	simm.s32 @!p0 $0x1082;
	s9 =	sld [smem:$0x3FAB]  }
0x2f: {  	lr =	sadd.s32 s0, s3;
	s0 =	sld [smem:$0x3FA2]  }
0x30: {  	s3 =	sld [smem:$0x3FA5]  }
0x31: {  	[smem:$0x3FAE] =	sst s10  }
0x32: {  	s10 =	sld [smem:$0x3FAC];
	_ =	sdelay $0x3  }
0x33: {  	p0 =	seq.s32 s10, $0x1;
	s10 =	sld [smem:$0x3FAE];
	_ =	sdelay $0x3  }
0x34: {  	[smem:$0x3FAE] =	sst s10  }
0x35: {  	s10 =	sld [smem:$0x3FAD];
	_ =	sdelay $0x3  }
0x36: {  	p1 =	seq.s32 s10, $0x1;
	s10 =	sld [smem:$0x3FAE];
	_ =	sdelay $0x3  }
0x37: {  	[smem:$0x3FAE] =	sst s10  }
0x38: {  	s10 =	sld [smem:$0x3FAF]  }
0x39: {  	_ = 	snop;
	(pc) =	sbr.ind lr, $3  }
0x3a: {  	_ = 	snop  }
0x3b: {  	_ = 	snop  }
0x3c: {  	p2 =	seq.s32 s10, $0x1;
	s10 =	sld [smem:$0x3FAE]  }
0x3d: {  	_ =	shalt  }
0x3e: {  	_ =	shalt  }
0x3f: {  	_ =	shalt  }
0x40: {  	_ =	shalt  }
0x41: {  	_ =	shalt  }
0x42: {  	_ =	shalt  }
0x43: {  	_ =	shalt  }
0x44: {  	_ =	shalt  }
0x45: {  	_ =	shalt  }
0x46: {  	_ =	shalt  }
0x47: {  	_ =	shalt  }
0x48: {  	_ =	shalt  }
0x49: {  	_ =	shalt  }
0x4a: {  	_ =	shalt  }
0x4b: {  	_ =	shalt  }
0x4c: {  	_ =	shalt  }
0x4d: {  	_ =	shalt  }
0x4e: {  	_ =	shalt  }
0x4f: {  	_ =	shalt  }
0x50: {  	_ =	shalt  }
0x51: {  	_ =	shalt  }
0x52: {  	_ =	shalt  }
0x53: {  	_ =	shalt  }
0x54: {  	_ =	shalt  }
0x55: {  	_ =	shalt  }
0x56: {  	_ =	shalt  }
0x57: {  	_ =	shalt  }
0x58: {  	_ =	shalt  }
0x59: {  	_ =	shalt  }
0x5a: {  	_ =	shalt  }
0x5b: {  	_ =	shalt  }
0x5c: {  	_ =	shalt  }
0x5d: {  	_ =	shalt  }
0x5e: {  	_ =	shalt  }
0x5f: {  	_ =	shalt  }
0x60: {  	_ =	shalt  }
0x61: {  	_ =	shalt  }
0x62: {  	_ =	shalt  }
0x63: {  	_ =	shalt  }
0x64: {  	_ =	shalt  }
0x65: {  	_ =	shalt  }
0x66: {  	_ =	shalt  }
0x67: {  	_ =	shalt  }
0x68: {  	_ =	shalt  }
0x69: {  	_ =	shalt  }
0x6a: {  	_ =	shalt  }
0x6b: {  	_ =	shalt  }
0x6c: {  	_ =	shalt  }
0x6d: {  	_ =	shalt  }
0x6e: {  	_ =	shalt  }
0x6f: {  	_ =	shalt  }
0x70: {  	_ =	shalt  }
0x71: {  	_ =	shalt  }
0x72: {  	_ =	shalt  }
0x73: {  	_ =	shalt  }
0x74: {  	_ =	shalt  }
0x75: {  	_ =	shalt  }
0x76: {  	_ =	shalt  }
0x77: {  	_ =	shalt  }
0x78: {  	_ =	shalt  }
0x79: {  	_ =	shalt  }
0x7a: {  	_ =	shalt  }
0x7b: {  	_ =	shalt  }
0x7c: {  	_ =	shalt  }
0x7d: {  	_ =	shalt  }
0x7e: {  	_ =	shalt  }
0x7f: {  	_ =	shalt  }
0x80: {  	_ =	shalt  }
0x81: {  	_ =	shalt  }
0x82: {  	_ =	shalt  }
0x83: {  	_ =	shalt  }
0x84: {  	_ =	shalt  }
0x85: {  	_ =	shalt  }
0x86: {  	_ =	shalt  }
0x87: {  	_ =	shalt  }
.Lfunc_end0:
.L_simem_size_0:
called_computation.4_lowered:
.L_overlay_start_0:
0x88: {  	s2 =	sld [smem:$0x3FD9]  }
0x89: {  	s3 =	sld [smem:$0x3FFE];
	_ =	sdelay $0x1  }
0x8a: {  	s1 =	srdreg.scid  }
0x8b: {  	s0 =	sand.u32 $0x1, s1  }
0x8c: {  	s16 =	sshll.u32 s0, $0xA;
	s2 =	sadd.s32 s3, s2  }
0x8d: {  	s2 =	sadd.s32 s2, s16  }
0x8e: {  	[smem:$0x3FBA] =	sst s2  }
0x8f: {  	_ = 	snop  }
0x90: {  	(tm) =	ssettm $0x1  }
0x91: {  	s17 =	sld [smem:$0x3FFB];
	_ =	sdelay $0x3  }
0x92: {  	_ =	strace s17  }
0x93: {  	s2 =	sld [smem:$0x3FFC];
	_ =	sdelay $0x3  }
0x94: {  	_ =	strace s2  }
0x95: {  	s2 =	sld [smem:$0x3FFD];
	_ =	sdelay $0x3  }
0x96: {  	_ =	strace s2  }
0x97: {  	_ =	strace $0x8FFFFFFF  }
0x98: {  	s18 =	sld [smem:$0x3FDB];
	_ =	sdelay $0x1  }
0x99: {  	s19 =	simm.s32 $_scs_section_size  }
0x9a: {  	s4 =	simm.s32 $_size__tile_overlayer_lowered;
	s5 =	simm.s32 $_tile_overlayer_lowered  }
0x9b: {  	s22 =	simm.s32 $0x1BFF;
	s21 =	sshll.u32 s5, $0x1;
	s2 =	sadd.s32 s19, s18  }
0x9c: {  	s6 =	simm.s32 $0x0;
	s20 =	sshll.u32 s4, $0x1;
	s4 =	sadd.s32 s21, s2  }
0x9d: {  	[timem:s6], [sflag:s22] =	dma.local [hbm:s4], s20  }
0x9e: {  	_ =	swait.ge [sflag:s22], s20  }
0x9f: {  	s3 =	ssub.s32 $0x0, s20;
	[sflag:s22] =	ssyncset.done $0x0  }
0xa0: {  	[sflag:s22] =	ssyncadd.s32 s3;
	_ =	sdelay $0x1  }
0xa1: {  	s23 =	simm.s32 $0x1B8B  }
0xa2: {  	_ =	swait.ge [sflag:s23], $0x1  }
0xa3: {  	[sflag:s23] =	ssyncset.done $0x0  }
0xa4: {  	s25 =	simm.s32 $0x1B8E;
	s24 =	sld [smem:$0x3FFE];
	[sflag:s23] =	ssyncadd.s32 $0xFFFFFFFF  }
0xa5: {  	s26 =	simm.s32 $execute0_lowered;
	[smem:$0x3FD2] =	sst s25  }
0xa6: {  	s4 =	sshll.u32 s26, $0x1;
	_ =	strace $0x80000052;
	[dreg:$0x1] =	wrdreg $0xFFFFFFFF  }
0xa7: {  	s28 =	simm.s32 $_size_execute0_lowered;
	s2 =	sadd.s32 s2, s4;
	[dreg:$0x0] =	wrdreg $0x0  }
0xa8: {  	s4 =	sshll.u32 s28, $0x1;
	[dreg:$0x2] =	wrdreg s2  }
0xa9: {  	[dreg:$0x3] =	wrdreg s4  }
0xaa: {  	[dreg:$0x4] =	wrdreg $0xC0  }
0xab: {  	_ =	task [dreg:s6], $0x5FFFF  }
0xac: {  	[dreg:$0x1] =	wrdreg $0xFFFFFFFF  }
0xad: {  	[dreg:$0x0] =	wrdreg $0x60  }
0xae: {  	[dreg:$0x2] =	wrdreg s24  }
0xaf: {  	[dreg:$0x3] =	wrdreg $0xAA000  }
0xb0: {  	[dreg:$0x4] =	wrdreg $0x9  }
0xb1: {  	_ =	task.clear_ibuf [dreg:s6], $0x5FFFF;
	_ =	strace $0x90000052  }
0xb2: {  	s29 =	simm.s32 $0x9;
	_ =	strace $0x80000054  }
0xb3: {  	_ =	swait.ge [sflag:s29], $0x1  }
0xb4: {  	[sflag:s29] =	ssyncadd.s32 $0xFFFFFFFF  }
0xb5: {  	_ =	strace $0x90000054  }
0xb6: {  	_ =	sfence  }
0xb7: {  	s30 =	sld [smem:$0x0];
	_ =	sdelay $0x2  }
0xb8: {  	s31 =	sshll.u32 s1, $0xD;
	s1 =	sshrl.u32 s1, $0x2  }
0xb9: {  	s3 =	sand.u32 $0x4000, s31;
	s1 =	sadd.s32 s1, s30  }
0xba: {  	s0 =	sor.u32 s3, s0;
	s1 =	sshll.u32 s1, $0x11  }
0xbb: {  	s0 =	sor.u32 s1, s0  }
0xbc: {  	s0 =	sadd.s32 $0x8F2B, s0  }
0xbd: {  	[sflag:s0] =	ssyncadd.remote.s32 $0x1  }
0xbe: {  	_ =	sfence.sel $0xFFFF  }
0xbf: {  	[dreg:$0x0] =	wrdreg $0xFFFFFFFF;
	(pc) =	sbr.abs _section_cstart, $3  }
0xc0: {  	[dreg:$0x1] =	wrdreg $0xFFFFFFFF  }
0xc1: {  	_ =	task.clear_ibuf [dreg:s6], $0x2FFFF;
	_ =	strace $0x9FFFFFFF  }
0xc2: {  	(tm) =	ssettm $0x7FFFFFFF  }
0xc3: {  	_ =	shalt  }
tec
execute0_lowered:
.L_overlay_start_1:
0x0: {  	(tag) =	ssettag $0x1  }
0x1: {  	s6 =	rddreg [dreg:$0x0]  }
0x2: {  	s0 =	srdreg.scid;
	s2 =	rddreg [dreg:$0x1]  }
0x3: {  	s13 =	simm.s32 $0x400;
	s14 =	simm.s32 $0x2800;
	s15 =	simm.s32 $0x2A00  }
0x4: {  	s16 =	simm.s32 $0x2900;
	s17 =	simm.s32 $0x6A00;
	s18 =	simm.s32 $0x1  }
0x5: {  	s19 =	simm.s32 $0x2880;
	s5 =	sand.u32 $0x1, s0;
	s0 =	stileid.u32  }
0x6: {  	s20 =	simm.s32 $0x2;
	s21 =	simm.s32 $0x2980;
	s25 =	smul.u32 $0x14000, s0  }
0x7: {  	s22 =	simm.s32 $0x0;
	s1 =	sshll.u32 s5, $0x4;
	s9 =	smul.u32 $0x140000, s5  }
0x8: {  	s3 =	sshll.u32 s0, $0x7;
	s26 =	smul.u32 $0x50000, s0;
	s5 =	ssub.s32 $0x2, s5  }
0x9: {  	s31 =	sshll.u32 s0, $0x6;
	s1 =	sor.u32 s0, s1;
	s7 =	sand.u32 $0x380, s3  }
0xa: {  	s3 =	simm.s32 $0x0;
	s28 =	sshrl.u32 s5, $0x1;
	s1 =	sshrl.u32 s1, $0x3  }
0xb: {  	[smem:$0x7FF] =	sst s3;
	s10 =	sshrl.u32 s25, $0x3;
	s29 =	sshrl.u32 s26, $0x2  }
0xc: {  	s30 =	ssub.s32 s5, s28;
	s4 =	smul.u32 $0x14000, s1;
	s1 =	rddreg [dreg:$0x2]  }
0xd: {  	_ =	strace $0x80000053;
	s10 =	sadd.s32 s10, s6;
	s12 =	sadd.s32 s29, s2  }
0xe: {  	s5 =	sadd.s32 $0x4AC00, s10;
	s10 =	sshrl.u32 s12, $0x3;
	s12 =	simm.s32 $0x80  }
0xf: {  	s4 =	sor.u32 s7, s4;
	s7 =	sadd.s32 s25, s9;
	s9 =	smax.u32 s30, $0x1  }
0x10: {  	s8 =	sshrl.u32 s4, $0x3;
	s4 =	sadd.s32 $0x4200, s6;
	s7 =	sshrl.u32 s7, $0x3  }
0x11: {  	s8 =	sadd.s32 s8, s6;
	s11 =	sadd.s32 s7, s6;
	s6 =	sor.u32 $0x1C03, s31  }
0x12: {  	s7 =	sadd.s32 $0x40C00, s8;
	s8 =	sadd.s32 $0x72C00, s11;
	s11 =	simm.s32 $0x3  }
.LBB2_1:
0x13: {  	[spmem:s10], [sflag:s6] =	dma.local [hbm:s5], $0x2800  }
0x14: {  	_ =	swait.ge [sflag:s11], $0x2800  }
0x15: {  	[sflag:s11] =	ssyncset.done $0x0  }
0x16: {  	[sflag:s11] =	ssyncadd.s32 $0xFFFFD800  }
0x17: {  	[tilespmem:s3], [sflag:$0x3] =	stream.strided.gather [hbm4b:s7+s12], $0x2800, s13, s12, $0x38;
	[tilespmem:$0x1EA00] =	vst v63  }
0x18: {  	_ =	swait.ge [sflag:s11], $0x2800  }
0x19: {  	[sflag:s11] =	ssyncset.done $0x0  }
0x1a: {  	[sflag:s11] =	ssyncadd.s32 $0xFFFFD800  }
0x1b: {  	[bflag:$0x0] =	sbarrier.arrive $0xFFFF  }
0x1c: {  	v0 =	vld [tilespmem:$0x0];
	_ =	sdelay $0x1  }
0x1d: {  	v1 =	vld [tilespmem:$0x10];
	_ =	sdelay $0x1  }
0x1e: {  	v2 =	vld [tilespmem:$0x20]  }
0x1f: {  	v3 =	vand.u32 $0x3FFF, v0  }
0x20: {  	v0 =	vshrl.u32 v0, $0xE;
	[tilespmem:$0x2800] =	vst v3;
	v3 =	vld [tilespmem:$0x30]  }
0x21: {  	[tilespmem:$0x2880] =	vst v0;
	v0 =	vand.u32 $0x3FFF, v1  }
0x22: {  	[tilespmem:$0x2810] =	vst v0;
	v0 =	vshrl.u32 v1, $0xE;
	v1 =	vld [tilespmem:$0x40]  }
0x23: {  	[tilespmem:$0x2890] =	vst v0;
	v0 =	vand.u32 $0x3FFF, v2  }
0x24: {  	[tilespmem:$0x2820] =	vst v0;
	v0 =	vshrl.u32 v2, $0xE;
	v2 =	vld [tilespmem:$0x50]  }
0x25: {  	[tilespmem:$0x28A0] =	vst v0;
	v0 =	vand.u32 $0x3FFF, v3  }
0x26: {  	[tilespmem:$0x2830] =	vst v0;
	v0 =	vshrl.u32 v3, $0xE;
	v3 =	vld [tilespmem:$0x60]  }
0x27: {  	[tilespmem:$0x28B0] =	vst v0;
	v0 =	vand.u32 $0x3FFF, v1  }
0x28: {  	[tilespmem:$0x2840] =	vst v0;
	v0 =	vshrl.u32 v1, $0xE;
	v1 =	vld [tilespmem:$0x70]  }
0x29: {  	[tilespmem:$0x28C0] =	vst v0;
	v0 =	vand.u32 $0x3FFF, v2  }
0x2a: {  	[tilespmem:$0x2850] =	vst v0;
	v0 =	vshrl.u32 v2, $0xE  }
0x2b: {  	[tilespmem:$0x28D0] =	vst v0;
	v0 =	vand.u32 $0x3FFF, v3  }
0x2c: {  	[tilespmem:$0x2860] =	vst v0;
	v0 =	vshrl.u32 v3, $0xE  }
0x2d: {  	[tilespmem:$0x28E0] =	vst v0;
	v0 =	vand.u32 $0x3FFF, v1  }
0x2e: {  	[tilespmem:$0x2870] =	vst v0;
	v0 =	vshrl.u32 v1, $0xE  }
0x2f: {  	s23 =	simm.s32 $0x0;
	[tilespmem:$0x28F0] =	vst v0  }
0x30: {  	[tilespmem:s15], [sflag:$0x1] =	stream.indirect.gather [hbm4b:s4+s12], $0x80, s14, s12, $0xb8;
	[tilespmem:$0x1EA00] =	vst v63  }
0x31: {  	v0 =	vld [tilespmem:s23+$0x80];
	_ =	sdelay $0x4  }
0x32: {  	v1 =	vand.u32 $0x3FFF, v0  }
0x33: {  	v0 =	vshrl.u32 v0, $0xE;
	[tilespmem:$0x2900] =	vst v1  }
0x34: {  	[tilespmem:$0x2980] =	vst v0  }
0x35: {  	v0 =	vld [tilespmem:s23+$0x90];
	_ =	sdelay $0x4  }
0x36: {  	v1 =	vand.u32 $0x3FFF, v0  }
0x37: {  	v0 =	vshrl.u32 v0, $0xE;
	[tilespmem:$0x2910] =	vst v1  }
0x38: {  	[tilespmem:$0x2990] =	vst v0  }
0x39: {  	v0 =	vld [tilespmem:s23+$0xA0];
	_ =	sdelay $0x4  }
0x3a: {  	v1 =	vand.u32 $0x3FFF, v0  }
0x3b: {  	v0 =	vshrl.u32 v0, $0xE;
	[tilespmem:$0x2920] =	vst v1  }
0x3c: {  	[tilespmem:$0x29A0] =	vst v0  }
0x3d: {  	v0 =	vld [tilespmem:s23+$0xB0];
	_ =	sdelay $0x4  }
0x3e: {  	v1 =	vand.u32 $0x3FFF, v0  }
0x3f: {  	v0 =	vshrl.u32 v0, $0xE;
	[tilespmem:$0x2930] =	vst v1  }
0x40: {  	[tilespmem:$0x29B0] =	vst v0  }
0x41: {  	v0 =	vld [tilespmem:s23+$0xC0];
	_ =	sdelay $0x4  }
0x42: {  	v1 =	vand.u32 $0x3FFF, v0  }
0x43: {  	v0 =	vshrl.u32 v0, $0xE;
	[tilespmem:$0x2940] =	vst v1  }
0x44: {  	[tilespmem:$0x29C0] =	vst v0  }
0x45: {  	v0 =	vld [tilespmem:s23+$0xD0];
	_ =	sdelay $0x4  }
0x46: {  	v1 =	vand.u32 $0x3FFF, v0  }
0x47: {  	v0 =	vshrl.u32 v0, $0xE;
	[tilespmem:$0x2950] =	vst v1  }
0x48: {  	[tilespmem:$0x29D0] =	vst v0  }
0x49: {  	v0 =	vld [tilespmem:s23+$0xE0];
	_ =	sdelay $0x4  }
0x4a: {  	v1 =	vand.u32 $0x3FFF, v0  }
0x4b: {  	v0 =	vshrl.u32 v0, $0xE;
	[tilespmem:$0x2960] =	vst v1  }
0x4c: {  	[tilespmem:$0x29E0] =	vst v0  }
0x4d: {  	v0 =	vld [tilespmem:s23+$0xF0];
	_ =	sdelay $0x4  }
0x4e: {  	v1 =	vand.u32 $0x3FFF, v0  }
0x4f: {  	v0 =	vshrl.u32 v0, $0xE;
	[tilespmem:$0x2970] =	vst v1  }
0x50: {  	[tilespmem:$0x29F0] =	vst v0  }
0x51: {  	[tilespmem:s17], [sflag:$0x2] =	stream.indirect.gather [hbm4b:s4+s12], $0x80, s16, s12, $0xb8;
	[tilespmem:$0x1EA00] =	vst v63  }
0x52: {  	_ =	swait.ge [sflag:s18], $0x4000  }
0x53: {  	[sflag:s18] =	ssyncset.done $0x0  }
0x54: {  	[sflag:s18] =	ssyncadd.s32 $0xFFFFC000  }
0x55: {  	[spmem:s2] =	stream.indirect.scatter.add.f32 [tilespmem:s15], [sflag:$0x3], $0x80, s19, s12, $0xb8;
	[tilespmem:$0x1EA00] =	vst v63  }
0x56: {  	_ =	swait.ge [sflag:s11], $0x4000  }
0x57: {  	p1 =	por $0x0, $0x0;
	[sflag:s11] =	ssyncset.done $0x0  }
0x58: {  	s24 =	simm.s32 @!p1 $0x0;
	[sflag:s11] =	ssyncadd.s32 $0xFFFFC000  }
0x59: {  	v0 =	vld @!p1 [tilespmem:s24+$0x100];
	_ =	sdelay $0x4  }
0x5a: {  	v1 =	vand.u32 @!p1 $0x3FFF, v0  }
0x5b: {  	v0 =	vshrl.u32 @!p1 v0, $0xE;
	[tilespmem:$0x2800] =	vst @!p1 v1  }
0x5c: {  	[tilespmem:$0x2880] =	vst @!p1 v0  }
0x5d: {  	v0 =	vld @!p1 [tilespmem:s24+$0x110];
	_ =	sdelay $0x4  }
0x5e: {  	v1 =	vand.u32 @!p1 $0x3FFF, v0  }
0x5f: {  	v0 =	vshrl.u32 @!p1 v0, $0xE;
	[tilespmem:$0x2810] =	vst @!p1 v1  }
0x60: {  	[tilespmem:$0x2890] =	vst @!p1 v0  }
0x61: {  	v0 =	vld @!p1 [tilespmem:s24+$0x120];
	_ =	sdelay $0x4  }
0x62: {  	v1 =	vand.u32 @!p1 $0x3FFF, v0  }
0x63: {  	v0 =	vshrl.u32 @!p1 v0, $0xE;
	[tilespmem:$0x2820] =	vst @!p1 v1  }
0x64: {  	[tilespmem:$0x28A0] =	vst @!p1 v0  }
0x65: {  	v0 =	vld @!p1 [tilespmem:s24+$0x130];
	_ =	sdelay $0x4  }
0x66: {  	v1 =	vand.u32 @!p1 $0x3FFF, v0  }
0x67: {  	v0 =	vshrl.u32 @!p1 v0, $0xE;
	[tilespmem:$0x2830] =	vst @!p1 v1  }
0x68: {  	[tilespmem:$0x28B0] =	vst @!p1 v0  }
0x69: {  	v0 =	vld @!p1 [tilespmem:s24+$0x140];
	_ =	sdelay $0x4  }
0x6a: {  	v1 =	vand.u32 @!p1 $0x3FFF, v0  }
0x6b: {  	v0 =	vshrl.u32 @!p1 v0, $0xE;
	[tilespmem:$0x2840] =	vst @!p1 v1  }
0x6c: {  	[tilespmem:$0x28C0] =	vst @!p1 v0  }
0x6d: {  	v0 =	vld @!p1 [tilespmem:s24+$0x150];
	_ =	sdelay $0x4  }
0x6e: {  	v1 =	vand.u32 @!p1 $0x3FFF, v0  }
0x6f: {  	v0 =	vshrl.u32 @!p1 v0, $0xE;
	[tilespmem:$0x2850] =	vst @!p1 v1  }
0x70: {  	[tilespmem:$0x28D0] =	vst @!p1 v0  }
0x71: {  	v0 =	vld @!p1 [tilespmem:s24+$0x160];
	_ =	sdelay $0x4  }
0x72: {  	s26 =	simm.s32 @!p1 $0x80;
	v1 =	vand.u32 @!p1 $0x3FFF, v0  }
0x73: {  	s28 =	simm.s32 @!p1 $0x2800;
	s29 =	simm.s32 @!p1 $0x2A00;
	s23 =	simm.s32 $0x400;
	v0 =	vshrl.u32 @!p1 v0, $0xE;
	[tilespmem:$0x2860] =	vst @!p1 v1  }
.LBB2_2:
0x74: {  	[tilespmem:$0x28E0] =	vst @!p1 v0;
	s25 =	smov.u32 s23;
	s23 =	sadd.s32 $0x400, s23  }
0x75: {  	p0 =	sne.s32 s23, $0xA000;
	v0 =	vld @!p1 [tilespmem:s24+$0x170];
	_ =	sdelay $0x4  }
0x76: {  	v1 =	vand.u32 @!p1 $0x3FFF, v0;
	v0 =	vshrl.u32 @!p1 v0, $0xE  }
0x77: {  	[tilespmem:$0x2870] =	vst @!p1 v1  }
0x78: {  	[tilespmem:$0x28F0] =	vst @!p1 v0  }
0x79: {  	[tilespmem:s29], [sflag:$0x1] =	stream.indirect.gather @!p1 [hbm4b:s4+s26], $0x80, s28, s26, $0xb8;
	[tilespmem:$0x1EA00] =	vst v63  }
0x7a: {  	_ =	swait.ge [sflag:s20], $0x4000  }
0x7b: {  	[sflag:s20] =	ssyncset.done $0x0  }
0x7c: {  	[sflag:s20] =	ssyncadd.s32 $0xFFFFC000  }
0x7d: {  	[spmem:s2] =	stream.indirect.scatter.add.f32 [tilespmem:s17], [sflag:$0x3], $0x80, s21, s12, $0xb8;
	[tilespmem:$0x1EA00] =	vst v63  }
0x7e: {  	_ =	swait.ge [sflag:s11], $0x4000  }
0x7f: {  	[sflag:s11] =	ssyncset.done $0x0  }
0x80: {  	s24 =	sshra.s32 s25, $0x2;
	[sflag:s11] =	ssyncadd.s32 $0xFFFFC000  }
0x81: {  	v0 =	vld [tilespmem:s24+$0x80];
	_ =	sdelay $0x4  }
0x82: {  	v1 =	vand.u32 $0x3FFF, v0;
	v0 =	vshrl.u32 v0, $0xE  }
0x83: {  	[tilespmem:$0x2900] =	vst v1  }
0x84: {  	[tilespmem:$0x2980] =	vst v0  }
0x85: {  	v0 =	vld [tilespmem:s24+$0x90];
	_ =	sdelay $0x4  }
0x86: {  	v1 =	vand.u32 $0x3FFF, v0;
	v0 =	vshrl.u32 v0, $0xE  }
0x87: {  	[tilespmem:$0x2910] =	vst v1  }
0x88: {  	[tilespmem:$0x2990] =	vst v0  }
0x89: {  	v0 =	vld [tilespmem:s24+$0xA0];
	_ =	sdelay $0x4  }
0x8a: {  	v1 =	vand.u32 $0x3FFF, v0;
	v0 =	vshrl.u32 v0, $0xE  }
0x8b: {  	[tilespmem:$0x2920] =	vst v1  }
0x8c: {  	[tilespmem:$0x29A0] =	vst v0  }
0x8d: {  	v0 =	vld [tilespmem:s24+$0xB0];
	_ =	sdelay $0x4  }
0x8e: {  	v1 =	vand.u32 $0x3FFF, v0;
	v0 =	vshrl.u32 v0, $0xE  }
0x8f: {  	[tilespmem:$0x2930] =	vst v1  }
0x90: {  	[tilespmem:$0x29B0] =	vst v0  }
0x91: {  	v0 =	vld [tilespmem:s24+$0xC0];
	_ =	sdelay $0x4  }
0x92: {  	v1 =	vand.u32 $0x3FFF, v0;
	v0 =	vshrl.u32 v0, $0xE  }
0x93: {  	[tilespmem:$0x2940] =	vst v1  }
0x94: {  	[tilespmem:$0x29C0] =	vst v0  }
0x95: {  	v0 =	vld [tilespmem:s24+$0xD0];
	_ =	sdelay $0x4  }
0x96: {  	v1 =	vand.u32 $0x3FFF, v0;
	v0 =	vshrl.u32 v0, $0xE  }
0x97: {  	[tilespmem:$0x2950] =	vst v1  }
0x98: {  	[tilespmem:$0x29D0] =	vst v0  }
0x99: {  	v0 =	vld [tilespmem:s24+$0xE0];
	_ =	sdelay $0x4  }
0x9a: {  	v1 =	vand.u32 $0x3FFF, v0;
	v0 =	vshrl.u32 v0, $0xE  }
0x9b: {  	[tilespmem:$0x2960] =	vst v1  }
0x9c: {  	[tilespmem:$0x29E0] =	vst v0  }
0x9d: {  	v0 =	vld [tilespmem:s24+$0xF0];
	_ =	sdelay $0x4  }
0x9e: {  	v1 =	vand.u32 $0x3FFF, v0;
	v0 =	vshrl.u32 v0, $0xE  }
0x9f: {  	p1 =	seq.s32 s25, $0x9C00;
	[tilespmem:$0x2970] =	vst v1  }
0xa0: {  	s24 =	sshra.s32 @!p1 s25, $0x2;
	[tilespmem:$0x29F0] =	vst v0  }
0xa1: {  	[tilespmem:s17], [sflag:$0x2] =	stream.indirect.gather [hbm4b:s4+s12], $0x80, s16, s12, $0xb8;
	[tilespmem:$0x1EA00] =	vst v63  }
0xa2: {  	_ =	swait.ge [sflag:s18], $0x4000  }
0xa3: {  	[sflag:s18] =	ssyncset.done $0x0  }
0xa4: {  	[sflag:s18] =	ssyncadd.s32 $0xFFFFC000  }
0xa5: {  	[spmem:s2] =	stream.indirect.scatter.add.f32 [tilespmem:s15], [sflag:$0x3], $0x80, s19, s12, $0xb8;
	[tilespmem:$0x1EA00] =	vst v63  }
0xa6: {  	_ =	swait.ge [sflag:s11], $0x4000  }
0xa7: {  	[sflag:s11] =	ssyncset.done $0x0  }
0xa8: {  	[sflag:s11] =	ssyncadd.s32 $0xFFFFC000  }
0xa9: {  	v0 =	vld @!p1 [tilespmem:s24+$0x100];
	_ =	sdelay $0x4  }
0xaa: {  	v1 =	vand.u32 @!p1 $0x3FFF, v0;
	v0 =	vshrl.u32 @!p1 v0, $0xE  }
0xab: {  	[tilespmem:$0x2800] =	vst @!p1 v1  }
0xac: {  	[tilespmem:$0x2880] =	vst @!p1 v0  }
0xad: {  	v0 =	vld @!p1 [tilespmem:s24+$0x110];
	_ =	sdelay $0x4  }
0xae: {  	v1 =	vand.u32 @!p1 $0x3FFF, v0;
	v0 =	vshrl.u32 @!p1 v0, $0xE  }
0xaf: {  	[tilespmem:$0x2810] =	vst @!p1 v1  }
0xb0: {  	[tilespmem:$0x2890] =	vst @!p1 v0  }
0xb1: {  	v0 =	vld @!p1 [tilespmem:s24+$0x120];
	_ =	sdelay $0x4  }
0xb2: {  	v1 =	vand.u32 @!p1 $0x3FFF, v0;
	v0 =	vshrl.u32 @!p1 v0, $0xE  }
0xb3: {  	[tilespmem:$0x2820] =	vst @!p1 v1  }
0xb4: {  	[tilespmem:$0x28A0] =	vst @!p1 v0  }
0xb5: {  	v0 =	vld @!p1 [tilespmem:s24+$0x130];
	_ =	sdelay $0x4  }
0xb6: {  	v1 =	vand.u32 @!p1 $0x3FFF, v0;
	v0 =	vshrl.u32 @!p1 v0, $0xE  }
0xb7: {  	[tilespmem:$0x2830] =	vst @!p1 v1  }
0xb8: {  	[tilespmem:$0x28B0] =	vst @!p1 v0  }
0xb9: {  	v0 =	vld @!p1 [tilespmem:s24+$0x140];
	_ =	sdelay $0x4  }
0xba: {  	v1 =	vand.u32 @!p1 $0x3FFF, v0;
	v0 =	vshrl.u32 @!p1 v0, $0xE  }
0xbb: {  	[tilespmem:$0x2840] =	vst @!p1 v1  }
0xbc: {  	[tilespmem:$0x28C0] =	vst @!p1 v0  }
0xbd: {  	v0 =	vld @!p1 [tilespmem:s24+$0x150];
	_ =	sdelay $0x4  }
0xbe: {  	v1 =	vand.u32 @!p1 $0x3FFF, v0;
	v0 =	vshrl.u32 @!p1 v0, $0xE  }
0xbf: {  	[tilespmem:$0x2850] =	vst @!p1 v1  }
0xc0: {  	s26 =	simm.s32 @!p1 $0x80;
	s28 =	simm.s32 @!p1 $0x2800;
	s29 =	simm.s32 @!p1 $0x2A00;
	[tilespmem:$0x28D0] =	vst @!p1 v0  }
0xc1: {  	v0 =	vld @!p1 [tilespmem:s24+$0x160];
	_ =	sdelay $0x1  }
.Ltmp0:
0xc2: {  	(pc) =	sbr.rel @p0 .LBB2_2-.Ltmp0, $3  }
0xc3: {  	_ =	sdelay $0x1  }
0xc4: {  	v1 =	vand.u32 @!p1 $0x3FFF, v0;
	v0 =	vshrl.u32 @!p1 v0, $0xE  }
0xc5: {  	[tilespmem:$0x2860] =	vst @!p1 v1  }
0xc6: {  	[tilespmem:$0x28E0] =	vst @!p1 v0  }
0xc7: {  	v0 =	vld @!p1 [tilespmem:s24+$0x170];
	_ =	sdelay $0x4  }
0xc8: {  	v1 =	vand.u32 @!p1 $0x3FFF, v0  }
0xc9: {  	v0 =	vshrl.u32 @!p1 v0, $0xE;
	[tilespmem:$0x2870] =	vst @!p1 v1  }
0xca: {  	[tilespmem:$0x28F0] =	vst @!p1 v0  }
0xcb: {  	[tilespmem:s29], [sflag:$0x1] =	stream.indirect.gather @!p1 [hbm4b:s4+s26], $0x80, s28, s26, $0xb8;
	[tilespmem:$0x1EA00] =	vst v63  }
0xcc: {  	_ =	swait.ge [sflag:s20], $0x4000  }
0xcd: {  	[sflag:s20] =	ssyncset.done $0x0  }
0xce: {  	[sflag:s20] =	ssyncadd.s32 $0xFFFFC000  }
0xcf: {  	[spmem:s2] =	stream.indirect.scatter.add.f32 [tilespmem:s17], [sflag:$0x3], $0x80, s21, s12, $0xb8;
	[tilespmem:$0x1EA00] =	vst v63  }
0xd0: {  	_ =	swait.ge [sflag:s11], $0x4000  }
0xd1: {  	s22 =	sadd.s32 $0x1, s22;
	[sflag:s11] =	ssyncset.done $0x0  }
0xd2: {  	p0 =	sne.s32 s22, s9;
	[sflag:s11] =	ssyncadd.s32 $0xFFFFC000  }
.Ltmp1:
0xd3: {  	[bflag:$0x0] =	sbarrier.arrive $0xFFFF;
	(pc) =	sbr.rel @p0 .LBB2_1-.Ltmp1, $4  }
0xd4: {  	[hbm:s8], [sflag:s6] =	dma.local [spmem:s10], $0x2800  }
0xd5: {  	_ =	swait.ge [sflag:s11], $0x2800  }
0xd6: {  	[sflag:s11] =	ssyncset.done $0x0  }
0xd7: {  	[sflag:s11] =	ssyncadd.s32 $0xFFFFD800  }
0xd8: {  	_ =	sfence.sel $0x180000  }
0xd9: {  	[bflag:$0x0] =	sbarrier.arrive $0xFFFF  }
0xda: {  	p0 =	sne.s32 s0, $0x0;
	_ =	strace $0x90000053  }
0xdb: {  	s0 =	sadd.s32 @!p0 $0x100000, s1;
	[bflag:$0x2] =	sbarrier.arrive $0xFFFF  }
0xdc: {  	[sflag:s0] =	ssyncadd.tile.s32 @!p0 $0x1;
	_ =	shalt  }
.Lfunc_end2:
_tile_overlayer_lowered:
.L_overlay_start_2:
0xdd: {  	(tag) =	ssettag $0x2  }
0xde: {  	s0 =	rddreg [dreg:$0x0];
	s2 =	stileid.u32  }
0xdf: {  	s1 =	rddreg [dreg:$0x1];
	p0 =	sne.s32 s2, $0x0  }
0xe0: {  	s3 =	rddreg [dreg:$0x2];
	[bflag:$0x3] =	sbarrier.arrive $0xFFFF;
	s2 =	simm.s32 @!p0 $0x1C03  }
0xe1: {  	[timem:s3], [sflag:s2] =	dma.local @!p0 [hbm:s0], s1  }
0xe2: {  	s0 =	simm.s32 @!p0 $0x3  }
0xe3: {  	_ =	swait.ge @!p0 [sflag:s0], s1  }
0xe4: {  	s1 =	ssub.s32 @!p0 $0x0, s1;
	[sflag:s0] =	ssyncset.done @!p0 $0x0  }
0xe5: {  	[sflag:s0] =	ssyncadd.s32 @!p0 s1  }
0xe6: {  	[bflag:$0x3] =	sbarrier.arrive $0xFFFF  }
0xe7: {  	_ =	shalt  }

</sc_bundles>
